<compile_context>
chip_gen: v7x
topology: tpu7x:2x2x1
jax: 0.10.2.dev20260603
libtpu: 0.0.44.dev20260713+nightly
codegen_flags: <defaults>
</compile_context>

<pallas_src>
import jax
import jax.numpy as jnp
from jax import lax
from jax.experimental import pallas as pl
from jax.experimental.pallas import tpu as pltpu
from jax.experimental.pallas import tpu_sc as plsc

B = 4096
L = 200
D = 64
EPS = 1e-5

NC = 2
NS = 16
NW = NC * NS

BW = B // NW
LPI = 2
NIT = L // LPI
ROWS = LPI * BW
TPI = LPI * (D // 8)
NT = L * (D // 8)

MAGIC = 0x5F3759DF


def _rsqrt(v):
    i = plsc.bitcast(v, jnp.int32)
    i = MAGIC - lax.shift_right_logical(i, 1)
    y = plsc.bitcast(i, jnp.float32)
    hv = 0.5 * v
    y = y * (1.5 - hv * y * y)
    y = y * (1.5 - hv * y * y)
    y = y * (1.5 - hv * y * y)
    return y


def _sc_kernel(idsT_hbm, table_hbm, pos_hbm, gam_hbm, bet_hbm, out_hbm,
               idxA, idxB, inA, inB, outA, outB, ybuf, pos_v, gam_v, bet_v,
               gsemA, gsemB, osemA, osemB, isemA, isemB):
    cid = lax.axis_index("c")
    sid = lax.axis_index("s")
    wid = cid * NS + sid
    b0 = wid * BW

    idx = [idxA, idxB]
    inb = [inA, inB]
    outb = [outA, outB]
    gsem = [gsemA, gsemB]
    osem = [osemA, osemB]
    isem = [isemA, isemB]

    pltpu.sync_copy(pos_hbm.at[pl.ds(0, L), :], pos_v)
    pltpu.sync_copy(gam_hbm, gam_v)
    pltpu.sync_copy(bet_hbm, bet_v)

    g = [gam_v[pl.ds(16 * k, 16)] for k in range(4)]
    bt = [bet_v[pl.ds(16 * k, 16)] for k in range(4)]

    iota = lax.iota(jnp.int32, 16)

    def fire_ids(t, q):
        pltpu.async_copy(idsT_hbm.at[pl.ds(t * LPI, LPI), pl.ds(b0, BW)],
                         idx[q], isem[q])

    def wait_ids(q):
        pltpu.make_async_copy(idsT_hbm.at[pl.ds(0, LPI), pl.ds(0, BW)],
                              idx[q], isem[q]).wait()

    def fire_gather(q):
        for j in range(LPI):
            pltpu.async_copy(table_hbm.at[idx[q].at[j]],
                             inb[q].at[pl.ds(j * BW, BW), :], gsem[q])

    def wait_gather(q):
        pltpu.make_async_copy(table_hbm.at[pl.ds(0, ROWS), :], inb[q],
                              gsem[q]).wait()

    def fire_out(t, q):
        pltpu.async_copy(outb[q], out_hbm.at[pl.ds(t * TPI, TPI), wid],
                         osem[q])

    def wait_out(q):
        pltpu.make_async_copy(out_hbm.at[pl.ds(0, TPI), 0], outb[q],
                              osem[q]).wait()

    fire_ids(0, 0)
    wait_ids(0)
    fire_ids(1, 1)
    fire_gather(0)

    @pl.loop(0, NIT, step=2)
    def _iter2(t0):
        for p in (0, 1):
            t = t0 + p
            q = 1 - p

            @pl.when(t < NIT - 1)
            def _prefetch():
                wait_ids(q)
                fire_gather(q)

            wait_gather(p)

            @pl.when(t < NIT - 2)
            def _nextids():
                fire_ids(t + 2, p)

            @pl.when(t >= 2)
            def _drainout():
                wait_out(p)

            src = inb[p]
            dst = outb[p]

            for j in range(LPI):
                l = t * LPI + j
                pv = [pos_v[l, pl.ds(16 * k, 16)] for k in range(4)]

                @plsc.parallel_loop(0, BW, unroll=8)
                def _row(r):
                    row = j * BW + r
                    x = [src[row, pl.ds(16 * k, 16)] + pv[k]
                         for k in range(4)]
                    tot = (x[0] + x[1]) + (x[2] + x[3])
                    qq = ((x[0] * x[0] + x[1] * x[1])
                          + (x[2] * x[2] + x[3] * x[3]))
                    sv = jnp.full((16,), jnp.sum(tot))
                    qv = jnp.full((16,), jnp.sum(qq))
                    mean = sv * (1.0 / D)
                    var = qv * (1.0 / D) - mean * mean
                    rstd = _rsqrt(var + EPS)
                    for k in range(4):
                        y = (x[k] - mean) * (rstd * g[k]) + bt[k]
                        ybuf[row, pl.ds(16 * k, 16)] = y

            for j in range(LPI):
                rbase = j * BW

                @plsc.parallel_loop(0, 8 * D, unroll=16)
                def _tp(qi):
                    dd = lax.shift_right_logical(qi, 3)
                    bg = jnp.bitwise_and(qi, 7)
                    rows = jnp.full((16,), rbase + bg * 16, jnp.int32) + iota
                    cols = jnp.full((16,), dd, jnp.int32)
                    y = plsc.load_gather(ybuf, [rows, cols])
                    tl = j * 8 + lax.shift_right_logical(dd, 3)
                    co = jnp.bitwise_and(dd, 7) * BW + bg * 16
                    dst[tl, pl.ds(co, 16)] = y

            fire_out(t, p)

    wait_out(0)
    wait_out(1)


@jax.jit
def kernel(input_ids_BL, gene_table, pos_table, ln_gamma, ln_beta):
    ids_t = input_ids_BL.astype(jnp.int32).T

    mesh = plsc.VectorSubcoreMesh(core_axis_name="c", subcore_axis_name="s",
                                  num_cores=NC, num_subcores=NS)
    out5 = pl.kernel(
        _sc_kernel,
        out_type=jax.ShapeDtypeStruct((NT, NW, 1024), jnp.float32),
        mesh=mesh,
        compiler_params=pltpu.CompilerParams(needs_layout_passes=False,
                                             use_tc_tiling_on_sc=False),
        scratch_types=[
            pltpu.VMEM((LPI, BW), jnp.int32),
            pltpu.VMEM((LPI, BW), jnp.int32),
            pltpu.VMEM((ROWS, D), jnp.float32),
            pltpu.VMEM((ROWS, D), jnp.float32),
            pltpu.VMEM((TPI, 1024), jnp.float32),
            pltpu.VMEM((TPI, 1024), jnp.float32),
            pltpu.VMEM((ROWS, 65), jnp.float32),
            pltpu.VMEM((L, D), jnp.float32),
            pltpu.VMEM((D,), jnp.float32),
            pltpu.VMEM((D,), jnp.float32),
            pltpu.SemaphoreType.DMA,
            pltpu.SemaphoreType.DMA,
            pltpu.SemaphoreType.DMA,
            pltpu.SemaphoreType.DMA,
            pltpu.SemaphoreType.DMA,
            pltpu.SemaphoreType.DMA,
        ],
    )(ids_t, gene_table, pos_table, ln_gamma, ln_beta)
    out = (out5.reshape(L, D // 8, NW, 8, BW)
           .transpose(2, 4, 0, 1, 3)
           .reshape(B, L, D))
    return out

# --- scband reference (transcript-rebuilt; emitter-appended) ---
"""Pipeline reference for scband-atlas-embeddings-rb-78005196030473 (READ-ONLY COPY).

The authoritative reference and input builder live on the scoring server;
editing this copy changes nothing except your own understanding.
"""

import jax, jax.numpy as jnp
import numpy as np

VOCAB = 100000
EMBED = 64
MAX_SEQ = 512
B, L = 4096, 200
EPS = 1e-5

def setup_inputs(seed: int = 0) -> dict:
    key = jax.random.key(seed)
    k1, k2, k3 = jax.random.split(key, 3)
    input_ids_BL = jax.random.randint(k1, (B, L), 0, VOCAB, dtype=jnp.int64) if jax.config.jax_enable_x64 else jax.random.randint(k1, (B, L), 0, VOCAB, dtype=jnp.int32)
    gene_table = jax.random.normal(k2, (VOCAB, EMBED), dtype=jnp.float32) * 0.02
    pos_table = jax.random.normal(k3, (MAX_SEQ, EMBED), dtype=jnp.float32) * 0.02
    ln_gamma = jnp.ones((EMBED,), dtype=jnp.float32)
    ln_beta = jnp.zeros((EMBED,), dtype=jnp.float32)
    return {"input_ids_BL": input_ids_BL, "gene_table": gene_table, "pos_table": pos_table, "ln_gamma": ln_gamma, "ln_beta": ln_beta}

def reference(input_ids_BL, gene_table, pos_table, ln_gamma, ln_beta):
    seq_length = input_ids_BL.shape[1]
    position_ids_L = jnp.arange(seq_length, dtype=input_ids_BL.dtype)
    gene_embeddings_BLD = jnp.take(gene_table, input_ids_BL, axis=0)
    pos_embeddings_1LD = jnp.take(pos_table, position_ids_L, axis=0)[None, :, :]
    embeddings_BLD = gene_embeddings_BLD + pos_embeddings_1LD
    mean = jnp.mean(embeddings_BLD, axis=-1, keepdims=True)
    var = jnp.mean(jnp.square(embeddings_BLD - mean), axis=-1, keepdims=True)
    normed = (embeddings_BLD - mean) / jnp.sqrt(var + EPS)
    embeddings_BLD = normed * ln_gamma + ln_beta
    # dropout is identity in eval / deterministic reference
    return embeddings_BLD

if __name__ == "__main__":
    import jax
    _d = setup_inputs()
    print(jax.jit(kernel)(*tuple(_d.values())))

</pallas_src>

<mosaic_0001>
#map = affine_map<(d0, d1) -> (0, 0)>
#map1 = affine_map<(d0, d1) -> (0)>
#map2 = affine_map<(d0, d1) -> (0, 0, 0)>
module attributes {stable_mosaic.version = 14 : i64} {
  func.func @_sc_kernel(%arg0: i32, %arg1: i32, %arg2: memref<200x4096xi32, #tpu.memory_space<hbm>>, %arg3: memref<100000x64xf32, #tpu.memory_space<hbm>>, %arg4: memref<512x64xf32, #tpu.memory_space<hbm>>, %arg5: memref<64xf32, #tpu.memory_space<hbm>>, %arg6: memref<64xf32, #tpu.memory_space<hbm>>, %arg7: memref<1600x32x1024xf32, #tpu.memory_space<hbm>>, %arg8: memref<2x128xi32, #tpu.memory_space<vmem>>, %arg9: memref<2x128xi32, #tpu.memory_space<vmem>>, %arg10: memref<256x64xf32, #tpu.memory_space<vmem>>, %arg11: memref<256x64xf32, #tpu.memory_space<vmem>>, %arg12: memref<16x1024xf32, #tpu.memory_space<vmem>>, %arg13: memref<16x1024xf32, #tpu.memory_space<vmem>>, %arg14: memref<256x65xf32, #tpu.memory_space<vmem>>, %arg15: memref<200x64xf32, #tpu.memory_space<vmem>>, %arg16: memref<64xf32, #tpu.memory_space<vmem>>, %arg17: memref<64xf32, #tpu.memory_space<vmem>>, %arg18: memref<!tpu.dma_semaphore, #tpu.memory_space<semaphore_mem>>, %arg19: memref<!tpu.dma_semaphore, #tpu.memory_space<semaphore_mem>>, %arg20: memref<!tpu.dma_semaphore, #tpu.memory_space<semaphore_mem>>, %arg21: memref<!tpu.dma_semaphore, #tpu.memory_space<semaphore_mem>>, %arg22: memref<!tpu.dma_semaphore, #tpu.memory_space<semaphore_mem>>, %arg23: memref<!tpu.dma_semaphore, #tpu.memory_space<semaphore_mem>>) attributes {dimension_semantics = [#tpu.dimension_semantics<core_parallel>, #tpu.dimension_semantics<subcore_parallel>], iteration_bounds = array<i64: 2, 16>, scalar_prefetch = 0 : i64, scratch_operands = 16 : i64, tpu.core_type = #tpu.core_type<sc_vector_subcore>, window_params = [{transform_indices = #map}, {transform_indices = #map}, {transform_indices = #map}, {transform_indices = #map1}, {transform_indices = #map1}, {transform_indices = #map2}]} {
    %mul3A = arith.constant 16 : i32
    %mul3A_0 = arith.muli %arg0, %mul3A : i32
    %add3A = arith.addi %mul3A_0, %arg1 : i32
    %mul3A_1 = arith.constant 128 : i32
    %mul3A_2 = arith.muli %add3A, %mul3A_1 : i32
    "tpu.region"() ({
      %run_scoped3A = tpu.sem_alloc : memref<!tpu.dma_semaphore, #tpu.memory_space<semaphore_mem>>
      %dma_start3A_72 = arith.constant 0 : i32
      %dma_start3A_73 = arith.constant 0 : i32
      %dma_start3A_74 = tpu.memref_slice %arg4[%dma_start3A_72, %dma_start3A_73] : memref<512x64xf32, #tpu.memory_space<hbm>> -> memref<200x64xf32, #tpu.memory_space<hbm>>
      %dma_start3A_75 = arith.constant 0 : i32
      %dma_start3A_76 = arith.constant 0 : i32
      %dma_start3A_77 = tpu.memref_slice %arg4[%dma_start3A_75, %dma_start3A_76] : memref<512x64xf32, #tpu.memory_space<hbm>> -> memref<200x64xf32, #tpu.memory_space<hbm>>
      tpu.enqueue_dma source(%dma_start3A_77 : memref<200x64xf32, #tpu.memory_space<hbm>>) target(%arg15 : memref<200x64xf32, #tpu.memory_space<vmem>>) target_semaphore(%run_scoped3A : memref<!tpu.dma_semaphore, #tpu.memory_space<semaphore_mem>>)
      %dma_wait3A_78 = arith.constant 0 : i32
      %dma_wait3A_79 = arith.constant 0 : i32
      %dma_wait3A_80 = tpu.memref_slice %arg4[%dma_wait3A_78, %dma_wait3A_79] : memref<512x64xf32, #tpu.memory_space<hbm>> -> memref<200x64xf32, #tpu.memory_space<hbm>>
      %dma_wait3A_81 = arith.constant 0 : i32
      %dma_wait3A_82 = arith.constant 0 : i32
      %dma_wait3A_83 = tpu.memref_slice %arg4[%dma_wait3A_81, %dma_wait3A_82] : memref<512x64xf32, #tpu.memory_space<hbm>> -> memref<200x64xf32, #tpu.memory_space<hbm>>
      tpu.wait_dma2 semaphore(%run_scoped3A : memref<!tpu.dma_semaphore, #tpu.memory_space<semaphore_mem>>) src(%dma_wait3A_83 : memref<200x64xf32, #tpu.memory_space<hbm>>) dst(%arg15 : memref<200x64xf32, #tpu.memory_space<vmem>>)
      tpu.yield
    }) : () -> ()
    "tpu.region"() ({
      %run_scoped3A = tpu.sem_alloc : memref<!tpu.dma_semaphore, #tpu.memory_space<semaphore_mem>>
      tpu.enqueue_dma source(%arg5 : memref<64xf32, #tpu.memory_space<hbm>>) target(%arg16 : memref<64xf32, #tpu.memory_space<vmem>>) target_semaphore(%run_scoped3A : memref<!tpu.dma_semaphore, #tpu.memory_space<semaphore_mem>>)
      tpu.wait_dma2 semaphore(%run_scoped3A : memref<!tpu.dma_semaphore, #tpu.memory_space<semaphore_mem>>) src(%arg5 : memref<64xf32, #tpu.memory_space<hbm>>) dst(%arg16 : memref<64xf32, #tpu.memory_space<vmem>>)
      tpu.yield
    }) : () -> ()
    "tpu.region"() ({
      %run_scoped3A = tpu.sem_alloc : memref<!tpu.dma_semaphore, #tpu.memory_space<semaphore_mem>>
      tpu.enqueue_dma source(%arg6 : memref<64xf32, #tpu.memory_space<hbm>>) target(%arg17 : memref<64xf32, #tpu.memory_space<vmem>>) target_semaphore(%run_scoped3A : memref<!tpu.dma_semaphore, #tpu.memory_space<semaphore_mem>>)
      tpu.wait_dma2 semaphore(%run_scoped3A : memref<!tpu.dma_semaphore, #tpu.memory_space<semaphore_mem>>) src(%arg6 : memref<64xf32, #tpu.memory_space<hbm>>) dst(%arg17 : memref<64xf32, #tpu.memory_space<vmem>>)
      tpu.yield
    }) : () -> ()
    %get3A = arith.constant 0 : index
    %get3A_3 = tpu.vector_load %arg16[%get3A] {strides = array<i32>} : memref<64xf32, #tpu.memory_space<vmem>>, vector<16xf32>,
    %get3A_4 = arith.constant 16 : index
    %get3A_5 = tpu.vector_load %arg16[%get3A_4] {strides = array<i32>} : memref<64xf32, #tpu.memory_space<vmem>>, vector<16xf32>,
    %get3A_6 = arith.constant 32 : index
    %get3A_7 = tpu.vector_load %arg16[%get3A_6] {strides = array<i32>} : memref<64xf32, #tpu.memory_space<vmem>>, vector<16xf32>,
    %get3A_8 = arith.constant 48 : index
    %get3A_9 = tpu.vector_load %arg16[%get3A_8] {strides = array<i32>} : memref<64xf32, #tpu.memory_space<vmem>>, vector<16xf32>,
    %get3A_10 = arith.constant 0 : index
    %get3A_11 = tpu.vector_load %arg17[%get3A_10] {strides = array<i32>} : memref<64xf32, #tpu.memory_space<vmem>>, vector<16xf32>,
    %get3A_12 = arith.constant 16 : index
    %get3A_13 = tpu.vector_load %arg17[%get3A_12] {strides = array<i32>} : memref<64xf32, #tpu.memory_space<vmem>>, vector<16xf32>,
    %get3A_14 = arith.constant 32 : index
    %get3A_15 = tpu.vector_load %arg17[%get3A_14] {strides = array<i32>} : memref<64xf32, #tpu.memory_space<vmem>>, vector<16xf32>,
    %get3A_16 = arith.constant 48 : index
    %get3A_17 = tpu.vector_load %arg17[%get3A_16] {strides = array<i32>} : memref<64xf32, #tpu.memory_space<vmem>>, vector<16xf32>,
    %iota3A = tpu.iota {dimensions = array<i32: 0>} : vector<16xi32>
    %dma_start3A = arith.constant 0 : i32
    %dma_start3A_18 = tpu.memref_slice %arg2[%dma_start3A, %mul3A_2] : memref<200x4096xi32, #tpu.memory_space<hbm>> -> memref<2x128xi32, #tpu.memory_space<hbm>>
    %dma_start3A_19 = arith.constant 0 : i32
    %dma_start3A_20 = tpu.memref_slice %arg2[%dma_start3A_19, %mul3A_2] : memref<200x4096xi32, #tpu.memory_space<hbm>> -> memref<2x128xi32, #tpu.memory_space<hbm>>
    tpu.enqueue_dma source(%dma_start3A_20 : memref<2x128xi32, #tpu.memory_space<hbm>>) target(%arg8 : memref<2x128xi32, #tpu.memory_space<vmem>>) target_semaphore(%arg22 : memref<!tpu.dma_semaphore, #tpu.memory_space<semaphore_mem>>)
    %dma_wait3A = arith.constant 0 : i32
    %dma_wait3A_21 = arith.constant 0 : i32
    %dma_wait3A_22 = tpu.memref_slice %arg2[%dma_wait3A, %dma_wait3A_21] : memref<200x4096xi32, #tpu.memory_space<hbm>> -> memref<2x128xi32, #tpu.memory_space<hbm>>
    %dma_wait3A_23 = arith.constant 0 : i32
    %dma_wait3A_24 = arith.constant 0 : i32
    %dma_wait3A_25 = tpu.memref_slice %arg2[%dma_wait3A_23, %dma_wait3A_24] : memref<200x4096xi32, #tpu.memory_space<hbm>> -> memref<2x128xi32, #tpu.memory_space<hbm>>
    tpu.wait_dma2 semaphore(%arg22 : memref<!tpu.dma_semaphore, #tpu.memory_space<semaphore_mem>>) src(%dma_wait3A_25 : memref<2x128xi32, #tpu.memory_space<hbm>>) dst(%arg8 : memref<2x128xi32, #tpu.memory_space<vmem>>)
    %dma_start3A_26 = arith.constant 2 : i32
    %dma_start3A_27 = tpu.memref_slice %arg2[%dma_start3A_26, %mul3A_2] : memref<200x4096xi32, #tpu.memory_space<hbm>> -> memref<2x128xi32, #tpu.memory_space<hbm>>
    %dma_start3A_28 = arith.constant 2 : i32
    %dma_start3A_29 = tpu.memref_slice %arg2[%dma_start3A_28, %mul3A_2] : memref<200x4096xi32, #tpu.memory_space<hbm>> -> memref<2x128xi32, #tpu.memory_space<hbm>>
    tpu.enqueue_dma source(%dma_start3A_29 : memref<2x128xi32, #tpu.memory_space<hbm>>) target(%arg9 : memref<2x128xi32, #tpu.memory_space<vmem>>) target_semaphore(%arg23 : memref<!tpu.dma_semaphore, #tpu.memory_space<semaphore_mem>>)
    %dma_start3A_30 = arith.constant 0 : i32
    %dma_start3A_31 = arith.constant 0 : i32
    %dma_start3A_32 = arith.constant 0 : i32
    %dma_start3A_33 = tpu.memref_slice %arg10[%dma_start3A_31, %dma_start3A_32] : memref<256x64xf32, #tpu.memory_space<vmem>> -> memref<128x64xf32, #tpu.memory_space<vmem>>
    %dma_start3A_34 = arith.constant 0 : i32
    %dma_start3A_35 = tpu.memref_slice %arg8[%dma_start3A_30, %dma_start3A_34] : memref<2x128xi32, #tpu.memory_space<vmem>> -> memref<1x128xi32, #tpu.memory_space<vmem>>
    %dma_start3A_36 = tpu.memref_squeeze %dma_start3A_35 : memref<1x128xi32, #tpu.memory_space<vmem>> -> memref<128xi32, #tpu.memory_space<vmem>>
    %dma_start3A_37 = arith.constant 0 : i32
    %dma_start3A_38 = arith.constant 0 : i32
    %dma_start3A_39 = tpu.memref_slice %arg3[%dma_start3A_37, %dma_start3A_38] : memref<100000x64xf32, #tpu.memory_space<hbm>> -> memref<100000x64xf32, #tpu.memory_space<hbm>>
    tpu.enqueue_indirect_dma source(%dma_start3A_39 : memref<100000x64xf32, #tpu.memory_space<hbm>>) target(%dma_start3A_33 : memref<128x64xf32, #tpu.memory_space<vmem>>) offsets(%dma_start3A_36 : memref<128xi32, #tpu.memory_space<vmem>>) semaphore(%arg18 : memref<!tpu.dma_semaphore, #tpu.memory_space<semaphore_mem>>)
    %dma_start3A_40 = arith.constant 1 : i32
    %dma_start3A_41 = arith.constant 128 : i32
    %dma_start3A_42 = arith.constant 0 : i32
    %dma_start3A_43 = tpu.memref_slice %arg10[%dma_start3A_41, %dma_start3A_42] : memref<256x64xf32, #tpu.memory_space<vmem>> -> memref<128x64xf32, #tpu.memory_space<vmem>>
    %dma_start3A_44 = arith.constant 0 : i32
    %dma_start3A_45 = tpu.memref_slice %arg8[%dma_start3A_40, %dma_start3A_44] : memref<2x128xi32, #tpu.memory_space<vmem>> -> memref<1x128xi32, #tpu.memory_space<vmem>>
    %dma_start3A_46 = tpu.memref_squeeze %dma_start3A_45 : memref<1x128xi32, #tpu.memory_space<vmem>> -> memref<128xi32, #tpu.memory_space<vmem>>
    %dma_start3A_47 = arith.constant 0 : i32
    %dma_start3A_48 = arith.constant 0 : i32
    %dma_start3A_49 = tpu.memref_slice %arg3[%dma_start3A_47, %dma_start3A_48] : memref<100000x64xf32, #tpu.memory_space<hbm>> -> memref<100000x64xf32, #tpu.memory_space<hbm>>
    tpu.enqueue_indirect_dma source(%dma_start3A_49 : memref<100000x64xf32, #tpu.memory_space<hbm>>) target(%dma_start3A_43 : memref<128x64xf32, #tpu.memory_space<vmem>>) offsets(%dma_start3A_46 : memref<128xi32, #tpu.memory_space<vmem>>) semaphore(%arg18 : memref<!tpu.dma_semaphore, #tpu.memory_space<semaphore_mem>>)
    %scan3A = arith.constant 0 : i32
    %scan3A_50 = arith.constant 50 : i32
    %scan3A_51 = arith.addi %scan3A, %scan3A_50 : i32
    %scan3A_52 = arith.constant 1 : i32
    scf.for %scan3A_72 = %scan3A to %scan3A_51 step %scan3A_52  : i32 {
      %mul3A_73 = arith.constant 2 : i32
      %mul3A_74 = arith.muli %scan3A_72, %mul3A_73 : i32
      %add3A_75 = arith.constant 0 : i32
      %add3A_76 = arith.addi %add3A_75, %mul3A_74 : i32
      %add3A_77 = arith.constant 0 : i32
      %add3A_78 = arith.addi %add3A_76, %add3A_77 : i32
      %lt3A = arith.constant 99 : i32
      %lt3A_79 = arith.cmpi slt, %add3A_78, %lt3A : i32
      %convert_element_type3A = arith.extui %lt3A_79 : i1 to i32
      %cond3A = arith.constant 0 : i32
      %cond3A_80 = arith.cmpi ne, %convert_element_type3A, %cond3A : i32
      scf.if %cond3A_80 {
        %dma_wait3A_222 = arith.constant 0 : i32
        %dma_wait3A_223 = arith.constant 0 : i32
        %dma_wait3A_224 = tpu.memref_slice %arg2[%dma_wait3A_222, %dma_wait3A_223] : memref<200x4096xi32, #tpu.memory_space<hbm>> -> memref<2x128xi32, #tpu.memory_space<hbm>>
        %dma_wait3A_225 = arith.constant 0 : i32
        %dma_wait3A_226 = arith.constant 0 : i32
        %dma_wait3A_227 = tpu.memref_slice %arg2[%dma_wait3A_225, %dma_wait3A_226] : memref<200x4096xi32, #tpu.memory_space<hbm>> -> memref<2x128xi32, #tpu.memory_space<hbm>>
        tpu.wait_dma2 semaphore(%arg23 : memref<!tpu.dma_semaphore, #tpu.memory_space<semaphore_mem>>) src(%dma_wait3A_227 : memref<2x128xi32, #tpu.memory_space<hbm>>) dst(%arg9 : memref<2x128xi32, #tpu.memory_space<vmem>>)
        %dma_start3A_228 = arith.constant 0 : i32
        %dma_start3A_229 = arith.constant 0 : i32
        %dma_start3A_230 = arith.constant 0 : i32
        %dma_start3A_231 = tpu.memref_slice %arg11[%dma_start3A_229, %dma_start3A_230] : memref<256x64xf32, #tpu.memory_space<vmem>> -> memref<128x64xf32, #tpu.memory_space<vmem>>
        %dma_start3A_232 = arith.constant 0 : i32
        %dma_start3A_233 = tpu.memref_slice %arg9[%dma_start3A_228, %dma_start3A_232] : memref<2x128xi32, #tpu.memory_space<vmem>> -> memref<1x128xi32, #tpu.memory_space<vmem>>
        %dma_start3A_234 = tpu.memref_squeeze %dma_start3A_233 : memref<1x128xi32, #tpu.memory_space<vmem>> -> memref<128xi32, #tpu.memory_space<vmem>>
        %dma_start3A_235 = arith.constant 0 : i32
        %dma_start3A_236 = arith.constant 0 : i32
        %dma_start3A_237 = tpu.memref_slice %arg3[%dma_start3A_235, %dma_start3A_236] : memref<100000x64xf32, #tpu.memory_space<hbm>> -> memref<100000x64xf32, #tpu.memory_space<hbm>>
        tpu.enqueue_indirect_dma source(%dma_start3A_237 : memref<100000x64xf32, #tpu.memory_space<hbm>>) target(%dma_start3A_231 : memref<128x64xf32, #tpu.memory_space<vmem>>) offsets(%dma_start3A_234 : memref<128xi32, #tpu.memory_space<vmem>>) semaphore(%arg19 : memref<!tpu.dma_semaphore, #tpu.memory_space<semaphore_mem>>)
        %dma_start3A_238 = arith.constant 1 : i32
        %dma_start3A_239 = arith.constant 128 : i32
        %dma_start3A_240 = arith.constant 0 : i32
        %dma_start3A_241 = tpu.memref_slice %arg11[%dma_start3A_239, %dma_start3A_240] : memref<256x64xf32, #tpu.memory_space<vmem>> -> memref<128x64xf32, #tpu.memory_space<vmem>>
        %dma_start3A_242 = arith.constant 0 : i32
        %dma_start3A_243 = tpu.memref_slice %arg9[%dma_start3A_238, %dma_start3A_242] : memref<2x128xi32, #tpu.memory_space<vmem>> -> memref<1x128xi32, #tpu.memory_space<vmem>>
        %dma_start3A_244 = tpu.memref_squeeze %dma_start3A_243 : memref<1x128xi32, #tpu.memory_space<vmem>> -> memref<128xi32, #tpu.memory_space<vmem>>
        %dma_start3A_245 = arith.constant 0 : i32
        %dma_start3A_246 = arith.constant 0 : i32
        %dma_start3A_247 = tpu.memref_slice %arg3[%dma_start3A_245, %dma_start3A_246] : memref<100000x64xf32, #tpu.memory_space<hbm>> -> memref<100000x64xf32, #tpu.memory_space<hbm>>
        tpu.enqueue_indirect_dma source(%dma_start3A_247 : memref<100000x64xf32, #tpu.memory_space<hbm>>) target(%dma_start3A_241 : memref<128x64xf32, #tpu.memory_space<vmem>>) offsets(%dma_start3A_244 : memref<128xi32, #tpu.memory_space<vmem>>) semaphore(%arg19 : memref<!tpu.dma_semaphore, #tpu.memory_space<semaphore_mem>>)
      } else {
      }
      %dma_wait3A_81 = arith.constant 0 : i32
      %dma_wait3A_82 = arith.constant 0 : i32
      %dma_wait3A_83 = tpu.memref_slice %arg3[%dma_wait3A_81, %dma_wait3A_82] : memref<100000x64xf32, #tpu.memory_space<hbm>> -> memref<256x64xf32, #tpu.memory_space<hbm>>
      %dma_wait3A_84 = arith.constant 0 : i32
      %dma_wait3A_85 = arith.constant 0 : i32
      %dma_wait3A_86 = tpu.memref_slice %arg3[%dma_wait3A_84, %dma_wait3A_85] : memref<100000x64xf32, #tpu.memory_space<hbm>> -> memref<256x64xf32, #tpu.memory_space<hbm>>
      tpu.wait_dma2 semaphore(%arg18 : memref<!tpu.dma_semaphore, #tpu.memory_space<semaphore_mem>>) src(%dma_wait3A_86 : memref<256x64xf32, #tpu.memory_space<hbm>>) dst(%arg10 : memref<256x64xf32, #tpu.memory_space<vmem>>)
      %lt3A_87 = arith.constant 98 : i32
      %lt3A_88 = arith.cmpi slt, %add3A_78, %lt3A_87 : i32
      %convert_element_type3A_89 = arith.extui %lt3A_88 : i1 to i32
      %cond3A_90 = arith.constant 0 : i32
      %cond3A_91 = arith.cmpi ne, %convert_element_type3A_89, %cond3A_90 : i32
      scf.if %cond3A_91 {
        %add3A_222 = arith.constant 2 : i32
        %add3A_223 = arith.addi %add3A_78, %add3A_222 : i32
        %mul3A_224 = arith.constant 2 : i32
        %mul3A_225 = arith.muli %add3A_223, %mul3A_224 : i32
        %dma_start3A_226 = tpu.memref_slice %arg2[%mul3A_225, %mul3A_2] : memref<200x4096xi32, #tpu.memory_space<hbm>> -> memref<2x128xi32, #tpu.memory_space<hbm>>
        %dma_start3A_227 = tpu.memref_slice %arg2[%mul3A_225, %mul3A_2] : memref<200x4096xi32, #tpu.memory_space<hbm>> -> memref<2x128xi32, #tpu.memory_space<hbm>>
        tpu.enqueue_dma source(%dma_start3A_227 : memref<2x128xi32, #tpu.memory_space<hbm>>) target(%arg8 : memref<2x128xi32, #tpu.memory_space<vmem>>) target_semaphore(%arg22 : memref<!tpu.dma_semaphore, #tpu.memory_space<semaphore_mem>>)
      } else {
      }
      %ge3A = arith.constant 2 : i32
      %ge3A_92 = arith.cmpi sge, %add3A_78, %ge3A : i32
      %convert_element_type3A_93 = arith.extui %ge3A_92 : i1 to i32
      %cond3A_94 = arith.constant 0 : i32
      %cond3A_95 = arith.cmpi ne, %convert_element_type3A_93, %cond3A_94 : i32
      scf.if %cond3A_95 {
        %dma_wait3A_222 = arith.constant 0 : i32
        %dma_wait3A_223 = arith.constant 0 : i32
        %dma_wait3A_224 = arith.constant 0 : i32
        %dma_wait3A_225 = tpu.memref_slice %arg7[%dma_wait3A_223, %dma_wait3A_222, %dma_wait3A_224] : memref<1600x32x1024xf32, #tpu.memory_space<hbm>> -> memref<16x1x1024xf32, #tpu.memory_space<hbm>>
        %dma_wait3A_226 = tpu.memref_squeeze %dma_wait3A_225 : memref<16x1x1024xf32, #tpu.memory_space<hbm>> -> memref<16x1024xf32, #tpu.memory_space<hbm>>
        %dma_wait3A_227 = arith.constant 0 : i32
        %dma_wait3A_228 = arith.constant 0 : i32
        %dma_wait3A_229 = tpu.memref_slice %arg7[%dma_wait3A_227, %dma_wait3A_222, %dma_wait3A_228] : memref<1600x32x1024xf32, #tpu.memory_space<hbm>> -> memref<16x1x1024xf32, #tpu.memory_space<hbm>>
        %dma_wait3A_230 = tpu.memref_squeeze %dma_wait3A_229 : memref<16x1x1024xf32, #tpu.memory_space<hbm>> -> memref<16x1024xf32, #tpu.memory_space<hbm>>
        tpu.wait_dma2 semaphore(%arg20 : memref<!tpu.dma_semaphore, #tpu.memory_space<semaphore_mem>>) src(%dma_wait3A_230 : memref<16x1024xf32, #tpu.memory_space<hbm>>) dst(%arg12 : memref<16x1024xf32, #tpu.memory_space<vmem>>)
      } else {
      }
      %mul3A_96 = arith.constant 2 : i32
      %mul3A_97 = arith.muli %add3A_78, %mul3A_96 : i32
      %add3A_98 = arith.constant 0 : i32
      %add3A_99 = arith.addi %mul3A_97, %add3A_98 : i32
      %get3A_100 = arith.index_cast %add3A_99 : i32 to index
      %get3A_101 = arith.constant 0 : index
      %get3A_102 = tpu.vector_load %arg15[%get3A_100, %get3A_101] {strides = array<i32>} : memref<200x64xf32, #tpu.memory_space<vmem>>, vector<16xf32>,
      %get3A_103 = arith.index_cast %add3A_99 : i32 to index
      %get3A_104 = arith.constant 16 : index
      %get3A_105 = tpu.vector_load %arg15[%get3A_103, %get3A_104] {strides = array<i32>} : memref<200x64xf32, #tpu.memory_space<vmem>>, vector<16xf32>,
      %get3A_106 = arith.index_cast %add3A_99 : i32 to index
      %get3A_107 = arith.constant 32 : index
      %get3A_108 = tpu.vector_load %arg15[%get3A_106, %get3A_107] {strides = array<i32>} : memref<200x64xf32, #tpu.memory_space<vmem>>, vector<16xf32>,
      %get3A_109 = arith.index_cast %add3A_99 : i32 to index
      %get3A_110 = arith.constant 48 : index
      %get3A_111 = tpu.vector_load %arg15[%get3A_109, %get3A_110] {strides = array<i32>} : memref<200x64xf32, #tpu.memory_space<vmem>>, vector<16xf32>,
      %parallel_loop3A = arith.constant 0 : i32
      %parallel_loop3A_112 = arith.constant 128 : i32
      %parallel_loop3A_113 = arith.constant 1 : i32
      scf.for %parallel_loop3A_222 = %parallel_loop3A to %parallel_loop3A_112 step %parallel_loop3A_113  : i32 {
        %parallel_loop3A_223 = arith.constant 0 : i32
        %parallel_loop3A_224 = arith.addi %parallel_loop3A_223, %parallel_loop3A_222 : i32
        %parallel_loop3A_225 = arith.index_cast %parallel_loop3A_224 : i32 to index
        %parallel_loop3A_226 = arith.constant 0 : index
        %parallel_loop3A_227 = tpu.vector_load %arg10[%parallel_loop3A_225, %parallel_loop3A_226] {strides = array<i32>} : memref<256x64xf32, #tpu.memory_space<vmem>>, vector<16xf32>,
        %parallel_loop3A_228 = arith.addf %parallel_loop3A_227, %get3A_102 : vector<16xf32>
        %parallel_loop3A_229 = arith.index_cast %parallel_loop3A_224 : i32 to index
        %parallel_loop3A_230 = arith.constant 16 : index
        %parallel_loop3A_231 = tpu.vector_load %arg10[%parallel_loop3A_229, %parallel_loop3A_230] {strides = array<i32>} : memref<256x64xf32, #tpu.memory_space<vmem>>, vector<16xf32>,
        %parallel_loop3A_232 = arith.addf %parallel_loop3A_231, %get3A_105 : vector<16xf32>
        %parallel_loop3A_233 = arith.index_cast %parallel_loop3A_224 : i32 to index
        %parallel_loop3A_234 = arith.constant 32 : index
        %parallel_loop3A_235 = tpu.vector_load %arg10[%parallel_loop3A_233, %parallel_loop3A_234] {strides = array<i32>} : memref<256x64xf32, #tpu.memory_space<vmem>>, vector<16xf32>,
        %parallel_loop3A_236 = arith.addf %parallel_loop3A_235, %get3A_108 : vector<16xf32>
        %parallel_loop3A_237 = arith.index_cast %parallel_loop3A_224 : i32 to index
        %parallel_loop3A_238 = arith.constant 48 : index
        %parallel_loop3A_239 = tpu.vector_load %arg10[%parallel_loop3A_237, %parallel_loop3A_238] {strides = array<i32>} : memref<256x64xf32, #tpu.memory_space<vmem>>, vector<16xf32>,
        %parallel_loop3A_240 = arith.addf %parallel_loop3A_239, %get3A_111 : vector<16xf32>
        %parallel_loop3A_241 = arith.addf %parallel_loop3A_228, %parallel_loop3A_232 : vector<16xf32>
        %parallel_loop3A_242 = arith.addf %parallel_loop3A_236, %parallel_loop3A_240 : vector<16xf32>
        %parallel_loop3A_243 = arith.addf %parallel_loop3A_241, %parallel_loop3A_242 : vector<16xf32>
        %parallel_loop3A_244 = arith.mulf %parallel_loop3A_228, %parallel_loop3A_228 : vector<16xf32>
        %parallel_loop3A_245 = arith.mulf %parallel_loop3A_232, %parallel_loop3A_232 : vector<16xf32>
        %parallel_loop3A_246 = arith.addf %parallel_loop3A_244, %parallel_loop3A_245 : vector<16xf32>
        %parallel_loop3A_247 = arith.mulf %parallel_loop3A_236, %parallel_loop3A_236 : vector<16xf32>
        %parallel_loop3A_248 = arith.mulf %parallel_loop3A_240, %parallel_loop3A_240 : vector<16xf32>
        %parallel_loop3A_249 = arith.addf %parallel_loop3A_247, %parallel_loop3A_248 : vector<16xf32>
        %parallel_loop3A_250 = arith.addf %parallel_loop3A_246, %parallel_loop3A_249 : vector<16xf32>
        %parallel_loop3A_251 = arith.constant true
        %parallel_loop3A_252 = vector.broadcast %parallel_loop3A_251 : i1 to vector<16xi1>
        %parallel_loop3A_253 = tpu.scan <sum>, %parallel_loop3A_243 masked %parallel_loop3A_252 : vector<16xf32>, vector<16xi1> -> vector<16xf32>
        %parallel_loop3A_254 = vector.extract %parallel_loop3A_253[15] : f32 from vector<16xf32>
        %parallel_loop3A_255 = vector.broadcast %parallel_loop3A_254 : f32 to vector<16xf32>
        %parallel_loop3A_256 = arith.constant true
        %parallel_loop3A_257 = vector.broadcast %parallel_loop3A_256 : i1 to vector<16xi1>
        %parallel_loop3A_258 = tpu.scan <sum>, %parallel_loop3A_250 masked %parallel_loop3A_257 : vector<16xf32>, vector<16xi1> -> vector<16xf32>
        %parallel_loop3A_259 = vector.extract %parallel_loop3A_258[15] : f32 from vector<16xf32>
        %parallel_loop3A_260 = vector.broadcast %parallel_loop3A_259 : f32 to vector<16xf32>
        %parallel_loop3A_261 = arith.constant 1.562500e-02 : f32
        %parallel_loop3A_262 = vector.broadcast %parallel_loop3A_261 : f32 to vector<16xf32>
        %parallel_loop3A_263 = arith.mulf %parallel_loop3A_255, %parallel_loop3A_262 : vector<16xf32>
        %parallel_loop3A_264 = arith.constant 1.562500e-02 : f32
        %parallel_loop3A_265 = vector.broadcast %parallel_loop3A_264 : f32 to vector<16xf32>
        %parallel_loop3A_266 = arith.mulf %parallel_loop3A_260, %parallel_loop3A_265 : vector<16xf32>
        %parallel_loop3A_267 = arith.mulf %parallel_loop3A_263, %parallel_loop3A_263 : vector<16xf32>
        %parallel_loop3A_268 = arith.subf %parallel_loop3A_266, %parallel_loop3A_267 : vector<16xf32>
        %parallel_loop3A_269 = arith.constant 9.99999974E-6 : f32
        %parallel_loop3A_270 = vector.broadcast %parallel_loop3A_269 : f32 to vector<16xf32>
        %parallel_loop3A_271 = arith.addf %parallel_loop3A_268, %parallel_loop3A_270 : vector<16xf32>
        %parallel_loop3A_272 = vector.bitcast %parallel_loop3A_271 : vector<16xf32> to vector<16xi32>
        %parallel_loop3A_273 = arith.constant 1 : i32
        %parallel_loop3A_274 = vector.broadcast %parallel_loop3A_273 : i32 to vector<16xi32>
        %parallel_loop3A_275 = arith.shrui %parallel_loop3A_272, %parallel_loop3A_274 : vector<16xi32>
        %parallel_loop3A_276 = arith.constant 1597463007 : i32
        %parallel_loop3A_277 = vector.broadcast %parallel_loop3A_276 : i32 to vector<16xi32>
        %parallel_loop3A_278 = arith.subi %parallel_loop3A_277, %parallel_loop3A_275 : vector<16xi32>
        %parallel_loop3A_279 = vector.bitcast %parallel_loop3A_278 : vector<16xi32> to vector<16xf32>
        %parallel_loop3A_280 = arith.constant 5.000000e-01 : f32
        %parallel_loop3A_281 = vector.broadcast %parallel_loop3A_280 : f32 to vector<16xf32>
        %parallel_loop3A_282 = arith.mulf %parallel_loop3A_281, %parallel_loop3A_271 : vector<16xf32>
        %parallel_loop3A_283 = arith.mulf %parallel_loop3A_282, %parallel_loop3A_279 : vector<16xf32>
        %parallel_loop3A_284 = arith.mulf %parallel_loop3A_283, %parallel_loop3A_279 : vector<16xf32>
        %parallel_loop3A_285 = arith.constant 1.500000e+00 : f32
        %parallel_loop3A_286 = vector.broadcast %parallel_loop3A_285 : f32 to vector<16xf32>
        %parallel_loop3A_287 = arith.subf %parallel_loop3A_286, %parallel_loop3A_284 : vector<16xf32>
        %parallel_loop3A_288 = arith.mulf %parallel_loop3A_279, %parallel_loop3A_287 : vector<16xf32>
        %parallel_loop3A_289 = arith.mulf %parallel_loop3A_282, %parallel_loop3A_288 : vector<16xf32>
        %parallel_loop3A_290 = arith.mulf %parallel_loop3A_289, %parallel_loop3A_288 : vector<16xf32>
        %parallel_loop3A_291 = arith.constant 1.500000e+00 : f32
        %parallel_loop3A_292 = vector.broadcast %parallel_loop3A_291 : f32 to vector<16xf32>
        %parallel_loop3A_293 = arith.subf %parallel_loop3A_292, %parallel_loop3A_290 : vector<16xf32>
        %parallel_loop3A_294 = arith.mulf %parallel_loop3A_288, %parallel_loop3A_293 : vector<16xf32>
        %parallel_loop3A_295 = arith.mulf %parallel_loop3A_282, %parallel_loop3A_294 : vector<16xf32>
        %parallel_loop3A_296 = arith.mulf %parallel_loop3A_295, %parallel_loop3A_294 : vector<16xf32>
        %parallel_loop3A_297 = arith.constant 1.500000e+00 : f32
        %parallel_loop3A_298 = vector.broadcast %parallel_loop3A_297 : f32 to vector<16xf32>
        %parallel_loop3A_299 = arith.subf %parallel_loop3A_298, %parallel_loop3A_296 : vector<16xf32>
        %parallel_loop3A_300 = arith.mulf %parallel_loop3A_294, %parallel_loop3A_299 : vector<16xf32>
        %parallel_loop3A_301 = arith.subf %parallel_loop3A_228, %parallel_loop3A_263 : vector<16xf32>
        %parallel_loop3A_302 = arith.mulf %parallel_loop3A_300, %get3A_3 : vector<16xf32>
        %parallel_loop3A_303 = arith.mulf %parallel_loop3A_301, %parallel_loop3A_302 : vector<16xf32>
        %parallel_loop3A_304 = arith.addf %parallel_loop3A_303, %get3A_11 : vector<16xf32>
        %parallel_loop3A_305 = arith.index_cast %parallel_loop3A_224 : i32 to index
        %parallel_loop3A_306 = arith.constant 0 : index
        %parallel_loop3A_307 = tpu.vector_load %arg14[%parallel_loop3A_305, %parallel_loop3A_306] {strides = array<i32>} : memref<256x65xf32, #tpu.memory_space<vmem>>, vector<16xf32>,
        tpu.vector_store %arg14[%parallel_loop3A_305, %parallel_loop3A_306], %parallel_loop3A_304 {strides = array<i32>} : memref<256x65xf32, #tpu.memory_space<vmem>>, vector<16xf32>,
        %parallel_loop3A_308 = arith.subf %parallel_loop3A_232, %parallel_loop3A_263 : vector<16xf32>
        %parallel_loop3A_309 = arith.mulf %parallel_loop3A_300, %get3A_5 : vector<16xf32>
        %parallel_loop3A_310 = arith.mulf %parallel_loop3A_308, %parallel_loop3A_309 : vector<16xf32>
        %parallel_loop3A_311 = arith.addf %parallel_loop3A_310, %get3A_13 : vector<16xf32>
        %parallel_loop3A_312 = arith.index_cast %parallel_loop3A_224 : i32 to index
        %parallel_loop3A_313 = arith.constant 16 : index
        %parallel_loop3A_314 = tpu.vector_load %arg14[%parallel_loop3A_312, %parallel_loop3A_313] {strides = array<i32>} : memref<256x65xf32, #tpu.memory_space<vmem>>, vector<16xf32>,
        tpu.vector_store %arg14[%parallel_loop3A_312, %parallel_loop3A_313], %parallel_loop3A_311 {strides = array<i32>} : memref<256x65xf32, #tpu.memory_space<vmem>>, vector<16xf32>,
        %parallel_loop3A_315 = arith.subf %parallel_loop3A_236, %parallel_loop3A_263 : vector<16xf32>
        %parallel_loop3A_316 = arith.mulf %parallel_loop3A_300, %get3A_7 : vector<16xf32>
        %parallel_loop3A_317 = arith.mulf %parallel_loop3A_315, %parallel_loop3A_316 : vector<16xf32>
        %parallel_loop3A_318 = arith.addf %parallel_loop3A_317, %get3A_15 : vector<16xf32>
        %parallel_loop3A_319 = arith.index_cast %parallel_loop3A_224 : i32 to index
        %parallel_loop3A_320 = arith.constant 32 : index
        %parallel_loop3A_321 = tpu.vector_load %arg14[%parallel_loop3A_319, %parallel_loop3A_320] {strides = array<i32>} : memref<256x65xf32, #tpu.memory_space<vmem>>, vector<16xf32>,
        tpu.vector_store %arg14[%parallel_loop3A_319, %parallel_loop3A_320], %parallel_loop3A_318 {strides = array<i32>} : memref<256x65xf32, #tpu.memory_space<vmem>>, vector<16xf32>,
        %parallel_loop3A_322 = arith.subf %parallel_loop3A_240, %parallel_loop3A_263 : vector<16xf32>
        %parallel_loop3A_323 = arith.mulf %parallel_loop3A_300, %get3A_9 : vector<16xf32>
        %parallel_loop3A_324 = arith.mulf %parallel_loop3A_322, %parallel_loop3A_323 : vector<16xf32>
        %parallel_loop3A_325 = arith.addf %parallel_loop3A_324, %get3A_17 : vector<16xf32>
        %parallel_loop3A_326 = arith.index_cast %parallel_loop3A_224 : i32 to index
        %parallel_loop3A_327 = arith.constant 48 : index
        %parallel_loop3A_328 = tpu.vector_load %arg14[%parallel_loop3A_326, %parallel_loop3A_327] {strides = array<i32>} : memref<256x65xf32, #tpu.memory_space<vmem>>, vector<16xf32>,
        tpu.vector_store %arg14[%parallel_loop3A_326, %parallel_loop3A_327], %parallel_loop3A_325 {strides = array<i32>} : memref<256x65xf32, #tpu.memory_space<vmem>>, vector<16xf32>,
      } {sc.loop_unroll_factor = 8 : i64, sc.parallel_access}
      %mul3A_114 = arith.constant 2 : i32
      %mul3A_115 = arith.muli %add3A_78, %mul3A_114 : i32
      %add3A_116 = arith.constant 1 : i32
      %add3A_117 = arith.addi %mul3A_115, %add3A_116 : i32
      %get3A_118 = arith.index_cast %add3A_117 : i32 to index
      %get3A_119 = arith.constant 0 : index
      %get3A_120 = tpu.vector_load %arg15[%get3A_118, %get3A_119] {strides = array<i32>} : memref<200x64xf32, #tpu.memory_space<vmem>>, vector<16xf32>,
      %get3A_121 = arith.index_cast %add3A_117 : i32 to index
      %get3A_122 = arith.constant 16 : index
      %get3A_123 = tpu.vector_load %arg15[%get3A_121, %get3A_122] {strides = array<i32>} : memref<200x64xf32, #tpu.memory_space<vmem>>, vector<16xf32>,
      %get3A_124 = arith.index_cast %add3A_117 : i32 to index
      %get3A_125 = arith.constant 32 : index
      %get3A_126 = tpu.vector_load %arg15[%get3A_124, %get3A_125] {strides = array<i32>} : memref<200x64xf32, #tpu.memory_space<vmem>>, vector<16xf32>,
      %get3A_127 = arith.index_cast %add3A_117 : i32 to index
      %get3A_128 = arith.constant 48 : index
      %get3A_129 = tpu.vector_load %arg15[%get3A_127, %get3A_128] {strides = array<i32>} : memref<200x64xf32, #tpu.memory_space<vmem>>, vector<16xf32>,
      %parallel_loop3A_130 = arith.constant 0 : i32
      %parallel_loop3A_131 = arith.constant 128 : i32
      %parallel_loop3A_132 = arith.constant 1 : i32
      scf.for %parallel_loop3A_222 = %parallel_loop3A_130 to %parallel_loop3A_131 step %parallel_loop3A_132  : i32 {
        %parallel_loop3A_223 = arith.constant 128 : i32
        %parallel_loop3A_224 = arith.addi %parallel_loop3A_223, %parallel_loop3A_222 : i32
        %parallel_loop3A_225 = arith.index_cast %parallel_loop3A_224 : i32 to index
        %parallel_loop3A_226 = arith.constant 0 : index
        %parallel_loop3A_227 = tpu.vector_load %arg10[%parallel_loop3A_225, %parallel_loop3A_226] {strides = array<i32>} : memref<256x64xf32, #tpu.memory_space<vmem>>, vector<16xf32>,
        %parallel_loop3A_228 = arith.addf %parallel_loop3A_227, %get3A_120 : vector<16xf32>
        %parallel_loop3A_229 = arith.index_cast %parallel_loop3A_224 : i32 to index
        %parallel_loop3A_230 = arith.constant 16 : index
        %parallel_loop3A_231 = tpu.vector_load %arg10[%parallel_loop3A_229, %parallel_loop3A_230] {strides = array<i32>} : memref<256x64xf32, #tpu.memory_space<vmem>>, vector<16xf32>,
        %parallel_loop3A_232 = arith.addf %parallel_loop3A_231, %get3A_123 : vector<16xf32>
        %parallel_loop3A_233 = arith.index_cast %parallel_loop3A_224 : i32 to index
        %parallel_loop3A_234 = arith.constant 32 : index
        %parallel_loop3A_235 = tpu.vector_load %arg10[%parallel_loop3A_233, %parallel_loop3A_234] {strides = array<i32>} : memref<256x64xf32, #tpu.memory_space<vmem>>, vector<16xf32>,
        %parallel_loop3A_236 = arith.addf %parallel_loop3A_235, %get3A_126 : vector<16xf32>
        %parallel_loop3A_237 = arith.index_cast %parallel_loop3A_224 : i32 to index
        %parallel_loop3A_238 = arith.constant 48 : index
        %parallel_loop3A_239 = tpu.vector_load %arg10[%parallel_loop3A_237, %parallel_loop3A_238] {strides = array<i32>} : memref<256x64xf32, #tpu.memory_space<vmem>>, vector<16xf32>,
        %parallel_loop3A_240 = arith.addf %parallel_loop3A_239, %get3A_129 : vector<16xf32>
        %parallel_loop3A_241 = arith.addf %parallel_loop3A_228, %parallel_loop3A_232 : vector<16xf32>
        %parallel_loop3A_242 = arith.addf %parallel_loop3A_236, %parallel_loop3A_240 : vector<16xf32>
        %parallel_loop3A_243 = arith.addf %parallel_loop3A_241, %parallel_loop3A_242 : vector<16xf32>
        %parallel_loop3A_244 = arith.mulf %parallel_loop3A_228, %parallel_loop3A_228 : vector<16xf32>
        %parallel_loop3A_245 = arith.mulf %parallel_loop3A_232, %parallel_loop3A_232 : vector<16xf32>
        %parallel_loop3A_246 = arith.addf %parallel_loop3A_244, %parallel_loop3A_245 : vector<16xf32>
        %parallel_loop3A_247 = arith.mulf %parallel_loop3A_236, %parallel_loop3A_236 : vector<16xf32>
        %parallel_loop3A_248 = arith.mulf %parallel_loop3A_240, %parallel_loop3A_240 : vector<16xf32>
        %parallel_loop3A_249 = arith.addf %parallel_loop3A_247, %parallel_loop3A_248 : vector<16xf32>
        %parallel_loop3A_250 = arith.addf %parallel_loop3A_246, %parallel_loop3A_249 : vector<16xf32>
        %parallel_loop3A_251 = arith.constant true
        %parallel_loop3A_252 = vector.broadcast %parallel_loop3A_251 : i1 to vector<16xi1>
        %parallel_loop3A_253 = tpu.scan <sum>, %parallel_loop3A_243 masked %parallel_loop3A_252 : vector<16xf32>, vector<16xi1> -> vector<16xf32>
        %parallel_loop3A_254 = vector.extract %parallel_loop3A_253[15] : f32 from vector<16xf32>
        %parallel_loop3A_255 = vector.broadcast %parallel_loop3A_254 : f32 to vector<16xf32>
        %parallel_loop3A_256 = arith.constant true
        %parallel_loop3A_257 = vector.broadcast %parallel_loop3A_256 : i1 to vector<16xi1>
        %parallel_loop3A_258 = tpu.scan <sum>, %parallel_loop3A_250 masked %parallel_loop3A_257 : vector<16xf32>, vector<16xi1> -> vector<16xf32>
        %parallel_loop3A_259 = vector.extract %parallel_loop3A_258[15] : f32 from vector<16xf32>
        %parallel_loop3A_260 = vector.broadcast %parallel_loop3A_259 : f32 to vector<16xf32>
        %parallel_loop3A_261 = arith.constant 1.562500e-02 : f32
        %parallel_loop3A_262 = vector.broadcast %parallel_loop3A_261 : f32 to vector<16xf32>
        %parallel_loop3A_263 = arith.mulf %parallel_loop3A_255, %parallel_loop3A_262 : vector<16xf32>
        %parallel_loop3A_264 = arith.constant 1.562500e-02 : f32
        %parallel_loop3A_265 = vector.broadcast %parallel_loop3A_264 : f32 to vector<16xf32>
        %parallel_loop3A_266 = arith.mulf %parallel_loop3A_260, %parallel_loop3A_265 : vector<16xf32>
        %parallel_loop3A_267 = arith.mulf %parallel_loop3A_263, %parallel_loop3A_263 : vector<16xf32>
        %parallel_loop3A_268 = arith.subf %parallel_loop3A_266, %parallel_loop3A_267 : vector<16xf32>
        %parallel_loop3A_269 = arith.constant 9.99999974E-6 : f32
        %parallel_loop3A_270 = vector.broadcast %parallel_loop3A_269 : f32 to vector<16xf32>
        %parallel_loop3A_271 = arith.addf %parallel_loop3A_268, %parallel_loop3A_270 : vector<16xf32>
        %parallel_loop3A_272 = vector.bitcast %parallel_loop3A_271 : vector<16xf32> to vector<16xi32>
        %parallel_loop3A_273 = arith.constant 1 : i32
        %parallel_loop3A_274 = vector.broadcast %parallel_loop3A_273 : i32 to vector<16xi32>
        %parallel_loop3A_275 = arith.shrui %parallel_loop3A_272, %parallel_loop3A_274 : vector<16xi32>
        %parallel_loop3A_276 = arith.constant 1597463007 : i32
        %parallel_loop3A_277 = vector.broadcast %parallel_loop3A_276 : i32 to vector<16xi32>
        %parallel_loop3A_278 = arith.subi %parallel_loop3A_277, %parallel_loop3A_275 : vector<16xi32>
        %parallel_loop3A_279 = vector.bitcast %parallel_loop3A_278 : vector<16xi32> to vector<16xf32>
        %parallel_loop3A_280 = arith.constant 5.000000e-01 : f32
        %parallel_loop3A_281 = vector.broadcast %parallel_loop3A_280 : f32 to vector<16xf32>
        %parallel_loop3A_282 = arith.mulf %parallel_loop3A_281, %parallel_loop3A_271 : vector<16xf32>
        %parallel_loop3A_283 = arith.mulf %parallel_loop3A_282, %parallel_loop3A_279 : vector<16xf32>
        %parallel_loop3A_284 = arith.mulf %parallel_loop3A_283, %parallel_loop3A_279 : vector<16xf32>
        %parallel_loop3A_285 = arith.constant 1.500000e+00 : f32
        %parallel_loop3A_286 = vector.broadcast %parallel_loop3A_285 : f32 to vector<16xf32>
        %parallel_loop3A_287 = arith.subf %parallel_loop3A_286, %parallel_loop3A_284 : vector<16xf32>
        %parallel_loop3A_288 = arith.mulf %parallel_loop3A_279, %parallel_loop3A_287 : vector<16xf32>
        %parallel_loop3A_289 = arith.mulf %parallel_loop3A_282, %parallel_loop3A_288 : vector<16xf32>
        %parallel_loop3A_290 = arith.mulf %parallel_loop3A_289, %parallel_loop3A_288 : vector<16xf32>
        %parallel_loop3A_291 = arith.constant 1.500000e+00 : f32
        %parallel_loop3A_292 = vector.broadcast %parallel_loop3A_291 : f32 to vector<16xf32>
        %parallel_loop3A_293 = arith.subf %parallel_loop3A_292, %parallel_loop3A_290 : vector<16xf32>
        %parallel_loop3A_294 = arith.mulf %parallel_loop3A_288, %parallel_loop3A_293 : vector<16xf32>
        %parallel_loop3A_295 = arith.mulf %parallel_loop3A_282, %parallel_loop3A_294 : vector<16xf32>
        %parallel_loop3A_296 = arith.mulf %parallel_loop3A_295, %parallel_loop3A_294 : vector<16xf32>
        %parallel_loop3A_297 = arith.constant 1.500000e+00 : f32
        %parallel_loop3A_298 = vector.broadcast %parallel_loop3A_297 : f32 to vector<16xf32>
        %parallel_loop3A_299 = arith.subf %parallel_loop3A_298, %parallel_loop3A_296 : vector<16xf32>
        %parallel_loop3A_300 = arith.mulf %parallel_loop3A_294, %parallel_loop3A_299 : vector<16xf32>
        %parallel_loop3A_301 = arith.subf %parallel_loop3A_228, %parallel_loop3A_263 : vector<16xf32>
        %parallel_loop3A_302 = arith.mulf %parallel_loop3A_300, %get3A_3 : vector<16xf32>
        %parallel_loop3A_303 = arith.mulf %parallel_loop3A_301, %parallel_loop3A_302 : vector<16xf32>
        %parallel_loop3A_304 = arith.addf %parallel_loop3A_303, %get3A_11 : vector<16xf32>
        %parallel_loop3A_305 = arith.index_cast %parallel_loop3A_224 : i32 to index
        %parallel_loop3A_306 = arith.constant 0 : index
        %parallel_loop3A_307 = tpu.vector_load %arg14[%parallel_loop3A_305, %parallel_loop3A_306] {strides = array<i32>} : memref<256x65xf32, #tpu.memory_space<vmem>>, vector<16xf32>,
        tpu.vector_store %arg14[%parallel_loop3A_305, %parallel_loop3A_306], %parallel_loop3A_304 {strides = array<i32>} : memref<256x65xf32, #tpu.memory_space<vmem>>, vector<16xf32>,
        %parallel_loop3A_308 = arith.subf %parallel_loop3A_232, %parallel_loop3A_263 : vector<16xf32>
        %parallel_loop3A_309 = arith.mulf %parallel_loop3A_300, %get3A_5 : vector<16xf32>
        %parallel_loop3A_310 = arith.mulf %parallel_loop3A_308, %parallel_loop3A_309 : vector<16xf32>
        %parallel_loop3A_311 = arith.addf %parallel_loop3A_310, %get3A_13 : vector<16xf32>
        %parallel_loop3A_312 = arith.index_cast %parallel_loop3A_224 : i32 to index
        %parallel_loop3A_313 = arith.constant 16 : index
        %parallel_loop3A_314 = tpu.vector_load %arg14[%parallel_loop3A_312, %parallel_loop3A_313] {strides = array<i32>} : memref<256x65xf32, #tpu.memory_space<vmem>>, vector<16xf32>,
        tpu.vector_store %arg14[%parallel_loop3A_312, %parallel_loop3A_313], %parallel_loop3A_311 {strides = array<i32>} : memref<256x65xf32, #tpu.memory_space<vmem>>, vector<16xf32>,
        %parallel_loop3A_315 = arith.subf %parallel_loop3A_236, %parallel_loop3A_263 : vector<16xf32>
        %parallel_loop3A_316 = arith.mulf %parallel_loop3A_300, %get3A_7 : vector<16xf32>
        %parallel_loop3A_317 = arith.mulf %parallel_loop3A_315, %parallel_loop3A_316 : vector<16xf32>
        %parallel_loop3A_318 = arith.addf %parallel_loop3A_317, %get3A_15 : vector<16xf32>
        %parallel_loop3A_319 = arith.index_cast %parallel_loop3A_224 : i32 to index
        %parallel_loop3A_320 = arith.constant 32 : index
        %parallel_loop3A_321 = tpu.vector_load %arg14[%parallel_loop3A_319, %parallel_loop3A_320] {strides = array<i32>} : memref<256x65xf32, #tpu.memory_space<vmem>>, vector<16xf32>,
        tpu.vector_store %arg14[%parallel_loop3A_319, %parallel_loop3A_320], %parallel_loop3A_318 {strides = array<i32>} : memref<256x65xf32, #tpu.memory_space<vmem>>, vector<16xf32>,
        %parallel_loop3A_322 = arith.subf %parallel_loop3A_240, %parallel_loop3A_263 : vector<16xf32>
        %parallel_loop3A_323 = arith.mulf %parallel_loop3A_300, %get3A_9 : vector<16xf32>
        %parallel_loop3A_324 = arith.mulf %parallel_loop3A_322, %parallel_loop3A_323 : vector<16xf32>
        %parallel_loop3A_325 = arith.addf %parallel_loop3A_324, %get3A_17 : vector<16xf32>
        %parallel_loop3A_326 = arith.index_cast %parallel_loop3A_224 : i32 to index
        %parallel_loop3A_327 = arith.constant 48 : index
        %parallel_loop3A_328 = tpu.vector_load %arg14[%parallel_loop3A_326, %parallel_loop3A_327] {strides = array<i32>} : memref<256x65xf32, #tpu.memory_space<vmem>>, vector<16xf32>,
        tpu.vector_store %arg14[%parallel_loop3A_326, %parallel_loop3A_327], %parallel_loop3A_325 {strides = array<i32>} : memref<256x65xf32, #tpu.memory_space<vmem>>, vector<16xf32>,
      } {sc.loop_unroll_factor = 8 : i64, sc.parallel_access}
      %parallel_loop3A_133 = arith.constant 0 : i32
      %parallel_loop3A_134 = arith.constant 512 : i32
      %parallel_loop3A_135 = arith.constant 1 : i32
      scf.for %parallel_loop3A_222 = %parallel_loop3A_133 to %parallel_loop3A_134 step %parallel_loop3A_135  : i32 {
        %parallel_loop3A_223 = arith.constant 3 : i32
        %parallel_loop3A_224 = arith.shrui %parallel_loop3A_222, %parallel_loop3A_223 : i32
        %parallel_loop3A_225 = arith.constant 7 : i32
        %parallel_loop3A_226 = arith.andi %parallel_loop3A_222, %parallel_loop3A_225 : i32
        %parallel_loop3A_227 = arith.constant 16 : i32
        %parallel_loop3A_228 = arith.muli %parallel_loop3A_226, %parallel_loop3A_227 : i32
        %parallel_loop3A_229 = arith.constant 0 : i32
        %parallel_loop3A_230 = arith.addi %parallel_loop3A_229, %parallel_loop3A_228 : i32
        %parallel_loop3A_231 = vector.broadcast %parallel_loop3A_230 : i32 to vector<16xi32>
        %parallel_loop3A_232 = arith.addi %parallel_loop3A_231, %iota3A : vector<16xi32>
        %parallel_loop3A_233 = vector.broadcast %parallel_loop3A_224 : i32 to vector<16xi32>
        %parallel_loop3A_234 = tpu.vector_load_idx %arg14[%parallel_loop3A_232, %parallel_loop3A_233] : memref<256x65xf32, #tpu.memory_space<vmem>>[vector<16xi32>, vector<16xi32>], vector<16xf32>,
        %parallel_loop3A_235 = arith.constant 3 : i32
        %parallel_loop3A_236 = arith.shrui %parallel_loop3A_224, %parallel_loop3A_235 : i32
        %parallel_loop3A_237 = arith.constant 0 : i32
        %parallel_loop3A_238 = arith.addi %parallel_loop3A_237, %parallel_loop3A_236 : i32
        %parallel_loop3A_239 = arith.constant 7 : i32
        %parallel_loop3A_240 = arith.andi %parallel_loop3A_224, %parallel_loop3A_239 : i32
        %parallel_loop3A_241 = arith.constant 128 : i32
        %parallel_loop3A_242 = arith.muli %parallel_loop3A_240, %parallel_loop3A_241 : i32
        %parallel_loop3A_243 = arith.constant 16 : i32
        %parallel_loop3A_244 = arith.muli %parallel_loop3A_226, %parallel_loop3A_243 : i32
        %parallel_loop3A_245 = arith.addi %parallel_loop3A_242, %parallel_loop3A_244 : i32
        %parallel_loop3A_246 = arith.index_cast %parallel_loop3A_238 : i32 to index
        %parallel_loop3A_247 = arith.index_cast %parallel_loop3A_245 : i32 to index
        %parallel_loop3A_248 = tpu.vector_load %arg12[%parallel_loop3A_246, %parallel_loop3A_247] {strides = array<i32>} : memref<16x1024xf32, #tpu.memory_space<vmem>>, vector<16xf32>,
        tpu.vector_store %arg12[%parallel_loop3A_246, %parallel_loop3A_247], %parallel_loop3A_234 {strides = array<i32>} : memref<16x1024xf32, #tpu.memory_space<vmem>>, vector<16xf32>,
      } {sc.loop_unroll_factor = 16 : i64, sc.parallel_access}
      %parallel_loop3A_136 = arith.constant 0 : i32
      %parallel_loop3A_137 = arith.constant 512 : i32
      %parallel_loop3A_138 = arith.constant 1 : i32
      scf.for %parallel_loop3A_222 = %parallel_loop3A_136 to %parallel_loop3A_137 step %parallel_loop3A_138  : i32 {
        %parallel_loop3A_223 = arith.constant 3 : i32
        %parallel_loop3A_224 = arith.shrui %parallel_loop3A_222, %parallel_loop3A_223 : i32
        %parallel_loop3A_225 = arith.constant 7 : i32
        %parallel_loop3A_226 = arith.andi %parallel_loop3A_222, %parallel_loop3A_225 : i32
        %parallel_loop3A_227 = arith.constant 16 : i32
        %parallel_loop3A_228 = arith.muli %parallel_loop3A_226, %parallel_loop3A_227 : i32
        %parallel_loop3A_229 = arith.constant 128 : i32
        %parallel_loop3A_230 = arith.addi %parallel_loop3A_229, %parallel_loop3A_228 : i32
        %parallel_loop3A_231 = vector.broadcast %parallel_loop3A_230 : i32 to vector<16xi32>
        %parallel_loop3A_232 = arith.addi %parallel_loop3A_231, %iota3A : vector<16xi32>
        %parallel_loop3A_233 = vector.broadcast %parallel_loop3A_224 : i32 to vector<16xi32>
        %parallel_loop3A_234 = tpu.vector_load_idx %arg14[%parallel_loop3A_232, %parallel_loop3A_233] : memref<256x65xf32, #tpu.memory_space<vmem>>[vector<16xi32>, vector<16xi32>], vector<16xf32>,
        %parallel_loop3A_235 = arith.constant 3 : i32
        %parallel_loop3A_236 = arith.shrui %parallel_loop3A_224, %parallel_loop3A_235 : i32
        %parallel_loop3A_237 = arith.constant 8 : i32
        %parallel_loop3A_238 = arith.addi %parallel_loop3A_237, %parallel_loop3A_236 : i32
        %parallel_loop3A_239 = arith.constant 7 : i32
        %parallel_loop3A_240 = arith.andi %parallel_loop3A_224, %parallel_loop3A_239 : i32
        %parallel_loop3A_241 = arith.constant 128 : i32
        %parallel_loop3A_242 = arith.muli %parallel_loop3A_240, %parallel_loop3A_241 : i32
        %parallel_loop3A_243 = arith.constant 16 : i32
        %parallel_loop3A_244 = arith.muli %parallel_loop3A_226, %parallel_loop3A_243 : i32
        %parallel_loop3A_245 = arith.addi %parallel_loop3A_242, %parallel_loop3A_244 : i32
        %parallel_loop3A_246 = arith.index_cast %parallel_loop3A_238 : i32 to index
        %parallel_loop3A_247 = arith.index_cast %parallel_loop3A_245 : i32 to index
        %parallel_loop3A_248 = tpu.vector_load %arg12[%parallel_loop3A_246, %parallel_loop3A_247] {strides = array<i32>} : memref<16x1024xf32, #tpu.memory_space<vmem>>, vector<16xf32>,
        tpu.vector_store %arg12[%parallel_loop3A_246, %parallel_loop3A_247], %parallel_loop3A_234 {strides = array<i32>} : memref<16x1024xf32, #tpu.memory_space<vmem>>, vector<16xf32>,
      } {sc.loop_unroll_factor = 16 : i64, sc.parallel_access}
      %mul3A_139 = arith.constant 16 : i32
      %mul3A_140 = arith.muli %add3A_78, %mul3A_139 : i32
      %dma_start3A_141 = arith.constant 0 : i32
      %dma_start3A_142 = tpu.memref_slice %arg7[%mul3A_140, %add3A, %dma_start3A_141] : memref<1600x32x1024xf32, #tpu.memory_space<hbm>> -> memref<16x1x1024xf32, #tpu.memory_space<hbm>>
      %dma_start3A_143 = tpu.memref_squeeze %dma_start3A_142 : memref<16x1x1024xf32, #tpu.memory_space<hbm>> -> memref<16x1024xf32, #tpu.memory_space<hbm>>
      %dma_start3A_144 = arith.constant 0 : i32
      %dma_start3A_145 = tpu.memref_slice %arg7[%mul3A_140, %add3A, %dma_start3A_144] : memref<1600x32x1024xf32, #tpu.memory_space<hbm>> -> memref<16x1x1024xf32, #tpu.memory_space<hbm>>
      %dma_start3A_146 = tpu.memref_squeeze %dma_start3A_145 : memref<16x1x1024xf32, #tpu.memory_space<hbm>> -> memref<16x1024xf32, #tpu.memory_space<hbm>>
      tpu.enqueue_dma source(%arg12 : memref<16x1024xf32, #tpu.memory_space<vmem>>) target(%dma_start3A_146 : memref<16x1024xf32, #tpu.memory_space<hbm>>) target_semaphore(%arg20 : memref<!tpu.dma_semaphore, #tpu.memory_space<semaphore_mem>>)
      %add3A_147 = arith.constant 1 : i32
      %add3A_148 = arith.addi %add3A_76, %add3A_147 : i32
      %lt3A_149 = arith.constant 99 : i32
      %lt3A_150 = arith.cmpi slt, %add3A_148, %lt3A_149 : i32
      %convert_element_type3A_151 = arith.extui %lt3A_150 : i1 to i32
      %cond3A_152 = arith.constant 0 : i32
      %cond3A_153 = arith.cmpi ne, %convert_element_type3A_151, %cond3A_152 : i32
      scf.if %cond3A_153 {
        %dma_wait3A_222 = arith.constant 0 : i32
        %dma_wait3A_223 = arith.constant 0 : i32
        %dma_wait3A_224 = tpu.memref_slice %arg2[%dma_wait3A_222, %dma_wait3A_223] : memref<200x4096xi32, #tpu.memory_space<hbm>> -> memref<2x128xi32, #tpu.memory_space<hbm>>
        %dma_wait3A_225 = arith.constant 0 : i32
        %dma_wait3A_226 = arith.constant 0 : i32
        %dma_wait3A_227 = tpu.memref_slice %arg2[%dma_wait3A_225, %dma_wait3A_226] : memref<200x4096xi32, #tpu.memory_space<hbm>> -> memref<2x128xi32, #tpu.memory_space<hbm>>
        tpu.wait_dma2 semaphore(%arg22 : memref<!tpu.dma_semaphore, #tpu.memory_space<semaphore_mem>>) src(%dma_wait3A_227 : memref<2x128xi32, #tpu.memory_space<hbm>>) dst(%arg8 : memref<2x128xi32, #tpu.memory_space<vmem>>)
        %dma_start3A_228 = arith.constant 0 : i32
        %dma_start3A_229 = arith.constant 0 : i32
        %dma_start3A_230 = arith.constant 0 : i32
        %dma_start3A_231 = tpu.memref_slice %arg10[%dma_start3A_229, %dma_start3A_230] : memref<256x64xf32, #tpu.memory_space<vmem>> -> memref<128x64xf32, #tpu.memory_space<vmem>>
        %dma_start3A_232 = arith.constant 0 : i32
        %dma_start3A_233 = tpu.memref_slice %arg8[%dma_start3A_228, %dma_start3A_232] : memref<2x128xi32, #tpu.memory_space<vmem>> -> memref<1x128xi32, #tpu.memory_space<vmem>>
        %dma_start3A_234 = tpu.memref_squeeze %dma_start3A_233 : memref<1x128xi32, #tpu.memory_space<vmem>> -> memref<128xi32, #tpu.memory_space<vmem>>
        %dma_start3A_235 = arith.constant 0 : i32
        %dma_start3A_236 = arith.constant 0 : i32
        %dma_start3A_237 = tpu.memref_slice %arg3[%dma_start3A_235, %dma_start3A_236] : memref<100000x64xf32, #tpu.memory_space<hbm>> -> memref<100000x64xf32, #tpu.memory_space<hbm>>
        tpu.enqueue_indirect_dma source(%dma_start3A_237 : memref<100000x64xf32, #tpu.memory_space<hbm>>) target(%dma_start3A_231 : memref<128x64xf32, #tpu.memory_space<vmem>>) offsets(%dma_start3A_234 : memref<128xi32, #tpu.memory_space<vmem>>) semaphore(%arg18 : memref<!tpu.dma_semaphore, #tpu.memory_space<semaphore_mem>>)
        %dma_start3A_238 = arith.constant 1 : i32
        %dma_start3A_239 = arith.constant 128 : i32
        %dma_start3A_240 = arith.constant 0 : i32
        %dma_start3A_241 = tpu.memref_slice %arg10[%dma_start3A_239, %dma_start3A_240] : memref<256x64xf32, #tpu.memory_space<vmem>> -> memref<128x64xf32, #tpu.memory_space<vmem>>
        %dma_start3A_242 = arith.constant 0 : i32
        %dma_start3A_243 = tpu.memref_slice %arg8[%dma_start3A_238, %dma_start3A_242] : memref<2x128xi32, #tpu.memory_space<vmem>> -> memref<1x128xi32, #tpu.memory_space<vmem>>
        %dma_start3A_244 = tpu.memref_squeeze %dma_start3A_243 : memref<1x128xi32, #tpu.memory_space<vmem>> -> memref<128xi32, #tpu.memory_space<vmem>>
        %dma_start3A_245 = arith.constant 0 : i32
        %dma_start3A_246 = arith.constant 0 : i32
        %dma_start3A_247 = tpu.memref_slice %arg3[%dma_start3A_245, %dma_start3A_246] : memref<100000x64xf32, #tpu.memory_space<hbm>> -> memref<100000x64xf32, #tpu.memory_space<hbm>>
        tpu.enqueue_indirect_dma source(%dma_start3A_247 : memref<100000x64xf32, #tpu.memory_space<hbm>>) target(%dma_start3A_241 : memref<128x64xf32, #tpu.memory_space<vmem>>) offsets(%dma_start3A_244 : memref<128xi32, #tpu.memory_space<vmem>>) semaphore(%arg18 : memref<!tpu.dma_semaphore, #tpu.memory_space<semaphore_mem>>)
      } else {
      }
      %dma_wait3A_154 = arith.constant 0 : i32
      %dma_wait3A_155 = arith.constant 0 : i32
      %dma_wait3A_156 = tpu.memref_slice %arg3[%dma_wait3A_154, %dma_wait3A_155] : memref<100000x64xf32, #tpu.memory_space<hbm>> -> memref<256x64xf32, #tpu.memory_space<hbm>>
      %dma_wait3A_157 = arith.constant 0 : i32
      %dma_wait3A_158 = arith.constant 0 : i32
      %dma_wait3A_159 = tpu.memref_slice %arg3[%dma_wait3A_157, %dma_wait3A_158] : memref<100000x64xf32, #tpu.memory_space<hbm>> -> memref<256x64xf32, #tpu.memory_space<hbm>>
      tpu.wait_dma2 semaphore(%arg19 : memref<!tpu.dma_semaphore, #tpu.memory_space<semaphore_mem>>) src(%dma_wait3A_159 : memref<256x64xf32, #tpu.memory_space<hbm>>) dst(%arg11 : memref<256x64xf32, #tpu.memory_space<vmem>>)
      %lt3A_160 = arith.constant 98 : i32
      %lt3A_161 = arith.cmpi slt, %add3A_148, %lt3A_160 : i32
      %convert_element_type3A_162 = arith.extui %lt3A_161 : i1 to i32
      %cond3A_163 = arith.constant 0 : i32
      %cond3A_164 = arith.cmpi ne, %convert_element_type3A_162, %cond3A_163 : i32
      scf.if %cond3A_164 {
        %add3A_222 = arith.constant 2 : i32
        %add3A_223 = arith.addi %add3A_148, %add3A_222 : i32
        %mul3A_224 = arith.constant 2 : i32
        %mul3A_225 = arith.muli %add3A_223, %mul3A_224 : i32
        %dma_start3A_226 = tpu.memref_slice %arg2[%mul3A_225, %mul3A_2] : memref<200x4096xi32, #tpu.memory_space<hbm>> -> memref<2x128xi32, #tpu.memory_space<hbm>>
        %dma_start3A_227 = tpu.memref_slice %arg2[%mul3A_225, %mul3A_2] : memref<200x4096xi32, #tpu.memory_space<hbm>> -> memref<2x128xi32, #tpu.memory_space<hbm>>
        tpu.enqueue_dma source(%dma_start3A_227 : memref<2x128xi32, #tpu.memory_space<hbm>>) target(%arg9 : memref<2x128xi32, #tpu.memory_space<vmem>>) target_semaphore(%arg23 : memref<!tpu.dma_semaphore, #tpu.memory_space<semaphore_mem>>)
      } else {
      }
      %ge3A_165 = arith.constant 2 : i32
      %ge3A_166 = arith.cmpi sge, %add3A_148, %ge3A_165 : i32
      %convert_element_type3A_167 = arith.extui %ge3A_166 : i1 to i32
      %cond3A_168 = arith.constant 0 : i32
      %cond3A_169 = arith.cmpi ne, %convert_element_type3A_167, %cond3A_168 : i32
      scf.if %cond3A_169 {
        %dma_wait3A_222 = arith.constant 0 : i32
        %dma_wait3A_223 = arith.constant 0 : i32
        %dma_wait3A_224 = arith.constant 0 : i32
        %dma_wait3A_225 = tpu.memref_slice %arg7[%dma_wait3A_223, %dma_wait3A_222, %dma_wait3A_224] : memref<1600x32x1024xf32, #tpu.memory_space<hbm>> -> memref<16x1x1024xf32, #tpu.memory_space<hbm>>
        %dma_wait3A_226 = tpu.memref_squeeze %dma_wait3A_225 : memref<16x1x1024xf32, #tpu.memory_space<hbm>> -> memref<16x1024xf32, #tpu.memory_space<hbm>>
        %dma_wait3A_227 = arith.constant 0 : i32
        %dma_wait3A_228 = arith.constant 0 : i32
        %dma_wait3A_229 = tpu.memref_slice %arg7[%dma_wait3A_227, %dma_wait3A_222, %dma_wait3A_228] : memref<1600x32x1024xf32, #tpu.memory_space<hbm>> -> memref<16x1x1024xf32, #tpu.memory_space<hbm>>
        %dma_wait3A_230 = tpu.memref_squeeze %dma_wait3A_229 : memref<16x1x1024xf32, #tpu.memory_space<hbm>> -> memref<16x1024xf32, #tpu.memory_space<hbm>>
        tpu.wait_dma2 semaphore(%arg21 : memref<!tpu.dma_semaphore, #tpu.memory_space<semaphore_mem>>) src(%dma_wait3A_230 : memref<16x1024xf32, #tpu.memory_space<hbm>>) dst(%arg13 : memref<16x1024xf32, #tpu.memory_space<vmem>>)
      } else {
      }
      %mul3A_170 = arith.constant 2 : i32
      %mul3A_171 = arith.muli %add3A_148, %mul3A_170 : i32
      %add3A_172 = arith.constant 0 : i32
      %add3A_173 = arith.addi %mul3A_171, %add3A_172 : i32
      %get3A_174 = arith.index_cast %add3A_173 : i32 to index
      %get3A_175 = arith.constant 0 : index
      %get3A_176 = tpu.vector_load %arg15[%get3A_174, %get3A_175] {strides = array<i32>} : memref<200x64xf32, #tpu.memory_space<vmem>>, vector<16xf32>,
      %get3A_177 = arith.index_cast %add3A_173 : i32 to index
      %get3A_178 = arith.constant 16 : index
      %get3A_179 = tpu.vector_load %arg15[%get3A_177, %get3A_178] {strides = array<i32>} : memref<200x64xf32, #tpu.memory_space<vmem>>, vector<16xf32>,
      %get3A_180 = arith.index_cast %add3A_173 : i32 to index
      %get3A_181 = arith.constant 32 : index
      %get3A_182 = tpu.vector_load %arg15[%get3A_180, %get3A_181] {strides = array<i32>} : memref<200x64xf32, #tpu.memory_space<vmem>>, vector<16xf32>,
      %get3A_183 = arith.index_cast %add3A_173 : i32 to index
      %get3A_184 = arith.constant 48 : index
      %get3A_185 = tpu.vector_load %arg15[%get3A_183, %get3A_184] {strides = array<i32>} : memref<200x64xf32, #tpu.memory_space<vmem>>, vector<16xf32>,
      %parallel_loop3A_186 = arith.constant 0 : i32
      %parallel_loop3A_187 = arith.constant 128 : i32
      %parallel_loop3A_188 = arith.constant 1 : i32
      scf.for %parallel_loop3A_222 = %parallel_loop3A_186 to %parallel_loop3A_187 step %parallel_loop3A_188  : i32 {
        %parallel_loop3A_223 = arith.constant 0 : i32
        %parallel_loop3A_224 = arith.addi %parallel_loop3A_223, %parallel_loop3A_222 : i32
        %parallel_loop3A_225 = arith.index_cast %parallel_loop3A_224 : i32 to index
        %parallel_loop3A_226 = arith.constant 0 : index
        %parallel_loop3A_227 = tpu.vector_load %arg11[%parallel_loop3A_225, %parallel_loop3A_226] {strides = array<i32>} : memref<256x64xf32, #tpu.memory_space<vmem>>, vector<16xf32>,
        %parallel_loop3A_228 = arith.addf %parallel_loop3A_227, %get3A_176 : vector<16xf32>
        %parallel_loop3A_229 = arith.index_cast %parallel_loop3A_224 : i32 to index
        %parallel_loop3A_230 = arith.constant 16 : index
        %parallel_loop3A_231 = tpu.vector_load %arg11[%parallel_loop3A_229, %parallel_loop3A_230] {strides = array<i32>} : memref<256x64xf32, #tpu.memory_space<vmem>>, vector<16xf32>,
        %parallel_loop3A_232 = arith.addf %parallel_loop3A_231, %get3A_179 : vector<16xf32>
        %parallel_loop3A_233 = arith.index_cast %parallel_loop3A_224 : i32 to index
        %parallel_loop3A_234 = arith.constant 32 : index
        %parallel_loop3A_235 = tpu.vector_load %arg11[%parallel_loop3A_233, %parallel_loop3A_234] {strides = array<i32>} : memref<256x64xf32, #tpu.memory_space<vmem>>, vector<16xf32>,
        %parallel_loop3A_236 = arith.addf %parallel_loop3A_235, %get3A_182 : vector<16xf32>
        %parallel_loop3A_237 = arith.index_cast %parallel_loop3A_224 : i32 to index
        %parallel_loop3A_238 = arith.constant 48 : index
        %parallel_loop3A_239 = tpu.vector_load %arg11[%parallel_loop3A_237, %parallel_loop3A_238] {strides = array<i32>} : memref<256x64xf32, #tpu.memory_space<vmem>>, vector<16xf32>,
        %parallel_loop3A_240 = arith.addf %parallel_loop3A_239, %get3A_185 : vector<16xf32>
        %parallel_loop3A_241 = arith.addf %parallel_loop3A_228, %parallel_loop3A_232 : vector<16xf32>
        %parallel_loop3A_242 = arith.addf %parallel_loop3A_236, %parallel_loop3A_240 : vector<16xf32>
        %parallel_loop3A_243 = arith.addf %parallel_loop3A_241, %parallel_loop3A_242 : vector<16xf32>
        %parallel_loop3A_244 = arith.mulf %parallel_loop3A_228, %parallel_loop3A_228 : vector<16xf32>
        %parallel_loop3A_245 = arith.mulf %parallel_loop3A_232, %parallel_loop3A_232 : vector<16xf32>
        %parallel_loop3A_246 = arith.addf %parallel_loop3A_244, %parallel_loop3A_245 : vector<16xf32>
        %parallel_loop3A_247 = arith.mulf %parallel_loop3A_236, %parallel_loop3A_236 : vector<16xf32>
        %parallel_loop3A_248 = arith.mulf %parallel_loop3A_240, %parallel_loop3A_240 : vector<16xf32>
        %parallel_loop3A_249 = arith.addf %parallel_loop3A_247, %parallel_loop3A_248 : vector<16xf32>
        %parallel_loop3A_250 = arith.addf %parallel_loop3A_246, %parallel_loop3A_249 : vector<16xf32>
        %parallel_loop3A_251 = arith.constant true
        %parallel_loop3A_252 = vector.broadcast %parallel_loop3A_251 : i1 to vector<16xi1>
        %parallel_loop3A_253 = tpu.scan <sum>, %parallel_loop3A_243 masked %parallel_loop3A_252 : vector<16xf32>, vector<16xi1> -> vector<16xf32>
        %parallel_loop3A_254 = vector.extract %parallel_loop3A_253[15] : f32 from vector<16xf32>
        %parallel_loop3A_255 = vector.broadcast %parallel_loop3A_254 : f32 to vector<16xf32>
        %parallel_loop3A_256 = arith.constant true
        %parallel_loop3A_257 = vector.broadcast %parallel_loop3A_256 : i1 to vector<16xi1>
        %parallel_loop3A_258 = tpu.scan <sum>, %parallel_loop3A_250 masked %parallel_loop3A_257 : vector<16xf32>, vector<16xi1> -> vector<16xf32>
        %parallel_loop3A_259 = vector.extract %parallel_loop3A_258[15] : f32 from vector<16xf32>
        %parallel_loop3A_260 = vector.broadcast %parallel_loop3A_259 : f32 to vector<16xf32>
        %parallel_loop3A_261 = arith.constant 1.562500e-02 : f32
        %parallel_loop3A_262 = vector.broadcast %parallel_loop3A_261 : f32 to vector<16xf32>
        %parallel_loop3A_263 = arith.mulf %parallel_loop3A_255, %parallel_loop3A_262 : vector<16xf32>
        %parallel_loop3A_264 = arith.constant 1.562500e-02 : f32
        %parallel_loop3A_265 = vector.broadcast %parallel_loop3A_264 : f32 to vector<16xf32>
        %parallel_loop3A_266 = arith.mulf %parallel_loop3A_260, %parallel_loop3A_265 : vector<16xf32>
        %parallel_loop3A_267 = arith.mulf %parallel_loop3A_263, %parallel_loop3A_263 : vector<16xf32>
        %parallel_loop3A_268 = arith.subf %parallel_loop3A_266, %parallel_loop3A_267 : vector<16xf32>
        %parallel_loop3A_269 = arith.constant 9.99999974E-6 : f32
        %parallel_loop3A_270 = vector.broadcast %parallel_loop3A_269 : f32 to vector<16xf32>
        %parallel_loop3A_271 = arith.addf %parallel_loop3A_268, %parallel_loop3A_270 : vector<16xf32>
        %parallel_loop3A_272 = vector.bitcast %parallel_loop3A_271 : vector<16xf32> to vector<16xi32>
        %parallel_loop3A_273 = arith.constant 1 : i32
        %parallel_loop3A_274 = vector.broadcast %parallel_loop3A_273 : i32 to vector<16xi32>
        %parallel_loop3A_275 = arith.shrui %parallel_loop3A_272, %parallel_loop3A_274 : vector<16xi32>
        %parallel_loop3A_276 = arith.constant 1597463007 : i32
        %parallel_loop3A_277 = vector.broadcast %parallel_loop3A_276 : i32 to vector<16xi32>
        %parallel_loop3A_278 = arith.subi %parallel_loop3A_277, %parallel_loop3A_275 : vector<16xi32>
        %parallel_loop3A_279 = vector.bitcast %parallel_loop3A_278 : vector<16xi32> to vector<16xf32>
        %parallel_loop3A_280 = arith.constant 5.000000e-01 : f32
        %parallel_loop3A_281 = vector.broadcast %parallel_loop3A_280 : f32 to vector<16xf32>
        %parallel_loop3A_282 = arith.mulf %parallel_loop3A_281, %parallel_loop3A_271 : vector<16xf32>
        %parallel_loop3A_283 = arith.mulf %parallel_loop3A_282, %parallel_loop3A_279 : vector<16xf32>
        %parallel_loop3A_284 = arith.mulf %parallel_loop3A_283, %parallel_loop3A_279 : vector<16xf32>
        %parallel_loop3A_285 = arith.constant 1.500000e+00 : f32
        %parallel_loop3A_286 = vector.broadcast %parallel_loop3A_285 : f32 to vector<16xf32>
        %parallel_loop3A_287 = arith.subf %parallel_loop3A_286, %parallel_loop3A_284 : vector<16xf32>
        %parallel_loop3A_288 = arith.mulf %parallel_loop3A_279, %parallel_loop3A_287 : vector<16xf32>
        %parallel_loop3A_289 = arith.mulf %parallel_loop3A_282, %parallel_loop3A_288 : vector<16xf32>
        %parallel_loop3A_290 = arith.mulf %parallel_loop3A_289, %parallel_loop3A_288 : vector<16xf32>
        %parallel_loop3A_291 = arith.constant 1.500000e+00 : f32
        %parallel_loop3A_292 = vector.broadcast %parallel_loop3A_291 : f32 to vector<16xf32>
        %parallel_loop3A_293 = arith.subf %parallel_loop3A_292, %parallel_loop3A_290 : vector<16xf32>
        %parallel_loop3A_294 = arith.mulf %parallel_loop3A_288, %parallel_loop3A_293 : vector<16xf32>
        %parallel_loop3A_295 = arith.mulf %parallel_loop3A_282, %parallel_loop3A_294 : vector<16xf32>
        %parallel_loop3A_296 = arith.mulf %parallel_loop3A_295, %parallel_loop3A_294 : vector<16xf32>
        %parallel_loop3A_297 = arith.constant 1.500000e+00 : f32
        %parallel_loop3A_298 = vector.broadcast %parallel_loop3A_297 : f32 to vector<16xf32>
        %parallel_loop3A_299 = arith.subf %parallel_loop3A_298, %parallel_loop3A_296 : vector<16xf32>
        %parallel_loop3A_300 = arith.mulf %parallel_loop3A_294, %parallel_loop3A_299 : vector<16xf32>
        %parallel_loop3A_301 = arith.subf %parallel_loop3A_228, %parallel_loop3A_263 : vector<16xf32>
        %parallel_loop3A_302 = arith.mulf %parallel_loop3A_300, %get3A_3 : vector<16xf32>
        %parallel_loop3A_303 = arith.mulf %parallel_loop3A_301, %parallel_loop3A_302 : vector<16xf32>
        %parallel_loop3A_304 = arith.addf %parallel_loop3A_303, %get3A_11 : vector<16xf32>
        %parallel_loop3A_305 = arith.index_cast %parallel_loop3A_224 : i32 to index
        %parallel_loop3A_306 = arith.constant 0 : index
        %parallel_loop3A_307 = tpu.vector_load %arg14[%parallel_loop3A_305, %parallel_loop3A_306] {strides = array<i32>} : memref<256x65xf32, #tpu.memory_space<vmem>>, vector<16xf32>,
        tpu.vector_store %arg14[%parallel_loop3A_305, %parallel_loop3A_306], %parallel_loop3A_304 {strides = array<i32>} : memref<256x65xf32, #tpu.memory_space<vmem>>, vector<16xf32>,
        %parallel_loop3A_308 = arith.subf %parallel_loop3A_232, %parallel_loop3A_263 : vector<16xf32>
        %parallel_loop3A_309 = arith.mulf %parallel_loop3A_300, %get3A_5 : vector<16xf32>
        %parallel_loop3A_310 = arith.mulf %parallel_loop3A_308, %parallel_loop3A_309 : vector<16xf32>
        %parallel_loop3A_311 = arith.addf %parallel_loop3A_310, %get3A_13 : vector<16xf32>
        %parallel_loop3A_312 = arith.index_cast %parallel_loop3A_224 : i32 to index
        %parallel_loop3A_313 = arith.constant 16 : index
        %parallel_loop3A_314 = tpu.vector_load %arg14[%parallel_loop3A_312, %parallel_loop3A_313] {strides = array<i32>} : memref<256x65xf32, #tpu.memory_space<vmem>>, vector<16xf32>,
        tpu.vector_store %arg14[%parallel_loop3A_312, %parallel_loop3A_313], %parallel_loop3A_311 {strides = array<i32>} : memref<256x65xf32, #tpu.memory_space<vmem>>, vector<16xf32>,
        %parallel_loop3A_315 = arith.subf %parallel_loop3A_236, %parallel_loop3A_263 : vector<16xf32>
        %parallel_loop3A_316 = arith.mulf %parallel_loop3A_300, %get3A_7 : vector<16xf32>
        %parallel_loop3A_317 = arith.mulf %parallel_loop3A_315, %parallel_loop3A_316 : vector<16xf32>
        %parallel_loop3A_318 = arith.addf %parallel_loop3A_317, %get3A_15 : vector<16xf32>
        %parallel_loop3A_319 = arith.index_cast %parallel_loop3A_224 : i32 to index
        %parallel_loop3A_320 = arith.constant 32 : index
        %parallel_loop3A_321 = tpu.vector_load %arg14[%parallel_loop3A_319, %parallel_loop3A_320] {strides = array<i32>} : memref<256x65xf32, #tpu.memory_space<vmem>>, vector<16xf32>,
        tpu.vector_store %arg14[%parallel_loop3A_319, %parallel_loop3A_320], %parallel_loop3A_318 {strides = array<i32>} : memref<256x65xf32, #tpu.memory_space<vmem>>, vector<16xf32>,
        %parallel_loop3A_322 = arith.subf %parallel_loop3A_240, %parallel_loop3A_263 : vector<16xf32>
        %parallel_loop3A_323 = arith.mulf %parallel_loop3A_300, %get3A_9 : vector<16xf32>
        %parallel_loop3A_324 = arith.mulf %parallel_loop3A_322, %parallel_loop3A_323 : vector<16xf32>
        %parallel_loop3A_325 = arith.addf %parallel_loop3A_324, %get3A_17 : vector<16xf32>
        %parallel_loop3A_326 = arith.index_cast %parallel_loop3A_224 : i32 to index
        %parallel_loop3A_327 = arith.constant 48 : index
        %parallel_loop3A_328 = tpu.vector_load %arg14[%parallel_loop3A_326, %parallel_loop3A_327] {strides = array<i32>} : memref<256x65xf32, #tpu.memory_space<vmem>>, vector<16xf32>,
        tpu.vector_store %arg14[%parallel_loop3A_326, %parallel_loop3A_327], %parallel_loop3A_325 {strides = array<i32>} : memref<256x65xf32, #tpu.memory_space<vmem>>, vector<16xf32>,
      } {sc.loop_unroll_factor = 8 : i64, sc.parallel_access}
      %mul3A_189 = arith.constant 2 : i32
      %mul3A_190 = arith.muli %add3A_148, %mul3A_189 : i32
      %add3A_191 = arith.constant 1 : i32
      %add3A_192 = arith.addi %mul3A_190, %add3A_191 : i32
      %get3A_193 = arith.index_cast %add3A_192 : i32 to index
      %get3A_194 = arith.constant 0 : index
      %get3A_195 = tpu.vector_load %arg15[%get3A_193, %get3A_194] {strides = array<i32>} : memref<200x64xf32, #tpu.memory_space<vmem>>, vector<16xf32>,
      %get3A_196 = arith.index_cast %add3A_192 : i32 to index
      %get3A_197 = arith.constant 16 : index
      %get3A_198 = tpu.vector_load %arg15[%get3A_196, %get3A_197] {strides = array<i32>} : memref<200x64xf32, #tpu.memory_space<vmem>>, vector<16xf32>,
      %get3A_199 = arith.index_cast %add3A_192 : i32 to index
      %get3A_200 = arith.constant 32 : index
      %get3A_201 = tpu.vector_load %arg15[%get3A_199, %get3A_200] {strides = array<i32>} : memref<200x64xf32, #tpu.memory_space<vmem>>, vector<16xf32>,
      %get3A_202 = arith.index_cast %add3A_192 : i32 to index
      %get3A_203 = arith.constant 48 : index
      %get3A_204 = tpu.vector_load %arg15[%get3A_202, %get3A_203] {strides = array<i32>} : memref<200x64xf32, #tpu.memory_space<vmem>>, vector<16xf32>,
      %parallel_loop3A_205 = arith.constant 0 : i32
      %parallel_loop3A_206 = arith.constant 128 : i32
      %parallel_loop3A_207 = arith.constant 1 : i32
      scf.for %parallel_loop3A_222 = %parallel_loop3A_205 to %parallel_loop3A_206 step %parallel_loop3A_207  : i32 {
        %parallel_loop3A_223 = arith.constant 128 : i32
        %parallel_loop3A_224 = arith.addi %parallel_loop3A_223, %parallel_loop3A_222 : i32
        %parallel_loop3A_225 = arith.index_cast %parallel_loop3A_224 : i32 to index
        %parallel_loop3A_226 = arith.constant 0 : index
        %parallel_loop3A_227 = tpu.vector_load %arg11[%parallel_loop3A_225, %parallel_loop3A_226] {strides = array<i32>} : memref<256x64xf32, #tpu.memory_space<vmem>>, vector<16xf32>,
        %parallel_loop3A_228 = arith.addf %parallel_loop3A_227, %get3A_195 : vector<16xf32>
        %parallel_loop3A_229 = arith.index_cast %parallel_loop3A_224 : i32 to index
        %parallel_loop3A_230 = arith.constant 16 : index
        %parallel_loop3A_231 = tpu.vector_load %arg11[%parallel_loop3A_229, %parallel_loop3A_230] {strides = array<i32>} : memref<256x64xf32, #tpu.memory_space<vmem>>, vector<16xf32>,
        %parallel_loop3A_232 = arith.addf %parallel_loop3A_231, %get3A_198 : vector<16xf32>
        %parallel_loop3A_233 = arith.index_cast %parallel_loop3A_224 : i32 to index
        %parallel_loop3A_234 = arith.constant 32 : index
        %parallel_loop3A_235 = tpu.vector_load %arg11[%parallel_loop3A_233, %parallel_loop3A_234] {strides = array<i32>} : memref<256x64xf32, #tpu.memory_space<vmem>>, vector<16xf32>,
        %parallel_loop3A_236 = arith.addf %parallel_loop3A_235, %get3A_201 : vector<16xf32>
        %parallel_loop3A_237 = arith.index_cast %parallel_loop3A_224 : i32 to index
        %parallel_loop3A_238 = arith.constant 48 : index
        %parallel_loop3A_239 = tpu.vector_load %arg11[%parallel_loop3A_237, %parallel_loop3A_238] {strides = array<i32>} : memref<256x64xf32, #tpu.memory_space<vmem>>, vector<16xf32>,
        %parallel_loop3A_240 = arith.addf %parallel_loop3A_239, %get3A_204 : vector<16xf32>
        %parallel_loop3A_241 = arith.addf %parallel_loop3A_228, %parallel_loop3A_232 : vector<16xf32>
        %parallel_loop3A_242 = arith.addf %parallel_loop3A_236, %parallel_loop3A_240 : vector<16xf32>
        %parallel_loop3A_243 = arith.addf %parallel_loop3A_241, %parallel_loop3A_242 : vector<16xf32>
        %parallel_loop3A_244 = arith.mulf %parallel_loop3A_228, %parallel_loop3A_228 : vector<16xf32>
        %parallel_loop3A_245 = arith.mulf %parallel_loop3A_232, %parallel_loop3A_232 : vector<16xf32>
        %parallel_loop3A_246 = arith.addf %parallel_loop3A_244, %parallel_loop3A_245 : vector<16xf32>
        %parallel_loop3A_247 = arith.mulf %parallel_loop3A_236, %parallel_loop3A_236 : vector<16xf32>
        %parallel_loop3A_248 = arith.mulf %parallel_loop3A_240, %parallel_loop3A_240 : vector<16xf32>
        %parallel_loop3A_249 = arith.addf %parallel_loop3A_247, %parallel_loop3A_248 : vector<16xf32>
        %parallel_loop3A_250 = arith.addf %parallel_loop3A_246, %parallel_loop3A_249 : vector<16xf32>
        %parallel_loop3A_251 = arith.constant true
        %parallel_loop3A_252 = vector.broadcast %parallel_loop3A_251 : i1 to vector<16xi1>
        %parallel_loop3A_253 = tpu.scan <sum>, %parallel_loop3A_243 masked %parallel_loop3A_252 : vector<16xf32>, vector<16xi1> -> vector<16xf32>
        %parallel_loop3A_254 = vector.extract %parallel_loop3A_253[15] : f32 from vector<16xf32>
        %parallel_loop3A_255 = vector.broadcast %parallel_loop3A_254 : f32 to vector<16xf32>
        %parallel_loop3A_256 = arith.constant true
        %parallel_loop3A_257 = vector.broadcast %parallel_loop3A_256 : i1 to vector<16xi1>
        %parallel_loop3A_258 = tpu.scan <sum>, %parallel_loop3A_250 masked %parallel_loop3A_257 : vector<16xf32>, vector<16xi1> -> vector<16xf32>
        %parallel_loop3A_259 = vector.extract %parallel_loop3A_258[15] : f32 from vector<16xf32>
        %parallel_loop3A_260 = vector.broadcast %parallel_loop3A_259 : f32 to vector<16xf32>
        %parallel_loop3A_261 = arith.constant 1.562500e-02 : f32
        %parallel_loop3A_262 = vector.broadcast %parallel_loop3A_261 : f32 to vector<16xf32>
        %parallel_loop3A_263 = arith.mulf %parallel_loop3A_255, %parallel_loop3A_262 : vector<16xf32>
        %parallel_loop3A_264 = arith.constant 1.562500e-02 : f32
        %parallel_loop3A_265 = vector.broadcast %parallel_loop3A_264 : f32 to vector<16xf32>
        %parallel_loop3A_266 = arith.mulf %parallel_loop3A_260, %parallel_loop3A_265 : vector<16xf32>
        %parallel_loop3A_267 = arith.mulf %parallel_loop3A_263, %parallel_loop3A_263 : vector<16xf32>
        %parallel_loop3A_268 = arith.subf %parallel_loop3A_266, %parallel_loop3A_267 : vector<16xf32>
        %parallel_loop3A_269 = arith.constant 9.99999974E-6 : f32
        %parallel_loop3A_270 = vector.broadcast %parallel_loop3A_269 : f32 to vector<16xf32>
        %parallel_loop3A_271 = arith.addf %parallel_loop3A_268, %parallel_loop3A_270 : vector<16xf32>
        %parallel_loop3A_272 = vector.bitcast %parallel_loop3A_271 : vector<16xf32> to vector<16xi32>
        %parallel_loop3A_273 = arith.constant 1 : i32
        %parallel_loop3A_274 = vector.broadcast %parallel_loop3A_273 : i32 to vector<16xi32>
        %parallel_loop3A_275 = arith.shrui %parallel_loop3A_272, %parallel_loop3A_274 : vector<16xi32>
        %parallel_loop3A_276 = arith.constant 1597463007 : i32
        %parallel_loop3A_277 = vector.broadcast %parallel_loop3A_276 : i32 to vector<16xi32>
        %parallel_loop3A_278 = arith.subi %parallel_loop3A_277, %parallel_loop3A_275 : vector<16xi32>
        %parallel_loop3A_279 = vector.bitcast %parallel_loop3A_278 : vector<16xi32> to vector<16xf32>
        %parallel_loop3A_280 = arith.constant 5.000000e-01 : f32
        %parallel_loop3A_281 = vector.broadcast %parallel_loop3A_280 : f32 to vector<16xf32>
        %parallel_loop3A_282 = arith.mulf %parallel_loop3A_281, %parallel_loop3A_271 : vector<16xf32>
        %parallel_loop3A_283 = arith.mulf %parallel_loop3A_282, %parallel_loop3A_279 : vector<16xf32>
        %parallel_loop3A_284 = arith.mulf %parallel_loop3A_283, %parallel_loop3A_279 : vector<16xf32>
        %parallel_loop3A_285 = arith.constant 1.500000e+00 : f32
        %parallel_loop3A_286 = vector.broadcast %parallel_loop3A_285 : f32 to vector<16xf32>
        %parallel_loop3A_287 = arith.subf %parallel_loop3A_286, %parallel_loop3A_284 : vector<16xf32>
        %parallel_loop3A_288 = arith.mulf %parallel_loop3A_279, %parallel_loop3A_287 : vector<16xf32>
        %parallel_loop3A_289 = arith.mulf %parallel_loop3A_282, %parallel_loop3A_288 : vector<16xf32>
        %parallel_loop3A_290 = arith.mulf %parallel_loop3A_289, %parallel_loop3A_288 : vector<16xf32>
        %parallel_loop3A_291 = arith.constant 1.500000e+00 : f32
        %parallel_loop3A_292 = vector.broadcast %parallel_loop3A_291 : f32 to vector<16xf32>
        %parallel_loop3A_293 = arith.subf %parallel_loop3A_292, %parallel_loop3A_290 : vector<16xf32>
        %parallel_loop3A_294 = arith.mulf %parallel_loop3A_288, %parallel_loop3A_293 : vector<16xf32>
        %parallel_loop3A_295 = arith.mulf %parallel_loop3A_282, %parallel_loop3A_294 : vector<16xf32>
        %parallel_loop3A_296 = arith.mulf %parallel_loop3A_295, %parallel_loop3A_294 : vector<16xf32>
        %parallel_loop3A_297 = arith.constant 1.500000e+00 : f32
        %parallel_loop3A_298 = vector.broadcast %parallel_loop3A_297 : f32 to vector<16xf32>
        %parallel_loop3A_299 = arith.subf %parallel_loop3A_298, %parallel_loop3A_296 : vector<16xf32>
        %parallel_loop3A_300 = arith.mulf %parallel_loop3A_294, %parallel_loop3A_299 : vector<16xf32>
        %parallel_loop3A_301 = arith.subf %parallel_loop3A_228, %parallel_loop3A_263 : vector<16xf32>
        %parallel_loop3A_302 = arith.mulf %parallel_loop3A_300, %get3A_3 : vector<16xf32>
        %parallel_loop3A_303 = arith.mulf %parallel_loop3A_301, %parallel_loop3A_302 : vector<16xf32>
        %parallel_loop3A_304 = arith.addf %parallel_loop3A_303, %get3A_11 : vector<16xf32>
        %parallel_loop3A_305 = arith.index_cast %parallel_loop3A_224 : i32 to index
        %parallel_loop3A_306 = arith.constant 0 : index
        %parallel_loop3A_307 = tpu.vector_load %arg14[%parallel_loop3A_305, %parallel_loop3A_306] {strides = array<i32>} : memref<256x65xf32, #tpu.memory_space<vmem>>, vector<16xf32>,
        tpu.vector_store %arg14[%parallel_loop3A_305, %parallel_loop3A_306], %parallel_loop3A_304 {strides = array<i32>} : memref<256x65xf32, #tpu.memory_space<vmem>>, vector<16xf32>,
        %parallel_loop3A_308 = arith.subf %parallel_loop3A_232, %parallel_loop3A_263 : vector<16xf32>
        %parallel_loop3A_309 = arith.mulf %parallel_loop3A_300, %get3A_5 : vector<16xf32>
        %parallel_loop3A_310 = arith.mulf %parallel_loop3A_308, %parallel_loop3A_309 : vector<16xf32>
        %parallel_loop3A_311 = arith.addf %parallel_loop3A_310, %get3A_13 : vector<16xf32>
        %parallel_loop3A_312 = arith.index_cast %parallel_loop3A_224 : i32 to index
        %parallel_loop3A_313 = arith.constant 16 : index
        %parallel_loop3A_314 = tpu.vector_load %arg14[%parallel_loop3A_312, %parallel_loop3A_313] {strides = array<i32>} : memref<256x65xf32, #tpu.memory_space<vmem>>, vector<16xf32>,
        tpu.vector_store %arg14[%parallel_loop3A_312, %parallel_loop3A_313], %parallel_loop3A_311 {strides = array<i32>} : memref<256x65xf32, #tpu.memory_space<vmem>>, vector<16xf32>,
        %parallel_loop3A_315 = arith.subf %parallel_loop3A_236, %parallel_loop3A_263 : vector<16xf32>
        %parallel_loop3A_316 = arith.mulf %parallel_loop3A_300, %get3A_7 : vector<16xf32>
        %parallel_loop3A_317 = arith.mulf %parallel_loop3A_315, %parallel_loop3A_316 : vector<16xf32>
        %parallel_loop3A_318 = arith.addf %parallel_loop3A_317, %get3A_15 : vector<16xf32>
        %parallel_loop3A_319 = arith.index_cast %parallel_loop3A_224 : i32 to index
        %parallel_loop3A_320 = arith.constant 32 : index
        %parallel_loop3A_321 = tpu.vector_load %arg14[%parallel_loop3A_319, %parallel_loop3A_320] {strides = array<i32>} : memref<256x65xf32, #tpu.memory_space<vmem>>, vector<16xf32>,
        tpu.vector_store %arg14[%parallel_loop3A_319, %parallel_loop3A_320], %parallel_loop3A_318 {strides = array<i32>} : memref<256x65xf32, #tpu.memory_space<vmem>>, vector<16xf32>,
        %parallel_loop3A_322 = arith.subf %parallel_loop3A_240, %parallel_loop3A_263 : vector<16xf32>
        %parallel_loop3A_323 = arith.mulf %parallel_loop3A_300, %get3A_9 : vector<16xf32>
        %parallel_loop3A_324 = arith.mulf %parallel_loop3A_322, %parallel_loop3A_323 : vector<16xf32>
        %parallel_loop3A_325 = arith.addf %parallel_loop3A_324, %get3A_17 : vector<16xf32>
        %parallel_loop3A_326 = arith.index_cast %parallel_loop3A_224 : i32 to index
        %parallel_loop3A_327 = arith.constant 48 : index
        %parallel_loop3A_328 = tpu.vector_load %arg14[%parallel_loop3A_326, %parallel_loop3A_327] {strides = array<i32>} : memref<256x65xf32, #tpu.memory_space<vmem>>, vector<16xf32>,
        tpu.vector_store %arg14[%parallel_loop3A_326, %parallel_loop3A_327], %parallel_loop3A_325 {strides = array<i32>} : memref<256x65xf32, #tpu.memory_space<vmem>>, vector<16xf32>,
      } {sc.loop_unroll_factor = 8 : i64, sc.parallel_access}
      %parallel_loop3A_208 = arith.constant 0 : i32
      %parallel_loop3A_209 = arith.constant 512 : i32
      %parallel_loop3A_210 = arith.constant 1 : i32
      scf.for %parallel_loop3A_222 = %parallel_loop3A_208 to %parallel_loop3A_209 step %parallel_loop3A_210  : i32 {
        %parallel_loop3A_223 = arith.constant 3 : i32
        %parallel_loop3A_224 = arith.shrui %parallel_loop3A_222, %parallel_loop3A_223 : i32
        %parallel_loop3A_225 = arith.constant 7 : i32
        %parallel_loop3A_226 = arith.andi %parallel_loop3A_222, %parallel_loop3A_225 : i32
        %parallel_loop3A_227 = arith.constant 16 : i32
        %parallel_loop3A_228 = arith.muli %parallel_loop3A_226, %parallel_loop3A_227 : i32
        %parallel_loop3A_229 = arith.constant 0 : i32
        %parallel_loop3A_230 = arith.addi %parallel_loop3A_229, %parallel_loop3A_228 : i32
        %parallel_loop3A_231 = vector.broadcast %parallel_loop3A_230 : i32 to vector<16xi32>
        %parallel_loop3A_232 = arith.addi %parallel_loop3A_231, %iota3A : vector<16xi32>
        %parallel_loop3A_233 = vector.broadcast %parallel_loop3A_224 : i32 to vector<16xi32>
        %parallel_loop3A_234 = tpu.vector_load_idx %arg14[%parallel_loop3A_232, %parallel_loop3A_233] : memref<256x65xf32, #tpu.memory_space<vmem>>[vector<16xi32>, vector<16xi32>], vector<16xf32>,
        %parallel_loop3A_235 = arith.constant 3 : i32
        %parallel_loop3A_236 = arith.shrui %parallel_loop3A_224, %parallel_loop3A_235 : i32
        %parallel_loop3A_237 = arith.constant 0 : i32
        %parallel_loop3A_238 = arith.addi %parallel_loop3A_237, %parallel_loop3A_236 : i32
        %parallel_loop3A_239 = arith.constant 7 : i32
        %parallel_loop3A_240 = arith.andi %parallel_loop3A_224, %parallel_loop3A_239 : i32
        %parallel_loop3A_241 = arith.constant 128 : i32
        %parallel_loop3A_242 = arith.muli %parallel_loop3A_240, %parallel_loop3A_241 : i32
        %parallel_loop3A_243 = arith.constant 16 : i32
        %parallel_loop3A_244 = arith.muli %parallel_loop3A_226, %parallel_loop3A_243 : i32
        %parallel_loop3A_245 = arith.addi %parallel_loop3A_242, %parallel_loop3A_244 : i32
        %parallel_loop3A_246 = arith.index_cast %parallel_loop3A_238 : i32 to index
        %parallel_loop3A_247 = arith.index_cast %parallel_loop3A_245 : i32 to index
        %parallel_loop3A_248 = tpu.vector_load %arg13[%parallel_loop3A_246, %parallel_loop3A_247] {strides = array<i32>} : memref<16x1024xf32, #tpu.memory_space<vmem>>, vector<16xf32>,
        tpu.vector_store %arg13[%parallel_loop3A_246, %parallel_loop3A_247], %parallel_loop3A_234 {strides = array<i32>} : memref<16x1024xf32, #tpu.memory_space<vmem>>, vector<16xf32>,
      } {sc.loop_unroll_factor = 16 : i64, sc.parallel_access}
      %parallel_loop3A_211 = arith.constant 0 : i32
      %parallel_loop3A_212 = arith.constant 512 : i32
      %parallel_loop3A_213 = arith.constant 1 : i32
      scf.for %parallel_loop3A_222 = %parallel_loop3A_211 to %parallel_loop3A_212 step %parallel_loop3A_213  : i32 {
        %parallel_loop3A_223 = arith.constant 3 : i32
        %parallel_loop3A_224 = arith.shrui %parallel_loop3A_222, %parallel_loop3A_223 : i32
        %parallel_loop3A_225 = arith.constant 7 : i32
        %parallel_loop3A_226 = arith.andi %parallel_loop3A_222, %parallel_loop3A_225 : i32
        %parallel_loop3A_227 = arith.constant 16 : i32
        %parallel_loop3A_228 = arith.muli %parallel_loop3A_226, %parallel_loop3A_227 : i32
        %parallel_loop3A_229 = arith.constant 128 : i32
        %parallel_loop3A_230 = arith.addi %parallel_loop3A_229, %parallel_loop3A_228 : i32
        %parallel_loop3A_231 = vector.broadcast %parallel_loop3A_230 : i32 to vector<16xi32>
        %parallel_loop3A_232 = arith.addi %parallel_loop3A_231, %iota3A : vector<16xi32>
        %parallel_loop3A_233 = vector.broadcast %parallel_loop3A_224 : i32 to vector<16xi32>
        %parallel_loop3A_234 = tpu.vector_load_idx %arg14[%parallel_loop3A_232, %parallel_loop3A_233] : memref<256x65xf32, #tpu.memory_space<vmem>>[vector<16xi32>, vector<16xi32>], vector<16xf32>,
        %parallel_loop3A_235 = arith.constant 3 : i32
        %parallel_loop3A_236 = arith.shrui %parallel_loop3A_224, %parallel_loop3A_235 : i32
        %parallel_loop3A_237 = arith.constant 8 : i32
        %parallel_loop3A_238 = arith.addi %parallel_loop3A_237, %parallel_loop3A_236 : i32
        %parallel_loop3A_239 = arith.constant 7 : i32
        %parallel_loop3A_240 = arith.andi %parallel_loop3A_224, %parallel_loop3A_239 : i32
        %parallel_loop3A_241 = arith.constant 128 : i32
        %parallel_loop3A_242 = arith.muli %parallel_loop3A_240, %parallel_loop3A_241 : i32
        %parallel_loop3A_243 = arith.constant 16 : i32
        %parallel_loop3A_244 = arith.muli %parallel_loop3A_226, %parallel_loop3A_243 : i32
        %parallel_loop3A_245 = arith.addi %parallel_loop3A_242, %parallel_loop3A_244 : i32
        %parallel_loop3A_246 = arith.index_cast %parallel_loop3A_238 : i32 to index
        %parallel_loop3A_247 = arith.index_cast %parallel_loop3A_245 : i32 to index
        %parallel_loop3A_248 = tpu.vector_load %arg13[%parallel_loop3A_246, %parallel_loop3A_247] {strides = array<i32>} : memref<16x1024xf32, #tpu.memory_space<vmem>>, vector<16xf32>,
        tpu.vector_store %arg13[%parallel_loop3A_246, %parallel_loop3A_247], %parallel_loop3A_234 {strides = array<i32>} : memref<16x1024xf32, #tpu.memory_space<vmem>>, vector<16xf32>,
      } {sc.loop_unroll_factor = 16 : i64, sc.parallel_access}
      %mul3A_214 = arith.constant 16 : i32
      %mul3A_215 = arith.muli %add3A_148, %mul3A_214 : i32
      %dma_start3A_216 = arith.constant 0 : i32
      %dma_start3A_217 = tpu.memref_slice %arg7[%mul3A_215, %add3A, %dma_start3A_216] : memref<1600x32x1024xf32, #tpu.memory_space<hbm>> -> memref<16x1x1024xf32, #tpu.memory_space<hbm>>
      %dma_start3A_218 = tpu.memref_squeeze %dma_start3A_217 : memref<16x1x1024xf32, #tpu.memory_space<hbm>> -> memref<16x1024xf32, #tpu.memory_space<hbm>>
      %dma_start3A_219 = arith.constant 0 : i32
      %dma_start3A_220 = tpu.memref_slice %arg7[%mul3A_215, %add3A, %dma_start3A_219] : memref<1600x32x1024xf32, #tpu.memory_space<hbm>> -> memref<16x1x1024xf32, #tpu.memory_space<hbm>>
      %dma_start3A_221 = tpu.memref_squeeze %dma_start3A_220 : memref<16x1x1024xf32, #tpu.memory_space<hbm>> -> memref<16x1024xf32, #tpu.memory_space<hbm>>
      tpu.enqueue_dma source(%arg13 : memref<16x1024xf32, #tpu.memory_space<vmem>>) target(%dma_start3A_221 : memref<16x1024xf32, #tpu.memory_space<hbm>>) target_semaphore(%arg21 : memref<!tpu.dma_semaphore, #tpu.memory_space<semaphore_mem>>)
    }
    %scan3A_53 = arith.constant 50 : i32
    %dma_wait3A_54 = arith.constant 0 : i32
    %dma_wait3A_55 = arith.constant 0 : i32
    %dma_wait3A_56 = arith.constant 0 : i32
    %dma_wait3A_57 = tpu.memref_slice %arg7[%dma_wait3A_55, %dma_wait3A_54, %dma_wait3A_56] : memref<1600x32x1024xf32, #tpu.memory_space<hbm>> -> memref<16x1x1024xf32, #tpu.memory_space<hbm>>
    %dma_wait3A_58 = tpu.memref_squeeze %dma_wait3A_57 : memref<16x1x1024xf32, #tpu.memory_space<hbm>> -> memref<16x1024xf32, #tpu.memory_space<hbm>>
    %dma_wait3A_59 = arith.constant 0 : i32
    %dma_wait3A_60 = arith.constant 0 : i32
    %dma_wait3A_61 = tpu.memref_slice %arg7[%dma_wait3A_59, %dma_wait3A_54, %dma_wait3A_60] : memref<1600x32x1024xf32, #tpu.memory_space<hbm>> -> memref<16x1x1024xf32, #tpu.memory_space<hbm>>
    %dma_wait3A_62 = tpu.memref_squeeze %dma_wait3A_61 : memref<16x1x1024xf32, #tpu.memory_space<hbm>> -> memref<16x1024xf32, #tpu.memory_space<hbm>>
    tpu.wait_dma2 semaphore(%arg20 : memref<!tpu.dma_semaphore, #tpu.memory_space<semaphore_mem>>) src(%dma_wait3A_62 : memref<16x1024xf32, #tpu.memory_space<hbm>>) dst(%arg12 : memref<16x1024xf32, #tpu.memory_space<vmem>>)
    %dma_wait3A_63 = arith.constant 0 : i32
    %dma_wait3A_64 = arith.constant 0 : i32
    %dma_wait3A_65 = arith.constant 0 : i32
    %dma_wait3A_66 = tpu.memref_slice %arg7[%dma_wait3A_64, %dma_wait3A_63, %dma_wait3A_65] : memref<1600x32x1024xf32, #tpu.memory_space<hbm>> -> memref<16x1x1024xf32, #tpu.memory_space<hbm>>
    %dma_wait3A_67 = tpu.memref_squeeze %dma_wait3A_66 : memref<16x1x1024xf32, #tpu.memory_space<hbm>> -> memref<16x1024xf32, #tpu.memory_space<hbm>>
    %dma_wait3A_68 = arith.constant 0 : i32
    %dma_wait3A_69 = arith.constant 0 : i32
    %dma_wait3A_70 = tpu.memref_slice %arg7[%dma_wait3A_68, %dma_wait3A_63, %dma_wait3A_69] : memref<1600x32x1024xf32, #tpu.memory_space<hbm>> -> memref<16x1x1024xf32, #tpu.memory_space<hbm>>
    %dma_wait3A_71 = tpu.memref_squeeze %dma_wait3A_70 : memref<16x1x1024xf32, #tpu.memory_space<hbm>> -> memref<16x1024xf32, #tpu.memory_space<hbm>>
    tpu.wait_dma2 semaphore(%arg21 : memref<!tpu.dma_semaphore, #tpu.memory_space<semaphore_mem>>) src(%dma_wait3A_71 : memref<16x1024xf32, #tpu.memory_space<hbm>>) dst(%arg13 : memref<16x1024xf32, #tpu.memory_space<vmem>>)
    return
  }
}

</mosaic_0001>

<sc_bundles>
// kernel: kernel.3.cloned.1.call-start
scs
__scs_entry_jumppad:
0x0: {  	(pc) =	sbr.rel $0x88, $3  }
0x1: {  	(tag) =	ssettag $0x0;
	lr =	simm.s32 $0x1  }
0x2: {  	[smem:$0x3F9C] =	sst lr;
	_ =	strace $0xD0000000  }
0x3: {  	_ = 	snop  }
0x4: {  	_ = 	snop  }
0x5: {  	_ = 	snop  }
0x6: {  	_ = 	snop  }
0x7: {  	_ = 	snop  }
__scs_overlays_trampoline_lowered:
0x8: {  	[smem:$0x3FAB] =	sst s0  }
0x9: {  	[smem:$0x3FAC] =	sst s1  }
0xa: {  	[smem:$0x3FAD] =	sst s2  }
0xb: {  	[smem:$0x3FAE] =	sst s3  }
0xc: {  	[smem:$0x3FAF] =	sst s4  }
0xd: {  	[smem:$0x3FB0] =	sst s5  }
0xe: {  	[smem:$0x3FB1] =	sst s6  }
0xf: {  	[smem:$0x3FB2] =	sst s7  }
0x10: {  	[smem:$0x3FB3] =	sst s8  }
0x11: {  	[smem:$0x3FB4] =	sst s9;
	s0 =	simm.s32 @!p0 $0x0  }
0x12: {  	s1 =	sld [smem:$0x3F9A];
	s0 =	simm.s32 @p0 $0x1  }
0x13: {  	[smem:$0x3FB5] =	sst s0;
	s0 =	simm.s32 @!p1 $0x0  }
0x14: {  	s2 =	sld [smem:$0x3F99];
	s0 =	simm.s32 @p1 $0x1  }
0x15: {  	[smem:$0x3FB6] =	sst s0;
	s0 =	simm.s32 @!p2 $0x0  }
0x16: {  	s3 =	sld [smem:$0x3FDB];
	s0 =	simm.s32 @p2 $0x1  }
0x17: {  	s4 =	simm.s32 $0x1BF5;
	[smem:$0x3FB8] =	sst s0  }
0x18: {  	s0 =	sld [smem:$0x3F9B];
	_ =	swait.ge [sflag:s4], $0x0  }
0x19: {  	s7 =	sld [smem:$0x3F9C]  }
0x1a: {  	s8 =	sadd.s32 $0xFFFFE003, lr  }
0x1b: {  	s9 =	sadd.s32 $0xFFFFFEF7, lr;
	s5 =	simm.s32 $0xFFFFFFFF;
	p2 =	slt.u32 s8, $0xFFFFF086  }
0x1c: {  	p1 =	slt.u32 s9, $0xF7A;
	s5 =	simm.s32 @!p2 $0x0  }
0x1d: {  	s5 =	simm.s32 @p1 $0x1;
	p0 =	seq.s32 s7, s2  }
0x1e: {  	s7 =	smul.u32 @!p0 $0xF7A, s2;
	p2 =	seq.s32 @!p0 s5, $0x0  }
0x1f: {  	s9 =	smul.u32 $0xF7A, s1;
	s8 =	simm.s32 @!p0 $0x1BF5;
	p2 =	por !p2, p0  }
0x20: {  	[sflag:s8] =	ssyncset.s32 @!p0 $0xFFFFF086;
	s6 =	sadd.s32 @!p0 s3, s7;
	s7 =	simm.s32 @!p0 $0x108  }
0x21: {  	s3 =	sadd.s32 s3, s9;
	s6 =	sadd.s32 @!p0 $0x88, s6;
	s7 =	simm.s32 @p2 $0x1082  }
0x22: {  	[simem:s7], [sflag:s8] =	dma.local @!p0 [hbm:s6], $0xF7A  }
0x23: {  	s9 =	sor.u32 $0xD0000000, s2;
	s6 =	simm.s32 $0x108;
	_ =	swait.ge @!p0 [sflag:s8], $0x0  }
0x24: {  	s3 =	sadd.s32 $0x88, s3;
	s6 =	simm.s32 @!p1 $0x1082;
	[sflag:s4] =	ssyncset.s32 $0xFFFFF086  }
0x25: {  	[simem:s6], [sflag:s4] =	dma.local [hbm:s3], $0xF7A  }
0x26: {  	[smem:$0x3F9C] =	sst s1;
	(tag) =	ssettag s2;
	_ =	strace s9  }
0x27: {  	s1 =	sld [smem:$0x3FAC]  }
0x28: {  	s2 =	sld [smem:$0x3FAD]  }
0x29: {  	s4 =	sld [smem:$0x3FAF]  }
0x2a: {  	p0 =	seq.s32 s5, $0x0;
	s5 =	sld [smem:$0x3FB0]  }
0x2b: {  	s6 =	sld [smem:$0x3FB1]  }
0x2c: {  	s7 =	sld [smem:$0x3FB2]  }
0x2d: {  	s3 =	simm.s32 $0x108;
	s8 =	sld [smem:$0x3FB3]  }
0x2e: {  	s3 =	simm.s32 @!p0 $0x1082;
	s9 =	sld [smem:$0x3FB4]  }
0x2f: {  	lr =	sadd.s32 s0, s3;
	s0 =	sld [smem:$0x3FAB]  }
0x30: {  	s3 =	sld [smem:$0x3FAE]  }
0x31: {  	[smem:$0x3FB7] =	sst s10  }
0x32: {  	s10 =	sld [smem:$0x3FB5];
	_ =	sdelay $0x3  }
0x33: {  	p0 =	seq.s32 s10, $0x1;
	s10 =	sld [smem:$0x3FB7];
	_ =	sdelay $0x3  }
0x34: {  	[smem:$0x3FB7] =	sst s10  }
0x35: {  	s10 =	sld [smem:$0x3FB6];
	_ =	sdelay $0x3  }
0x36: {  	p1 =	seq.s32 s10, $0x1;
	s10 =	sld [smem:$0x3FB7];
	_ =	sdelay $0x3  }
0x37: {  	[smem:$0x3FB7] =	sst s10  }
0x38: {  	s10 =	sld [smem:$0x3FB8]  }
0x39: {  	_ = 	snop;
	(pc) =	sbr.ind lr, $3  }
0x3a: {  	_ = 	snop  }
0x3b: {  	_ = 	snop  }
0x3c: {  	p2 =	seq.s32 s10, $0x1;
	s10 =	sld [smem:$0x3FB7]  }
0x3d: {  	_ =	shalt  }
0x3e: {  	_ =	shalt  }
0x3f: {  	_ =	shalt  }
0x40: {  	_ =	shalt  }
0x41: {  	_ =	shalt  }
0x42: {  	_ =	shalt  }
0x43: {  	_ =	shalt  }
0x44: {  	_ =	shalt  }
0x45: {  	_ =	shalt  }
0x46: {  	_ =	shalt  }
0x47: {  	_ =	shalt  }
0x48: {  	_ =	shalt  }
0x49: {  	_ =	shalt  }
0x4a: {  	_ =	shalt  }
0x4b: {  	_ =	shalt  }
0x4c: {  	_ =	shalt  }
0x4d: {  	_ =	shalt  }
0x4e: {  	_ =	shalt  }
0x4f: {  	_ =	shalt  }
0x50: {  	_ =	shalt  }
0x51: {  	_ =	shalt  }
0x52: {  	_ =	shalt  }
0x53: {  	_ =	shalt  }
0x54: {  	_ =	shalt  }
0x55: {  	_ =	shalt  }
0x56: {  	_ =	shalt  }
0x57: {  	_ =	shalt  }
0x58: {  	_ =	shalt  }
0x59: {  	_ =	shalt  }
0x5a: {  	_ =	shalt  }
0x5b: {  	_ =	shalt  }
0x5c: {  	_ =	shalt  }
0x5d: {  	_ =	shalt  }
0x5e: {  	_ =	shalt  }
0x5f: {  	_ =	shalt  }
0x60: {  	_ =	shalt  }
0x61: {  	_ =	shalt  }
0x62: {  	_ =	shalt  }
0x63: {  	_ =	shalt  }
0x64: {  	_ =	shalt  }
0x65: {  	_ =	shalt  }
0x66: {  	_ =	shalt  }
0x67: {  	_ =	shalt  }
0x68: {  	_ =	shalt  }
0x69: {  	_ =	shalt  }
0x6a: {  	_ =	shalt  }
0x6b: {  	_ =	shalt  }
0x6c: {  	_ =	shalt  }
0x6d: {  	_ =	shalt  }
0x6e: {  	_ =	shalt  }
0x6f: {  	_ =	shalt  }
0x70: {  	_ =	shalt  }
0x71: {  	_ =	shalt  }
0x72: {  	_ =	shalt  }
0x73: {  	_ =	shalt  }
0x74: {  	_ =	shalt  }
0x75: {  	_ =	shalt  }
0x76: {  	_ =	shalt  }
0x77: {  	_ =	shalt  }
0x78: {  	_ =	shalt  }
0x79: {  	_ =	shalt  }
0x7a: {  	_ =	shalt  }
0x7b: {  	_ =	shalt  }
0x7c: {  	_ =	shalt  }
0x7d: {  	_ =	shalt  }
0x7e: {  	_ =	shalt  }
0x7f: {  	_ =	shalt  }
0x80: {  	_ =	shalt  }
0x81: {  	_ =	shalt  }
0x82: {  	_ =	shalt  }
0x83: {  	_ =	shalt  }
0x84: {  	_ =	shalt  }
0x85: {  	_ =	shalt  }
0x86: {  	_ =	shalt  }
0x87: {  	_ =	shalt  }
.Lfunc_end0:
.L_simem_size_0:
called_computation_lowered:
.L_overlay_start_0:
0x88: {  	s2 =	sld [smem:$0x3FD9]  }
0x89: {  	s3 =	sld [smem:$0x3FFE];
	_ =	sdelay $0x1  }
0x8a: {  	s1 =	srdreg.scid  }
0x8b: {  	s0 =	sand.u32 $0x1, s1  }
0x8c: {  	s17 =	sshll.u32 s0, $0xA;
	s2 =	sadd.s32 s3, s2  }
0x8d: {  	s2 =	sadd.s32 s2, s17  }
0x8e: {  	[smem:$0x3FC3] =	sst s2  }
0x8f: {  	_ = 	snop  }
0x90: {  	s2 =	sld [smem:$0x3FC6]  }
0x91: {  	s18 =	sld [smem:$0x3FC5]  }
0x92: {  	s4 =	sld [smem:$0x3FD0];
	(tm) =	ssettm $0x1  }
0x93: {  	s5 =	sld [smem:$0x3FFB];
	_ =	sdelay $0x3  }
0x94: {  	_ =	strace s5  }
0x95: {  	s5 =	sld [smem:$0x3FFC];
	_ =	sdelay $0x3  }
0x96: {  	_ =	strace s5  }
0x97: {  	s5 =	sld [smem:$0x3FFD];
	_ =	sdelay $0x3  }
0x98: {  	_ =	strace s5  }
0x99: {  	_ =	strace $0x8FFFFFFF  }
0x9a: {  	s19 =	sld [smem:$0x3FDB];
	_ =	sdelay $0x1  }
0x9b: {  	s6 =	simm.s32 $_scs_section_size  }
0x9c: {  	s7 =	simm.s32 $_size__tile_overlayer_lowered;
	s8 =	simm.s32 $_tile_overlayer_lowered  }
0x9d: {  	s22 =	simm.s32 $0x1BFF;
	s21 =	sshll.u32 s8, $0x1;
	s5 =	sadd.s32 s6, s19  }
0x9e: {  	s9 =	simm.s32 $0x0;
	s20 =	sshll.u32 s7, $0x1;
	s7 =	sadd.s32 s21, s5  }
0x9f: {  	[timem:s9], [sflag:s22] =	dma.local [hbm:s7], s20  }
0xa0: {  	_ =	swait.ge [sflag:s22], s20  }
0xa1: {  	s6 =	ssub.s32 $0x0, s20;
	[sflag:s22] =	ssyncset.done $0x0  }
0xa2: {  	[sflag:s22] =	ssyncadd.s32 s6;
	_ =	sdelay $0x1  }
0xa3: {  	s23 =	simm.s32 $0x1B8B  }
0xa4: {  	_ =	swait.ge [sflag:s23], $0x1  }
0xa5: {  	[sflag:s23] =	ssyncset.done $0x0  }
0xa6: {  	s25 =	simm.s32 $0x1B8E;
	s24 =	sld [smem:$0x3FFE];
	[sflag:s23] =	ssyncadd.s32 $0xFFFFFFFF  }
0xa7: {  	s26 =	simm.s32 $execute0_lowered;
	[smem:$0x3FD2] =	sst s25  }
0xa8: {  	s7 =	sshll.u32 s26, $0x1;
	_ =	strace $0x80000046;
	[dreg:$0x1] =	wrdreg $0xFFFFFFFF  }
0xa9: {  	s28 =	simm.s32 $_size_execute0_lowered;
	s5 =	sadd.s32 s5, s7;
	[dreg:$0x0] =	wrdreg $0x0  }
0xaa: {  	s7 =	sshll.u32 s28, $0x1;
	[dreg:$0x2] =	wrdreg s5  }
0xab: {  	[dreg:$0x3] =	wrdreg s7  }
0xac: {  	[dreg:$0x4] =	wrdreg $0xC0  }
0xad: {  	_ =	task [dreg:s9], $0x5FFFF  }
0xae: {  	[dreg:$0x1] =	wrdreg $0xFFFFFFFF  }
0xaf: {  	[dreg:$0x0] =	wrdreg $0x60  }
0xb0: {  	[dreg:$0x2] =	wrdreg s24  }
0xb1: {  	[dreg:$0x3] =	wrdreg s2  }
0xb2: {  	[dreg:$0x4] =	wrdreg s18  }
0xb3: {  	[dreg:$0x5] =	wrdreg s4  }
0xb4: {  	[dreg:$0x6] =	wrdreg $0x9  }
0xb5: {  	_ =	task.clear_ibuf [dreg:s9], $0x7FFFF;
	_ =	strace $0x90000046  }
0xb6: {  	s29 =	simm.s32 $0x9;
	_ =	strace $0x80000048  }
0xb7: {  	_ =	swait.ge [sflag:s29], $0x1  }
0xb8: {  	[sflag:s29] =	ssyncadd.s32 $0xFFFFFFFF  }
0xb9: {  	_ =	strace $0x90000048  }
0xba: {  	_ =	sfence  }
0xbb: {  	s30 =	sld [smem:$0x0];
	_ =	sdelay $0x2  }
0xbc: {  	s31 =	sshll.u32 s1, $0xD;
	s1 =	sshrl.u32 s1, $0x2  }
0xbd: {  	s3 =	sand.u32 $0x4000, s31;
	s1 =	sadd.s32 s1, s30  }
0xbe: {  	s0 =	sor.u32 s3, s0;
	s1 =	sshll.u32 s1, $0x11  }
0xbf: {  	s0 =	sor.u32 s1, s0  }
0xc0: {  	s0 =	sadd.s32 $0x8F2B, s0  }
0xc1: {  	[sflag:s0] =	ssyncadd.remote.s32 $0x1  }
0xc2: {  	_ =	sfence.sel $0xFFFF  }
0xc3: {  	[dreg:$0x0] =	wrdreg $0xFFFFFFFF;
	(pc) =	sbr.abs _section_cstart, $3  }
0xc4: {  	[dreg:$0x1] =	wrdreg $0xFFFFFFFF  }
0xc5: {  	_ =	task.clear_ibuf [dreg:s9], $0x2FFFF;
	_ =	strace $0x9FFFFFFF  }
0xc6: {  	(tm) =	ssettm $0x7FFFFFFF  }
0xc7: {  	_ =	shalt  }
tec
execute0_lowered:
.L_overlay_start_1:
0x0: {  	(tag) =	ssettag $0x1  }
0x1: {  	s0 =	rddreg [dreg:$0x0]  }
0x2: {  	s12 =	rddreg [dreg:$0x3];
	s2 =	simm.s32 $0x0;
	s1 =	srdreg.scid  }
0x3: {  	s3 =	stileid.u32;
	s19 =	simm.s32 $0x80;
	s30 =	simm.s32 $0x1  }
0x4: {  	s31 =	simm.s32 $0x10200;
	s5 =	simm.s32 $0x8000;
	s1 =	sand.u32 $0x1, s1  }
0x5: {  	[smem:$0x7FF] =	sst s2;
	s6 =	sadd.s32 $0x1400, s0;
	s23 =	sshll.u32 s1, $0x4  }
0x6: {  	s7 =	sadd.s32 $0x1A400, s0;
	s0 =	sadd.s32 $0x400, s0;
	s2 =	sor.u32 s3, s23  }
0x7: {  	_ =	strace $0x80000047;
	[dreg:$0x5] =	wrdreg s0;
	s25 =	sshll.u32 s2, $0x4  }
0x8: {  	s24 =	ssub.s32 $0x2, s1;
	s4 =	sshll.u32 s2, $0x7;
	s1 =	sadd.s32 s6, s25  }
0x9: {  	s26 =	sshrl.u32 s24, $0x1;
	s28 =	sor.u32 $0x4000, s4;
	[dreg:$0x6] =	wrdreg s1  }
0xa: {  	v0 =	vlaneseq.u32;
	s0 =	ssub.s32 s24, s26;
	s29 =	sor.u32 $0x6000, s4;
	[dreg:$0x8] =	wrdreg s28  }
0xb: {  	v28 =	vmul.u32 $0x48, v0;
	s3 =	simm.s32 $0x0;
	s0 =	smax.u32 s0, $0x1;
	[dreg:$0x9] =	wrdreg s29  }
0xc: {  	s13 =	sshll.u32 s2, $0xA;
	s1 =	sadd.s32 $0x400, s1;
	[dreg:$0xa] =	wrdreg s0  }
0xd: {  	[tilespmem:$0x1FFF0] =	vst v28;
	s2 =	simm.s32 $0x2;
	s25 =	simm.s32 $0x6;
	[dreg:$0x7] =	wrdreg s1  }
.LBB2_1:
0xe: {  	[dreg:$0xb] =	wrdreg s3;
	s0 =	simm.s32 $0x0  }
0xf: {  	s1 =	rddreg [dreg:$0x5];
	s15 =	simm.s32 $0x14A00;
	s16 =	simm.s32 $0x7  }
0x10: {  	[tilespmem:s15], [sflag:$0x7] =	stream.linear.gather [hbm4b:s1+s0], $0x3200, $0x38;
	[tilespmem:$0x17C80] =	vst v63  }
0x11: {  	_ =	swait.ge [sflag:s16], $0x3200  }
0x12: {  	[sflag:s16] =	ssyncset.done $0x0  }
0x13: {  	[sflag:s16] =	ssyncadd.s32 $0xFFFFCE00  }
0x14: {  	s4 =	simm.s32 $0x17C00;
	s17 =	rddreg [dreg:$0x1]  }
0x15: {  	[tilespmem:s4], [sflag:$0x7] =	stream.linear.gather [hbm4b:s17+s0], $0x40, $0x38;
	[tilespmem:$0x17C80] =	vst v63  }
0x16: {  	_ =	swait.ge [sflag:s16], $0x40  }
0x17: {  	[sflag:s16] =	ssyncset.done $0x0  }
0x18: {  	[sflag:s16] =	ssyncadd.s32 $0xFFFFFFC0  }
0x19: {  	s20 =	simm.s32 $0x17C40;
	s18 =	rddreg [dreg:$0x2]  }
0x1a: {  	[tilespmem:s20], [sflag:$0x7] =	stream.linear.gather [hbm4b:s18+s0], $0x40, $0x38;
	[tilespmem:$0x17C80] =	vst v63  }
0x1b: {  	_ =	swait.ge [sflag:s16], $0x40  }
0x1c: {  	[sflag:s16] =	ssyncset.done $0x0  }
0x1d: {  	[sflag:s16] =	ssyncadd.s32 $0xFFFFFFC0  }
0x1e: {  	v49 =	vld [tilespmem:$0x17C00]  }
0x1f: {  	v12 =	vld [tilespmem:$0x17C10]  }
0x20: {  	v50 =	vld [tilespmem:$0x17C20]  }
0x21: {  	v13 =	vld [tilespmem:$0x17C30]  }
0x22: {  	v34 =	vld [tilespmem:$0x17C40]  }
0x23: {  	v35 =	vld [tilespmem:$0x17C50]  }
0x24: {  	s22 =	simm.s32 $0x1000;
	s23 =	simm.s32 $0x5;
	s21 =	rddreg [dreg:$0x6];
	v45 =	vld [tilespmem:$0x17C60]  }
0x25: {  	v0 =	vld [tilespmem:$0x17C70];
	[tilespmem:s0], [sflag:$0x5] =	stream.strided.gather [hbm4b:s21+s19], $0x100, s22, s19, $0x38  }
0x26: {  	_ =	swait.ge [sflag:s23], $0x100  }
0x27: {  	[sflag:s23] =	ssyncset.done $0x0  }
0x28: {  	s26 =	simm.s32 $0x100;
	s24 =	rddreg [dreg:$0x7];
	[sflag:s23] =	ssyncadd.s32 $0xFFFFFF00  }
0x29: {  	[tilespmem:s26], [sflag:$0x6] =	stream.strided.gather [hbm4b:s24+s19], $0x100, s22, s19, $0x38;
	[tilespmem:$0x17C80] =	vst v63  }
0x2a: {  	[tilespmem:$0x1FF70] =	vst v49  }
0x2b: {  	[tilespmem:$0x1FF80] =	vst v12  }
0x2c: {  	[tilespmem:$0x1FF90] =	vst v50  }
0x2d: {  	[tilespmem:$0x1FFA0] =	vst v13  }
0x2e: {  	[tilespmem:$0x1FFB0] =	vst v34  }
0x2f: {  	[tilespmem:$0x1FFC0] =	vst v35  }
0x30: {  	s28 =	simm.s32 $0x200;
	[tilespmem:$0x1FFD0] =	vst v45  }
0x31: {  	[tilespmem:s28], [sflag:$0x1] =	stream.indirect.gather [hbm4b:s7+s19], $0x40, s0, s19, $0xb8;
	[tilespmem:$0x17C80] =	vst v63  }
0x32: {  	s29 =	simm.s32 $0x2200;
	s24 =	simm.s32 $0x0;
	[tilespmem:$0x1FFE0] =	vst v0  }
0x33: {  	[tilespmem:s29], [sflag:$0x1] =	stream.indirect.gather [hbm4b:s7+s19], $0x40, s19, s19, $0xb8;
	[tilespmem:$0x17C80] =	vst v63  }
.LBB2_2:
0x34: {  	_ =	swait.ge [sflag:s25], $0x100  }
0x35: {  	[sflag:s25] =	ssyncset.done $0x0  }
0x36: {  	s0 =	simm.s32 $0x100;
	s1 =	simm.s32 $0x4200;
	[sflag:s25] =	ssyncadd.s32 $0xFFFFFF00  }
0x37: {  	[tilespmem:s1], [sflag:$0x2] =	stream.indirect.gather [hbm4b:s7+s19], $0x40, s0, s19, $0xb8;
	[tilespmem:$0x17C80] =	vst v63  }
0x38: {  	s23 =	simm.s32 $0x180;
	s26 =	simm.s32 $0x6200;
	p0 =	seq.s32 s24, $0x31  }
0x39: {  	[tilespmem:s26], [sflag:$0x2] =	stream.indirect.gather [hbm4b:s7+s19], $0x40, s23, s19, $0xb8;
	[tilespmem:$0x17C80] =	vst v63  }
0x3a: {  	s20 =	sshll.u32 @!p0 s24, $0xE;
	_ =	swait.ge [sflag:s30], $0x4000  }
0x3b: {  	s3 =	simm.s32 @!p0 $0x80;
	s4 =	simm.s32 @!p0 $0x1000;
	s0 =	rddreg [dreg:$0x8]  }
0x3c: {  	s8 =	simm.s32 @!p0 $0x0;
	p1 =	seq.s32 @!p0 s24, $0x0;
	s1 =	sadd.s32 @!p0 s0, s20  }
0x3d: {  	p1 =	por p0, !p1;
	[sflag:s30] =	ssyncset.done $0x0;
	s1 =	sshrl.u32 @!p0 s1, $0x3  }
0x3e: {  	[sflag:s30] =	ssyncadd.s32 $0xFFFFC000;
	s0 =	simm.s32 @p1 $0x3;
	s1 =	sadd.s32 @!p0 s6, s1  }
0x3f: {  	[tilespmem:s8], [sflag:$0x5] =	stream.strided.gather @!p0 [hbm4b:s1+s3], $0x100, s4, s3, $0x38;
	[tilespmem:$0x17C80] =	vst v63  }
0x40: {  	_ =	swait.ge @p1 [sflag:s0], $0x4000  }
0x41: {  	s28 =	sshll.u32 s24, $0x8;
	[sflag:s0] =	ssyncset.done @p1 $0x0  }
0x42: {  	s10 =	sand.u32 $0x3FFFFF00, s28;
	[sflag:s0] =	ssyncadd.s32 @p1 $0xFFFFC000  }
0x43: {  	v11 =	vld [tilespmem:s10+$0x14A00]  }
0x44: {  	v10 =	vld [tilespmem:s10+$0x14A10]  }
0x45: {  	v8 =	vld [tilespmem:s10+$0x14A20]  }
0x46: {  	s29 =	simm.s32 $0x300;
	v9 =	vld [tilespmem:s10+$0x14A30]  }
0x47: {  	v0 =	vld [tilespmem:s29+$0xC0]  }
0x48: {  	v1 =	vld [tilespmem:s29+$0xD0]  }
0x49: {  	v2 =	vld [tilespmem:s29+$0xE0]  }
0x4a: {  	v3 =	vld [tilespmem:s29+$0xF0];
	_ =	sdelay $0x3  }
0x4b: {  	v36 =	vadd.f32 v0, v11;
	v35 =	vadd.f32 v1, v10  }
0x4c: {  	v34 =	vadd.f32 v2, v8;
	v19 =	vadd.f32 v3, v9  }
0x4d: {  	v0 =	vadd.f32 v35, v36  }
0x4e: {  	v5 =	vld [tilespmem:s29+$0xFFFFFF10];
	v2 =	vadd.f32 v19, v34;
	v3 =	vmul.f32 v36, v36;
	v4 =	vmul.f32 v35, v35  }
0x4f: {  	v14 =	vld [tilespmem:s29+$0xFFFFFF20];
	v6 =	vmul.f32 v34, v34;
	v7 =	vmul.f32 v19, v19  }
0x50: {  	v15 =	vld [tilespmem:s29+$0xFFFFFF60];
	v0 =	vadd.f32 v2, v0  }
0x51: {  	v16 =	vld [tilespmem:s29+$0xFFFFFF70];
	v3 =	vadd.f32 v4, v3;
	v4 =	vadd.f32 v7, v6  }
0x52: {  	v2 =	vld [tilespmem:s29+$0xFFFFFF30]  }
0x53: {  	v6 =	vld [tilespmem:s29+$0xFFFFFF40];
	(xrf2) =	vadd.scan.msk.f32 $0xffff, v0;
	v0 =	vadd.f32 v4, v3  }
0x54: {  	v7 =	vld [tilespmem:s29+$0xFFFFFF50]  }
0x55: {  	(xrf2) =	vadd.scan.msk.f32 $0xffff, v0;
	v0 =	vld [tilespmem:s29+$0xFFFFFF80]  }
0x56: {  	v4 =	vadd.f32 v5, v10;
	v5 =	vld [tilespmem:s29+$0xFFFFFF90]  }
0x57: {  	v27 =	vadd.f32 v15, v8  }
0x58: {  	v17 =	vadd.f32 v14, v8;
	v14 =	vld [tilespmem:s29+$0xFFFFFFA0];
	v26 =	vadd.f32 v16, v9  }
0x59: {  	v38 =	vmul.f32 v27, v27;
	v32 =	vadd.f32 v6, v11;
	v6 =	vld [tilespmem:s29+$0xFFFFFFB0]  }
0x5a: {  	v40 =	vmul.f32 v26, v26;
	v33 =	vadd.f32 v7, v10;
	v7 =	vld [tilespmem:s29+$0xFFFFFFC0];
	v1 =	vadd.f32 v0, v11  }
0x5b: {  	v18 =	vadd.f32 v2, v9;
	v2 =	vadd.f32 v5, v10  }
0x5c: {  	v29 =	vmul.f32 v17, v17;
	v39 =	vadd.f32 v26, v27;
	v38 =	vadd.f32 v40, v38;
	[tilespmem:$0x1FE30] =	vst v1  }
0x5d: {  	v20 =	vadd.f32 v14, v8;
	v30 =	vmul.f32 v18, v18;
	v15 =	vmul.f32 v32, v32;
	v0 =	vld [tilespmem:s29+$0xFFFFFFD0];
	[tilespmem:$0x1FE40] =	vst v2  }
0x5e: {  	v16 =	vadd.f32 v18, v17;
	v31 =	vmul.f32 v33, v33;
	v25 =	vadd.f32 v6, v9;
	v22 =	vld [tilespmem:s29+$0xFFFFFFE0]  }
0x5f: {  	v6 =	vadd.f32 v2, v1;
	v44 =	vmul.f32 v1, v1;
	v1 =	vadd.f32 v7, v11;
	v5, _, _ =	vpop (xrf2);
	v14 =	vld [tilespmem:s29+$0xFFFFFFF0]  }
0x60: {  	v37 =	vadd.f32 v33, v32;
	v29 =	vadd.f32 v30, v29;
	v24 =	vld [tilespmem:s29+$0x0];
	v5 =	vmul.f32 $1.562500000e-02, v5  }
0x61: {  	v31 =	vadd.f32 v31, v15;
	v43 =	vadd.f32 v25, v20;
	v41 =	vld [tilespmem:s29+$0x10];
	[tilespmem:$0x1FE50] =	vst v1;
	v21, _, _ =	vpop (xrf2)  }
0x62: {  	v37 =	vadd.f32 v39, v37;
	v7 =	vld [tilespmem:s29+$0x20];
	v23 =	vmul.f32 $1.562500000e-02, v21;
	v42 =	vmul.f32 v5, v5  }
0x63: {  	v31 =	vadd.f32 v38, v31;
	v45 =	vld [tilespmem:s29+$0xFFFFFF00];
	v6 =	vadd.f32 v43, v6  }
0x64: {  	v48 =	vld [tilespmem:s29+$0x30];
	v21 =	vadd.f32 v0, v10;
	v0 =	vsub.f32 v23, v42  }
0x65: {  	v47 =	vmul.f32 v20, v20;
	v22 =	vadd.f32 v22, v8;
	v23 =	vadd.f32 v14, v9  }
0x66: {  	v28 =	vmul.f32 v4, v4;
	v24 =	vadd.f32 v24, v11;
	v42 =	vadd.f32 v41, v10  }
0x67: {  	v46 =	vmul.f32 v2, v2;
	v52 =	vadd.f32 $9.999999740e-06, v0;
	v7 =	vadd.f32 v7, v8  }
0x68: {  	v3 =	vmul.f32 v25, v25;
	v14 =	vld [tilespmem:s29+$0x40];
	v2 =	vadd.f32 v21, v1;
	v55 =	vadd.f32 v45, v11;
	[tilespmem:$0x1FE70] =	vst v22  }
0x69: {  	v0 =	vadd.f32 v48, v9;
	v54 =	vadd.f32 v23, v22;
	v41 =	vld [tilespmem:s29+$0x50];
	[tilespmem:$0x1FEC0] =	vst v7;
	v52 =	vbroadcast v52, $0xF  }
0x6a: {  	v56 =	vmul.f32 v22, v22;
	v48 =	vadd.f32 v42, v24;
	v58 =	vadd.f32 v4, v55;
	v45 =	vld [tilespmem:s29+$0x60]  }
0x6b: {  	v60 =	vmul.f32 v55, v55;
	v59 =	vld [tilespmem:s29+$0x70];
	v57 =	vshrl.u32 v52, $0x1;
	v52 =	vmul.f32 $5.000000000e-01, v52  }
0x6c: {  	v30 =	vmul.f32 v23, v23;
	v63 =	vadd.f32 v0, v7;
	v61 =	vld [tilespmem:s29+$0x80];
	v57 =	vsub.s32 $0x5F3759DF, v57  }
0x6d: {  	v16 =	vadd.f32 v16, v58;
	v58 =	vld [tilespmem:s29+$0x90];
	[tilespmem:$0x1FEE0] =	vst v0;
	v28 =	vadd.f32 v28, v60;
	v62 =	vmul.f32 v57, v52  }
0x6e: {  	v51 =	vmul.f32 v1, v1;
	v30 =	vadd.f32 v30, v56;
	v14 =	vadd.f32 v14, v11;
	v60 =	vld [tilespmem:s29+$0xA0]  }
0x6f: {  	v48 =	vadd.f32 v63, v48;
	v1 =	vld [tilespmem:s29+$0xB0];
	v28 =	vadd.f32 v29, v28;
	v62 =	vmul.f32 v57, v62  }
0x70: {  	v53 =	vmul.f32 v21, v21;
	v41 =	vadd.f32 v41, v10;
	v45 =	vadd.f32 v45, v8  }
0x71: {  	v39 =	vmul.f32 v24, v24;
	[tilespmem:$0x1FE00] =	vst v10;
	v43 =	vadd.f32 v59, v9;
	v15 =	vsub.f32 $1.500000000e+00, v62  }
0x72: {  	v40 =	vmul.f32 v42, v42;
	[tilespmem:$0x1FE20] =	vst v9;
	v59 =	vadd.f32 v46, v44;
	v46 =	vadd.f32 v61, v11  }
0x73: {  	(xrf2) =	vadd.scan.msk.f32 $0xffff, v16;
	v44 =	vadd.f32 v41, v14;
	v22 =	vadd.f32 v58, v10;
	v15 =	vmul.f32 v57, v15  }
0x74: {  	(xrf2) =	vadd.scan.msk.f32 $0xffff, v37;
	v61 =	vmul.f32 v14, v14;
	v10 =	vadd.f32 v60, v8;
	v9 =	vadd.f32 v1, v9  }
0x75: {  	[tilespmem:$0x1FE10] =	vst v8;
	v58 =	vadd.f32 v54, v2;
	v8 =	vadd.f32 v43, v45;
	v60 =	vmul.f32 v15, v52  }
0x76: {  	(xrf2) =	vadd.scan.msk.f32 $0xffff, v6;
	v62 =	vmul.f32 v7, v7;
	v63 =	vadd.f32 v22, v46;
	v6 =	vadd.f32 v9, v10  }
0x77: {  	v7 =	vmul.f32 v41, v41;
	(xrf2) =	vadd.scan.msk.f32 $0xffff, v58;
	v44 =	vadd.f32 v8, v44;
	v37 =	vmul.f32 v60, v15  }
0x78: {  	v54 =	vmul.f32 v46, v46;
	v58 =	vmul.f32 v22, v22;
	(xrf2) =	vadd.scan.msk.f32 $0xffff, v48;
	v6 =	vadd.f32 v6, v63  }
0x79: {  	v57 =	vmul.f32 v0, v0;
	v8 =	vmul.f32 v45, v45;
	(xrf2) =	vadd.scan.msk.f32 $0xffff, v44;
	v37 =	vsub.f32 $1.500000000e+00, v37  }
0x7a: {  	v0 =	vadd.f32 v3, v47;
	v47 =	vmul.f32 v43, v43;
	v29 =	vmul.f32 v10, v10;
	(xrf2) =	vadd.scan.msk.f32 $0xffff, v6  }
0x7b: {  	v48 =	vadd.f32 v58, v54;
	v63 =	vadd.f32 v40, v39;
	(xrf2) =	vadd.scan.msk.f32 $0xffff, v28;
	v15 =	vmul.f32 v37, v15  }
0x7c: {  	v47 =	vadd.f32 v47, v8;
	v0 =	vadd.f32 v0, v59;
	v6 =	vmul.f32 v9, v9  }
0x7d: {  	v60 =	vadd.f32 v53, v51;
	v53 =	vadd.f32 v57, v62;
	v57, _, _ =	vpop (xrf2);
	v56 =	vmul.f32 v15, v52  }
0x7e: {  	v28 =	vadd.f32 v7, v61;
	v58, _, _ =	vpop (xrf2);
	v6 =	vadd.f32 v6, v29;
	v29 =	vmul.f32 $1.562500000e-02, v57;
	(xrf2) =	vadd.scan.msk.f32 $0xffff, v31  }
0x7f: {  	v30 =	vadd.f32 v30, v60;
	v31 =	vmul.f32 $1.562500000e-02, v58;
	v38 =	vmul.f32 v56, v15  }
0x80: {  	v59, _, _ =	vpop (xrf2);
	v39 =	vadd.f32 v53, v63;
	v53 =	vbroadcast v5, $0xF;
	v8 =	vadd.f32 v47, v28  }
0x81: {  	v44 =	vbroadcast v29, $0xF;
	v7 =	vmul.f32 v29, v29;
	v60, _, _ =	vpop (xrf2);
	v29 =	vsub.f32 $1.500000000e+00, v38  }
0x82: {  	(xrf2) =	vadd.scan.msk.f32 $0xffff, v0;
	v37 =	vmul.f32 $1.562500000e-02, v59;
	v61 =	vmul.f32 v31, v31;
	v1 =	vsub.f32 v19, v53;
	v0, _, _ =	vpop (xrf2)  }
0x83: {  	v36 =	vsub.f32 v36, v53;
	v38 =	vbroadcast v31, $0xF;
	v31, _, _ =	vpop (xrf2);
	v15 =	vmul.f32 v29, v15  }
0x84: {  	v35 =	vsub.f32 v35, v53;
	v54 =	vmul.f32 v37, v37;
	v5 =	vmul.f32 $1.562500000e-02, v60;
	v62, _, _ =	vpop (xrf2)  }
0x85: {  	(xrf2) =	vadd.scan.msk.f32 $0xffff, v30;
	v52 =	vadd.f32 v6, v48;
	v47 =	vmul.f32 $1.562500000e-02, v31;
	v30, _, _ =	vpop (xrf2);
	v6 =	vmul.f32 v15, v13  }
0x86: {  	v34 =	vsub.f32 v34, v53;
	v60 =	vmul.f32 $1.562500000e-02, v30;
	v63 =	vmul.f32 v15, v49  }
0x87: {  	(xrf2) =	vadd.scan.msk.f32 $0xffff, v39;
	v28 =	vsub.f32 v55, v44;
	v56 =	vmul.f32 v15, v12;
	v6 =	vmul.f32 v6, v1  }
0x88: {  	v3 =	vsub.f32 v60, v7;
	v1 =	vmul.f32 $1.562500000e-02, v0;
	v0 =	vmul.f32 v15, v50;
	v15, _, _ =	vpop (xrf2)  }
0x89: {  	v31 =	vsub.f32 v18, v44;
	v48 =	vmul.f32 $1.562500000e-02, v62;
	(xrf2) =	vadd.scan.msk.f32 $0xffff, v8;
	v2 =	vmul.f32 $1.562500000e-02, v15  }
0x8a: {  	v29 =	vsub.f32 v4, v44;
	v4 =	vmul.f32 v5, v5;
	v3 =	vadd.f32 $9.999999740e-06, v3  }
0x8b: {  	v39 =	vmul.f32 v47, v47;
	v40 =	vmul.f32 v48, v48;
	v2 =	vsub.f32 v2, v61  }
0x8c: {  	v30 =	vsub.f32 v17, v44;
	v7 =	vmul.f32 v63, v36;
	v61, _, _ =	vpop (xrf2);
	v3 =	vbroadcast v3, $0xF;
	(xrf2) =	vadd.scan.msk.f32 $0xffff, v52  }
0x8d: {  	v8 =	vmul.f32 v56, v35;
	v44 =	vmul.f32 $1.562500000e-02, v61;
	v2 =	vadd.f32 $9.999999740e-06, v2  }
0x8e: {  	[tilespmem:$0x1FF00] =	vst v14;
	v15 =	vmul.f32 v1, v1;
	v62 =	vshrl.u32 v3, $0x1;
	v14 =	vmul.f32 $5.000000000e-01, v3  }
0x8f: {  	[tilespmem:$0x1FDF0] =	vst v11;
	v44 =	vsub.f32 v44, v54;
	v36 =	vsub.s32 $0x5F3759DF, v62;
	v2 =	vbroadcast v2, $0xF  }
0x90: {  	[tilespmem:$0x1FF60] =	vst v9;
	v11 =	vsub.f32 v27, v38;
	v9 =	vmul.f32 v0, v34;
	v3, _, _ =	vpop (xrf2);
	v55 =	vmul.f32 v36, v14  }
0x91: {  	v63 =	vmul.f32 $1.562500000e-02, v3;
	v44 =	vadd.f32 $9.999999740e-06, v44;
	v56, _, _ =	vpop (xrf2);
	v3 =	vmul.f32 $5.000000000e-01, v2  }
0x92: {  	v2 =	vshrl.u32 v2, $0x1;
	v34 =	vmul.f32 $1.562500000e-02, v56;
	v35 =	vmul.f32 v36, v55  }
0x93: {  	v4 =	vsub.f32 v63, v4;
	v44 =	vbroadcast v44, $0xF;
	v2 =	vsub.s32 $0x5F3759DF, v2;
	v58, _, _ =	vpop (xrf2)  }
0x94: {  	v15 =	vsub.f32 v34, v15;
	v34 =	vmul.f32 $1.562500000e-02, v58;
	v59 =	vmul.f32 v2, v3  }
0x95: {  	v4 =	vadd.f32 $9.999999740e-06, v4;
	v57 =	vshrl.u32 v44, $0x1;
	v44 =	vmul.f32 $5.000000000e-01, v44  }
0x96: {  	v52 =	vsub.s32 $0x5F3759DF, v57;
	v15 =	vadd.f32 $9.999999740e-06, v15;
	v62, _, _ =	vpop (xrf2);
	v53 =	vmul.f32 v2, v59  }
0x97: {  	v34 =	vsub.f32 v34, v39;
	v4 =	vbroadcast v4, $0xF;
	v39 =	vmul.f32 $1.562500000e-02, v62  }
0x98: {  	v35 =	vsub.f32 $1.500000000e+00, v35;
	v60 =	vmul.f32 v52, v44;
	v15 =	vbroadcast v15, $0xF  }
0x99: {  	v34 =	vadd.f32 $9.999999740e-06, v34;
	v61 =	vshrl.u32 v4, $0x1;
	v39 =	vsub.f32 v39, v40  }
0x9a: {  	v4 =	vmul.f32 $5.000000000e-01, v4;
	v57 =	vmul.f32 $5.000000000e-01, v15;
	v15 =	vshrl.u32 v15, $0x1  }
0x9b: {  	v34 =	vbroadcast v34, $0xF;
	v15 =	vsub.s32 $0x5F3759DF, v15;
	v39 =	vadd.f32 $9.999999740e-06, v39  }
0x9c: {  	v54 =	vmul.f32 v52, v60;
	v55 =	vsub.s32 $0x5F3759DF, v61;
	v56 =	vmul.f32 v15, v57  }
0x9d: {  	[tilespmem:$0x1FF50] =	vst v10;
	v10 =	vld [tilespmem:$0x1FFE0];
	v63 =	vmul.f32 v55, v4;
	v51 =	vshrl.u32 v34, $0x1;
	v39 =	vbroadcast v39, $0xF  }
0x9e: {  	v61 =	vmul.f32 $5.000000000e-01, v34;
	v34 =	vsub.f32 $1.500000000e+00, v53;
	v56 =	vmul.f32 v15, v56  }
0x9f: {  	v40 =	vmul.f32 v55, v63;
	v53 =	vsub.s32 $0x5F3759DF, v51;
	v51 =	vshrl.u32 v39, $0x1  }
0xa0: {  	v63 =	vmul.f32 $5.000000000e-01, v39;
	v39 =	vmul.f32 v36, v35;
	v35 =	vsub.f32 $1.500000000e+00, v56  }
0xa1: {  	v5 =	vbroadcast v5, $0xF;
	v1 =	vbroadcast v1, $0xF;
	v54 =	vsub.f32 $1.500000000e+00, v54  }
0xa2: {  	v16 =	vadd.f32 v6, v10;
	v59 =	vmul.f32 v53, v61;
	v15 =	vmul.f32 v15, v35  }
0xa3: {  	v52 =	vmul.f32 v52, v54;
	v2 =	vmul.f32 v2, v34;
	v40 =	vsub.f32 $1.500000000e+00, v40  }
0xa4: {  	v36 =	vmul.f32 v53, v59;
	v59 =	vsub.s32 $0x5F3759DF, v51;
	v18 =	vmul.f32 v15, v57  }
0xa5: {  	v60 =	vsub.f32 v33, v38;
	v33 =	vmul.f32 v2, v3;
	v58 =	vmul.f32 v59, v63  }
0xa6: {  	v51 =	vsub.f32 v32, v38;
	v54 =	vmul.f32 v55, v40;
	v18 =	vmul.f32 v18, v15  }
0xa7: {  	v56 =	vmul.f32 v52, v44;
	v27 =	vmul.f32 v39, v14;
	v35 =	vsub.f32 $1.500000000e+00, v36  }
0xa8: {  	v34 =	vmul.f32 v59, v58;
	v62 =	vmul.f32 v54, v4;
	v18 =	vsub.f32 $1.500000000e+00, v18  }
0xa9: {  	v36 =	vsub.f32 v26, v38;
	v26 =	vmul.f32 v27, v39;
	v27 =	vmul.f32 v33, v2  }
0xaa: {  	v10 =	vld [tilespmem:$0x1FE50];
	v53 =	vmul.f32 v53, v35;
	v15 =	vmul.f32 v18, v15;
	v18 =	vsub.f32 v21, v5  }
0xab: {  	v58 =	vmul.f32 v56, v52;
	v34 =	vsub.f32 $1.500000000e+00, v34;
	v26 =	vsub.f32 $1.500000000e+00, v26  }
0xac: {  	v40 =	vmul.f32 v62, v54;
	v27 =	vsub.f32 $1.500000000e+00, v27;
	v19 =	vmul.f32 v53, v61;
	[tilespmem:$0x1FE60] =	vst v18;
	v18 =	vld [tilespmem:$0x1FE70]  }
0xad: {  	v62 =	vbroadcast v37, $0xF;
	v32 =	vsub.f32 $1.500000000e+00, v58;
	v55 =	vmul.f32 v59, v34  }
0xae: {  	v33 =	vmul.f32 v26, v39;
	v26 =	vsub.f32 $1.500000000e+00, v40;
	v19 =	vmul.f32 v19, v53  }
0xaf: {  	v10 =	vsub.f32 v10, v5;
	v2 =	vmul.f32 v27, v2;
	v52 =	vmul.f32 v32, v52  }
0xb0: {  	v27 =	vsub.f32 v20, v62;
	v54 =	vmul.f32 v26, v54;
	v19 =	vsub.f32 $1.500000000e+00, v19  }
0xb1: {  	v20 =	vmul.f32 v55, v63;
	v3 =	vmul.f32 v2, v3;
	v18 =	vsub.f32 v18, v5  }
0xb2: {  	v4 =	vmul.f32 v54, v4;
	v17 =	vmul.f32 v19, v53;
	v5 =	vsub.f32 v23, v5  }
0xb3: {  	v3 =	vmul.f32 v3, v2;
	[tilespmem:$0x1FE80] =	vst v18;
	v18 =	vmul.f32 v52, v44  }
0xb4: {  	v19 =	vmul.f32 v17, v61;
	[tilespmem:$0x1FE90] =	vst v5;
	v5 =	vmul.f32 v15, v57  }
0xb5: {  	v4 =	vmul.f32 v4, v54;
	v18 =	vmul.f32 v18, v52  }
0xb6: {  	v3 =	vsub.f32 $1.500000000e+00, v3;
	v19 =	vmul.f32 v19, v17;
	v5 =	vmul.f32 v5, v15  }
0xb7: {  	v6 =	vmul.f32 v20, v55;
	v4 =	vsub.f32 $1.500000000e+00, v4;
	v18 =	vsub.f32 $1.500000000e+00, v18  }
0xb8: {  	v0 =	vld [tilespmem:$0x1FE30];
	v34 =	vmul.f32 v3, v2;
	v2 =	vsub.f32 $1.500000000e+00, v19;
	v5 =	vsub.f32 $1.500000000e+00, v5  }
0xb9: {  	v35 =	vmul.f32 v18, v52;
	v52 =	vmul.f32 v4, v54;
	v4 =	vld [tilespmem:$0x1FEC0]  }
0xba: {  	v15 =	vmul.f32 v5, v15;
	v5 =	vmul.f32 v2, v17;
	v2 =	vld [tilespmem:$0x1FEE0]  }
0xbb: {  	v6 =	vsub.f32 $1.500000000e+00, v6  }
0xbc: {  	v20 =	vsub.f32 v24, v1  }
0xbd: {  	v40 =	vsub.f32 v0, v62;
	v0 =	vld [tilespmem:$0x1FE40];
	v6 =	vmul.f32 v6, v55  }
0xbe: {  	[tilespmem:$0x1FEA0] =	vst v20;
	v20 =	vsub.f32 v42, v1  }
0xbf: {  	v21 =	vmul.f32 v6, v63;
	v4 =	vsub.f32 v4, v1;
	v1 =	vsub.f32 v2, v1;
	v2 =	vld [tilespmem:$0x1FF00];
	_ =	sdelay $0x1  }
0xc0: {  	v21 =	vmul.f32 v21, v6  }
0xc1: {  	[tilespmem:$0x1FF40] =	vst v7;
	v58 =	vsub.f32 v0, v62;
	v0 =	vbroadcast v47, $0xF  }
0xc2: {  	[tilespmem:$0x1FEB0] =	vst v20;
	v3 =	vsub.f32 $1.500000000e+00, v21  }
0xc3: {  	[tilespmem:$0x1FED0] =	vst v4;
	v2 =	vsub.f32 v2, v0  }
0xc4: {  	[tilespmem:$0x1FEF0] =	vst v1;
	v1 =	vmul.f32 v3, v6;
	v6 =	vsub.f32 v45, v0  }
0xc5: {  	v39 =	vsub.f32 v25, v62;
	v25 =	vld [tilespmem:$0x1FFB0];
	v14 =	vmul.f32 v33, v14;
	[tilespmem:$0x1FF10] =	vst v2;
	v2 =	vsub.f32 v41, v0  }
0xc6: {  	v56 =	vsub.f32 v43, v0;
	[tilespmem:$0x1FF30] =	vst v6;
	v0 =	vld [tilespmem:$0x1FF40]  }
0xc7: {  	s9 =	simm.s32 $0x10320;
	v14 =	vmul.f32 v14, v33;
	[tilespmem:$0x1FF20] =	vst v2  }
0xc8: {  	[tilespmem:s9+$0x108] =	vst v16  }
0xc9: {  	v14 =	vsub.f32 $1.500000000e+00, v14;
	v26 =	vld [tilespmem:$0x1FFC0];
	_ =	sdelay $0x1  }
0xca: {  	v14 =	vmul.f32 v14, v33;
	v0 =	vadd.f32 v0, v25;
	_ =	sdelay $0x1  }
0xcb: {  	v7 =	vbroadcast v48, $0xF;
	v59 =	vmul.f32 v14, v49;
	[tilespmem:s9+$0xD8] =	vst v0  }
0xcc: {  	v62 =	vmul.f32 v34, v49;
	v48 =	vmul.f32 v34, v12;
	v16 =	vadd.f32 v8, v26;
	v8 =	vld [tilespmem:$0x1FF50]  }
0xcd: {  	v47 =	vmul.f32 v34, v50;
	v42 =	vmul.f32 v35, v49  }
0xce: {  	v18 =	vmul.f32 v35, v12;
	v17 =	vmul.f32 v35, v50  }
0xcf: {  	v33 =	vmul.f32 v52, v12;
	v32 =	vmul.f32 v52, v13;
	v23 =	vld [tilespmem:$0x1FFD0]  }
0xd0: {  	v24 =	vmul.f32 v15, v49;
	v21 =	vmul.f32 v15, v12;
	[tilespmem:s9+$0xE8] =	vst v16  }
0xd1: {  	v19 =	vmul.f32 v15, v50;
	v20 =	vmul.f32 v15, v13;
	v37 =	vsub.f32 v8, v7;
	v8 =	vld [tilespmem:$0x1FF60]  }
0xd2: {  	v15 =	vmul.f32 v5, v49;
	v3 =	vmul.f32 v14, v12  }
0xd3: {  	v38 =	vsub.f32 v46, v7;
	v4 =	vmul.f32 v14, v50;
	v45 =	vmul.f32 v34, v13  }
0xd4: {  	v34 =	vmul.f32 v52, v50;
	v6 =	vmul.f32 v35, v13;
	v0 =	vadd.f32 v9, v23  }
0xd5: {  	s16 =	simm.s32 $0x500;
	v46 =	vsub.f32 v22, v7;
	v2 =	vmul.f32 v14, v13;
	v14 =	vmul.f32 v52, v49  }
0xd6: {  	s14 =	simm.s32 $0x10320;
	s8 =	sshll.u32 s24, $0x1;
	s4 =	simm.s32 $0x0;
	v9 =	vmul.f32 v5, v12;
	[tilespmem:s9+$0xF8] =	vst v0;
	v44 =	vsub.f32 v8, v7;
	v8 =	vmul.f32 v5, v50  }
.LBB2_3:
0xd7: {  	[tilespmem:$0x1FCA0] =	vst v46  }
0xd8: {  	[tilespmem:$0x1FB90] =	vst v19  }
0xd9: {  	[tilespmem:$0x1FBB0] =	vst v9  }
0xda: {  	v7 =	vmul.f32 v1, v12;
	[tilespmem:$0x1FBA0] =	vst v15  }
0xdb: {  	v5 =	vmul.f32 v5, v13;
	[tilespmem:$0x1FBE0] =	vst v8  }
0xdc: {  	[tilespmem:$0x1FC90] =	vst v7;
	v7 =	vmul.f32 v1, v50  }
0xdd: {  	v0 =	vld [tilespmem:s16+$0xC0];
	v2 =	vmul.f32 v2, v31;
	[tilespmem:$0x1FC50] =	vst v5  }
0xde: {  	v4 =	vmul.f32 v4, v30;
	v30 =	vld [tilespmem:s16+$0xFFFFFF10];
	[tilespmem:$0x1FCB0] =	vst v7;
	v7 =	vmul.f32 v48, v60  }
0xdf: {  	v46 =	vld [tilespmem:s16+$0xFFFFFF30];
	v5 =	vmul.f32 v1, v49;
	[tilespmem:$0x1FBC0] =	vst v2  }
0xe0: {  	v15 =	vld [tilespmem:s16+$0xE0];
	[tilespmem:$0x1FD20] =	vst v7;
	v7 =	vmul.f32 v47, v11  }
0xe1: {  	v8 =	vld [tilespmem:$0x1FE00];
	v1 =	vmul.f32 v1, v13;
	[tilespmem:$0x1FC70] =	vst v5  }
0xe2: {  	v9 =	vld [tilespmem:$0x1FE10];
	[tilespmem:$0x1FD30] =	vst v7;
	v7 =	vmul.f32 v45, v36  }
0xe3: {  	v16 =	vmul.f32 v59, v28;
	v2 =	vmul.f32 v62, v51;
	v5 =	vld [tilespmem:s16+$0xD0];
	[tilespmem:$0x1FCE0] =	vst v1  }
0xe4: {  	v1 =	vld [tilespmem:s16+$0xF0];
	[tilespmem:$0x1FD40] =	vst v7;
	v7 =	vmul.f32 v42, v40  }
0xe5: {  	v3 =	vmul.f32 v3, v29;
	v16 =	vadd.f32 v16, v25;
	[tilespmem:$0x1FBD0] =	vst v2;
	v11 =	vld [tilespmem:$0x1FE20]  }
0xe6: {  	v4 =	vadd.f32 v4, v23;
	[tilespmem:$0x1FD50] =	vst v7;
	v7 =	vld [tilespmem:$0x1FDF0]  }
0xe7: {  	v3 =	vadd.f32 v3, v26;
	v2 =	vld [tilespmem:s16+$0xFFFFFF20];
	[tilespmem:s9+$0xFFFFFEE0] =	vst v16  }
0xe8: {  	[tilespmem:s9+$0xFFFFFF00] =	vst v4;
	v4 =	vmul.f32 v6, v39  }
0xe9: {  	v16 =	vld [tilespmem:s16+$0xFFFFFF40];
	[tilespmem:s9+$0xFFFFFEF0] =	vst v3;
	v12 =	vadd.f32 v15, v9  }
0xea: {  	[tilespmem:$0x1FD80] =	vst v4;
	v13 =	vadd.f32 v5, v8  }
0xeb: {  	v4 =	vld [tilespmem:s16+$0xFFFFFF70];
	[tilespmem:$0x1FD10] =	vst v12;
	v22 =	vadd.f32 v1, v11;
	v19 =	vadd.f32 v0, v7;
	v0 =	vmul.f32 v18, v58  }
0xec: {  	v49 =	vmov v34;
	v34 =	vadd.f32 v30, v8;
	v6 =	vadd.f32 v2, v9;
	[tilespmem:$0x1FD00] =	vst v13  }
0xed: {  	v1 =	vmul.f32 v17, v27;
	v5 =	vadd.f32 v22, v12;
	[tilespmem:$0x1FD60] =	vst v0;
	v0 =	vld [tilespmem:s16+$0xFFFFFF50];
	v3 =	vadd.f32 v13, v19  }
0xee: {  	v17 =	vmul.f32 v13, v13;
	[tilespmem:$0x1FBF0] =	vst v6;
	v40 =	vadd.f32 v16, v7;
	v13 =	vmul.f32 v34, v34  }
0xef: {  	v48 =	vld [tilespmem:s16+$0xFFFFFF90];
	v36 =	vadd.f32 v46, v11;
	[tilespmem:$0x1FD70] =	vst v1;
	v3 =	vadd.f32 v5, v3;
	v5 =	vmul.f32 v6, v6  }
0xf0: {  	v2 =	vld [tilespmem:s16+$0xFFFFFF80];
	v42 =	vadd.f32 v4, v11;
	v4 =	vmul.f32 v40, v40;
	[tilespmem:$0x1FAC0] =	vst v13  }
0xf1: {  	v18 =	vmul.f32 v12, v12;
	v12 =	vmov v6;
	v6 =	vmul.f32 v36, v36;
	[tilespmem:$0x1FA90] =	vst v5;
	v5 =	vld [tilespmem:s16+$0xFFFFFFA0]  }
0xf2: {  	v1 =	vld [tilespmem:s16+$0xFFFFFF60];
	[tilespmem:$0x1FAE0] =	vst v4;
	v4 =	vadd.f32 v36, v12;
	v35 =	vadd.f32 v0, v8  }
0xf3: {  	[tilespmem:$0x1FAA0] =	vst v6;
	v6 =	vmul.f32 v14, v10;
	v0 =	vld [tilespmem:s16+$0xFFFFFFB0]  }
0xf4: {  	[tilespmem:$0x1FAB0] =	vst v4;
	v4 =	vmul.f32 v35, v35  }
0xf5: {  	v10 =	vadd.f32 v48, v8;
	[tilespmem:$0x1FD90] =	vst v6;
	v6 =	vadd.f32 v2, v7  }
0xf6: {  	[tilespmem:$0x1FAF0] =	vst v4;
	v4 =	vld [tilespmem:s16+$0xFFFFFFE0];
	v12 =	vadd.f32 v5, v9;
	v5 =	vmul.f32 v42, v42  }
0xf7: {  	[tilespmem:$0x1FC10] =	vst v6;
	v13 =	vadd.f32 v10, v6;
	v6 =	vmul.f32 v6, v6  }
0xf8: {  	v39 =	vadd.f32 v1, v9;
	v1 =	vld [tilespmem:s16+$0xFFFFFFC0];
	v15 =	vmul.f32 v19, v19;
	[tilespmem:$0x1FB20] =	vst v5;
	v5 =	vadd.f32 v0, v11  }
0xf9: {  	v47 =	vmul.f32 v22, v22;
	[tilespmem:$0x1FB50] =	vst v6  }
0xfa: {  	v15 =	vadd.f32 v17, v15;
	[tilespmem:$0x1FC40] =	vst v5;
	v6 =	vadd.f32 v5, v12;
	v50 =	vmul.f32 v5, v5;
	v5 =	vld [tilespmem:s16+$0x50]  }
0xfb: {  	v17 =	vadd.f32 v47, v18;
	v47 =	vadd.f32 v4, v9;
	v4 =	vld [tilespmem:s16+$0x30]  }
0xfc: {  	v57 =	vld [tilespmem:s16+$0x90]  }
0xfd: {  	[tilespmem:$0x1FCF0] =	vst v44;
	v44 =	vadd.f32 v1, v7;
	v1 =	vld [tilespmem:s16+$0x10]  }
0xfe: {  	v2 =	vld [tilespmem:s16+$0xFFFFFFD0]  }
0xff: {  	v26 =	vadd.f32 v5, v8;
	v5 =	vld [tilespmem:s16+$0xA0]  }
0x100: {  	[tilespmem:$0x1FB00] =	vst v33;
	v33 =	vadd.f32 v4, v11;
	v4 =	vld [tilespmem:s16+$0x80];
	_ =	sdelay $0x1  }
0x101: {  	[tilespmem:$0x1FCC0] =	vst v37;
	v37 =	vadd.f32 v1, v8;
	v1 =	vld [tilespmem:s16+$0x60]  }
0x102: {  	v45 =	vadd.f32 v2, v8;
	v2 =	vld [tilespmem:s16+$0x20]  }
0x103: {  	[tilespmem:$0x1FCD0] =	vst v19;
	v19 =	vadd.f32 v57, v8;
	v57 =	vadd.f32 v5, v9;
	v5 =	vld [tilespmem:$0x1FAA0]  }
0x104: {  	[tilespmem:$0x1FC00] =	vst v22;
	v22 =	vadd.f32 v4, v7;
	v4 =	vld [tilespmem:$0x1FA90]  }
0x105: {  	v43 =	vld [tilespmem:s16+$0xFFFFFF00];
	_ =	sdelay $0x2  }
0x106: {  	v25 =	vadd.f32 v1, v9  }
0x107: {  	[tilespmem:$0x1FC80] =	vst v38;
	v38 =	vadd.f32 v2, v9;
	v9 =	vadd.f32 v5, v4;
	v4 =	vld [tilespmem:$0x1FAB0]  }
0x108: {  	v43 =	vadd.f32 v43, v7  }
0x109: {  	(xrf2) =	vadd.scan.msk.f32 $0xffff, v3;
	v3 =	vadd.f32 v17, v15  }
0x10a: {  	v1 =	vadd.f32 v34, v43;
	v2 =	vld [tilespmem:s16+$0x70]  }
0x10b: {  	(xrf2) =	vadd.scan.msk.f32 $0xffff, v3;
	v3 =	vadd.f32 v35, v40  }
0x10c: {  	v1 =	vadd.f32 v4, v1;
	v4 =	vld [tilespmem:$0x1FAC0]  }
0x10d: {  	[tilespmem:$0x1FAD0] =	vst v3;
	v3 =	vmul.f32 v39, v39;
	_ =	sdelay $0x1  }
0x10e: {  	[tilespmem:$0x1FB10] =	vst v3;
	v3 =	vld [tilespmem:s16+$0xFFFFFFF0];
	v23 =	vadd.f32 v2, v11;
	v2 =	vmul.f32 v43, v43;
	_ =	sdelay $0x1  }
0x10f: {  	v8 =	vadd.f32 v4, v2;
	v2 =	vld [tilespmem:$0x1FAD0];
	_ =	sdelay $0x2  }
0x110: {  	v62 =	vadd.f32 v42, v39;
	v46 =	vadd.f32 v3, v11;
	v3 =	vld [tilespmem:s16+$0x40]  }
0x111: {  	v4 =	vld [tilespmem:$0x1FAF0]  }
0x112: {  	v15, _, _ =	vpop (xrf2);
	v62 =	vadd.f32 v62, v2;
	v2 =	vld [tilespmem:$0x1FAE0]  }
0x113: {  	v59 =	vmul.f32 $1.562500000e-02, v15  }
0x114: {  	v17, _, _ =	vpop (xrf2)  }
0x115: {  	[tilespmem:$0x1FB70] =	vst v32;
	v52 =	vmul.f32 v59, v59;
	v32 =	vadd.f32 v3, v7;
	v3 =	vmul.f32 $1.562500000e-02, v17  }
0x116: {  	v0 =	vld [tilespmem:s16+$0x0]  }
0x117: {  	v52 =	vsub.f32 v3, v52;
	v5 =	vadd.f32 v4, v2;
	v2 =	vld [tilespmem:$0x1FE60]  }
0x118: {  	v4 =	vld [tilespmem:$0x1FB00]  }
0x119: {  	v52 =	vadd.f32 $9.999999740e-06, v52;
	_ =	sdelay $0x1  }
0x11a: {  	v52 =	vbroadcast v52, $0xF  }
0x11b: {  	v48 =	vadd.f32 v0, v7;
	(xrf2) =	vadd.scan.msk.f32 $0xffff, v1;
	v1 =	vld [tilespmem:$0x1FE80]  }
0x11c: {  	v0 =	vshrl.u32 v52, $0x1;
	v52 =	vmul.f32 $5.000000000e-01, v52;
	v2 =	vmul.f32 v4, v2  }
0x11d: {  	v0 =	vsub.s32 $0x5F3759DF, v0;
	v4 =	vld [tilespmem:$0x1FB20]  }
0x11e: {  	v3 =	vmul.f32 v0, v52;
	[tilespmem:$0x1FDA0] =	vst v2;
	v2 =	vld [tilespmem:$0x1FB10];
	_ =	sdelay $0x1  }
0x11f: {  	v61 =	vld [tilespmem:s16+$0xB0];
	[tilespmem:$0x1FB30] =	vst v13;
	v3 =	vmul.f32 v0, v3;
	v1 =	vmul.f32 v49, v1  }
0x120: {  	v31 =	vmul.f32 v44, v44;
	[tilespmem:$0x1FB40] =	vst v6;
	v60 =	vadd.f32 v37, v48  }
0x121: {  	v27 =	vmul.f32 v45, v45;
	v41 =	vadd.f32 v33, v38;
	v3 =	vsub.f32 $1.500000000e+00, v3;
	[tilespmem:$0x1FDB0] =	vst v1;
	v1 =	vld [tilespmem:$0x1FB30]  }
0x122: {  	v55 =	vmul.f32 v37, v37;
	v6 =	vmul.f32 v10, v10;
	v4 =	vadd.f32 v4, v2;
	v2 =	vld [tilespmem:$0x1FB40]  }
0x123: {  	[tilespmem:$0x1FC20] =	vst v10;
	v0 =	vmul.f32 v0, v3;
	v3 =	vadd.f32 v27, v31;
	v31 =	vadd.f32 v41, v60;
	v60 =	vld [tilespmem:$0x1FEB0]  }
0x124: {  	v18 =	vadd.f32 v61, v11;
	v10 =	vmul.f32 v19, v19;
	[tilespmem:$0x1FB60] =	vst v6;
	v6 =	vmul.f32 v12, v12  }
0x125: {  	v29 =	vmul.f32 v48, v48;
	v51 =	vmul.f32 v38, v38  }
0x126: {  	[tilespmem:$0x1FC30] =	vst v12;
	v63 =	vmul.f32 v33, v33;
	v12 =	vadd.f32 v18, v57;
	v61 =	vadd.f32 v19, v22  }
0x127: {  	v29 =	vadd.f32 v55, v29;
	v17 =	vmul.f32 v22, v22;
	v1 =	vadd.f32 v2, v1  }
0x128: {  	v55 =	vadd.f32 v63, v51;
	v63 =	vmul.f32 v21, v60;
	v21 =	vadd.f32 v12, v61;
	v12 =	vld [tilespmem:$0x1FB90];
	(xrf2) =	vadd.scan.msk.f32 $0xffff, v62  }
0x129: {  	(xrf2) =	vadd.scan.msk.f32 $0xffff, v1;
	v1 =	vadd.f32 v10, v17;
	v10 =	vld [tilespmem:$0x1FED0];
	_ =	sdelay $0x2  }
0x12a: {  	v8 =	vadd.f32 v9, v8;
	v9 =	vld [tilespmem:$0x1FBA0]  }
0x12b: {  	v5 =	vadd.f32 v4, v5;
	v4 =	vld [tilespmem:$0x1FF10]  }
0x12c: {  	v41 =	vmul.f32 v12, v10;
	v10 =	vld [tilespmem:$0x1FEF0];
	_ =	sdelay $0x1  }
0x12d: {  	v30 =	vadd.f32 v45, v44  }
0x12e: {  	v15 =	vmul.f32 v25, v25;
	v54 =	vadd.f32 v46, v47;
	v14 =	vmul.f32 v23, v23  }
0x12f: {  	v7 =	vmul.f32 v57, v57;
	v4 =	vmul.f32 v9, v4  }
0x130: {  	[tilespmem:$0x1FB80] =	vst v6;
	v30 =	vadd.f32 v54, v30;
	v54 =	vmul.f32 v0, v52;
	v10 =	vmul.f32 v20, v10  }
0x131: {  	[tilespmem:$0x1FDE0] =	vst v4;
	v4 =	vld [tilespmem:$0x1FBB0]  }
0x132: {  	v6 =	vmul.f32 v18, v18;
	v14 =	vadd.f32 v14, v15;
	v15 =	vmul.f32 v54, v0;
	[tilespmem:$0x1FDD0] =	vst v10;
	v10 =	vld [tilespmem:$0x1FF20]  }
0x133: {  	v16 =	vmul.f32 v26, v26;
	v58 =	vmul.f32 v32, v32  }
0x134: {  	v6 =	vadd.f32 v6, v7;
	v49 =	vld [tilespmem:$0x1FB60];
	v7, _, _ =	vpop (xrf2);
	v12 =	vsub.f32 $1.500000000e+00, v15  }
0x135: {  	v16 =	vadd.f32 v16, v58;
	v7 =	vmul.f32 $1.562500000e-02, v7;
	v2 =	vld [tilespmem:$0x1FB50]  }
0x136: {  	v11 =	vmov v34;
	v34 =	vld [tilespmem:$0x1FE90];
	v0 =	vmul.f32 v12, v0  }
0x137: {  	v12 =	vadd.f32 v14, v16;
	v16 =	vld [tilespmem:$0x1FFB0];
	v4 =	vmul.f32 v4, v10;
	v10 =	vbroadcast v7, $0xF  }
0x138: {  	v9 =	vadd.f32 v55, v29;
	v20 =	vld [tilespmem:$0x1FBD0]  }
0x139: {  	v1 =	vadd.f32 v6, v1;
	v6 =	vmul.f32 v0, v52;
	v29 =	vsub.f32 v11, v10;
	v11 =	vld [tilespmem:$0x1FBF0]  }
0x13a: {  	v2 =	vadd.f32 v49, v2;
	v49 =	vld [tilespmem:$0x1FB70]  }
0x13b: {  	v15 =	vld [tilespmem:$0x1FBC0];
	v6 =	vmul.f32 v6, v0  }
0x13c: {  	v14, _, _ =	vpop (xrf2);
	v52 =	vld [tilespmem:$0x1FFE0]  }
0x13d: {  	[tilespmem:$0x1FC60] =	vst v56;
	v56 =	vadd.f32 v26, v32;
	v61, _, _ =	vpop (xrf2);
	v6 =	vsub.f32 $1.500000000e+00, v6  }
0x13e: {  	(xrf2) =	vadd.scan.msk.f32 $0xffff, v30;
	v16 =	vadd.f32 v20, v16;
	v30 =	vsub.f32 v11, v10;
	v11 =	vmul.f32 $1.562500000e-02, v61  }
0x13f: {  	v13 =	vadd.f32 v23, v25;
	v34 =	vmul.f32 v49, v34;
	v49 =	vld [tilespmem:$0x1FB80];
	v0 =	vmul.f32 v6, v0  }
0x140: {  	[tilespmem:s9+$0xFFFFFF28] =	vst v16;
	v6 =	vbroadcast v11, $0xF;
	v16 =	vmul.f32 v11, v11;
	v11 =	vld [tilespmem:$0x1FC00]  }
0x141: {  	v13 =	vadd.f32 v13, v56;
	v15 =	vadd.f32 v15, v52  }
0x142: {  	(xrf2) =	vadd.scan.msk.f32 $0xffff, v31  }
0x143: {  	(xrf2) =	vadd.scan.msk.f32 $0xffff, v13;
	v13 =	vld [tilespmem:$0x1FF30];
	[tilespmem:s9+$0xFFFFFF10] =	vst v15;
	v15 =	vbroadcast v59, $0xF  }
0x144: {  	[tilespmem:$0x1FDC0] =	vst v34;
	v34 =	vadd.f32 v50, v49;
	v49 =	vld [tilespmem:$0x1FF70]  }
0x145: {  	v53 =	vmul.f32 v47, v47;
	v28 =	vmul.f32 v46, v46;
	v17 =	vsub.f32 v11, v15;
	v11 =	vld [tilespmem:$0x1FFA0]  }
0x146: {  	v20 =	vld [tilespmem:$0x1FBE0]  }
0x147: {  	v28 =	vadd.f32 v28, v53;
	v50 =	vld [tilespmem:$0x1FF80]  }
0x148: {  	v59 =	vld [tilespmem:$0x1FF90]  }
0x149: {  	v3 =	vadd.f32 v28, v3;
	v14 =	vmul.f32 $1.562500000e-02, v14  }
0x14a: {  	(xrf2) =	vadd.scan.msk.f32 $0xffff, v21;
	v49 =	vmul.f32 v0, v49;
	v28 =	vsub.f32 v43, v10;
	v43 =	vmul.f32 v0, v11  }
0x14b: {  	v27 =	vld [tilespmem:$0x1FEA0];
	v31 =	vsub.f32 v36, v10;
	v53 =	vmul.f32 v20, v13;
	v13 =	vbroadcast v14, $0xF;
	v10, _, _ =	vpop (xrf2);
	(xrf2) =	vadd.scan.msk.f32 $0xffff, v8  }
0x14c: {  	v2 =	vadd.f32 v34, v2;
	v10 =	vmul.f32 $1.562500000e-02, v10;
	v54, _, _ =	vpop (xrf2);
	(xrf2) =	vadd.scan.msk.f32 $0xffff, v5;
	v5 =	vld [tilespmem:$0x1FC30];
	v20 =	vmul.f32 v43, v17  }
0x14d: {  	v50 =	vmul.f32 v0, v50;
	v34 =	vmul.f32 v0, v59;
	v51 =	vsub.f32 v40, v13  }
0x14e: {  	v60 =	vsub.f32 v35, v13;
	v55 =	vbroadcast v10, $0xF;
	v17 =	vld [tilespmem:$0x1FC10];
	v0 =	vadd.f32 v20, v52  }
0x14f: {  	s9 =	sadd.s32 $0x240, s9;
	v36 =	vsub.f32 v42, v13;
	v11 =	vsub.f32 v39, v13  }
0x150: {  	v13 =	vmul.f32 v10, v10;
	v10 =	vmul.f32 $1.562500000e-02, v54;
	[tilespmem:s9+$0x108] =	vst v0;
	v0 =	vsub.f32 v45, v55  }
0x151: {  	v62 =	vmul.f32 v24, v27;
	v8, _, _ =	vpop (xrf2);
	(xrf2) =	vadd.scan.msk.f32 $0xffff, v2;
	v2 =	vld [tilespmem:$0x1FC60];
	v27 =	vsub.f32 v5, v6  }
0x152: {  	v5 =	vbroadcast v10, $0xF;
	v42 =	vmul.f32 v10, v10;
	v10 =	vld [tilespmem:$0x1FC40];
	[tilespmem:$0x1FE60] =	vst v0;
	v0 =	vsub.f32 v47, v55  }
0x153: {  	v40 =	vsub.f32 v17, v6;
	v17 =	vld [tilespmem:$0x1FC20]  }
0x154: {  	[tilespmem:$0x1FE80] =	vst v0;
	v0 =	vld [tilespmem:$0x1FC50];
	_ =	sdelay $0x3  }
0x155: {  	v8 =	vmul.f32 $1.562500000e-02, v8;
	v39 =	vsub.f32 v10, v6  }
0x156: {  	v58 =	vsub.f32 v17, v6;
	v6 =	vmul.f32 v0, v2;
	v0 =	vsub.f32 v46, v55;
	_ =	sdelay $0x1  }
0x157: {  	v61 =	vmul.f32 v8, v8;
	[tilespmem:$0x1FE90] =	vst v0;
	v0 =	vbroadcast v8, $0xF;
	v8 =	vsub.f32 v48, v5;
	_ =	sdelay $0x1  }
0x158: {  	[tilespmem:$0x1FEA0] =	vst v8;
	v8 =	vsub.f32 v37, v5;
	_ =	sdelay $0x1  }
0x159: {  	[tilespmem:$0x1FEB0] =	vst v8;
	v8 =	vsub.f32 v38, v5  }
0x15a: {  	v5 =	vsub.f32 v33, v5  }
0x15b: {  	v2, _, _ =	vpop (xrf2);
	(xrf2) =	vadd.scan.msk.f32 $0xffff, v3;
	v3 =	vld [tilespmem:$0x1FC70];
	[tilespmem:$0x1FED0] =	vst v8  }
0x15c: {  	[tilespmem:$0x1FEF0] =	vst v5;
	v5 =	vld [tilespmem:$0x1FC80];
	v8 =	vsub.f32 v26, v0;
	_ =	sdelay $0x1  }
0x15d: {  	[tilespmem:$0x1FF20] =	vst v8;
	v8 =	vsub.f32 v25, v0;
	_ =	sdelay $0x1  }
0x15e: {  	v17 =	vmul.f32 $1.562500000e-02, v2;
	[tilespmem:$0x1FF30] =	vst v8;
	v8 =	vld [tilespmem:$0x1FCA0]  }
0x15f: {  	v56 =	vsub.f32 v23, v0;
	v43 =	vmul.f32 v3, v5;
	v3 =	vsub.f32 v32, v0;
	v0 =	vld [tilespmem:$0x1FC90];
	_ =	sdelay $0x1  }
0x160: {  	v7 =	vmul.f32 v7, v7;
	v2, _, _ =	vpop (xrf2);
	v5 =	vmul.f32 v17, v17  }
0x161: {  	[tilespmem:$0x1FF10] =	vst v3;
	v3 =	vbroadcast v17, $0xF;
	v17 =	vmul.f32 $1.562500000e-02, v2;
	_ =	sdelay $0x1  }
0x162: {  	(xrf2) =	vadd.scan.msk.f32 $0xffff, v9;
	v9 =	vmul.f32 v0, v8;
	v0 =	vsub.f32 v17, v7;
	v7 =	vld [tilespmem:$0x1FCB0]  }
0x163: {  	v8 =	vld [tilespmem:$0x1FCC0];
	_ =	sdelay $0x4  }
0x164: {  	v8 =	vmul.f32 v7, v8;
	v7 =	vadd.f32 $9.999999740e-06, v0;
	v0 =	vld [tilespmem:$0x1FCD0]  }
0x165: {  	v14 =	vmul.f32 v14, v14  }
0x166: {  	v10 =	vsub.f32 v44, v55;
	v2, _, _ =	vpop (xrf2)  }
0x167: {  	v2 =	vmul.f32 $1.562500000e-02, v2;
	v38 =	vsub.f32 v22, v3;
	v46 =	vsub.f32 v19, v3  }
0x168: {  	(xrf2) =	vadd.scan.msk.f32 $0xffff, v12;
	v12 =	vld [tilespmem:$0x1FCF0];
	v37 =	vsub.f32 v57, v3;
	v3 =	vsub.f32 v18, v3  }
0x169: {  	v2 =	vsub.f32 v2, v14;
	v14, _, _ =	vpop (xrf2);
	v17 =	vsub.f32 v0, v15;
	v0 =	vld [tilespmem:$0x1FCE0]  }
0x16a: {  	v44 =	vmov v3;
	v18 =	vmul.f32 $1.562500000e-02, v14;
	v14 =	vld [tilespmem:$0x1FD10];
	v3 =	vbroadcast v7, $0xF;
	v7, _, _ =	vpop (xrf2)  }
0x16b: {  	v7 =	vmul.f32 $1.562500000e-02, v7;
	_ =	sdelay $0x1  }
0x16c: {  	(xrf2) =	vadd.scan.msk.f32 $0xffff, v1;
	v2 =	vadd.f32 $9.999999740e-06, v2;
	v7 =	vsub.f32 v7, v13;
	v13, _, _ =	vpop (xrf2)  }
0x16d: {  	v13 =	vmul.f32 $1.562500000e-02, v13;
	v0 =	vmul.f32 v0, v12;
	v12 =	vld [tilespmem:$0x1FD00]  }
0x16e: {  	v2 =	vbroadcast v2, $0xF;
	v14 =	vsub.f32 v14, v15;
	v7 =	vadd.f32 $9.999999740e-06, v7  }
0x16f: {  	v13 =	vsub.f32 v13, v42  }
0x170: {  	v57 =	vmul.f32 v34, v14;
	v14 =	vshrl.u32 v2, $0x1;
	v7 =	vbroadcast v7, $0xF  }
0x171: {  	v2 =	vmul.f32 $5.000000000e-01, v2;
	v1 =	vmul.f32 $5.000000000e-01, v3;
	v13 =	vadd.f32 $9.999999740e-06, v13  }
0x172: {  	v55 =	vmul.f32 v49, v17;
	v20 =	vshrl.u32 v7, $0x1;
	v12 =	vsub.f32 v12, v15  }
0x173: {  	v7 =	vmul.f32 $5.000000000e-01, v7;
	v20 =	vsub.s32 $0x5F3759DF, v20;
	v13 =	vbroadcast v13, $0xF  }
0x174: {  	v54 =	vmul.f32 v50, v12;
	v12 =	vshrl.u32 v3, $0x1;
	v3 =	vsub.f32 v18, v16  }
0x175: {  	v22 =	vmul.f32 v20, v7;
	v23 =	vshrl.u32 v13, $0x1;
	v13 =	vmul.f32 $5.000000000e-01, v13;
	v18, _, _ =	vpop (xrf2)  }
0x176: {  	v12 =	vsub.s32 $0x5F3759DF, v12;
	v18 =	vmul.f32 $1.562500000e-02, v18;
	v21, _, _ =	vpop (xrf2);
	v3 =	vadd.f32 $9.999999740e-06, v3  }
0x177: {  	v14 =	vsub.s32 $0x5F3759DF, v14;
	v15 =	vmul.f32 v12, v1;
	v21 =	vmul.f32 $1.562500000e-02, v21  }
0x178: {  	v16 =	vmul.f32 v14, v2;
	v18 =	vsub.f32 v18, v61;
	v3 =	vbroadcast v3, $0xF  }
0x179: {  	v15 =	vmul.f32 v12, v15;
	v5 =	vsub.f32 v21, v5;
	v21 =	vmul.f32 v20, v22  }
0x17a: {  	v22 =	vsub.s32 $0x5F3759DF, v23;
	v17 =	vshrl.u32 v3, $0x1;
	v3 =	vmul.f32 $5.000000000e-01, v3  }
0x17b: {  	v18 =	vadd.f32 $9.999999740e-06, v18;
	v23 =	vmul.f32 v22, v13;
	v17 =	vsub.s32 $0x5F3759DF, v17  }
0x17c: {  	v16 =	vmul.f32 v14, v16;
	v5 =	vadd.f32 $9.999999740e-06, v5;
	v19 =	vmul.f32 v17, v3  }
0x17d: {  	v15 =	vsub.f32 $1.500000000e+00, v15;
	v18 =	vbroadcast v18, $0xF;
	v23 =	vmul.f32 v22, v23  }
0x17e: {  	v21 =	vsub.f32 $1.500000000e+00, v21;
	v5 =	vbroadcast v5, $0xF;
	v19 =	vmul.f32 v17, v19  }
0x17f: {  	v12 =	vmul.f32 v12, v15;
	v24 =	vshrl.u32 v18, $0x1;
	v18 =	vmul.f32 $5.000000000e-01, v18  }
0x180: {  	v23 =	vsub.f32 $1.500000000e+00, v23;
	v24 =	vsub.s32 $0x5F3759DF, v24;
	v19 =	vsub.f32 $1.500000000e+00, v19  }
0x181: {  	v26 =	vshrl.u32 v5, $0x1;
	v5 =	vmul.f32 $5.000000000e-01, v5;
	v25 =	vmul.f32 v24, v18  }
0x182: {  	v16 =	vsub.f32 $1.500000000e+00, v16;
	v17 =	vmul.f32 v17, v19;
	v19 =	vmul.f32 v20, v21;
	v21 =	vld [tilespmem:$0x1FFD0]  }
0x183: {  	v15 =	vmul.f32 v24, v25;
	v25 =	vsub.s32 $0x5F3759DF, v26;
	v20 =	vmul.f32 v22, v23;
	v22 =	vld [tilespmem:$0x1FD30]  }
0x184: {  	v59 =	vld [tilespmem:$0x1FD20];
	v14 =	vmul.f32 v14, v16;
	v16 =	vmul.f32 v25, v5  }
0x185: {  	v23 =	vld [tilespmem:$0x1FD40]  }
0x186: {  	v26 =	vld [tilespmem:$0x1FFC0];
	v16 =	vmul.f32 v25, v16;
	_ =	sdelay $0x1  }
0x187: {  	v16 =	vsub.f32 $1.500000000e+00, v16;
	v21 =	vadd.f32 v22, v21;
	_ =	sdelay $0x1  }
0x188: {  	v23 =	vadd.f32 v23, v52;
	v16 =	vmul.f32 v25, v16;
	[tilespmem:s14+$0xFFFFFF48] =	vst v21;
	v21 =	vmul.f32 v19, v7  }
0x189: {  	v42 =	vld [tilespmem:$0x1FD50];
	v61 =	vmul.f32 v20, v13;
	v26 =	vadd.f32 v59, v26;
	v22 =	vmul.f32 v12, v1  }
0x18a: {  	[tilespmem:s14+$0xFFFFFF58] =	vst v23;
	v23 =	vld [tilespmem:$0x1FFB0];
	v59 =	vmul.f32 v16, v5;
	v21 =	vmul.f32 v21, v19  }
0x18b: {  	[tilespmem:s14+$0xFFFFFF38] =	vst v26;
	v26 =	vmul.f32 v17, v3;
	v22 =	vmul.f32 v22, v12  }
0x18c: {  	v47 =	vld [tilespmem:$0x1FD60];
	v34 =	vmul.f32 v61, v20;
	v61 =	vmul.f32 v59, v16;
	v21 =	vsub.f32 $1.500000000e+00, v21  }
0x18d: {  	v48 =	vld [tilespmem:$0x1FD70];
	v26 =	vmul.f32 v26, v17;
	v22 =	vsub.f32 $1.500000000e+00, v22  }
0x18e: {  	v25 =	vld [tilespmem:$0x1FFC0];
	v19 =	vmul.f32 v21, v19;
	v21 =	vsub.f32 $1.500000000e+00, v61  }
0x18f: {  	v12 =	vmul.f32 v22, v12;
	v22 =	vsub.f32 $1.500000000e+00, v26;
	v26 =	vld [tilespmem:$0x1FFC0];
	v23 =	vadd.f32 v42, v23  }
0x190: {  	v16 =	vmul.f32 v21, v16;
	v21 =	vld [tilespmem:$0x1FDA0]  }
0x191: {  	[tilespmem:s14+$0xFFFFFF70] =	vst v23;
	v23 =	vld [tilespmem:$0x1FFD0]  }
0x192: {  	v15 =	vsub.f32 $1.500000000e+00, v15  }
0x193: {  	v1 =	vmul.f32 v12, v1  }
0x194: {  	v15 =	vmul.f32 v24, v15;
	v24 =	vmul.f32 v14, v2;
	v25 =	vadd.f32 v47, v25  }
0x195: {  	v7 =	vmul.f32 v19, v7;
	v1 =	vmul.f32 v1, v12;
	v21 =	vadd.f32 v21, v26  }
0x196: {  	v24 =	vmul.f32 v24, v14;
	[tilespmem:s14+$0xFFFFFF80] =	vst v25;
	v25 =	vld [tilespmem:$0x1FD80];
	v23 =	vadd.f32 v48, v23  }
0x197: {  	v45 =	vmul.f32 v15, v18;
	v7 =	vmul.f32 v7, v19;
	v1 =	vsub.f32 $1.500000000e+00, v1;
	[tilespmem:s14+$0xFFFFFFC8] =	vst v21;
	v21 =	vld [tilespmem:$0x1FDC0]  }
0x198: {  	v17 =	vmul.f32 v22, v17;
	[tilespmem:s14+$0xFFFFFF90] =	vst v23;
	v23 =	vsub.f32 $1.500000000e+00, v24  }
0x199: {  	v12 =	vmul.f32 v1, v12;
	v1 =	vsub.f32 $1.500000000e+00, v7;
	v24 =	vmul.f32 v45, v15  }
0x19a: {  	v3 =	vmul.f32 v17, v3;
	v14 =	vmul.f32 v23, v14;
	v23 =	vsub.f32 $1.500000000e+00, v34  }
0x19b: {  	v25 =	vadd.f32 v25, v52;
	v19 =	vmul.f32 v1, v19;
	v1 =	vld [tilespmem:$0x1FDD0];
	v24 =	vsub.f32 $1.500000000e+00, v24  }
0x19c: {  	v22 =	vld [tilespmem:$0x1FD90];
	v3 =	vmul.f32 v3, v17;
	v20 =	vmul.f32 v23, v20;
	v21 =	vadd.f32 v21, v52  }
0x19d: {  	[tilespmem:s14+$0xFFFFFFA0] =	vst v25;
	v25 =	vld [tilespmem:$0x1FFB0];
	v15 =	vmul.f32 v24, v15;
	v2 =	vmul.f32 v14, v2  }
0x19e: {  	v3 =	vsub.f32 $1.500000000e+00, v3;
	v13 =	vmul.f32 v20, v13;
	[tilespmem:s14+$0xFFFFFFE8] =	vst v21;
	v21 =	vadd.f32 v63, v26  }
0x19f: {  	v18 =	vmul.f32 v15, v18;
	v2 =	vmul.f32 v2, v14  }
0x1a0: {  	v5 =	vmul.f32 v16, v5;
	[tilespmem:s14+$0x10] =	vst v21;
	v21 =	vmul.f32 v3, v17;
	v3 =	vadd.f32 v1, v52;
	v1 =	vld [tilespmem:$0x1FDE0]  }
0x1a1: {  	v13 =	vmul.f32 v13, v20;
	v18 =	vmul.f32 v18, v15;
	v2 =	vsub.f32 $1.500000000e+00, v2  }
0x1a2: {  	v49 =	vld [tilespmem:$0x1FF70];
	v5 =	vmul.f32 v5, v16;
	v22 =	vadd.f32 v22, v25  }
0x1a3: {  	v50 =	vld [tilespmem:$0x1FF90];
	v7 =	vsub.f32 $1.500000000e+00, v13;
	v13 =	vmul.f32 v2, v14;
	v2 =	vsub.f32 $1.500000000e+00, v18  }
0x1a4: {  	v23 =	vld [tilespmem:$0x1FDB0]  }
0x1a5: {  	[tilespmem:s14+$0xFFFFFFB8] =	vst v22;
	v22 =	vld [tilespmem:$0x1FFD0];
	v14 =	vsub.f32 $1.500000000e+00, v5;
	v5 =	vmul.f32 v2, v15;
	v2 =	vadd.f32 v1, v25  }
0x1a6: {  	[tilespmem:s14+$0x30] =	vst v3;
	v3 =	vld [tilespmem:$0x1FF80]  }
0x1a7: {  	[tilespmem:s14+$0x48] =	vst v2;
	v2 =	vld [tilespmem:$0x1FFA0];
	_ =	sdelay $0x1  }
0x1a8: {  	v1 =	vmul.f32 v14, v16;
	v14 =	vadd.f32 v4, v26  }
0x1a9: {  	v22 =	vadd.f32 v23, v22;
	v23 =	vld [tilespmem:$0x1FFD0]  }
0x1aa: {  	v59 =	vmul.f32 v12, v49;
	v4 =	vmul.f32 v12, v50;
	[tilespmem:s14+$0x58] =	vst v14;
	v14 =	vld [tilespmem:$0x1FFA0]  }
0x1ab: {  	v6 =	vadd.f32 v6, v52;
	v3 =	vmul.f32 v12, v3;
	v2 =	vmul.f32 v12, v2;
	v12 =	vld [tilespmem:$0x1FF80];
	_ =	sdelay $0x1  }
0x1ac: {  	[tilespmem:s14+$0x78] =	vst v6;
	v6 =	vld [tilespmem:$0x1FF80];
	v9 =	vadd.f32 v9, v26  }
0x1ad: {  	[tilespmem:s14+$0xFFFFFFD8] =	vst v22;
	v22 =	vadd.f32 v62, v25  }
0x1ae: {  	[tilespmem:s14+$0xA0] =	vst v9;
	v47 =	vmul.f32 v13, v50;
	v62 =	vmul.f32 v13, v49;
	v8 =	vadd.f32 v8, v23  }
0x1af: {  	[tilespmem:s14+$0x0] =	vst v22;
	v45 =	vmul.f32 v13, v14;
	v48 =	vmul.f32 v13, v12;
	v12 =	vadd.f32 v43, v25;
	v13 =	vld [tilespmem:$0x1FFA0]  }
0x1b0: {  	v34 =	vmul.f32 v19, v50;
	v7 =	vmul.f32 v7, v20;
	v22 =	vld [tilespmem:$0x1FFD0];
	v15 =	vadd.f32 v53, v23;
	[tilespmem:s14+$0xB0] =	vst v8  }
0x1b1: {  	s4 =	sadd.s32 $0x8, s4;
	v42 =	vmul.f32 v21, v49;
	v18 =	vmul.f32 v21, v6;
	v8 =	vadd.f32 v54, v26;
	[tilespmem:s14+$0x90] =	vst v12;
	v12 =	vld [tilespmem:$0x1FF80]  }
0x1b2: {  	p2 =	slt.u32 s4, $0x78;
	v0 =	vadd.f32 v0, v52;
	v17 =	vmul.f32 v21, v50;
	v24 =	vmul.f32 v7, v49;
	[tilespmem:s14+$0x68] =	vst v15  }
.Ltmp0:
0x1b3: {  	v9 =	vadd.f32 v55, v25;
	v15 =	vmul.f32 v5, v49;
	[tilespmem:s9+$0xE8] =	vst v8;
	v8 =	vmul.f32 v5, v50;
	(pc) =	sbr.rel @p2 .LBB2_3-.Ltmp0, $4  }
0x1b4: {  	[tilespmem:s14+$0xC0] =	vst v0;
	v0 =	vadd.f32 v57, v23;
	v14 =	vmul.f32 v19, v49;
	v6 =	vmul.f32 v21, v13  }
0x1b5: {  	[tilespmem:s9+$0xD8] =	vst v9;
	v22 =	vadd.f32 v41, v22;
	v32 =	vmul.f32 v19, v13;
	v20 =	vmul.f32 v7, v13  }
0x1b6: {  	[tilespmem:s9+$0xF8] =	vst v0;
	v33 =	vmul.f32 v19, v12;
	v21 =	vmul.f32 v7, v12  }
0x1b7: {  	s16 =	sadd.s32 $0x200, s16;
	[tilespmem:s14+$0x20] =	vst v22;
	s14 =	smov.u32 s9;
	v19 =	vmul.f32 v7, v50;
	v9 =	vmul.f32 v5, v12  }
0x1b8: {  	v0 =	vmul.f32 v59, v28  }
0x1b9: {  	v3 =	vmul.f32 v3, v29  }
0x1ba: {  	v0 =	vadd.f32 v0, v25  }
0x1bb: {  	v3 =	vadd.f32 v3, v26  }
0x1bc: {  	[tilespmem:s9+$0xFFFFFEE0] =	vst v0  }
0x1bd: {  	[tilespmem:s9+$0xFFFFFEF0] =	vst v3  }
0x1be: {  	v22 =	vld [tilespmem:$0x1FFE0];
	_ =	sdelay $0x1  }
0x1bf: {  	v4 =	vmul.f32 v4, v30  }
0x1c0: {  	v2 =	vmul.f32 v2, v31  }
0x1c1: {  	v7 =	vmul.f32 v62, v51;
	v0 =	vadd.f32 v4, v23  }
0x1c2: {  	v4 =	vmul.f32 v48, v60;
	v2 =	vadd.f32 v2, v22  }
0x1c3: {  	v3 =	vmul.f32 v47, v11;
	[tilespmem:s9+$0xFFFFFF00] =	vst v0;
	v0 =	vadd.f32 v7, v25  }
0x1c4: {  	v7 =	vmul.f32 v45, v36;
	[tilespmem:s9+$0xFFFFFF10] =	vst v2;
	v2 =	vadd.f32 v4, v26  }
0x1c5: {  	[tilespmem:s9+$0xFFFFFF28] =	vst v0;
	v0 =	vadd.f32 v3, v23;
	v4 =	vmul.f32 v42, v40  }
0x1c6: {  	v3 =	vmul.f32 v18, v58;
	[tilespmem:s14+$0xFFFFFF38] =	vst v2;
	v2 =	vadd.f32 v7, v22  }
0x1c7: {  	[tilespmem:s14+$0xFFFFFF48] =	vst v0;
	v0 =	vadd.f32 v4, v25  }
0x1c8: {  	v7 =	vmul.f32 v17, v27;
	[tilespmem:s14+$0xFFFFFF58] =	vst v2;
	v2 =	vadd.f32 v3, v26  }
0x1c9: {  	v4 =	vmul.f32 v6, v39;
	[tilespmem:s14+$0xFFFFFF70] =	vst v0  }
0x1ca: {  	v0 =	vadd.f32 v7, v23;
	v6 =	vld [tilespmem:$0x1FE60];
	[tilespmem:s14+$0xFFFFFF80] =	vst v2  }
0x1cb: {  	v3 =	vmul.f32 v14, v10;
	v2 =	vadd.f32 v4, v22;
	v4 =	vld [tilespmem:$0x1FE80]  }
0x1cc: {  	[tilespmem:s14+$0xFFFFFF90] =	vst v0  }
0x1cd: {  	v0 =	vadd.f32 v3, v25;
	v3 =	vld [tilespmem:$0x1FE90];
	_ =	sdelay $0x1  }
0x1ce: {  	v6 =	vmul.f32 v33, v6  }
0x1cf: {  	[tilespmem:s14+$0xFFFFFFA0] =	vst v2;
	v4 =	vmul.f32 v34, v4  }
0x1d0: {  	v2 =	vadd.f32 v6, v26;
	v6 =	vld [tilespmem:$0x1FEA0];
	[tilespmem:s14+$0xFFFFFFB8] =	vst v0  }
0x1d1: {  	v3 =	vmul.f32 v32, v3;
	v0 =	vadd.f32 v4, v23;
	v4 =	vld [tilespmem:$0x1FEB0]  }
0x1d2: {  	[tilespmem:s14+$0xFFFFFFC8] =	vst v2  }
0x1d3: {  	v2 =	vadd.f32 v3, v22;
	v3 =	vld [tilespmem:$0x1FED0];
	_ =	sdelay $0x1  }
0x1d4: {  	v6 =	vmul.f32 v24, v6  }
0x1d5: {  	v4 =	vmul.f32 v21, v4  }
0x1d6: {  	[tilespmem:s14+$0xFFFFFFD8] =	vst v0;
	v0 =	vadd.f32 v6, v25  }
0x1d7: {  	v6 =	vld [tilespmem:$0x1FEF0];
	[tilespmem:s14+$0xFFFFFFE8] =	vst v2;
	v3 =	vmul.f32 v19, v3;
	v2 =	vadd.f32 v4, v26  }
0x1d8: {  	v4 =	vld [tilespmem:$0x1FF10];
	[tilespmem:s14+$0x0] =	vst v0  }
0x1d9: {  	v0 =	vadd.f32 v3, v23;
	v3 =	vmul.f32 v5, v13;
	v5 =	vld [tilespmem:$0x1FF20];
	[tilespmem:s14+$0x10] =	vst v2  }
0x1da: {  	v7 =	vld [tilespmem:$0x1FF30];
	_ =	sdelay $0x1  }
0x1db: {  	v6 =	vmul.f32 v20, v6  }
0x1dc: {  	v4 =	vmul.f32 v15, v4  }
0x1dd: {  	v2 =	vadd.f32 v6, v22;
	v6 =	vmul.f32 v1, v49;
	v5 =	vmul.f32 v9, v5  }
0x1de: {  	[tilespmem:s14+$0x20] =	vst v0;
	v3 =	vmul.f32 v3, v56;
	v0 =	vadd.f32 v4, v25;
	v7 =	vmul.f32 v8, v7  }
0x1df: {  	v4 =	vmul.f32 v1, v12;
	[tilespmem:s14+$0x30] =	vst v2;
	v6 =	vmul.f32 v6, v38;
	v2 =	vadd.f32 v5, v26  }
0x1e0: {  	v5 =	vmul.f32 v1, v50;
	v1 =	vmul.f32 v1, v13;
	[tilespmem:s14+$0x48] =	vst v0;
	v0 =	vadd.f32 v7, v23  }
0x1e1: {  	v4 =	vmul.f32 v4, v46;
	[tilespmem:s14+$0x58] =	vst v2;
	v2 =	vadd.f32 v3, v22  }
0x1e2: {  	v1 =	vmul.f32 v1, v44;
	[tilespmem:s14+$0x68] =	vst v0;
	v0 =	vadd.f32 v6, v25  }
0x1e3: {  	v3 =	vmul.f32 v5, v37;
	[tilespmem:s14+$0x78] =	vst v2;
	v2 =	vadd.f32 v4, v26  }
0x1e4: {  	v1 =	vadd.f32 v1, v22;
	[tilespmem:s14+$0x90] =	vst v0  }
0x1e5: {  	v0 =	vadd.f32 v3, v23;
	[tilespmem:s14+$0xA0] =	vst v2  }
0x1e6: {  	[tilespmem:s14+$0xC0] =	vst v1  }
0x1e7: {  	[tilespmem:s14+$0xB0] =	vst v0  }
0x1e8: {  	v10 =	vld [tilespmem:s10+$0x14A40]  }
0x1e9: {  	v11 =	vld [tilespmem:s10+$0x14A50]  }
0x1ea: {  	v8 =	vld [tilespmem:s10+$0x14A60]  }
0x1eb: {  	s4 =	simm.s32 $0x23F0;
	v9 =	vld [tilespmem:s10+$0x14A70]  }
0x1ec: {  	v0 =	vld [tilespmem:s4+$0xFFFFFFD0]  }
0x1ed: {  	v1 =	vld [tilespmem:s4+$0xFFFFFFE0]  }
0x1ee: {  	v2 =	vld [tilespmem:s4+$0xFFFFFFF0]  }
0x1ef: {  	v3 =	vld [tilespmem:s4+$0x0];
	_ =	sdelay $0x3  }
0x1f0: {  	v36 =	vadd.f32 v0, v10;
	v35 =	vadd.f32 v1, v11  }
0x1f1: {  	v5 =	vld [tilespmem:s4+$0xFFFFFE20];
	v34 =	vadd.f32 v2, v8;
	v17 =	vadd.f32 v3, v9  }
0x1f2: {  	v13 =	vld [tilespmem:s4+$0xFFFFFE30];
	v0 =	vadd.f32 v35, v36  }
0x1f3: {  	v14 =	vld [tilespmem:s4+$0xFFFFFE80];
	v2 =	vadd.f32 v17, v34;
	v3 =	vmul.f32 v36, v36;
	v4 =	vmul.f32 v35, v35  }
0x1f4: {  	v1 =	vld [tilespmem:s4+$0xFFFFFE70];
	v6 =	vmul.f32 v34, v34;
	v7 =	vmul.f32 v17, v17  }
0x1f5: {  	v41 =	vld [tilespmem:s4+$0xFFFFFF20];
	v0 =	vadd.f32 v2, v0  }
0x1f6: {  	v2 =	vld [tilespmem:s4+$0xFFFFFE40];
	v3 =	vadd.f32 v4, v3;
	v4 =	vadd.f32 v7, v6  }
0x1f7: {  	v7 =	vld [tilespmem:s4+$0xFFFFFE60]  }
0x1f8: {  	v6 =	vld [tilespmem:s4+$0xFFFFFE50];
	(xrf2) =	vadd.scan.msk.f32 $0xffff, v0;
	v0 =	vadd.f32 v4, v3  }
0x1f9: {  	v27 =	vadd.f32 v1, v8;
	v1 =	vld [tilespmem:s4+$0xFFFFFEF0]  }
0x1fa: {  	v4 =	vadd.f32 v5, v11;
	v5 =	vld [tilespmem:s4+$0xFFFFFEA0];
	(xrf2) =	vadd.scan.msk.f32 $0xffff, v0  }
0x1fb: {  	v26 =	vadd.f32 v14, v9;
	v3 =	vadd.f32 v13, v8;
	v13 =	vld [tilespmem:s4+$0xFFFFFEB0]  }
0x1fc: {  	v42 =	vadd.f32 v41, v11;
	v33 =	vadd.f32 v7, v11;
	v7 =	vld [tilespmem:s4+$0xFFFFFED0]  }
0x1fd: {  	v40 =	vmul.f32 v26, v26;
	v38 =	vmul.f32 v27, v27;
	v39 =	vadd.f32 v26, v27;
	v0 =	vld [tilespmem:s4+$0xFFFFFE90]  }
0x1fe: {  	v15 =	vmul.f32 v4, v4;
	v2 =	vadd.f32 v2, v9;
	v32 =	vadd.f32 v6, v10  }
0x1ff: {  	v16 =	vmul.f32 v3, v3;
	v6 =	vld [tilespmem:s4+$0xFFFFFEC0];
	v38 =	vadd.f32 v40, v38;
	v63 =	vadd.f32 v1, v8  }
0x200: {  	v28 =	vmul.f32 v2, v2;
	v30 =	vadd.f32 v2, v3;
	v19 =	vadd.f32 v5, v11  }
0x201: {  	v14 =	vld [tilespmem:s4+$0xFFFFFF10];
	v29 =	vmul.f32 v32, v32;
	v37 =	vadd.f32 v33, v32;
	v61 =	vadd.f32 v7, v10  }
0x202: {  	v31 =	vmul.f32 v33, v33;
	v20 =	vadd.f32 v13, v8;
	v18 =	vadd.f32 v0, v10;
	v0 =	vld [tilespmem:s4+$0xFFFFFEE0];
	v5, _, _ =	vpop (xrf2)  }
0x203: {  	v13 =	vld [tilespmem:s4+$0xFFFFFF00];
	v28 =	vadd.f32 v28, v16;
	v37 =	vadd.f32 v39, v37;
	[tilespmem:$0x1F990] =	vst v61;
	v5 =	vmul.f32 $1.562500000e-02, v5  }
0x204: {  	v40 =	vmul.f32 v42, v42;
	v29 =	vadd.f32 v31, v29;
	v25 =	vadd.f32 v6, v9;
	v7 =	vld [tilespmem:s4+$0xFFFFFF30];
	v21, _, _ =	vpop (xrf2)  }
0x205: {  	v6 =	vadd.f32 v19, v18;
	v62 =	vld [tilespmem:s4+$0xFFFFFE10];
	v23 =	vmul.f32 $1.562500000e-02, v21;
	v24 =	vmul.f32 v5, v5  }
0x206: {  	v54 =	vmul.f32 v63, v63;
	v29 =	vadd.f32 v38, v29;
	v43 =	vadd.f32 v25, v20;
	v55 =	vld [tilespmem:s4+$0xFFFFFF40]  }
0x207: {  	v46 =	vmul.f32 v19, v19;
	v21 =	vadd.f32 v0, v11;
	v0 =	vsub.f32 v23, v24  }
0x208: {  	v47 =	vmul.f32 v20, v20;
	v6 =	vadd.f32 v43, v6;
	v23 =	vadd.f32 v13, v9  }
0x209: {  	v44 =	vmul.f32 v18, v18;
	v50 =	vld [tilespmem:s4+$0xFFFFFF50];
	[tilespmem:$0x1F9B0] =	vst v63;
	v24 =	vadd.f32 v14, v10;
	v14 =	vadd.f32 $9.999999740e-06, v0  }
0x20a: {  	v48 =	vmul.f32 v25, v25;
	v45 =	vld [tilespmem:s4+$0xFFFFFF70];
	v1 =	vadd.f32 v21, v61;
	v53 =	vadd.f32 v62, v10  }
0x20b: {  	v58 =	vld [tilespmem:s4+$0xFFFFFF80];
	v62 =	vadd.f32 v55, v9;
	v0 =	vadd.f32 v7, v8;
	v7 =	vbroadcast v14, $0xF  }
0x20c: {  	v59 =	vld [tilespmem:s4+$0xFFFFFF90];
	v13 =	vmul.f32 v61, v61;
	v52 =	vadd.f32 v23, v63;
	v57 =	vadd.f32 v4, v53  }
0x20d: {  	v41 =	vld [tilespmem:s4+$0xFFFFFF60];
	v55 =	vadd.f32 v42, v24;
	v56 =	vshrl.u32 v7, $0x1;
	v7 =	vmul.f32 $5.000000000e-01, v7  }
0x20e: {  	v63 =	vadd.f32 v50, v10;
	v16 =	vadd.f32 v30, v57;
	v57 =	vld [tilespmem:s4+$0xFFFFFFA0];
	[tilespmem:$0x1FA00] =	vst v0;
	v50 =	vsub.s32 $0x5F3759DF, v56  }
0x20f: {  	v45 =	vadd.f32 v45, v8;
	[tilespmem:$0x1FA20] =	vst v62;
	v56 =	vmul.f32 v53, v53;
	v60 =	vmul.f32 v50, v7  }
0x210: {  	v51 =	vmul.f32 v21, v21;
	v43 =	vadd.f32 v58, v9;
	v58 =	vadd.f32 v46, v44;
	v31 =	vld [tilespmem:s4+$0xFFFFFFC0]  }
0x211: {  	v46 =	vadd.f32 v59, v10;
	v56 =	vadd.f32 v15, v56;
	v15 =	vld [tilespmem:s4+$0xFFFFFFB0];
	v60 =	vmul.f32 v50, v60  }
0x212: {  	v39 =	vmul.f32 v24, v24;
	v61 =	vadd.f32 v62, v0;
	v14 =	vadd.f32 v41, v11  }
0x213: {  	v41 =	vmul.f32 v0, v0;
	v30 =	vmul.f32 v23, v23;
	v60 =	vsub.f32 $1.500000000e+00, v60  }
0x214: {  	v59 =	vadd.f32 v43, v45;
	v61 =	vadd.f32 v61, v55;
	v55 =	vmul.f32 v46, v46  }
0x215: {  	(xrf2) =	vadd.scan.msk.f32 $0xffff, v16;
	v30 =	vadd.f32 v30, v54;
	v44 =	vadd.f32 v57, v11;
	v50 =	vmul.f32 v50, v60  }
0x216: {  	v0 =	vmovc v63;
	(xrf2) =	vadd.scan.msk.f32 $0xffff, v37;
	[tilespmem:$0x1FA40] =	vst v63;
	v16 =	vadd.f32 v31, v9;
	v15 =	vadd.f32 v15, v8  }
0x217: {  	v63 =	vadd.f32 v14, v63;
	[tilespmem:$0x1F970] =	vst v8;
	v8 =	vadd.f32 v52, v1;
	v37 =	vmul.f32 v50, v7  }
0x218: {  	(xrf2) =	vadd.scan.msk.f32 $0xffff, v6;
	v60 =	vmul.f32 v62, v62;
	v62 =	vadd.f32 v44, v46;
	v6 =	vadd.f32 v16, v15  }
0x219: {  	v31 =	vadd.f32 v48, v47;
	v48 =	vadd.f32 v59, v63;
	(xrf2) =	vadd.scan.msk.f32 $0xffff, v8;
	v37 =	vmul.f32 v37, v50  }
0x21a: {  	v57 =	vmul.f32 v0, v0;
	v47 =	vmul.f32 v14, v14;
	(xrf2) =	vadd.scan.msk.f32 $0xffff, v61;
	v6 =	vadd.f32 v6, v62  }
0x21b: {  	v59 =	vmul.f32 v45, v45;
	v28 =	vadd.f32 v28, v56;
	(xrf2) =	vadd.scan.msk.f32 $0xffff, v48;
	v37 =	vsub.f32 $1.500000000e+00, v37  }
0x21c: {  	v54 =	vadd.f32 v40, v39;
	v63 =	vmul.f32 v44, v44;
	v8 =	vmul.f32 v43, v43;
	(xrf2) =	vadd.scan.msk.f32 $0xffff, v6  }
0x21d: {  	v61 =	vadd.f32 v60, v41;
	v48 =	vadd.f32 v51, v13;
	(xrf2) =	vadd.scan.msk.f32 $0xffff, v28;
	v13 =	vmul.f32 v37, v50  }
0x21e: {  	v63 =	vadd.f32 v63, v55;
	v56 =	vmul.f32 v15, v15;
	v6 =	vmul.f32 v16, v16  }
0x21f: {  	v62, _, _ =	vpop (xrf2);
	v8 =	vadd.f32 v8, v59;
	v39 =	vadd.f32 v61, v54;
	v7 =	vmul.f32 v13, v7  }
0x220: {  	v38 =	vmul.f32 $1.562500000e-02, v62;
	v28 =	vadd.f32 v47, v57;
	v57, _, _ =	vpop (xrf2);
	v6 =	vadd.f32 v6, v56  }
0x221: {  	(xrf2) =	vadd.scan.msk.f32 $0xffff, v29;
	v29 =	vadd.f32 v31, v58;
	v31 =	vmul.f32 $1.562500000e-02, v57;
	v7 =	vmul.f32 v7, v13  }
0x222: {  	v30 =	vadd.f32 v30, v48;
	v51 =	vmul.f32 v38, v38;
	v58, _, _ =	vpop (xrf2);
	v40 =	vadd.f32 v6, v63;
	v6 =	vld [tilespmem:$0x1FFA0]  }
0x223: {  	v50 =	vbroadcast v38, $0xF;
	v37 =	vmul.f32 $1.562500000e-02, v58;
	(xrf2) =	vadd.scan.msk.f32 $0xffff, v29;
	v59, _, _ =	vpop (xrf2);
	v7 =	vsub.f32 $1.500000000e+00, v7  }
0x224: {  	v8 =	vadd.f32 v8, v28;
	v38 =	vbroadcast v31, $0xF;
	v60 =	vmul.f32 v31, v31;
	v48, _, _ =	vpop (xrf2)  }
0x225: {  	v28 =	vsub.f32 v53, v50;
	(xrf2) =	vadd.scan.msk.f32 $0xffff, v30;
	v31, _, _ =	vpop (xrf2);
	v7 =	vmul.f32 v7, v13;
	v13 =	vbroadcast v5, $0xF  }
0x226: {  	v29 =	vsub.f32 v4, v50;
	v54 =	vmul.f32 v37, v37;
	v5 =	vmul.f32 $1.562500000e-02, v59;
	v61, _, _ =	vpop (xrf2)  }
0x227: {  	(xrf2) =	vadd.scan.msk.f32 $0xffff, v39;
	v30, _, _ =	vpop (xrf2);
	v6 =	vmul.f32 v7, v6;
	v1 =	vsub.f32 v17, v13;
	v62 =	vmul.f32 v7, v49  }
0x228: {  	[tilespmem:$0x1F960] =	vst v11;
	v11 =	vsub.f32 v27, v38;
	v63 =	vmul.f32 v7, v12;
	v4 =	vmul.f32 $1.562500000e-02, v30  }
0x229: {  	v30 =	vsub.f32 v3, v50;
	v36 =	vsub.f32 v36, v13;
	v47 =	vmul.f32 v6, v1  }
0x22a: {  	v6 =	vmul.f32 $1.562500000e-02, v48;
	v1 =	vld [tilespmem:$0x1FF90];
	v48 =	vmul.f32 $1.562500000e-02, v31;
	v3 =	vsub.f32 v4, v51  }
0x22b: {  	v57 =	vmul.f32 v5, v5;
	v31 =	vsub.f32 v2, v50;
	v2 =	vmul.f32 $1.562500000e-02, v61  }
0x22c: {  	v0 =	vmul.f32 v62, v36;
	v4, _, _ =	vpop (xrf2);
	v39 =	vmul.f32 v48, v48;
	v3 =	vadd.f32 $9.999999740e-06, v3  }
0x22d: {  	v35 =	vsub.f32 v35, v13;
	(xrf2) =	vadd.scan.msk.f32 $0xffff, v8;
	v8 =	vmul.f32 v2, v2;
	v4 =	vmul.f32 $1.562500000e-02, v4;
	v59, _, _ =	vpop (xrf2)  }
0x22e: {  	v34 =	vsub.f32 v34, v13;
	v3 =	vbroadcast v3, $0xF;
	v50 =	vmul.f32 $1.562500000e-02, v59  }
0x22f: {  	(xrf2) =	vadd.scan.msk.f32 $0xffff, v40;
	v61, _, _ =	vpop (xrf2);
	v1 =	vmul.f32 v7, v1;
	v7 =	vmul.f32 v6, v6;
	v4 =	vsub.f32 v4, v60  }
0x230: {  	[tilespmem:$0x1F980] =	vst v9;
	v40 =	vmul.f32 $1.562500000e-02, v61;
	v60 =	vshrl.u32 v3, $0x1;
	v9 =	vmul.f32 $5.000000000e-01, v3  }
0x231: {  	v59, _, _ =	vpop (xrf2);
	v3 =	vsub.f32 v50, v54;
	v4 =	vadd.f32 $9.999999740e-06, v4;
	v36 =	vsub.s32 $0x5F3759DF, v60  }
0x232: {  	v13 =	vmul.f32 v1, v34;
	v58 =	vsub.f32 v40, v57;
	v40 =	vmul.f32 $1.562500000e-02, v59  }
0x233: {  	v56 =	vadd.f32 $9.999999740e-06, v3;
	v62 =	vbroadcast v4, $0xF;
	v4 =	vmul.f32 v63, v35  }
0x234: {  	v63 =	vmul.f32 v36, v9;
	v34 =	vadd.f32 $9.999999740e-06, v58;
	v7 =	vsub.f32 v40, v7  }
0x235: {  	v52 =	vbroadcast v56, $0xF;
	v1 =	vmul.f32 $5.000000000e-01, v62;
	v50 =	vshrl.u32 v62, $0x1  }
0x236: {  	v35 =	vmul.f32 v36, v63;
	v34 =	vbroadcast v34, $0xF;
	v7 =	vadd.f32 $9.999999740e-06, v7  }
0x237: {  	v50 =	vsub.s32 $0x5F3759DF, v50;
	v60 =	vshrl.u32 v52, $0x1;
	v52 =	vmul.f32 $5.000000000e-01, v52;
	v61, _, _ =	vpop (xrf2)  }
0x238: {  	v53 =	vsub.s32 $0x5F3759DF, v60;
	v40 =	vmul.f32 $1.562500000e-02, v61;
	v62 =	vmul.f32 v50, v1  }
0x239: {  	v51 =	vshrl.u32 v34, $0x1;
	v57 =	vmul.f32 $5.000000000e-01, v34;
	v61, _, _ =	vpop (xrf2);
	v7 =	vbroadcast v7, $0xF  }
0x23a: {  	v63 =	vmul.f32 v53, v52;
	v60 =	vsub.f32 v40, v39;
	v39 =	vmul.f32 $1.562500000e-02, v61  }
0x23b: {  	v40 =	vsub.s32 $0x5F3759DF, v51;
	v54 =	vmul.f32 v50, v62;
	v58 =	vmul.f32 $5.000000000e-01, v7  }
0x23c: {  	v7 =	vshrl.u32 v7, $0x1;
	v56 =	vmul.f32 v40, v57;
	v55 =	vmul.f32 v53, v63  }
0x23d: {  	v7 =	vsub.s32 $0x5F3759DF, v7;
	v34 =	vadd.f32 $9.999999740e-06, v60;
	v8 =	vsub.f32 v39, v8  }
0x23e: {  	v35 =	vsub.f32 $1.500000000e+00, v35;
	v63 =	vmul.f32 v7, v58;
	v62 =	vmul.f32 v40, v56  }
0x23f: {  	v55 =	vsub.f32 $1.500000000e+00, v55;
	v34 =	vbroadcast v34, $0xF;
	v8 =	vadd.f32 $9.999999740e-06, v8  }
0x240: {  	v56 =	vmul.f32 v7, v63;
	v39 =	vsub.f32 $1.500000000e+00, v62;
	v62 =	vmul.f32 v36, v35  }
0x241: {  	[tilespmem:$0x1FA80] =	vst v0;
	v53 =	vmul.f32 v53, v55;
	v41 =	vshrl.u32 v34, $0x1;
	v0 =	vmul.f32 $5.000000000e-01, v34  }
0x242: {  	v34 =	vsub.f32 $1.500000000e+00, v54;
	v8 =	vbroadcast v8, $0xF;
	v54 =	vsub.s32 $0x5F3759DF, v41  }
0x243: {  	v35 =	vsub.f32 $1.500000000e+00, v56;
	v39 =	vmul.f32 v40, v39;
	v59 =	vmul.f32 v54, v0  }
0x244: {  	v27 =	vmul.f32 v62, v9;
	v51 =	vshrl.u32 v8, $0x1;
	v8 =	vmul.f32 $5.000000000e-01, v8  }
0x245: {  	v34 =	vmul.f32 v50, v34;
	v36 =	vmul.f32 v54, v59;
	v59 =	vsub.s32 $0x5F3759DF, v51  }
0x246: {  	v60 =	vsub.f32 v33, v38;
	v41 =	vmul.f32 v53, v52;
	v56 =	vmul.f32 v59, v8  }
0x247: {  	v7 =	vmul.f32 v7, v35;
	v51 =	vsub.f32 v32, v38;
	v32 =	vmul.f32 v34, v1  }
0x248: {  	v33 =	vsub.f32 $1.500000000e+00, v36;
	v40 =	vmul.f32 v59, v56;
	v56 =	vbroadcast v37, $0xF  }
0x249: {  	v36 =	vsub.f32 v26, v38;
	v26 =	vmul.f32 v27, v62;
	v27 =	vmul.f32 v32, v34  }
0x24a: {  	v32 =	vsub.f32 $1.500000000e+00, v40;
	v40 =	vsub.f32 v18, v56;
	v18 =	vmul.f32 v7, v58  }
0x24b: {  	v50 =	vmul.f32 v54, v33;
	v33 =	vmul.f32 v41, v53  }
0x24c: {  	v26 =	vsub.f32 $1.500000000e+00, v26;
	v18 =	vmul.f32 v18, v7  }
0x24d: {  	v5 =	vbroadcast v5, $0xF;
	v63 =	vsub.f32 $1.500000000e+00, v33  }
0x24e: {  	v55 =	vmul.f32 v59, v32;
	v59 =	vmul.f32 v26, v62;
	v18 =	vsub.f32 $1.500000000e+00, v18  }
0x24f: {  	v53 =	vmul.f32 v63, v53;
	v63 =	vsub.f32 v19, v56;
	v19 =	vmul.f32 v50, v0  }
0x250: {  	v7 =	vmul.f32 v18, v7;
	v18 =	vmul.f32 v59, v9;
	v9 =	vsub.f32 v21, v5;
	_ =	sdelay $0x1  }
0x251: {  	v19 =	vmul.f32 v19, v50;
	[tilespmem:$0x1F9A0] =	vst v9;
	v9 =	vld [tilespmem:$0x1F9B0];
	_ =	sdelay $0x1  }
0x252: {  	v19 =	vsub.f32 $1.500000000e+00, v19;
	_ =	sdelay $0x1  }
0x253: {  	v17 =	vmul.f32 v19, v50  }
0x254: {  	v6 =	vbroadcast v6, $0xF;
	v9 =	vsub.f32 v9, v5  }
0x255: {  	v41 =	vsub.f32 v25, v56;
	v25 =	vadd.f32 v47, v22;
	v22 =	vmul.f32 v17, v0;
	v0 =	vld [tilespmem:$0x1FA00]  }
0x256: {  	[tilespmem:$0x1F9C0] =	vst v9;
	v9 =	vsub.f32 v24, v6;
	_ =	sdelay $0x1  }
0x257: {  	[tilespmem:$0x1F9E0] =	vst v9;
	v9 =	vsub.f32 v42, v6;
	_ =	sdelay $0x1  }
0x258: {  	[tilespmem:$0x1F9F0] =	vst v9;
	v9 =	vsub.f32 v0, v6;
	v0 =	vld [tilespmem:$0x1FA20];
	_ =	sdelay $0x3  }
0x259: {  	[tilespmem:$0x1F950] =	vst v10;
	v10 =	vld [tilespmem:$0x1F990]  }
0x25a: {  	v0 =	vsub.f32 v0, v6;
	_ =	sdelay $0x1  }
0x25b: {  	v27 =	vsub.f32 $1.500000000e+00, v27;
	[tilespmem:$0x1FA30] =	vst v0;
	v0 =	vld [tilespmem:$0x1FA40];
	_ =	sdelay $0x1  }
0x25c: {  	v10 =	vsub.f32 v10, v5;
	v54 =	vmul.f32 v27, v34  }
0x25d: {  	v61 =	vmul.f32 v39, v57;
	v38 =	vbroadcast v48, $0xF;
	v5 =	vsub.f32 v23, v5  }
0x25e: {  	v1 =	vmul.f32 v54, v1  }
0x25f: {  	v61 =	vmul.f32 v61, v39;
	[tilespmem:$0x1F9D0] =	vst v5;
	v5 =	vmul.f32 v7, v58;
	v0 =	vsub.f32 v0, v38  }
0x260: {  	v1 =	vmul.f32 v1, v54;
	v18 =	vmul.f32 v18, v59  }
0x261: {  	v26 =	vsub.f32 $1.500000000e+00, v61;
	v5 =	vmul.f32 v5, v7;
	[tilespmem:$0x1FA50] =	vst v0;
	v0 =	vld [tilespmem:$0x1FF90]  }
0x262: {  	v1 =	vsub.f32 $1.500000000e+00, v1;
	v18 =	vsub.f32 $1.500000000e+00, v18;
	v22 =	vmul.f32 v22, v17  }
0x263: {  	v37 =	vmul.f32 v26, v39;
	v5 =	vsub.f32 $1.500000000e+00, v5  }
0x264: {  	v39 =	vmul.f32 v1, v54;
	v18 =	vmul.f32 v18, v59;
	v1 =	vsub.f32 $1.500000000e+00, v22  }
0x265: {  	v7 =	vmul.f32 v5, v7  }
0x266: {  	v5 =	vmul.f32 v1, v17;
	v1 =	vmul.f32 v18, v0;
	v0 =	vsub.f32 v14, v38;
	_ =	sdelay $0x1  }
0x267: {  	[tilespmem:$0x1FA60] =	vst v0;
	v0 =	vld [tilespmem:$0x1FFA0]  }
0x268: {  	v27 =	vsub.f32 v20, v56;
	v20 =	vmul.f32 v55, v8;
	_ =	sdelay $0x1  }
0x269: {  	v20 =	vmul.f32 v20, v55  }
0x26a: {  	v3 =	vbroadcast v2, $0xF  }
0x26b: {  	v2 =	vsub.f32 $1.500000000e+00, v20;
	v59 =	vmul.f32 v18, v0;
	v0 =	vsub.f32 v45, v38;
	_ =	sdelay $0x1  }
0x26c: {  	v2 =	vmul.f32 v2, v55;
	[tilespmem:$0x1FA70] =	vst v0;
	v0 =	vld [tilespmem:$0x1FF90];
	_ =	sdelay $0x1  }
0x26d: {  	v8 =	vmul.f32 v2, v8;
	_ =	sdelay $0x1  }
0x26e: {  	v19 =	vmul.f32 v53, v52;
	v8 =	vmul.f32 v8, v2  }
0x26f: {  	v42 =	vmul.f32 v39, v0;
	v0 =	vld [tilespmem:$0x1FFA0]  }
0x270: {  	v35 =	vld [tilespmem:$0x1FFC0];
	v21 =	vmul.f32 v37, v57;
	v19 =	vmul.f32 v19, v53;
	v8 =	vsub.f32 $1.500000000e+00, v8  }
0x271: {  	v34 =	vld [tilespmem:$0x1FFB0]  }
0x272: {  	v21 =	vmul.f32 v21, v37;
	v19 =	vsub.f32 $1.500000000e+00, v19;
	v2 =	vmul.f32 v8, v2;
	v8 =	vld [tilespmem:$0x1FA80]  }
0x273: {  	[tilespmem:$0x1FA10] =	vst v9;
	v9 =	vld [tilespmem:$0x1FF90]  }
0x274: {  	v21 =	vsub.f32 $1.500000000e+00, v21;
	v20 =	vmul.f32 v19, v53;
	v19 =	vmul.f32 v39, v0;
	v0 =	vld [tilespmem:$0x1FFA0]  }
0x275: {  	v22 =	vld [tilespmem:$0x1FFD0]  }
0x276: {  	v48 =	vmul.f32 v39, v49;
	v52 =	vmul.f32 v21, v37  }
0x277: {  	s21 =	simm.s32 $0x12828;
	v47 =	vmul.f32 v18, v49;
	v62 =	vmul.f32 v18, v12;
	v8 =	vadd.f32 v8, v34  }
0x278: {  	v17 =	vmul.f32 v20, v12;
	v14 =	vmul.f32 v20, v9;
	[tilespmem:s21+$0x0] =	vst v25  }
0x279: {  	v4 =	vadd.f32 v4, v35;
	v18 =	vmul.f32 v20, v49;
	v6 =	vmul.f32 v20, v0;
	v20 =	vld [tilespmem:$0x1FFA0];
	[tilespmem:s21+$0xFFFFFFD0] =	vst v8  }
0x27a: {  	v37 =	vmul.f32 v52, v12;
	v26 =	vmul.f32 v7, v49;
	v8 =	vadd.f32 v13, v22;
	v13 =	vld [tilespmem:$0x1FFA0]  }
0x27b: {  	v61 =	vsub.f32 v43, v38;
	v21 =	vmul.f32 v5, v49;
	v32 =	vmul.f32 v52, v9  }
0x27c: {  	v24 =	vmul.f32 v7, v9;
	v45 =	vmul.f32 v39, v12;
	v39 =	vsub.f32 v46, v3  }
0x27d: {  	v25 =	vmul.f32 v7, v12;
	v46 =	vsub.f32 v16, v3;
	v16 =	vmul.f32 v5, v9  }
0x27e: {  	v38 =	vsub.f32 v44, v3;
	v0 =	vmul.f32 v52, v49;
	[tilespmem:s21+$0xFFFFFFE0] =	vst v4;
	v33 =	vmul.f32 v52, v20  }
0x27f: {  	s16 =	simm.s32 $0x25F0;
	s10 =	simm.s32 $0x12828;
	s4 =	simm.s32 $0x0;
	v44 =	vsub.f32 v15, v3;
	[tilespmem:s21+$0xFFFFFFF0] =	vst v8;
	v20 =	vmul.f32 v5, v12;
	v23 =	vmul.f32 v7, v13  }
.LBB2_5:
0x280: {  	v4 =	vmul.f32 v5, v13;
	v5 =	vmul.f32 v2, v12  }
0x281: {  	[tilespmem:$0x1F730] =	vst v16  }
0x282: {  	v3 =	vld [tilespmem:s16+$0xFFFFFFD0];
	[tilespmem:$0x1F800] =	vst v5;
	v5 =	vmul.f32 v2, v9  }
0x283: {  	v15 =	vld [tilespmem:s16+$0xFFFFFE20];
	[tilespmem:$0x1F7C0] =	vst v4;
	v9 =	vmul.f32 v59, v31  }
0x284: {  	v12 =	vld [tilespmem:$0x1F970];
	v4 =	vmul.f32 v2, v49;
	[tilespmem:$0x1F820] =	vst v5  }
0x285: {  	v5 =	vld [tilespmem:s16+$0xFFFFFFF0];
	[tilespmem:$0x1F710] =	vst v9;
	v9 =	vmul.f32 v48, v51  }
0x286: {  	v16 =	vld [tilespmem:s16+$0xFFFFFE30];
	v2 =	vmul.f32 v2, v13;
	[tilespmem:$0x1F7E0] =	vst v4  }
0x287: {  	v4 =	vld [tilespmem:s16+$0xFFFFFFE0];
	[tilespmem:$0x1F720] =	vst v9;
	v9 =	vmul.f32 v45, v60  }
0x288: {  	v7 =	vmul.f32 v47, v28;
	[tilespmem:$0x1F850] =	vst v2;
	v2 =	vld [tilespmem:s16+$0x0]  }
0x289: {  	v8 =	vmul.f32 v62, v29;
	[tilespmem:$0x1F890] =	vst v9;
	v9 =	vmul.f32 v42, v11;
	v11 =	vld [tilespmem:$0x1F960]  }
0x28a: {  	v1 =	vmul.f32 v1, v30;
	v7 =	vadd.f32 v7, v34;
	v13 =	vadd.f32 v5, v12;
	v5 =	vld [tilespmem:$0x1F980]  }
0x28b: {  	v8 =	vadd.f32 v8, v35;
	[tilespmem:$0x1F8A0] =	vst v9;
	v9 =	vld [tilespmem:$0x1F950]  }
0x28c: {  	v62 =	vld [tilespmem:s16+$0xFFFFFE40];
	v1 =	vadd.f32 v1, v22;
	[tilespmem:s21+$0xFFFFFDD8] =	vst v7  }
0x28d: {  	v7 =	vmul.f32 v19, v36;
	[tilespmem:s21+$0xFFFFFDE8] =	vst v8  }
0x28e: {  	[tilespmem:s21+$0xFFFFFDF8] =	vst v1;
	v1 =	vmul.f32 v14, v27  }
0x28f: {  	[tilespmem:$0x1F8B0] =	vst v7;
	v7 =	vmul.f32 v18, v40;
	v22 =	vadd.f32 v16, v12;
	v18 =	vadd.f32 v4, v11  }
0x290: {  	[tilespmem:$0x1F8E0] =	vst v1;
	v1 =	vld [tilespmem:s16+$0xFFFFFE70];
	v19 =	vadd.f32 v3, v9;
	v3 =	vmul.f32 v17, v63;
	v17 =	vadd.f32 v2, v5  }
0x291: {  	[tilespmem:$0x1F8C0] =	vst v7;
	v7 =	vld [tilespmem:s16+$0xFFFFFE50];
	v16 =	vmul.f32 v13, v13;
	v34 =	vadd.f32 v15, v11;
	v4 =	vmul.f32 v6, v41  }
0x292: {  	v14 =	vmul.f32 v18, v18;
	[tilespmem:$0x1F8D0] =	vst v3;
	v3 =	vld [tilespmem:s16+$0xFFFFFE60];
	v2 =	vadd.f32 v18, v19;
	v6 =	vadd.f32 v17, v13  }
0x293: {  	[tilespmem:$0x1F750] =	vst v17;
	v8 =	vmul.f32 v19, v19;
	v17 =	vmul.f32 v17, v17  }
0x294: {  	[tilespmem:$0x1F880] =	vst v13;
	v13 =	vmul.f32 v34, v34;
	v2 =	vadd.f32 v6, v2  }
0x295: {  	[tilespmem:$0x1F8F0] =	vst v4;
	v4 =	vld [tilespmem:s16+$0xFFFFFE80];
	v8 =	vadd.f32 v14, v8;
	v14 =	vadd.f32 v17, v16  }
0x296: {  	v57 =	vld [tilespmem:s16+$0xFFFFFF90];
	v40 =	vadd.f32 v7, v9;
	[tilespmem:$0x1F630] =	vst v13;
	v13 =	vadd.f32 v1, v12  }
0x297: {  	v1 =	vld [tilespmem:s16+$0xFFFFFED0];
	(xrf2) =	vadd.scan.msk.f32 $0xffff, v2;
	v2 =	vadd.f32 v14, v8;
	v36 =	vadd.f32 v3, v11  }
0x298: {  	[tilespmem:$0x1F7D0] =	vst v61;
	v61 =	vld [tilespmem:s16+$0xFFFFFFC0];
	v42 =	vadd.f32 v62, v5;
	v6 =	vmul.f32 v22, v22  }
0x299: {  	[tilespmem:$0x1F840] =	vst v19;
	v3 =	vld [tilespmem:s16+$0xFFFFFEC0];
	(xrf2) =	vadd.scan.msk.f32 $0xffff, v2;
	v2 =	vadd.f32 v36, v40  }
0x29a: {  	v15 =	vld [tilespmem:s16+$0xFFFFFE90];
	[tilespmem:$0x1F600] =	vst v6;
	v14 =	vadd.f32 v4, v5;
	v4 =	vadd.f32 v42, v22  }
0x29b: {  	v19 =	vld [tilespmem:s16+$0xFFFFFEB0];
	[tilespmem:$0x1F640] =	vst v2;
	v2 =	vmul.f32 v13, v13  }
0x29c: {  	[tilespmem:$0x1F620] =	vst v4;
	v8 =	vmul.f32 v14, v14;
	v45 =	vadd.f32 v1, v9;
	v1 =	vld [tilespmem:s16+$0xFFFFFF20]  }
0x29d: {  	v4 =	vmul.f32 v36, v36;
	[tilespmem:$0x1F670] =	vst v2;
	v2 =	vld [tilespmem:s16+$0xFFFFFF00]  }
0x29e: {  	v6 =	vmul.f32 v42, v42;
	[tilespmem:$0x1F680] =	vst v8;
	v8 =	vadd.f32 v3, v5;
	v3 =	vld [tilespmem:s16+$0xFFFFFF10]  }
0x29f: {  	[tilespmem:$0x1F660] =	vst v4;
	v4 =	vld [tilespmem:s16+$0xFFFFFEF0]  }
0x2a0: {  	[tilespmem:$0x1F610] =	vst v6;
	v6 =	vadd.f32 v15, v9;
	v15 =	vld [tilespmem:s16+$0xFFFFFF40]  }
0x2a1: {  	[tilespmem:$0x1F810] =	vst v38;
	v38 =	vadd.f32 v1, v11;
	v1 =	vld [tilespmem:s16+$0xFFFFFF70]  }
0x2a2: {  	[tilespmem:$0x1F860] =	vst v46;
	v46 =	vadd.f32 v2, v5;
	v2 =	vld [tilespmem:s16+$0xFFFFFF50]  }
0x2a3: {  	[tilespmem:$0x1F6E0] =	vst v24;
	v48 =	vadd.f32 v3, v9;
	v3 =	vld [tilespmem:s16+$0xFFFFFF60]  }
0x2a4: {  	[tilespmem:$0x1F700] =	vst v20;
	v0 =	vmul.f32 v0, v10;
	v10 =	vadd.f32 v19, v12;
	v19 =	vld [tilespmem:s16+$0xFFFFFF80];
	v47 =	vadd.f32 v4, v12;
	v4, _, _ =	vpop (xrf2)  }
0x2a5: {  	v52 =	vld [tilespmem:s16+$0xFFFFFFA0];
	[tilespmem:$0x1F690] =	vst v32;
	v20 =	vadd.f32 v61, v5;
	v24 =	vmul.f32 $1.562500000e-02, v4  }
0x2a6: {  	[tilespmem:$0x1F770] =	vst v14;
	v62 =	vadd.f32 v14, v13;
	v14 =	vld [tilespmem:s16+$0xFFFFFF30];
	v32 =	vadd.f32 v15, v5;
	v17, _, _ =	vpop (xrf2)  }
0x2a7: {  	[tilespmem:$0x1F6F0] =	vst v23;
	v4 =	vld [tilespmem:$0x1F600];
	v59 =	vmul.f32 v24, v24;
	v23 =	vadd.f32 v2, v9;
	v2 =	vmul.f32 $1.562500000e-02, v17  }
0x2a8: {  	v35 =	vmov v21;
	[tilespmem:$0x1F740] =	vst v22;
	v21 =	vadd.f32 v1, v12;
	v22 =	vadd.f32 v3, v11;
	v3 =	vld [tilespmem:s16+$0xFFFFFFB0]  }
0x2a9: {  	v1 =	vsub.f32 v2, v59;
	v59 =	vadd.f32 v19, v5;
	v5 =	vld [tilespmem:$0x1F610]  }
0x2aa: {  	v43 =	vld [tilespmem:s16+$0xFFFFFE10]  }
0x2ab: {  	[tilespmem:$0x1F870] =	vst v18;
	v18 =	vld [tilespmem:s16+$0xFFFFFEA0];
	_ =	sdelay $0x1  }
0x2ac: {  	[tilespmem:$0x1F7F0] =	vst v39;
	v39 =	vadd.f32 v14, v12;
	v19 =	vadd.f32 v52, v11  }
0x2ad: {  	v52 =	vadd.f32 v3, v12;
	v12 =	vadd.f32 v5, v4;
	v4 =	vld [tilespmem:$0x1F620]  }
0x2ae: {  	v43 =	vadd.f32 v43, v9  }
0x2af: {  	v7 =	vadd.f32 v18, v11;
	v18 =	vadd.f32 v57, v9  }
0x2b0: {  	v57 =	vadd.f32 $9.999999740e-06, v1;
	v1 =	vadd.f32 v34, v43;
	_ =	sdelay $0x1  }
0x2b1: {  	v1 =	vadd.f32 v4, v1;
	v4 =	vld [tilespmem:$0x1F630]  }
0x2b2: {  	[tilespmem:$0x1F760] =	vst v13  }
0x2b3: {  	[tilespmem:$0x1F780] =	vst v6;
	v13 =	vadd.f32 v7, v6;
	v6 =	vmul.f32 v6, v6  }
0x2b4: {  	v2 =	vmul.f32 v43, v43  }
0x2b5: {  	[tilespmem:$0x1F6C0] =	vst v6  }
0x2b6: {  	[tilespmem:$0x1F7B0] =	vst v8;
	v6 =	vadd.f32 v8, v10;
	v31 =	vmul.f32 v8, v8;
	v8 =	vadd.f32 v4, v2;
	v2 =	vld [tilespmem:$0x1F640];
	_ =	sdelay $0x1  }
0x2b7: {  	[tilespmem:$0x1F900] =	vst v0;
	v0 =	vmul.f32 v40, v40;
	_ =	sdelay $0x1  }
0x2b8: {  	[tilespmem:$0x1F650] =	vst v0;
	v4 =	vld [tilespmem:$0x1F660]  }
0x2b9: {  	v62 =	vadd.f32 v62, v2;
	v2 =	vld [tilespmem:$0x1F650];
	_ =	sdelay $0x4  }
0x2ba: {  	v5 =	vadd.f32 v4, v2;
	v2 =	vld [tilespmem:$0x1F9A0];
	_ =	sdelay $0x4  }
0x2bb: {  	v2 =	vmul.f32 v37, v2  }
0x2bc: {  	v4 =	vld [tilespmem:$0x1F680]  }
0x2bd: {  	[tilespmem:$0x1F910] =	vst v2;
	v2 =	vld [tilespmem:$0x1F670];
	_ =	sdelay $0x3  }
0x2be: {  	(xrf2) =	vadd.scan.msk.f32 $0xffff, v1;
	v1 =	vld [tilespmem:$0x1F9C0]  }
0x2bf: {  	v4 =	vadd.f32 v4, v2;
	v2 =	vld [tilespmem:$0x1F690];
	_ =	sdelay $0x4  }
0x2c0: {  	[tilespmem:$0x1F6B0] =	vst v6;
	v1 =	vmul.f32 v2, v1  }
0x2c1: {  	[tilespmem:$0x1F6A0] =	vst v13;
	v2 =	vld [tilespmem:$0x1F6B0]  }
0x2c2: {  	[tilespmem:$0x1F920] =	vst v1;
	v1 =	vld [tilespmem:$0x1F6A0]  }
0x2c3: {  	v0 =	vld [tilespmem:s16+$0xFFFFFEE0];
	v6 =	vmul.f32 v7, v7;
	_ =	sdelay $0x1  }
0x2c4: {  	[tilespmem:$0x1F6D0] =	vst v6  }
0x2c5: {  	v57 =	vbroadcast v57, $0xF;
	v37 =	vld [tilespmem:$0x1F6D0]  }
0x2c6: {  	v1 =	vadd.f32 v2, v1;
	v2 =	vld [tilespmem:$0x1F6C0]  }
0x2c7: {  	[tilespmem:$0x1F830] =	vst v44;
	v44 =	vadd.f32 v0, v11;
	v0 =	vshrl.u32 v57, $0x1;
	v57 =	vmul.f32 $5.000000000e-01, v57  }
0x2c8: {  	v0 =	vsub.s32 $0x5F3759DF, v0  }
0x2c9: {  	v3 =	vmul.f32 v0, v57  }
0x2ca: {  	v49 =	vmul.f32 v10, v10  }
0x2cb: {  	v30 =	vmul.f32 v45, v45;
	v3 =	vmul.f32 v0, v3;
	v2 =	vadd.f32 v37, v2;
	v37 =	vld [tilespmem:$0x1F9D0]  }
0x2cc: {  	[tilespmem:$0x1F7A0] =	vst v10;
	v17 =	vmul.f32 v18, v18;
	v10 =	vmul.f32 v19, v19  }
0x2cd: {  	v53 =	vmul.f32 v44, v44;
	v51 =	vadd.f32 v32, v39;
	v3 =	vsub.f32 $1.500000000e+00, v3;
	(xrf2) =	vadd.scan.msk.f32 $0xffff, v62  }
0x2ce: {  	v6 =	vmul.f32 v20, v20;
	v15 =	vmul.f32 v21, v21;
	(xrf2) =	vadd.scan.msk.f32 $0xffff, v1;
	v1 =	vadd.f32 v10, v17;
	v10 =	vld [tilespmem:$0x1FA10]  }
0x2cf: {  	v60 =	vadd.f32 v38, v48;
	v16 =	vmul.f32 v22, v22;
	v0 =	vmul.f32 v0, v3;
	v17 =	vld [tilespmem:$0x1F6E0]  }
0x2d0: {  	v9 =	vmov v34;
	v14 =	vmul.f32 v59, v59;
	v34 =	vmul.f32 v33, v37;
	v37 =	vld [tilespmem:$0x1F9F0]  }
0x2d1: {  	v3 =	vadd.f32 v53, v30;
	v30 =	vadd.f32 v51, v60;
	v60 =	vmul.f32 v0, v57  }
0x2d2: {  	[tilespmem:$0x1F790] =	vst v7;
	v58 =	vmul.f32 v23, v23;
	v7 =	vmul.f32 v52, v52  }
0x2d3: {  	v27 =	vadd.f32 v44, v45;
	v14 =	vadd.f32 v14, v15;
	v15 =	vmul.f32 v60, v0  }
0x2d4: {  	v16 =	vadd.f32 v16, v58;
	v7 =	vadd.f32 v6, v7;
	v6 =	vld [tilespmem:$0x1FA30]  }
0x2d5: {  	v33 =	vmul.f32 v25, v37;
	v37 =	vmul.f32 v17, v10;
	v10 =	vsub.f32 $1.500000000e+00, v15;
	v15 =	vld [tilespmem:$0x1F6F0]  }
0x2d6: {  	v8 =	vadd.f32 v12, v8;
	v12 =	vadd.f32 v14, v16;
	v14 =	vld [tilespmem:$0x1F700]  }
0x2d7: {  	v41 =	vmul.f32 v39, v39;
	v63 =	vmul.f32 v32, v32;
	v4 =	vadd.f32 v4, v5;
	v5 =	vld [tilespmem:$0x1FA50]  }
0x2d8: {  	v55 =	vmul.f32 v38, v38;
	v31 =	vadd.f32 v31, v49;
	v50 =	vadd.f32 v46, v47;
	v16 =	vld [tilespmem:$0x1FFB0]  }
0x2d9: {  	v63 =	vadd.f32 v63, v41;
	v54 =	vmul.f32 v47, v47;
	v29 =	vmul.f32 v48, v48;
	v25 =	vld [tilespmem:$0x1F720]  }
0x2da: {  	v49 =	vadd.f32 v50, v27;
	v0 =	vmul.f32 v10, v0;
	v10 =	vld [tilespmem:$0x1FA60];
	v6 =	vmul.f32 v15, v6  }
0x2db: {  	v28 =	vmul.f32 v46, v46;
	v56 =	vadd.f32 v22, v23;
	v13 =	vadd.f32 v59, v21  }
0x2dc: {  	v29 =	vadd.f32 v55, v29;
	(xrf2) =	vadd.scan.msk.f32 $0xffff, v49;
	[tilespmem:$0x1F940] =	vst v6;
	v6 =	vmul.f32 v35, v5;
	v5, _, _ =	vpop (xrf2)  }
0x2dd: {  	v28 =	vadd.f32 v28, v54;
	v13 =	vadd.f32 v13, v56;
	v56 =	vld [tilespmem:$0x1FFE0];
	v5 =	vmul.f32 $1.562500000e-02, v5  }
0x2de: {  	v61 =	vadd.f32 v19, v18;
	v11 =	vadd.f32 v20, v52;
	v15 =	vld [tilespmem:$0x1F710]  }
0x2df: {  	v16 =	vadd.f32 v25, v16;
	v25 =	vld [tilespmem:$0x1F730];
	(xrf2) =	vadd.scan.msk.f32 $0xffff, v30;
	v58 =	vmul.f32 v14, v10;
	v10 =	vbroadcast v5, $0xF  }
0x2e0: {  	v11 =	vadd.f32 v11, v61;
	v1 =	vadd.f32 v7, v1;
	v7 =	vmul.f32 v0, v57;
	v14, _, _ =	vpop (xrf2);
	(xrf2) =	vadd.scan.msk.f32 $0xffff, v13;
	v13 =	vld [tilespmem:$0x1FA70]  }
0x2e1: {  	v17 =	vadd.f32 v63, v29;
	v29 =	vsub.f32 v9, v10;
	v9 =	vld [tilespmem:$0x1F740]  }
0x2e2: {  	v7 =	vmul.f32 v7, v0;
	v41, _, _ =	vpop (xrf2);
	(xrf2) =	vadd.scan.msk.f32 $0xffff, v11;
	v11 =	vld [tilespmem:$0x1F750]  }
0x2e3: {  	v3 =	vadd.f32 v28, v3;
	v15 =	vadd.f32 v15, v56  }
0x2e4: {  	v2 =	vadd.f32 v31, v2;
	v7 =	vsub.f32 $1.500000000e+00, v7  }
0x2e5: {  	v14 =	vmul.f32 $1.562500000e-02, v14;
	v28 =	vsub.f32 v43, v10;
	[tilespmem:s21+$0xFFFFFE08] =	vst v15;
	v15 =	vbroadcast v24, $0xF  }
0x2e6: {  	v0 =	vmul.f32 v7, v0;
	v31 =	vsub.f32 v42, v10;
	v30 =	vsub.f32 v9, v10;
	v10, _, _ =	vpop (xrf2);
	(xrf2) =	vadd.scan.msk.f32 $0xffff, v8;
	v8 =	vld [tilespmem:$0x1F770]  }
0x2e7: {  	v53 =	vmul.f32 v25, v13;
	v25 =	vsub.f32 v11, v15;
	v11 =	vld [tilespmem:$0x1FFA0];
	v9 =	vmul.f32 $1.562500000e-02, v41  }
0x2e8: {  	v55 =	vld [tilespmem:$0x1FF80];
	v13 =	vbroadcast v14, $0xF;
	v10 =	vmul.f32 $1.562500000e-02, v10  }
0x2e9: {  	[tilespmem:s21+$0xFFFFFE20] =	vst v16;
	v7 =	vbroadcast v9, $0xF;
	v16 =	vmul.f32 v9, v9;
	v9 =	vld [tilespmem:$0x1F760]  }
0x2ea: {  	v54 =	vld [tilespmem:$0x1FF70];
	v60 =	vsub.f32 v36, v13;
	v24, _, _ =	vpop (xrf2);
	v57 =	vbroadcast v10, $0xF  }
0x2eb: {  	v36 =	vsub.f32 v8, v13;
	v8 =	vmul.f32 v10, v10;
	v10 =	vmul.f32 $1.562500000e-02, v24;
	v24 =	vld [tilespmem:$0x1FF90]  }
0x2ec: {  	v43 =	vmul.f32 v0, v11  }
0x2ed: {  	v27 =	vld [tilespmem:$0x1F9E0]  }
0x2ee: {  	v51 =	vsub.f32 v40, v13;
	(xrf2) =	vadd.scan.msk.f32 $0xffff, v4;
	v4 =	vld [tilespmem:$0x1F7A0];
	v11 =	vsub.f32 v9, v13;
	v13 =	vmul.f32 v43, v25  }
0x2ef: {  	v35 =	vmul.f32 v0, v54  }
0x2f0: {  	v49 =	vmul.f32 v0, v55;
	v9 =	vld [tilespmem:$0x1F780];
	v24 =	vmul.f32 v0, v24;
	v0 =	vadd.f32 v13, v56  }
0x2f1: {  	s21 =	sadd.s32 $0x240, s21  }
0x2f2: {  	[tilespmem:s21+$0x0] =	vst v0;
	v0 =	vsub.f32 v44, v57  }
0x2f3: {  	v62 =	vmul.f32 v26, v27;
	v27 =	vsub.f32 v4, v7;
	v4, _, _ =	vpop (xrf2);
	(xrf2) =	vadd.scan.msk.f32 $0xffff, v2;
	v2 =	vld [tilespmem:$0x1F7D0]  }
0x2f4: {  	v42 =	vmul.f32 v10, v10;
	v13 =	vbroadcast v10, $0xF;
	v10 =	vld [tilespmem:$0x1F7B0];
	[tilespmem:$0x1F9A0] =	vst v0;
	v0 =	vsub.f32 v47, v57  }
0x2f5: {  	v40 =	vsub.f32 v9, v7;
	v9 =	vld [tilespmem:$0x1F790]  }
0x2f6: {  	[tilespmem:$0x1F9C0] =	vst v0;
	v0 =	vld [tilespmem:$0x1F7C0];
	_ =	sdelay $0x3  }
0x2f7: {  	v41 =	vsub.f32 v10, v7;
	v63 =	vsub.f32 v9, v7  }
0x2f8: {  	v7 =	vmul.f32 $1.562500000e-02, v4;
	v4 =	vmul.f32 v0, v2;
	v0 =	vsub.f32 v46, v57  }
0x2f9: {  	[tilespmem:$0x1F930] =	vst v34  }
0x2fa: {  	v34 =	vmul.f32 v7, v7;
	[tilespmem:$0x1F9D0] =	vst v0;
	v0 =	vbroadcast v7, $0xF;
	v7 =	vsub.f32 v48, v13;
	_ =	sdelay $0x1  }
0x2fb: {  	[tilespmem:$0x1F9E0] =	vst v7;
	v7 =	vsub.f32 v38, v13;
	_ =	sdelay $0x1  }
0x2fc: {  	[tilespmem:$0x1F9F0] =	vst v7;
	v7 =	vsub.f32 v39, v13;
	_ =	sdelay $0x1  }
0x2fd: {  	[tilespmem:$0x1FA10] =	vst v7;
	v7 =	vsub.f32 v32, v13  }
0x2fe: {  	v2, _, _ =	vpop (xrf2);
	(xrf2) =	vadd.scan.msk.f32 $0xffff, v3;
	v3 =	vld [tilespmem:$0x1F7E0]  }
0x2ff: {  	[tilespmem:$0x1FA30] =	vst v7;
	v7 =	vld [tilespmem:$0x1F7F0];
	_ =	sdelay $0x4  }
0x300: {  	v43 =	vmul.f32 v3, v7;
	v7 =	vsub.f32 v22, v0;
	_ =	sdelay $0x1  }
0x301: {  	[tilespmem:$0x1FA60] =	vst v7;
	v7 =	vsub.f32 v21, v0  }
0x302: {  	v61 =	vsub.f32 v59, v0;
	v3 =	vsub.f32 v23, v0;
	v0 =	vld [tilespmem:$0x1F800]  }
0x303: {  	[tilespmem:$0x1FA70] =	vst v7;
	v7 =	vld [tilespmem:$0x1F810];
	_ =	sdelay $0x4  }
0x304: {  	v5 =	vmul.f32 v5, v5;
	v50 =	vmul.f32 v0, v7;
	v0 =	vld [tilespmem:$0x1F820]  }
0x305: {  	v9 =	vmul.f32 $1.562500000e-02, v2;
	v2, _, _ =	vpop (xrf2);
	v7 =	vld [tilespmem:$0x1F830]  }
0x306: {  	v2 =	vmul.f32 $1.562500000e-02, v2;
	_ =	sdelay $0x1  }
0x307: {  	(xrf2) =	vadd.scan.msk.f32 $0xffff, v17;
	v2 =	vsub.f32 v2, v5;
	v5, _, _ =	vpop (xrf2)  }
0x308: {  	v14 =	vmul.f32 v14, v14;
	v5 =	vmul.f32 $1.562500000e-02, v5  }
0x309: {  	[tilespmem:$0x1FA50] =	vst v3;
	v3 =	vbroadcast v9, $0xF;
	v0 =	vmul.f32 v0, v7;
	v7 =	vld [tilespmem:$0x1F840]  }
0x30a: {  	v2 =	vadd.f32 $9.999999740e-06, v2;
	v5 =	vsub.f32 v5, v14  }
0x30b: {  	v39 =	vsub.f32 v18, v3;
	v38 =	vsub.f32 v19, v3  }
0x30c: {  	(xrf2) =	vadd.scan.msk.f32 $0xffff, v12;
	v12 =	vld [tilespmem:$0x1F860];
	v14, _, _ =	vpop (xrf2);
	v44 =	vsub.f32 v52, v3;
	v3 =	vsub.f32 v20, v3  }
0x30d: {  	v17 =	vmul.f32 $1.562500000e-02, v14;
	v14 =	vld [tilespmem:$0x1F880];
	v5 =	vadd.f32 $9.999999740e-06, v5  }
0x30e: {  	v13 =	vmul.f32 v9, v9;
	v2 =	vbroadcast v2, $0xF;
	v9 =	vsub.f32 v7, v15;
	v7 =	vld [tilespmem:$0x1F850]  }
0x30f: {  	(xrf2) =	vadd.scan.msk.f32 $0xffff, v1  }
0x310: {  	v1 =	vmul.f32 $5.000000000e-01, v2;
	v46 =	vmov v3;
	v3, _, _ =	vpop (xrf2);
	v55 =	vmul.f32 v35, v9  }
0x311: {  	v9 =	vshrl.u32 v2, $0x1;
	v2 =	vsub.f32 v17, v16;
	v16 =	vbroadcast v5, $0xF;
	v5, _, _ =	vpop (xrf2)  }
0x312: {  	v14 =	vsub.f32 v14, v15;
	v5 =	vmul.f32 $1.562500000e-02, v5  }
0x313: {  	v10 =	vsub.f32 v45, v57;
	v7 =	vmul.f32 v7, v12;
	v12 =	vld [tilespmem:$0x1F870]  }
0x314: {  	v57 =	vmul.f32 v24, v14;
	v14 =	vshrl.u32 v16, $0x1;
	v5 =	vsub.f32 v5, v42  }
0x315: {  	v3 =	vmul.f32 $1.562500000e-02, v3  }
0x316: {  	v5 =	vadd.f32 $9.999999740e-06, v5  }
0x317: {  	v3 =	vsub.f32 v3, v8;
	v9 =	vsub.s32 $0x5F3759DF, v9;
	v8 =	vsub.s32 $0x5F3759DF, v14;
	v14, _, _ =	vpop (xrf2)  }
0x318: {  	v14 =	vmul.f32 $1.562500000e-02, v14;
	v5 =	vbroadcast v5, $0xF;
	v12 =	vsub.f32 v12, v15  }
0x319: {  	v20, _, _ =	vpop (xrf2);
	v15 =	vadd.f32 $9.999999740e-06, v2;
	v2 =	vmul.f32 $5.000000000e-01, v16;
	v16 =	vadd.f32 $9.999999740e-06, v3  }
0x31a: {  	v20 =	vmul.f32 $1.562500000e-02, v20;
	v22 =	vshrl.u32 v5, $0x1;
	v5 =	vmul.f32 $5.000000000e-01, v5  }
0x31b: {  	v14 =	vsub.f32 v14, v34;
	v54 =	vmul.f32 v49, v12;
	v16 =	vbroadcast v16, $0xF  }
0x31c: {  	v13 =	vsub.f32 v20, v13;
	v12 =	vmul.f32 v9, v1;
	v18 =	vbroadcast v15, $0xF  }
0x31d: {  	v15 =	vmul.f32 v8, v2;
	v19 =	vshrl.u32 v16, $0x1;
	v16 =	vmul.f32 $5.000000000e-01, v16  }
0x31e: {  	v14 =	vadd.f32 $9.999999740e-06, v14;
	v13 =	vadd.f32 $9.999999740e-06, v13;
	v19 =	vsub.s32 $0x5F3759DF, v19  }
0x31f: {  	v17 =	vshrl.u32 v18, $0x1;
	v3 =	vmul.f32 $5.000000000e-01, v18;
	v21 =	vmul.f32 v19, v16  }
0x320: {  	v12 =	vmul.f32 v9, v12;
	v15 =	vmul.f32 v8, v15;
	v17 =	vsub.s32 $0x5F3759DF, v17  }
0x321: {  	v18 =	vmul.f32 v17, v3;
	v20 =	vmul.f32 v19, v21;
	v21 =	vsub.s32 $0x5F3759DF, v22  }
0x322: {  	v14 =	vbroadcast v14, $0xF;
	v22 =	vmul.f32 v21, v5  }
0x323: {  	v13 =	vbroadcast v13, $0xF;
	v18 =	vmul.f32 v17, v18  }
0x324: {  	v23 =	vshrl.u32 v14, $0x1;
	v14 =	vmul.f32 $5.000000000e-01, v14;
	v22 =	vmul.f32 v21, v22  }
0x325: {  	v23 =	vsub.s32 $0x5F3759DF, v23;
	v18 =	vsub.f32 $1.500000000e+00, v18;
	v20 =	vsub.f32 $1.500000000e+00, v20  }
0x326: {  	v12 =	vsub.f32 $1.500000000e+00, v12;
	v24 =	vmul.f32 v23, v14;
	v22 =	vsub.f32 $1.500000000e+00, v22  }
0x327: {  	v15 =	vsub.f32 $1.500000000e+00, v15;
	v17 =	vmul.f32 v17, v18;
	v18 =	vmul.f32 v19, v20;
	v20 =	vld [tilespmem:$0x1FFD0]  }
0x328: {  	v25 =	vshrl.u32 v13, $0x1;
	v13 =	vmul.f32 $5.000000000e-01, v13;
	v19 =	vmul.f32 v21, v22;
	v22 =	vld [tilespmem:$0x1F8B0]  }
0x329: {  	v9 =	vmul.f32 v9, v12;
	v12 =	vmul.f32 v23, v24;
	v24 =	vsub.s32 $0x5F3759DF, v25;
	v21 =	vld [tilespmem:$0x1F8A0]  }
0x32a: {  	v8 =	vmul.f32 v8, v15;
	v15 =	vmul.f32 v24, v13;
	_ =	sdelay $0x1  }
0x32b: {  	v26 =	vld [tilespmem:$0x1F890];
	v15 =	vmul.f32 v24, v15  }
0x32c: {  	v42 =	vld [tilespmem:$0x1F8C0];
	v22 =	vadd.f32 v22, v56  }
0x32d: {  	v25 =	vld [tilespmem:$0x1FFC0];
	v15 =	vsub.f32 $1.500000000e+00, v15;
	v20 =	vadd.f32 v21, v20  }
0x32e: {  	v21 =	vmul.f32 v9, v1;
	[tilespmem:s10+$0xFFFFFE50] =	vst v22;
	v22 =	vld [tilespmem:$0x1FFB0]  }
0x32f: {  	v15 =	vmul.f32 v24, v15;
	[tilespmem:s10+$0xFFFFFE40] =	vst v20;
	v20 =	vmul.f32 v18, v16  }
0x330: {  	v12 =	vsub.f32 $1.500000000e+00, v12;
	v21 =	vmul.f32 v21, v9  }
0x331: {  	v52 =	vmul.f32 v15, v13;
	v20 =	vmul.f32 v20, v18  }
0x332: {  	v12 =	vmul.f32 v23, v12;
	v25 =	vadd.f32 v26, v25;
	v21 =	vsub.f32 $1.500000000e+00, v21  }
0x333: {  	v59 =	vmul.f32 v52, v15;
	v20 =	vsub.f32 $1.500000000e+00, v20;
	v22 =	vadd.f32 v42, v22  }
0x334: {  	v48 =	vld [tilespmem:$0x1F8E0];
	v23 =	vmul.f32 v8, v2;
	[tilespmem:s10+$0xFFFFFE30] =	vst v25;
	v9 =	vmul.f32 v21, v9  }
0x335: {  	v25 =	vmul.f32 v17, v3;
	v18 =	vmul.f32 v20, v18;
	v20 =	vsub.f32 $1.500000000e+00, v59;
	[tilespmem:s10+$0xFFFFFE68] =	vst v22;
	v22 =	vld [tilespmem:$0x1FFD0]  }
0x336: {  	v45 =	vmul.f32 v12, v14;
	v1 =	vmul.f32 v9, v1  }
0x337: {  	v35 =	vld [tilespmem:$0x1FFC0];
	v25 =	vmul.f32 v25, v17;
	v15 =	vmul.f32 v20, v15  }
0x338: {  	v20 =	vld [tilespmem:$0x1F910];
	v16 =	vmul.f32 v18, v16;
	v1 =	vmul.f32 v1, v9  }
0x339: {  	v23 =	vmul.f32 v23, v8;
	v26 =	vmul.f32 v19, v5;
	v21 =	vsub.f32 $1.500000000e+00, v25  }
0x33a: {  	v34 =	vld [tilespmem:$0x1FFB0];
	v16 =	vmul.f32 v16, v18;
	v1 =	vsub.f32 $1.500000000e+00, v1;
	v22 =	vadd.f32 v48, v22  }
0x33b: {  	v26 =	vmul.f32 v26, v19;
	v17 =	vmul.f32 v21, v17;
	v21 =	vld [tilespmem:$0x1F900]  }
0x33c: {  	v9 =	vmul.f32 v1, v9;
	v1 =	vsub.f32 $1.500000000e+00, v16;
	[tilespmem:s10+$0xFFFFFE88] =	vst v22;
	v22 =	vsub.f32 $1.500000000e+00, v23  }
0x33d: {  	v20 =	vadd.f32 v20, v35;
	v23 =	vmul.f32 v45, v12  }
0x33e: {  	v16 =	vmul.f32 v1, v18;
	v1 =	vld [tilespmem:$0x1F940];
	v8 =	vmul.f32 v22, v8;
	v22 =	vsub.f32 $1.500000000e+00, v26  }
0x33f: {  	[tilespmem:s10+$0xFFFFFEC0] =	vst v20;
	v20 =	vld [tilespmem:$0x1F930];
	v23 =	vsub.f32 $1.500000000e+00, v23  }
0x340: {  	v21 =	vadd.f32 v21, v34;
	v19 =	vmul.f32 v22, v19  }
0x341: {  	v12 =	vmul.f32 v23, v12;
	v2 =	vmul.f32 v8, v2  }
0x342: {  	v13 =	vmul.f32 v15, v13;
	[tilespmem:s10+$0xFFFFFEB0] =	vst v21;
	v21 =	vld [tilespmem:$0x1FFD0];
	v5 =	vmul.f32 v19, v5  }
0x343: {  	v22 =	vld [tilespmem:$0x1F920];
	v1 =	vadd.f32 v1, v56;
	v14 =	vmul.f32 v12, v14;
	v2 =	vmul.f32 v2, v8  }
0x344: {  	v20 =	vadd.f32 v20, v56;
	v5 =	vmul.f32 v5, v19  }
0x345: {  	v13 =	vmul.f32 v13, v15;
	[tilespmem:s10+$0xFFFFFF28] =	vst v1;
	v1 =	vld [tilespmem:$0x1FF80];
	v14 =	vmul.f32 v14, v12;
	v2 =	vsub.f32 $1.500000000e+00, v2  }
0x346: {  	v47 =	vld [tilespmem:$0x1F8D0];
	[tilespmem:s10+$0xFFFFFEE0] =	vst v20;
	v20 =	vadd.f32 v33, v35;
	v5 =	vsub.f32 $1.500000000e+00, v5  }
0x347: {  	v49 =	vld [tilespmem:$0x1FF70];
	v13 =	vsub.f32 $1.500000000e+00, v13;
	v8 =	vmul.f32 v2, v8;
	v2 =	vsub.f32 $1.500000000e+00, v14  }
0x348: {  	v24 =	vld [tilespmem:$0x1FFC0];
	v21 =	vadd.f32 v22, v21;
	[tilespmem:s10+$0xFFFFFF08] =	vst v20;
	v20 =	vmul.f32 v5, v19  }
0x349: {  	v5 =	vmul.f32 v2, v12;
	v2 =	vmul.f32 v13, v15;
	v13 =	vld [tilespmem:$0x1FFA0]  }
0x34a: {  	[tilespmem:s10+$0xFFFFFED0] =	vst v21;
	v21 =	vadd.f32 v62, v34;
	v62 =	vmul.f32 v9, v1;
	v1 =	vld [tilespmem:$0x1FF90];
	_ =	sdelay $0x1  }
0x34b: {  	v3 =	vmul.f32 v17, v3  }
0x34c: {  	v4 =	vadd.f32 v4, v56  }
0x34d: {  	v24 =	vadd.f32 v47, v24;
	v3 =	vmul.f32 v3, v17;
	v47 =	vmul.f32 v9, v49;
	v22 =	vld [tilespmem:$0x1FFD0]  }
0x34e: {  	[tilespmem:s10+$0xFFFFFF70] =	vst v4;
	v4 =	vadd.f32 v50, v35;
	v1 =	vmul.f32 v9, v1;
	v59 =	vmul.f32 v9, v13;
	v9 =	vld [tilespmem:$0x1FF90]  }
0x34f: {  	[tilespmem:s10+$0xFFFFFE78] =	vst v24;
	v24 =	vld [tilespmem:$0x1F8F0]  }
0x350: {  	[tilespmem:s10+$0xFFFFFF98] =	vst v4;
	v3 =	vsub.f32 $1.500000000e+00, v3;
	v12 =	vadd.f32 v58, v35  }
0x351: {  	v6 =	vadd.f32 v6, v34;
	[tilespmem:s10+$0xFFFFFEF8] =	vst v21;
	v21 =	vld [tilespmem:$0x1FFD0]  }
0x352: {  	v4 =	vadd.f32 v55, v34;
	v3 =	vmul.f32 v3, v17;
	[tilespmem:s10+$0xFFFFFF50] =	vst v12;
	v12 =	vld [tilespmem:$0x1FF80]  }
0x353: {  	[tilespmem:s10+$0xFFFFFF40] =	vst v6;
	v6 =	vadd.f32 v53, v22;
	v42 =	vmul.f32 v8, v9;
	v9 =	vld [tilespmem:$0x1FF90]  }
0x354: {  	[tilespmem:s21+$0xFFFFFFD0] =	vst v4;
	v24 =	vadd.f32 v24, v56;
	v18 =	vmul.f32 v3, v49;
	v48 =	vmul.f32 v8, v49  }
0x355: {  	v26 =	vmul.f32 v20, v49;
	[tilespmem:s10+$0xFFFFFF60] =	vst v6;
	v6 =	vadd.f32 v43, v34;
	v19 =	vmul.f32 v8, v13  }
0x356: {  	s4 =	sadd.s32 $0x8, s4;
	[tilespmem:s10+$0xFFFFFE98] =	vst v24;
	v33 =	vmul.f32 v16, v13;
	v23 =	vmul.f32 v20, v13;
	v21 =	vadd.f32 v37, v21  }
0x357: {  	p2 =	slt.u32 s4, $0x78;
	[tilespmem:s10+$0xFFFFFF88] =	vst v6;
	v6 =	vmul.f32 v3, v13;
	v45 =	vmul.f32 v8, v12;
	v8 =	vadd.f32 v0, v22  }
.Ltmp1:
0x358: {  	v17 =	vmul.f32 v3, v12;
	[tilespmem:s10+$0xFFFFFF18] =	vst v21;
	v14 =	vmul.f32 v3, v9;
	v3 =	vadd.f32 v7, v56;
	(pc) =	sbr.rel @p2 .LBB2_5-.Ltmp1, $4  }
0x359: {  	v37 =	vmul.f32 v16, v12;
	v25 =	vmul.f32 v20, v12;
	[tilespmem:s10+$0xFFFFFFA8] =	vst v8;
	v7 =	vadd.f32 v54, v35  }
0x35a: {  	v21 =	vmul.f32 v5, v49;
	v0 =	vmul.f32 v16, v49;
	[tilespmem:s10+$0xFFFFFFB8] =	vst v3;
	v3 =	vadd.f32 v57, v22  }
0x35b: {  	s14 =	simm.s32 $0x0;
	v32 =	vmul.f32 v16, v9;
	v24 =	vmul.f32 v20, v9;
	[tilespmem:s21+$0xFFFFFFE0] =	vst v7  }
0x35c: {  	s9 =	simm.s32 $0x1;
	s16 =	sadd.s32 $0x200, s16;
	v20 =	vmul.f32 v5, v12;
	v16 =	vmul.f32 v5, v9;
	s10 =	smov.u32 s21;
	[tilespmem:s21+$0xFFFFFFF0] =	vst v3  }
0x35d: {  	v3 =	vmul.f32 v47, v28  }
0x35e: {  	v4 =	vmul.f32 v62, v29  }
0x35f: {  	v3 =	vadd.f32 v3, v34  }
0x360: {  	v4 =	vadd.f32 v4, v35  }
0x361: {  	[tilespmem:s21+$0xFFFFFDD8] =	vst v3  }
0x362: {  	[tilespmem:s21+$0xFFFFFDE8] =	vst v4  }
0x363: {  	v1 =	vmul.f32 v1, v30;
	v15 =	vld [tilespmem:$0x1FFE0];
	_ =	sdelay $0x1  }
0x364: {  	v8 =	vmul.f32 v48, v51;
	v1 =	vadd.f32 v1, v22  }
0x365: {  	v7 =	vmul.f32 v59, v31  }
0x366: {  	v3 =	vmul.f32 v45, v60;
	[tilespmem:s21+$0xFFFFFDF8] =	vst v1;
	v1 =	vadd.f32 v8, v34  }
0x367: {  	v4 =	vadd.f32 v7, v15;
	v7 =	vmul.f32 v42, v11  }
0x368: {  	v8 =	vmul.f32 v19, v36;
	v3 =	vadd.f32 v3, v35;
	[tilespmem:s21+$0xFFFFFE20] =	vst v1  }
0x369: {  	[tilespmem:s21+$0xFFFFFE08] =	vst v4;
	v4 =	vmul.f32 v18, v40;
	v1 =	vadd.f32 v7, v22  }
0x36a: {  	[tilespmem:s10+$0xFFFFFE30] =	vst v3;
	v3 =	vadd.f32 v8, v15;
	v7 =	vmul.f32 v17, v63  }
0x36b: {  	[tilespmem:s10+$0xFFFFFE40] =	vst v1;
	v1 =	vadd.f32 v4, v34  }
0x36c: {  	[tilespmem:s10+$0xFFFFFE50] =	vst v3;
	v3 =	vadd.f32 v7, v35  }
0x36d: {  	v4 =	vmul.f32 v6, v41;
	[tilespmem:s10+$0xFFFFFE68] =	vst v1  }
0x36e: {  	v6 =	vld [tilespmem:$0x1F9A0];
	[tilespmem:s10+$0xFFFFFE78] =	vst v3  }
0x36f: {  	v8 =	vmul.f32 v14, v27;
	v3 =	vadd.f32 v4, v15;
	v4 =	vld [tilespmem:$0x1F9C0];
	_ =	sdelay $0x1  }
0x370: {  	v0 =	vmul.f32 v0, v10;
	v1 =	vadd.f32 v8, v22;
	_ =	sdelay $0x1  }
0x371: {  	v0 =	vadd.f32 v0, v34;
	[tilespmem:s10+$0xFFFFFE88] =	vst v1;
	v6 =	vmul.f32 v37, v6  }
0x372: {  	v1 =	vld [tilespmem:$0x1F9D0];
	[tilespmem:s10+$0xFFFFFE98] =	vst v3;
	v4 =	vmul.f32 v32, v4  }
0x373: {  	v3 =	vadd.f32 v6, v35;
	v6 =	vld [tilespmem:$0x1F9E0];
	[tilespmem:s10+$0xFFFFFEB0] =	vst v0  }
0x374: {  	v0 =	vadd.f32 v4, v22;
	v4 =	vld [tilespmem:$0x1F9F0]  }
0x375: {  	[tilespmem:s10+$0xFFFFFEC0] =	vst v3  }
0x376: {  	v3 =	vmul.f32 v5, v13;
	v5 =	vld [tilespmem:$0x1FA10];
	[tilespmem:s10+$0xFFFFFED0] =	vst v0  }
0x377: {  	v1 =	vmul.f32 v33, v1;
	v8 =	vld [tilespmem:$0x1FA30]  }
0x378: {  	v6 =	vmul.f32 v26, v6  }
0x379: {  	v1 =	vadd.f32 v1, v15;
	v4 =	vmul.f32 v25, v4  }
0x37a: {  	v0 =	vadd.f32 v6, v34  }
0x37b: {  	[tilespmem:s10+$0xFFFFFEE0] =	vst v1;
	v5 =	vmul.f32 v24, v5;
	v1 =	vadd.f32 v4, v35  }
0x37c: {  	v4 =	vmul.f32 v2, v9;
	v9 =	vld [tilespmem:$0x1FA50];
	v8 =	vmul.f32 v23, v8;
	[tilespmem:s10+$0xFFFFFEF8] =	vst v0  }
0x37d: {  	v0 =	vadd.f32 v5, v22;
	v5 =	vld [tilespmem:$0x1FA60];
	[tilespmem:s10+$0xFFFFFF08] =	vst v1  }
0x37e: {  	v1 =	vadd.f32 v8, v15;
	v8 =	vld [tilespmem:$0x1FA70];
	_ =	sdelay $0x2  }
0x37f: {  	v9 =	vmul.f32 v21, v9  }
0x380: {  	v5 =	vmul.f32 v20, v5  }
0x381: {  	[tilespmem:s10+$0xFFFFFF18] =	vst v0;
	v0 =	vadd.f32 v9, v34;
	v8 =	vmul.f32 v16, v8  }
0x382: {  	v3 =	vmul.f32 v3, v61;
	[tilespmem:s10+$0xFFFFFF28] =	vst v1;
	v1 =	vadd.f32 v5, v35  }
0x383: {  	[tilespmem:s10+$0xFFFFFF40] =	vst v0;
	v0 =	vadd.f32 v8, v22  }
0x384: {  	[tilespmem:s10+$0xFFFFFF50] =	vst v1;
	v1 =	vadd.f32 v3, v15  }
0x385: {  	[tilespmem:s10+$0xFFFFFF60] =	vst v0  }
0x386: {  	v7 =	vmul.f32 v2, v49;
	[tilespmem:s10+$0xFFFFFF70] =	vst v1  }
0x387: {  	v6 =	vmul.f32 v2, v12;
	v27 =	vld [tilespmem:$0x1FFF0]  }
0x388: {  	v7 =	vmul.f32 v7, v39  }
0x389: {  	v2 =	vmul.f32 v2, v13;
	v6 =	vmul.f32 v6, v38  }
0x38a: {  	s1 =	simm.s32 $0x0;
	v4 =	vmul.f32 v4, v44;
	v5 =	vmov s9;
	v3 =	vadd.f32 v7, v34  }
0x38b: {  	v6 =	vadd.f32 v6, v35;
	v7 =	vmov s1;
	v0 =	vand.u32 $0x3F, v5  }
0x38c: {  	v2 =	vmul.f32 v2, v46;
	v1 =	vand.u32 $0x3E, v7;
	[tilespmem:s10+$0xFFFFFF88] =	vst v3;
	v5 =	vadd.s32 v27, v0  }
0x38d: {  	v3 =	vadd.f32 v4, v22;
	[tilespmem:s10+$0xFFFFFF98] =	vst v6;
	v28 =	vadd.s32 $0x1F80, v27;
	v6 =	vadd.s32 v27, v1  }
0x38e: {  	v2 =	vadd.f32 v2, v15;
	v29 =	vadd.s32 $0x480, v27;
	v4 =	vadd.s32 v28, v1  }
0x38f: {  	[tilespmem:s10+$0xFFFFFFA8] =	vst v3;
	v30 =	vadd.s32 $0x900, v27;
	v3 =	vadd.s32 v29, v1  }
0x390: {  	[tilespmem:s10+$0xFFFFFFB8] =	vst v2;
	v31 =	vadd.s32 $0xD80, v27;
	v7 =	vadd.s32 v30, v1  }
0x391: {  	v34 =	vadd.s32 $0x1680, v27;
	v8 =	vadd.s32 v31, v1;
	v2 =	vld.idx.msk [tilespmem:v5+s31+$0x0], $0xffff  }
0x392: {  	v33 =	vadd.s32 $0x1200, v27;
	v9 =	vadd.s32 v34, v1;
	v6 =	vld.idx.msk [tilespmem:v6+s31+$0x0], $0xffff  }
0x393: {  	v35 =	vadd.s32 $0x1B00, v27;
	v5 =	vadd.s32 v33, v1;
	v4 =	vld.idx.msk [tilespmem:v4+s31+$0x0], $0xffff  }
0x394: {  	v10 =	vadd.s32 v35, v1;
	v3 =	vld.idx.msk [tilespmem:v3+s31+$0x0], $0xffff  }
0x395: {  	s16 =	sand.u32 $0x1C00, s14;
	v11 =	vadd.s32 v29, v0;
	v7 =	vld.idx.msk [tilespmem:v7+s31+$0x0], $0xffff  }
0x396: {  	s3 =	sor.u32 $0x8200, s16;
	s10 =	sand.u32 $0x300, s14;
	v16 =	vadd.s32 v30, v0;
	v15 =	vld.idx.msk [tilespmem:v8+s31+$0x0], $0xffff  }
0x397: {  	s1 =	sadd.s32 s10, s3;
	v12 =	vld.idx.msk [tilespmem:v9+s31+$0x0], $0xffff;
	v9 =	vadd.s32 v31, v0  }
0x398: {  	v14 =	vld.idx.msk [tilespmem:v5+s31+$0x0], $0xffff;
	[tilespmem:s1+$0x0] =	vst v6;
	v6 =	vadd.s32 v33, v0  }
0x399: {  	s4 =	simm.s32 $0x80;
	v13 =	vld.idx.msk [tilespmem:v10+s31+$0x0], $0xffff;
	v5 =	vadd.s32 v34, v0;
	[tilespmem:s1+$0x70] =	vst v4  }
0x39a: {  	s23 =	simm.s32 $0x0;
	s4 =	sand.u32 $0x380, s4;
	v10 =	vld.idx.msk [tilespmem:v11+s31+$0x0], $0xffff;
	[tilespmem:s1+$0x10] =	vst v3;
	v4 =	vadd.s32 v35, v0  }
0x39b: {  	s26 =	simm.s32 $0x1;
	s28 =	simm.s32 $0x0;
	s21 =	sadd.s32 s4, s3;
	v11 =	vld.idx.msk [tilespmem:v16+s31+$0x0], $0xffff;
	[tilespmem:s1+$0x20] =	vst v7;
	v3 =	vadd.s32 v28, v0  }
.LBB2_7:
0x39c: {  	[tilespmem:s1+$0x30] =	vst v15;
	v7 =	vld.idx.msk [tilespmem:v9+s31+$0x0], $0xffff;
	s26 =	sadd.s32 $0x2, s26  }
0x39d: {  	s23 =	sadd.s32 $0x10, s23;
	s3 =	sadd.s32 $0xFFFFFFFF, s26;
	v8 =	vmov s26;
	[tilespmem:s1+$0x40] =	vst v14;
	v14 =	vld.idx.msk [tilespmem:v6+s31+$0x0], $0xffff  }
0x39e: {  	p2 =	slt.u32 s23, $0x1F0;
	v6 =	vmov s3;
	v8 =	vand.u32 $0x3F, v8;
	[tilespmem:s1+$0x50] =	vst v12;
	v12 =	vld.idx.msk [tilespmem:v5+s31+$0x0], $0xffff  }
0x39f: {  	v5 =	vand.u32 $0x3E, v6;
	v15 =	vadd.s32 v27, v8;
	[tilespmem:s1+$0x60] =	vst v13;
	v13 =	vld.idx.msk [tilespmem:v4+s31+$0x0], $0xffff  }
0x3a0: {  	v16 =	vadd.s32 v27, v5;
	v17 =	vadd.s32 v29, v5;
	v18 =	vadd.s32 v28, v5;
	v19 =	vld.idx.msk [tilespmem:v3+s31+$0x0], $0xffff  }
0x3a1: {  	v20 =	vadd.s32 v30, v5;
	v21 =	vadd.s32 v31, v5;
	v22 =	vadd.s32 v33, v5;
	[tilespmem:s21+$0x0] =	vst v2  }
0x3a2: {  	v25 =	vadd.s32 v29, v8;
	v23 =	vadd.s32 v34, v5;
	v24 =	vadd.s32 v35, v5;
	[tilespmem:s21+$0x10] =	vst v10  }
0x3a3: {  	v26 =	vadd.s32 v30, v8;
	v9 =	vadd.s32 v31, v8;
	v6 =	vadd.s32 v33, v8;
	[tilespmem:s21+$0x20] =	vst v11  }
0x3a4: {  	v4 =	vadd.s32 v35, v8;
	v5 =	vadd.s32 v34, v8;
	v3 =	vadd.s32 v28, v8;
	v2 =	vld.idx.msk [tilespmem:v15+s31+$0x0], $0xffff  }
0x3a5: {  	v8 =	vld.idx.msk [tilespmem:v18+s31+$0x0], $0xffff;
	[tilespmem:s21+$0x30] =	vst v7  }
0x3a6: {  	v7 =	vld.idx.msk [tilespmem:v16+s31+$0x0], $0xffff;
	[tilespmem:s21+$0x40] =	vst v14  }
0x3a7: {  	s28 =	sadd.s32 $0x100, s28;
	v10 =	vld.idx.msk [tilespmem:v17+s31+$0x0], $0xffff;
	[tilespmem:s21+$0x50] =	vst v12  }
0x3a8: {  	s3 =	sadd.s32 $0x80, s28;
	s1 =	sand.u32 $0x1C00, s28;
	v11 =	vld.idx.msk [tilespmem:v20+s31+$0x0], $0xffff;
	[tilespmem:s21+$0x60] =	vst v13  }
0x3a9: {  	s15 =	sand.u32 $0x300, s28;
	s3 =	sand.u32 $0x380, s3;
	s17 =	sor.u32 $0x8200, s1;
	v15 =	vld.idx.msk [tilespmem:v21+s31+$0x0], $0xffff;
	[tilespmem:s21+$0x70] =	vst v19  }
.Ltmp2:
0x3aa: {  	s1 =	sadd.s32 s15, s17;
	s21 =	sadd.s32 s3, s17;
	v14 =	vld.idx.msk [tilespmem:v22+s31+$0x0], $0xffff;
	(pc) =	sbr.rel @p2 .LBB2_7-.Ltmp2, $4  }
0x3ab: {  	v12 =	vld.idx.msk [tilespmem:v23+s31+$0x0], $0xffff;
	[tilespmem:s1+$0x70] =	vst v8  }
0x3ac: {  	[tilespmem:s1+$0x0] =	vst v7;
	v13 =	vld.idx.msk [tilespmem:v24+s31+$0x0], $0xffff  }
0x3ad: {  	[tilespmem:s1+$0x10] =	vst v10;
	v10 =	vld.idx.msk [tilespmem:v25+s31+$0x0], $0xffff  }
0x3ae: {  	[tilespmem:s1+$0x20] =	vst v11;
	v11 =	vld.idx.msk [tilespmem:v26+s31+$0x0], $0xffff  }
0x3af: {  	[tilespmem:$0x1F5C0] =	vst v31  }
0x3b0: {  	[tilespmem:$0x1F5D0] =	vst v30  }
0x3b1: {  	[tilespmem:$0x1F5E0] =	vst v29  }
0x3b2: {  	[tilespmem:$0x1F5F0] =	vst v28  }
0x3b3: {  	[tilespmem:s1+$0x30] =	vst v15  }
0x3b4: {  	[tilespmem:s1+$0x40] =	vst v14  }
0x3b5: {  	v7 =	vld.idx.msk [tilespmem:v9+s31+$0x0], $0xffff;
	[tilespmem:s1+$0x50] =	vst v12  }
0x3b6: {  	v6 =	vld.idx.msk [tilespmem:v6+s31+$0x0], $0xffff;
	[tilespmem:s21+$0x0] =	vst v2  }
0x3b7: {  	v5 =	vld.idx.msk [tilespmem:v5+s31+$0x0], $0xffff;
	[tilespmem:s1+$0x60] =	vst v13  }
0x3b8: {  	v2 =	vld.idx.msk [tilespmem:v4+s31+$0x0], $0xffff;
	[tilespmem:s21+$0x10] =	vst v10  }
0x3b9: {  	v25 =	vadd.s32 $0x2400, v27;
	v3 =	vld.idx.msk [tilespmem:v3+s31+$0x0], $0xffff;
	[tilespmem:s21+$0x20] =	vst v11  }
0x3ba: {  	v30 =	vadd.s32 $0x3180, v27;
	v4 =	vadd.s32 v25, v0;
	[tilespmem:s21+$0x30] =	vst v7  }
0x3bb: {  	v26 =	vadd.s32 $0x4380, v27;
	v8 =	vadd.s32 v30, v1;
	[tilespmem:s21+$0x40] =	vst v6  }
0x3bc: {  	v6 =	vadd.s32 v26, v1;
	[tilespmem:s21+$0x50] =	vst v5  }
0x3bd: {  	v28 =	vadd.s32 $0x2880, v27;
	v5 =	vadd.s32 v25, v1;
	[tilespmem:s21+$0x60] =	vst v2  }
0x3be: {  	v32 =	vadd.s32 $0x3A80, v27;
	v7 =	vadd.s32 v28, v1;
	[tilespmem:s21+$0x70] =	vst v3  }
0x3bf: {  	v29 =	vadd.s32 $0x2D00, v27;
	v10 =	vadd.s32 v32, v1;
	v2 =	vld.idx.msk [tilespmem:v4+s31+$0x0], $0xffff  }
0x3c0: {  	v31 =	vadd.s32 $0x3600, v27;
	v3 =	vadd.s32 v29, v1;
	v11 =	vld.idx.msk [tilespmem:v8+s31+$0x0], $0xffff  }
0x3c1: {  	v27 =	vadd.s32 $0x3F00, v27;
	v4 =	vadd.s32 v31, v1;
	v9 =	vld.idx.msk [tilespmem:v6+s31+$0x0], $0xffff  }
0x3c2: {  	v1 =	vadd.s32 v27, v1;
	v16 =	vld.idx.msk [tilespmem:v5+s31+$0x0], $0xffff  }
0x3c3: {  	v12 =	vld.idx.msk [tilespmem:v7+s31+$0x0], $0xffff;
	v7 =	vadd.s32 v28, v0  }
0x3c4: {  	s22 =	sor.u32 $0xA200, s16;
	s23 =	sor.u32 $0xA270, s16;
	v15 =	vld.idx.msk [tilespmem:v10+s31+$0x0], $0xffff;
	v6 =	vadd.s32 v29, v0  }
0x3c5: {  	s17 =	sor.u32 $0xA210, s16;
	s28 =	sor.u32 $0xA220, s16;
	s29 =	sor.u32 $0xA230, s16;
	v13 =	vld.idx.msk [tilespmem:v3+s31+$0x0], $0xffff;
	v5 =	vadd.s32 v30, v0  }
0x3c6: {  	s26 =	sor.u32 $0xA240, s16;
	s15 =	sor.u32 $0xA260, s16;
	s3 =	sadd.s32 s10, s23;
	v14 =	vld.idx.msk [tilespmem:v4+s31+$0x0], $0xffff;
	v4 =	vadd.s32 v31, v0  }
0x3c7: {  	s18 =	sadd.s32 s10, s22;
	s1 =	sor.u32 $0xA250, s16;
	s16 =	sadd.s32 s10, s28;
	v3 =	vadd.s32 v32, v0;
	[tilespmem:s3+$0x0] =	vst v9;
	v9 =	vld.idx.msk [tilespmem:v1+s31+$0x0], $0xffff  }
0x3c8: {  	s21 =	simm.s32 $0x0;
	v1 =	vadd.s32 v27, v0;
	v0 =	vadd.s32 v26, v0;
	[tilespmem:s18+$0x0] =	vst v16;
	s18 =	sadd.s32 s10, s17;
	s3 =	sadd.s32 s10, s29;
	v10 =	vld.idx.msk [tilespmem:v7+s31+$0x0], $0xffff  }
.LBB2_9:
0x3c9: {  	[tilespmem:s18+$0x0] =	vst v12;
	s18 =	sadd.s32 s10, s26;
	s11 =	sadd.s32 s10, s1;
	s10 =	sadd.s32 s10, s15;
	v7 =	vld.idx.msk [tilespmem:v6+s31+$0x0], $0xffff  }
0x3ca: {  	s17 =	sadd.s32 s4, s17;
	s9 =	sadd.s32 $0x2, s9;
	[tilespmem:s16+$0x0] =	vst v13;
	s16 =	sadd.s32 s4, s22;
	v8 =	vld.idx.msk [tilespmem:v5+s31+$0x0], $0xffff  }
0x3cb: {  	s21 =	sadd.s32 $0x10, s21;
	s22 =	sadd.s32 $0xFFFFFFFF, s9;
	v5 =	vmov s9;
	[tilespmem:s3+$0x0] =	vst v11;
	s3 =	sadd.s32 s4, s28;
	v11 =	vld.idx.msk [tilespmem:v4+s31+$0x0], $0xffff  }
0x3cc: {  	p2 =	slt.u32 s21, $0x1F0;
	v4 =	vmov s22;
	v12 =	vand.u32 $0x3F, v5;
	s22 =	sadd.s32 s4, s26;
	[tilespmem:s18+$0x0] =	vst v14;
	s18 =	sadd.s32 s4, s29;
	v14 =	vld.idx.msk [tilespmem:v3+s31+$0x0], $0xffff  }
0x3cd: {  	s1 =	sadd.s32 s4, s1;
	v3 =	vand.u32 $0x3E, v4;
	v13 =	vadd.s32 v25, v12;
	[tilespmem:s11+$0x0] =	vst v15;
	v15 =	vld.idx.msk [tilespmem:v1+s31+$0x0], $0xffff;
	s11 =	sadd.s32 s4, s15;
	s4 =	sadd.s32 s4, s23  }
0x3ce: {  	v16 =	vadd.s32 v25, v3;
	v17 =	vadd.s32 v28, v3;
	v18 =	vadd.s32 v26, v3;
	v19 =	vld.idx.msk [tilespmem:v0+s31+$0x0], $0xffff  }
0x3cf: {  	v20 =	vadd.s32 v29, v3;
	v21 =	vadd.s32 v30, v3;
	v22 =	vadd.s32 v31, v3;
	[tilespmem:s10+$0x0] =	vst v9  }
0x3d0: {  	v24 =	vadd.s32 v28, v12;
	v23 =	vadd.s32 v27, v3;
	v9 =	vadd.s32 v32, v3;
	[tilespmem:s16+$0x0] =	vst v2  }
0x3d1: {  	v6 =	vadd.s32 v29, v12;
	v5 =	vadd.s32 v30, v12;
	v4 =	vadd.s32 v31, v12;
	[tilespmem:s17+$0x0] =	vst v10  }
0x3d2: {  	v1 =	vadd.s32 v27, v12;
	v0 =	vadd.s32 v26, v12;
	v3 =	vadd.s32 v32, v12;
	v2 =	vld.idx.msk [tilespmem:v13+s31+$0x0], $0xffff  }
0x3d3: {  	v10 =	vld.idx.msk [tilespmem:v18+s31+$0x0], $0xffff;
	[tilespmem:s3+$0x0] =	vst v7  }
0x3d4: {  	v7 =	vld.idx.msk [tilespmem:v16+s31+$0x0], $0xffff;
	[tilespmem:s18+$0x0] =	vst v8  }
0x3d5: {  	s14 =	sadd.s32 $0x100, s14;
	v12 =	vld.idx.msk [tilespmem:v17+s31+$0x0], $0xffff;
	[tilespmem:s22+$0x0] =	vst v11  }
0x3d6: {  	s10 =	sand.u32 $0x300, s14;
	s16 =	sadd.s32 $0x80, s14;
	s3 =	sand.u32 $0x1C00, s14;
	v13 =	vld.idx.msk [tilespmem:v20+s31+$0x0], $0xffff;
	[tilespmem:s1+$0x0] =	vst v14  }
.Ltmp3:
0x3d7: {  	s23 =	sor.u32 $0xA270, s3;
	s22 =	sor.u32 $0xA200, s3;
	v11 =	vld.idx.msk [tilespmem:v21+s31+$0x0], $0xffff;
	[tilespmem:s11+$0x0] =	vst v15;
	(pc) =	sbr.rel @p2 .LBB2_9-.Ltmp3, $4  }
0x3d8: {  	s17 =	sor.u32 $0xA210, s3;
	s28 =	sor.u32 $0xA220, s3;
	s11 =	sadd.s32 s10, s23;
	v14 =	vld.idx.msk [tilespmem:v22+s31+$0x0], $0xffff;
	[tilespmem:s4+$0x0] =	vst v19  }
0x3d9: {  	s29 =	sor.u32 $0xA230, s3;
	s26 =	sor.u32 $0xA240, s3;
	s1 =	sor.u32 $0xA250, s3;
	v15 =	vld.idx.msk [tilespmem:v9+s31+$0x0], $0xffff;
	[tilespmem:s11+$0x0] =	vst v10  }
0x3da: {  	s15 =	sor.u32 $0xA260, s3;
	s4 =	sand.u32 $0x380, s16;
	s11 =	sadd.s32 s10, s22;
	v9 =	vld.idx.msk [tilespmem:v23+s31+$0x0], $0xffff  }
0x3db: {  	s18 =	sadd.s32 s10, s17;
	s3 =	sadd.s32 s10, s29;
	s16 =	sadd.s32 s10, s28;
	[tilespmem:s11+$0x0] =	vst v7;
	v10 =	vld.idx.msk [tilespmem:v24+s31+$0x0], $0xffff  }
0x3dc: {  	[tilespmem:$0x1F510] =	vst v35  }
0x3dd: {  	[tilespmem:$0x1F520] =	vst v34  }
0x3de: {  	[tilespmem:$0x1F530] =	vst v33  }
0x3df: {  	[tilespmem:$0x1F540] =	vst v27  }
0x3e0: {  	[tilespmem:$0x1F550] =	vst v32  }
0x3e1: {  	[tilespmem:$0x1F560] =	vst v31  }
0x3e2: {  	[tilespmem:$0x1F570] =	vst v30  }
0x3e3: {  	[tilespmem:$0x1F580] =	vst v29  }
0x3e4: {  	[tilespmem:$0x1F590] =	vst v28  }
0x3e5: {  	[tilespmem:$0x1F5A0] =	vst v26  }
0x3e6: {  	[tilespmem:$0x1F5B0] =	vst v25  }
0x3e7: {  	[tilespmem:s18+$0x0] =	vst v12  }
0x3e8: {  	[tilespmem:s16+$0x0] =	vst v13  }
0x3e9: {  	s9 =	sadd.s32 s4, s22;
	[tilespmem:s3+$0x0] =	vst v11  }
0x3ea: {  	s18 =	sadd.s32 s10, s26;
	v6 =	vld.idx.msk [tilespmem:v6+s31+$0x0], $0xffff;
	[tilespmem:s9+$0x0] =	vst v2  }
0x3eb: {  	s21 =	sadd.s32 s10, s1;
	v5 =	vld.idx.msk [tilespmem:v5+s31+$0x0], $0xffff;
	[tilespmem:s18+$0x0] =	vst v14  }
0x3ec: {  	s0 =	sadd.s32 s10, s15;
	v4 =	vld.idx.msk [tilespmem:v4+s31+$0x0], $0xffff;
	[tilespmem:s21+$0x0] =	vst v15  }
0x3ed: {  	s10 =	sadd.s32 s4, s17;
	v2 =	vld.idx.msk [tilespmem:v3+s31+$0x0], $0xffff;
	[tilespmem:s0+$0x0] =	vst v9  }
0x3ee: {  	s11 =	sadd.s32 s4, s28;
	v1 =	vld.idx.msk [tilespmem:v1+s31+$0x0], $0xffff;
	[tilespmem:s10+$0x0] =	vst v10  }
0x3ef: {  	s14 =	sadd.s32 s4, s29;
	v0 =	vld.idx.msk [tilespmem:v0+s31+$0x0], $0xffff;
	[tilespmem:s11+$0x0] =	vst v6  }
0x3f0: {  	s16 =	sadd.s32 s4, s26;
	[tilespmem:s14+$0x0] =	vst v5  }
0x3f1: {  	s17 =	sadd.s32 s4, s1;
	s18 =	sshll.u32 s24, $0x14;
	[tilespmem:s16+$0x0] =	vst v4  }
0x3f2: {  	s22 =	sadd.s32 s4, s23;
	s21 =	sadd.s32 s4, s15;
	s3 =	sor.u32 s13, s18;
	[tilespmem:s17+$0x0] =	vst v2  }
0x3f3: {  	s8 =	sor.u32 $0x1, s8;
	s26 =	simm.s32 $0x8200;
	s23 =	sshrl.u32 s3, $0x3;
	[tilespmem:s21+$0x0] =	vst v1  }
0x3f4: {  	p2 =	sgt.u32 s8, $0x62;
	s0 =	simm.s32 $0x400;
	s1 =	sadd.s32 s12, s23;
	[tilespmem:s22+$0x0] =	vst v0  }
0x3f5: {  	[hbm4b:s1+s0] =	stream.strided.scatter [tilespmem:s26], [sflag:$0x3], $0x4000, s5, s0, $0x38;
	[tilespmem:$0x17C80] =	vst v63  }
0x3f6: {  	s1 =	simm.s32 @!p2 $0x5  }
0x3f7: {  	_ =	swait.ge @!p2 [sflag:s1], $0x100  }
0x3f8: {  	s4 =	simm.s32 @!p2 $0x200;
	[sflag:s1] =	ssyncset.done @!p2 $0x0  }
0x3f9: {  	s3 =	simm.s32 @!p2 $0x0;
	[sflag:s1] =	ssyncadd.s32 @!p2 $0xFFFFFF00;
	s1 =	simm.s32 @!p2 $0x80  }
0x3fa: {  	[tilespmem:s4], [sflag:$0x1] =	stream.indirect.gather @!p2 [hbm4b:s7+s1], $0x40, s3, s1, $0xb8;
	[tilespmem:$0x17C80] =	vst v63  }
0x3fb: {  	s3 =	simm.s32 @!p2 $0x2200  }
0x3fc: {  	[tilespmem:s3], [sflag:$0x1] =	stream.indirect.gather @!p2 [hbm4b:s7+s1], $0x40, s1, s1, $0xb8;
	[tilespmem:$0x17C80] =	vst v63  }
0x3fd: {  	_ =	swait.ge [sflag:s2], $0x4000  }
0x3fe: {  	s0 =	rddreg [dreg:$0x9]  }
0x3ff: {  	s9 =	simm.s32 @!p0 $0x100;
	s4 =	simm.s32 @!p0 $0x1000;
	s1 =	sadd.s32 @!p0 s0, s20  }
0x400: {  	s3 =	simm.s32 @!p0 $0x80;
	[sflag:s2] =	ssyncset.done $0x0;
	s1 =	sshrl.u32 @!p0 s1, $0x3  }
0x401: {  	[sflag:s2] =	ssyncadd.s32 $0xFFFFC000;
	s0 =	simm.s32 @p1 $0x4;
	s1 =	sadd.s32 @!p0 s6, s1  }
0x402: {  	[tilespmem:s9], [sflag:$0x6] =	stream.strided.gather @!p0 [hbm4b:s1+s3], $0x100, s4, s3, $0x38;
	[tilespmem:$0x17C80] =	vst v63  }
0x403: {  	_ =	swait.ge @p1 [sflag:s0], $0x4000  }
0x404: {  	s28 =	sshll.u32 s8, $0x7;
	[sflag:s0] =	ssyncset.done @p1 $0x0  }
0x405: {  	s10 =	sand.u32 $0x3FFFFF80, s28;
	[sflag:s0] =	ssyncadd.s32 @p1 $0xFFFFC000  }
0x406: {  	v10 =	vld [tilespmem:s10+$0x14A00]  }
0x407: {  	v26 =	vld [tilespmem:s10+$0x14A10]  }
0x408: {  	v27 =	vld [tilespmem:s10+$0x14A20]  }
0x409: {  	s29 =	simm.s32 $0x4300;
	v62 =	vld [tilespmem:s10+$0x14A30]  }
0x40a: {  	v0 =	vld [tilespmem:s29+$0xC0]  }
0x40b: {  	v1 =	vld [tilespmem:s29+$0xD0]  }
0x40c: {  	v2 =	vld [tilespmem:s29+$0xE0]  }
0x40d: {  	v3 =	vld [tilespmem:s29+$0xF0];
	_ =	sdelay $0x3  }
0x40e: {  	v38 =	vadd.f32 v0, v10;
	v37 =	vadd.f32 v1, v26  }
0x40f: {  	v5 =	vld [tilespmem:s29+$0xFFFFFF10];
	v36 =	vadd.f32 v2, v27;
	v13 =	vadd.f32 v3, v62  }
0x410: {  	v8 =	vld [tilespmem:s29+$0xFFFFFF20];
	v0 =	vadd.f32 v37, v38  }
0x411: {  	v11 =	vld [tilespmem:s29+$0xFFFFFF60];
	v2 =	vadd.f32 v13, v36;
	v3 =	vmul.f32 v38, v38;
	v4 =	vmul.f32 v37, v37  }
0x412: {  	v9 =	vld [tilespmem:s29+$0xFFFFFF70];
	v6 =	vmul.f32 v36, v36;
	v7 =	vmul.f32 v13, v13  }
0x413: {  	v19 =	vld [tilespmem:s29+$0xFFFFFFE0];
	v0 =	vadd.f32 v2, v0  }
0x414: {  	v22 =	vld [tilespmem:s29+$0x10];
	v3 =	vadd.f32 v4, v3;
	v4 =	vadd.f32 v7, v6  }
0x415: {  	v2 =	vld [tilespmem:s29+$0xFFFFFF30]  }
0x416: {  	v7 =	vld [tilespmem:s29+$0xFFFFFF50];
	(xrf2) =	vadd.scan.msk.f32 $0xffff, v0;
	v0 =	vadd.f32 v4, v3  }
0x417: {  	v6 =	vld [tilespmem:s29+$0xFFFFFF40]  }
0x418: {  	v33 =	vadd.f32 v11, v27;
	v4 =	vadd.f32 v5, v26;
	v5 =	vld [tilespmem:s29+$0xFFFFFF90];
	(xrf2) =	vadd.scan.msk.f32 $0xffff, v0  }
0x419: {  	v32 =	vadd.f32 v9, v62;
	v3 =	vadd.f32 v8, v27;
	v8 =	vld [tilespmem:s29+$0xFFFFFFA0]  }
0x41a: {  	v19 =	vadd.f32 v19, v27;
	v22 =	vadd.f32 v22, v26;
	v39 =	vmul.f32 v33, v33;
	v0 =	vld [tilespmem:s29+$0xFFFFFF80]  }
0x41b: {  	v41 =	vmul.f32 v32, v32;
	v2 =	vadd.f32 v2, v62;
	v35 =	vadd.f32 v7, v26;
	v7 =	vld [tilespmem:s29+$0xFFFFFFC0]  }
0x41c: {  	v40 =	vadd.f32 v32, v33;
	v34 =	vadd.f32 v6, v10;
	v6 =	vld [tilespmem:s29+$0xFFFFFFB0]  }
0x41d: {  	v53 =	vmul.f32 v19, v19;
	v39 =	vadd.f32 v41, v39;
	v29 =	vadd.f32 v2, v3  }
0x41e: {  	v61 =	vmul.f32 v3, v3;
	v15 =	vadd.f32 v5, v26;
	v17 =	vadd.f32 v8, v27  }
0x41f: {  	v24 =	vmul.f32 v2, v2;
	v31 =	vadd.f32 v35, v34;
	v8 =	vld [tilespmem:s29+$0xFFFFFFF0];
	v14 =	vadd.f32 v0, v10  }
0x420: {  	v0 =	vld [tilespmem:s29+$0xFFFFFFD0];
	v44 =	vmul.f32 v15, v15;
	v46 =	vmul.f32 v17, v17;
	v1 =	vadd.f32 v7, v10;
	v5, _, _ =	vpop (xrf2)  }
0x421: {  	v61 =	vadd.f32 v24, v61;
	v23 =	vadd.f32 v6, v62;
	v5 =	vmul.f32 $1.562500000e-02, v5  }
0x422: {  	v11 =	vld [tilespmem:s29+$0x0];
	v40 =	vadd.f32 v40, v31;
	v6 =	vadd.f32 v15, v14;
	v42 =	vmul.f32 v14, v14;
	[tilespmem:$0x1F410] =	vst v1;
	v18, _, _ =	vpop (xrf2)  }
0x423: {  	v43 =	vadd.f32 v23, v17;
	v7 =	vld [tilespmem:s29+$0x20];
	v20 =	vmul.f32 $1.562500000e-02, v18;
	v21 =	vmul.f32 v5, v5  }
0x424: {  	v47 =	vmul.f32 v23, v23;
	v25 =	vadd.f32 v8, v62;
	v45 =	vld [tilespmem:s29+$0xFFFFFF00];
	v42 =	vadd.f32 v44, v42  }
0x425: {  	v41 =	vmul.f32 v22, v22;
	v28 =	vld [tilespmem:s29+$0x30];
	v18 =	vadd.f32 v0, v26;
	v0 =	vsub.f32 v20, v21  }
0x426: {  	v12 =	vmul.f32 v4, v4;
	v59 =	vld [tilespmem:s29+$0x80];
	v51 =	vadd.f32 v25, v19;
	v46 =	vadd.f32 v47, v46  }
0x427: {  	v9 =	vmul.f32 v34, v34;
	v49 =	vld [tilespmem:s29+$0x40];
	v21 =	vadd.f32 v11, v10;
	v11 =	vadd.f32 $9.999999740e-06, v0  }
0x428: {  	v30 =	vmul.f32 v35, v35;
	v6 =	vadd.f32 v43, v6;
	v42 =	vadd.f32 v46, v42  }
0x429: {  	v52 =	vld [tilespmem:s29+$0x50];
	v8 =	vadd.f32 v18, v1;
	v20 =	vadd.f32 v7, v27;
	v7 =	vbroadcast v11, $0xF  }
0x42a: {  	v48 =	vmul.f32 v1, v1;
	v45 =	vadd.f32 v45, v10;
	v16 =	vadd.f32 v28, v62  }
0x42b: {  	v55 =	vld [tilespmem:s29+$0x60];
	v31 =	vadd.f32 v59, v10;
	v56 =	vshrl.u32 v7, $0x1;
	v7 =	vmul.f32 $5.000000000e-01, v7  }
0x42c: {  	v58 =	vld [tilespmem:s29+$0x70];
	v0 =	vadd.f32 v49, v10;
	v49 =	vsub.s32 $0x5F3759DF, v56;
	v56 =	vmul.f32 v45, v45  }
0x42d: {  	v63 =	vld [tilespmem:s29+$0x90];
	v54 =	vadd.f32 v22, v21;
	v57 =	vadd.f32 v4, v45;
	[tilespmem:$0x1F470] =	vst v20;
	v60 =	vmul.f32 v49, v7  }
0x42e: {  	v28 =	vmul.f32 v25, v25;
	v11 =	vadd.f32 v52, v26;
	v52 =	vadd.f32 v12, v56;
	v12 =	vld [tilespmem:s29+$0xA0]  }
0x42f: {  	v8 =	vadd.f32 v51, v8;
	v24 =	vmul.f32 v49, v60;
	v60 =	vadd.f32 v30, v9;
	v9 =	vld [tilespmem:s29+$0xB0]  }
0x430: {  	v50 =	vmul.f32 v18, v18;
	v1 =	vadd.f32 v16, v20;
	v57 =	vadd.f32 v29, v57  }
0x431: {  	v43 =	vmul.f32 v20, v20;
	v53 =	vadd.f32 v28, v53;
	v30 =	vsub.f32 $1.500000000e+00, v24  }
0x432: {  	v29 =	vadd.f32 v55, v27;
	v55 =	vmul.f32 v16, v16;
	v44 =	vadd.f32 v11, v0;
	(xrf2) =	vadd.scan.msk.f32 $0xffff, v57  }
0x433: {  	(xrf2) =	vadd.scan.msk.f32 $0xffff, v40;
	v24 =	vadd.f32 v58, v62;
	v49 =	vmul.f32 v49, v30;
	v30 =	vadd.f32 v63, v26  }
0x434: {  	v57 =	vmul.f32 v0, v0;
	[tilespmem:$0x1F3F0] =	vst v62;
	v12 =	vadd.f32 v12, v27;
	v9 =	vadd.f32 v9, v62  }
0x435: {  	v63 =	vmovc v0;
	v58 =	vadd.f32 v24, v29;
	v0 =	vadd.f32 v1, v54;
	v62 =	vmul.f32 v49, v7  }
0x436: {  	v47 =	vmul.f32 v11, v11;
	(xrf2) =	vadd.scan.msk.f32 $0xffff, v6;
	v59 =	vadd.f32 v30, v31;
	v6 =	vadd.f32 v9, v12  }
0x437: {  	v43 =	vadd.f32 v55, v43;
	(xrf2) =	vadd.scan.msk.f32 $0xffff, v8;
	v44 =	vadd.f32 v58, v44;
	v40 =	vmul.f32 v62, v49  }
0x438: {  	v56 =	vmul.f32 v21, v21;
	v47 =	vadd.f32 v47, v57;
	(xrf2) =	vadd.scan.msk.f32 $0xffff, v0;
	v6 =	vadd.f32 v6, v59  }
0x439: {  	v51 =	vmul.f32 v29, v29;
	v52 =	vadd.f32 v61, v52;
	(xrf2) =	vadd.scan.msk.f32 $0xffff, v44;
	v40 =	vsub.f32 $1.500000000e+00, v40  }
0x43a: {  	v41 =	vadd.f32 v41, v56;
	v8 =	vmul.f32 v24, v24;
	v54 =	vmul.f32 v31, v31;
	(xrf2) =	vadd.scan.msk.f32 $0xffff, v6  }
0x43b: {  	v39 =	vadd.f32 v39, v60;
	v0 =	vmul.f32 v30, v30;
	v40 =	vmul.f32 v40, v49;
	(xrf2) =	vadd.scan.msk.f32 $0xffff, v52  }
0x43c: {  	v61 =	vmul.f32 v12, v12;
	v8 =	vadd.f32 v8, v51;
	v55, _, _ =	vpop (xrf2);
	v62 =	vadd.f32 v50, v48  }
0x43d: {  	v0 =	vadd.f32 v0, v54;
	v56, _, _ =	vpop (xrf2);
	v49 =	vmul.f32 $1.562500000e-02, v55;
	(xrf2) =	vadd.scan.msk.f32 $0xffff, v39;
	v7 =	vmul.f32 v40, v7  }
0x43e: {  	v50 =	vadd.f32 v43, v41;
	v57 =	vmul.f32 $1.562500000e-02, v56;
	v6 =	vmul.f32 v9, v9  }
0x43f: {  	v28 =	vld [tilespmem:$0x1FF70];
	[tilespmem:$0x1F3E0] =	vst v27;
	v8 =	vadd.f32 v8, v47;
	v48 =	vbroadcast v49, $0xF;
	v7 =	vmul.f32 v7, v40  }
0x440: {  	v27 =	vld [tilespmem:$0x1FFA0];
	v58, _, _ =	vpop (xrf2);
	v44 =	vadd.f32 v53, v62;
	v41 =	vbroadcast v57, $0xF;
	v47 =	vmul.f32 v57, v57;
	(xrf2) =	vadd.scan.msk.f32 $0xffff, v42  }
0x441: {  	[tilespmem:$0x1F3D0] =	vst v26;
	v26 =	vld [tilespmem:$0x1FF80];
	v59, _, _ =	vpop (xrf2);
	v52 =	vbroadcast v5, $0xF;
	v5 =	vsub.f32 v45, v48;
	v7 =	vsub.f32 $1.500000000e+00, v7  }
0x442: {  	v6 =	vadd.f32 v6, v61;
	v39 =	vmul.f32 $1.562500000e-02, v58;
	v49 =	vmul.f32 v49, v49;
	(xrf2) =	vadd.scan.msk.f32 $0xffff, v44;
	v44 =	vld [tilespmem:$0x1FF90];
	v42, _, _ =	vpop (xrf2)  }
0x443: {  	v1 =	vsub.f32 v13, v52;
	[tilespmem:$0x1F400] =	vst v5;
	v5 =	vmul.f32 $1.562500000e-02, v59;
	v7 =	vmul.f32 v7, v40;
	v40, _, _ =	vpop (xrf2)  }
0x444: {  	v0 =	vadd.f32 v6, v0;
	v53 =	vmul.f32 v39, v39;
	v39 =	vbroadcast v39, $0xF;
	v51, _, _ =	vpop (xrf2)  }
0x445: {  	v43 =	vsub.f32 v4, v48;
	v62 =	vmul.f32 v5, v5;
	v6 =	vmul.f32 v7, v27;
	v61, _, _ =	vpop (xrf2)  }
0x446: {  	v45 =	vsub.f32 v3, v48;
	v54 =	vmul.f32 v7, v28;
	v4 =	vmul.f32 $1.562500000e-02, v61  }
0x447: {  	v56 =	vsub.f32 v2, v48;
	v60 =	vmul.f32 v7, v26;
	v3 =	vmul.f32 v7, v44;
	v7, _, _ =	vpop (xrf2)  }
0x448: {  	(xrf2) =	vadd.scan.msk.f32 $0xffff, v50;
	v40 =	vmul.f32 $1.562500000e-02, v40;
	v4 =	vsub.f32 v4, v49;
	v2 =	vmul.f32 $1.562500000e-02, v7  }
0x449: {  	[tilespmem:$0x1F3C0] =	vst v10;
	v38 =	vsub.f32 v38, v52;
	v5 =	vbroadcast v5, $0xF;
	v10 =	vmul.f32 $1.562500000e-02, v51  }
0x44a: {  	v48 =	vmul.f32 v40, v40;
	v58, _, _ =	vpop (xrf2);
	v4 =	vadd.f32 $9.999999740e-06, v4;
	v2 =	vsub.f32 v2, v47  }
0x44b: {  	v36 =	vsub.f32 v36, v52;
	v6 =	vmul.f32 v6, v1;
	(xrf2) =	vadd.scan.msk.f32 $0xffff, v8;
	v47 =	vmul.f32 $1.562500000e-02, v58  }
0x44c: {  	v1 =	vmul.f32 $1.562500000e-02, v42;
	v4 =	vbroadcast v4, $0xF;
	v2 =	vadd.f32 $9.999999740e-06, v2  }
0x44d: {  	v8 =	vmul.f32 v10, v10;
	v46 =	vmul.f32 v54, v38;
	(xrf2) =	vadd.scan.msk.f32 $0xffff, v0;
	v47 =	vsub.f32 v47, v53  }
0x44e: {  	v37 =	vsub.f32 v37, v52;
	v3 =	vmul.f32 v3, v36;
	v2 =	vbroadcast v2, $0xF  }
0x44f: {  	v7 =	vmul.f32 v1, v1;
	v1 =	vbroadcast v1, $0xF;
	v47 =	vadd.f32 $9.999999740e-06, v47  }
0x450: {  	v0 =	vshrl.u32 v4, $0x1;
	v38 =	vmul.f32 $5.000000000e-01, v4;
	v4, _, _ =	vpop (xrf2);
	v36 =	vmul.f32 $5.000000000e-01, v2  }
0x451: {  	v0 =	vsub.s32 $0x5F3759DF, v0;
	v47 =	vbroadcast v47, $0xF;
	v59 =	vmul.f32 $1.562500000e-02, v4  }
0x452: {  	v2 =	vshrl.u32 v2, $0x1;
	v4 =	vmul.f32 v60, v37;
	v60 =	vmul.f32 v0, v38;
	v50, _, _ =	vpop (xrf2)  }
0x453: {  	v2 =	vsub.s32 $0x5F3759DF, v2;
	v50 =	vmul.f32 $1.562500000e-02, v50;
	v61 =	vshrl.u32 v47, $0x1  }
0x454: {  	v57 =	vmul.f32 $5.000000000e-01, v47;
	v42 =	vmul.f32 v2, v36;
	v49 =	vsub.f32 v59, v62  }
0x455: {  	v37 =	vmul.f32 v0, v60;
	v62, _, _ =	vpop (xrf2);
	v7 =	vsub.f32 v50, v7;
	v50 =	vsub.s32 $0x5F3759DF, v61  }
0x456: {  	v47 =	vmul.f32 $1.562500000e-02, v62;
	v51 =	vmul.f32 v2, v42;
	v49 =	vadd.f32 $9.999999740e-06, v49  }
0x457: {  	v62, _, _ =	vpop (xrf2);
	v60 =	vmul.f32 v50, v57;
	v37 =	vsub.f32 $1.500000000e+00, v37;
	v7 =	vadd.f32 $9.999999740e-06, v7  }
0x458: {  	v47 =	vsub.f32 v47, v48;
	v48 =	vmul.f32 $1.562500000e-02, v62;
	v49 =	vbroadcast v49, $0xF  }
0x459: {  	v52 =	vmul.f32 v50, v60;
	v0 =	vmul.f32 v0, v37  }
0x45a: {  	v7 =	vbroadcast v7, $0xF;
	v47 =	vadd.f32 $9.999999740e-06, v47;
	v61 =	vshrl.u32 v49, $0x1  }
0x45b: {  	v8 =	vsub.f32 v48, v8;
	v58 =	vmul.f32 $5.000000000e-01, v49;
	v49 =	vsub.s32 $0x5F3759DF, v61  }
0x45c: {  	v59 =	vmul.f32 $5.000000000e-01, v7;
	v7 =	vshrl.u32 v7, $0x1;
	v47 =	vbroadcast v47, $0xF  }
0x45d: {  	v8 =	vadd.f32 $9.999999740e-06, v8;
	v53 =	vmul.f32 v49, v58;
	v7 =	vsub.s32 $0x5F3759DF, v7  }
0x45e: {  	v42 =	vshrl.u32 v47, $0x1;
	v60 =	vmul.f32 $5.000000000e-01, v47;
	v47 =	vsub.f32 $1.500000000e+00, v51  }
0x45f: {  	v8 =	vbroadcast v8, $0xF;
	v48 =	vmul.f32 v49, v53;
	v54 =	vsub.s32 $0x5F3759DF, v42  }
0x460: {  	v53 =	vmul.f32 v7, v59;
	v42 =	vmul.f32 v54, v60  }
0x461: {  	v61 =	vshrl.u32 v8, $0x1;
	v8 =	vmul.f32 $5.000000000e-01, v8;
	v2 =	vmul.f32 v2, v47  }
0x462: {  	v52 =	vsub.f32 $1.500000000e+00, v52;
	v47 =	vmul.f32 v0, v38;
	v51 =	vmul.f32 v7, v53  }
0x463: {  	v48 =	vsub.f32 $1.500000000e+00, v48;
	v53 =	vsub.s32 $0x5F3759DF, v61;
	v62 =	vmul.f32 v54, v42  }
0x464: {  	v55 =	vmul.f32 v53, v8;
	v42 =	vsub.f32 v34, v41;
	v34 =	vmul.f32 v50, v52  }
0x465: {  	v50 =	vsub.f32 v33, v41;
	v52 =	vmul.f32 v2, v36;
	v47 =	vmul.f32 v47, v0  }
0x466: {  	[tilespmem:$0x1F4E0] =	vst v3;
	v3 =	vld [tilespmem:$0x1FFE0];
	v51 =	vsub.f32 $1.500000000e+00, v51;
	v49 =	vmul.f32 v49, v48;
	v48 =	vsub.f32 v35, v41  }
0x467: {  	v35 =	vmul.f32 v53, v55;
	v37 =	vsub.f32 $1.500000000e+00, v62;
	v55 =	vmul.f32 v34, v57  }
0x468: {  	v33 =	vmul.f32 v52, v2;
	v52 =	vsub.f32 v17, v39;
	v7 =	vmul.f32 v7, v51  }
0x469: {  	v61 =	vmul.f32 v49, v58;
	v51 =	vsub.f32 v32, v41;
	v32 =	vsub.f32 $1.500000000e+00, v47  }
0x46a: {  	v37 =	vmul.f32 v54, v37;
	v35 =	vsub.f32 $1.500000000e+00, v35;
	v62 =	vmul.f32 v55, v34  }
0x46b: {  	v54 =	vsub.f32 v23, v39;
	v23 =	vadd.f32 v6, v3;
	v3 =	vbroadcast v10, $0xF  }
0x46c: {  	v55 =	vsub.f32 v14, v39;
	v47 =	vmul.f32 v61, v49;
	v14 =	vmul.f32 v7, v59  }
0x46d: {  	v10 =	vld [tilespmem:$0x1F410];
	v35 =	vmul.f32 v53, v35;
	v53 =	vsub.f32 v15, v39;
	v15 =	vmul.f32 v37, v60  }
0x46e: {  	v33 =	vsub.f32 $1.500000000e+00, v33;
	v0 =	vmul.f32 v32, v0;
	v14 =	vmul.f32 v14, v7  }
0x46f: {  	v41 =	vsub.f32 $1.500000000e+00, v62;
	v61 =	vsub.f32 $1.500000000e+00, v47;
	v15 =	vmul.f32 v15, v37  }
0x470: {  	v2 =	vmul.f32 v33, v2;
	v17 =	vmul.f32 v35, v8;
	v14 =	vsub.f32 $1.500000000e+00, v14  }
0x471: {  	v62 =	vmul.f32 v41, v34;
	v32 =	vmul.f32 v61, v49;
	v15 =	vsub.f32 $1.500000000e+00, v15  }
0x472: {  	v20 =	vsub.f32 v10, v5;
	v6 =	vmul.f32 v17, v35;
	v7 =	vmul.f32 v14, v7  }
0x473: {  	v14 =	vmul.f32 v0, v38;
	v13 =	vmul.f32 v15, v37;
	v15 =	vsub.f32 v18, v5  }
0x474: {  	v17 =	vbroadcast v40, $0xF;
	v6 =	vsub.f32 $1.500000000e+00, v6;
	v18 =	vsub.f32 v19, v5  }
0x475: {  	v19 =	vmul.f32 v32, v58;
	v5 =	vsub.f32 v25, v5;
	v14 =	vmul.f32 v14, v0;
	[tilespmem:$0x1F420] =	vst v15  }
0x476: {  	v6 =	vmul.f32 v6, v35;
	v15 =	vmul.f32 v2, v36;
	[tilespmem:$0x1F430] =	vst v18  }
0x477: {  	v18 =	vmul.f32 v62, v57;
	[tilespmem:$0x1F440] =	vst v5;
	v5 =	vmul.f32 v7, v59  }
0x478: {  	v10 =	vmul.f32 v13, v60;
	v15 =	vmul.f32 v15, v2  }
0x479: {  	v19 =	vmul.f32 v19, v32;
	v14 =	vsub.f32 $1.500000000e+00, v14;
	v8 =	vmul.f32 v6, v8  }
0x47a: {  	v5 =	vmul.f32 v5, v7;
	v10 =	vmul.f32 v10, v13;
	v15 =	vsub.f32 $1.500000000e+00, v15  }
0x47b: {  	v21 =	vsub.f32 v21, v1;
	v18 =	vmul.f32 v18, v62;
	v0 =	vmul.f32 v14, v0  }
0x47c: {  	v5 =	vsub.f32 $1.500000000e+00, v5;
	v15 =	vmul.f32 v15, v2;
	v2 =	vsub.f32 $1.500000000e+00, v10;
	v10 =	vld [tilespmem:$0x1F470]  }
0x47d: {  	v18 =	vsub.f32 $1.500000000e+00, v18;
	v8 =	vmul.f32 v8, v6;
	v60 =	vmul.f32 v0, v28  }
0x47e: {  	v7 =	vmul.f32 v5, v7;
	v5 =	vmul.f32 v2, v13;
	v2 =	vsub.f32 v63, v17  }
0x47f: {  	[tilespmem:$0x1F450] =	vst v21;
	v21 =	vsub.f32 v22, v1;
	v18 =	vmul.f32 v18, v62;
	v62 =	vmul.f32 v0, v27  }
0x480: {  	v63 =	vmul.f32 v0, v26;
	[tilespmem:$0x1F4A0] =	vst v2;
	v2 =	vmul.f32 v0, v44;
	v0 =	vsub.f32 v29, v17  }
0x481: {  	[tilespmem:$0x1F460] =	vst v21;
	v34 =	vld [tilespmem:$0x1FFB0];
	v14 =	vsub.f32 $1.500000000e+00, v19;
	v19 =	vsub.f32 v10, v1  }
0x482: {  	v8 =	vsub.f32 $1.500000000e+00, v8;
	v1 =	vsub.f32 v16, v1;
	[tilespmem:$0x1F4C0] =	vst v0  }
0x483: {  	v0 =	vsub.f32 v24, v17;
	[tilespmem:$0x1F480] =	vst v19  }
0x484: {  	[tilespmem:$0x1F490] =	vst v1;
	v1 =	vmul.f32 v8, v6;
	v6 =	vsub.f32 v11, v17  }
0x485: {  	[tilespmem:$0x1F4D0] =	vst v0  }
0x486: {  	s9 =	simm.s32 $0x10320;
	v14 =	vmul.f32 v14, v32;
	v0 =	vadd.f32 v46, v34;
	[tilespmem:$0x1F4B0] =	vst v6  }
0x487: {  	[tilespmem:s9+$0x108] =	vst v23  }
0x488: {  	v25 =	vmul.f32 v14, v26;
	v35 =	vld [tilespmem:$0x1FFC0];
	[tilespmem:s9+$0xD8] =	vst v0  }
0x489: {  	v61 =	vmul.f32 v15, v28;
	v59 =	vmul.f32 v15, v26;
	v41 =	vld [tilespmem:$0x1FFD0]  }
0x48a: {  	v39 =	vsub.f32 v30, v3;
	v57 =	vmul.f32 v15, v44;
	v33 =	vmul.f32 v15, v27;
	v0 =	vld [tilespmem:$0x1F4E0]  }
0x48b: {  	v47 =	vsub.f32 v31, v3;
	v32 =	vmul.f32 v18, v28;
	v31 =	vmul.f32 v18, v26  }
0x48c: {  	v13 =	vmul.f32 v7, v26;
	v29 =	vmul.f32 v14, v28;
	v8 =	vsub.f32 v12, v3  }
0x48d: {  	v10 =	vmul.f32 v5, v28;
	v19 =	vmul.f32 v18, v44;
	v4 =	vadd.f32 v4, v35  }
0x48e: {  	v17 =	vmul.f32 v7, v28;
	v11 =	vmul.f32 v7, v44;
	v3 =	vsub.f32 v9, v3;
	[tilespmem:$0x1F4F0] =	vst v8  }
0x48f: {  	v12 =	vmul.f32 v7, v27;
	v9 =	vmul.f32 v5, v26;
	v0 =	vadd.f32 v0, v41;
	[tilespmem:s9+$0xE8] =	vst v4  }
0x490: {  	v6 =	vmul.f32 v18, v27;
	v18 =	vmul.f32 v14, v44;
	[tilespmem:$0x1F500] =	vst v3  }
0x491: {  	s16 =	simm.s32 $0x4500;
	s14 =	simm.s32 $0x10320;
	s4 =	simm.s32 $0x0;
	v23 =	vmul.f32 v14, v27;
	v8 =	vmul.f32 v5, v44;
	[tilespmem:s9+$0xF8] =	vst v0  }
.LBB2_11:
0x492: {  	v3 =	vmul.f32 v5, v27;
	_ =	sdelay $0x1  }
0x493: {  	[tilespmem:$0x1F240] =	vst v3;
	v3 =	vld [tilespmem:$0x1FF70];
	_ =	sdelay $0x4  }
0x494: {  	v4 =	vmul.f32 v1, v3;
	_ =	sdelay $0x1  }
0x495: {  	[tilespmem:$0x1F250] =	vst v4;
	v4 =	vmul.f32 v1, v26  }
0x496: {  	[tilespmem:$0x1F180] =	vst v13  }
0x497: {  	[tilespmem:$0x1F270] =	vst v4;
	v4 =	vld [tilespmem:$0x1FF90]  }
0x498: {  	v0 =	vld [tilespmem:s16+$0xC0];
	[tilespmem:$0x1F190] =	vst v11  }
0x499: {  	v30 =	vld [tilespmem:s16+$0xFFFFFF20];
	[tilespmem:$0x1F1C0] =	vst v9;
	v9 =	vmul.f32 v59, v48  }
0x49a: {  	[tilespmem:$0x1F1B0] =	vst v10;
	v10 =	vld [tilespmem:$0x1F3D0]  }
0x49b: {  	v11 =	vld [tilespmem:$0x1F3E0];
	[tilespmem:$0x1F2E0] =	vst v9;
	v9 =	vmul.f32 v57, v50  }
0x49c: {  	[tilespmem:$0x1F1A0] =	vst v12;
	v12 =	vld [tilespmem:$0x1F3F0];
	v5 =	vmul.f32 v1, v4  }
0x49d: {  	[tilespmem:$0x1F2F0] =	vst v9;
	v9 =	vld [tilespmem:$0x1F3C0]  }
0x49e: {  	v14 =	vmul.f32 v62, v56;
	[tilespmem:$0x1F290] =	vst v5;
	v5 =	vld [tilespmem:$0x1F400]  }
0x49f: {  	v7 =	vmul.f32 v63, v43;
	[tilespmem:$0x1F1F0] =	vst v8;
	v3 =	vld [tilespmem:s16+$0xD0];
	v1 =	vmul.f32 v1, v27  }
0x4a0: {  	v2 =	vmul.f32 v2, v45;
	[tilespmem:$0x1F1D0] =	vst v14;
	v14 =	vmul.f32 v61, v42;
	v4 =	vld [tilespmem:s16+$0xE0]  }
0x4a1: {  	v7 =	vadd.f32 v7, v35;
	[tilespmem:$0x1F2B0] =	vst v1;
	v1 =	vld [tilespmem:s16+$0xF0]  }
0x4a2: {  	v8 =	vld [tilespmem:s16+$0xFFFFFF10];
	v2 =	vadd.f32 v2, v41;
	[tilespmem:$0x1F1E0] =	vst v14  }
0x4a3: {  	v43 =	vld [tilespmem:s16+$0xFFFFFF30];
	[tilespmem:s9+$0xFFFFFEF0] =	vst v7;
	v15 =	vadd.f32 v0, v9;
	v0 =	vmul.f32 v31, v53;
	v5 =	vmul.f32 v60, v5  }
0x4a4: {  	[tilespmem:s9+$0xFFFFFF00] =	vst v2;
	v14 =	vadd.f32 v3, v10;
	v3 =	vmul.f32 v6, v54  }
0x4a5: {  	[tilespmem:$0x1F320] =	vst v0;
	v5 =	vadd.f32 v5, v34  }
0x4a6: {  	[tilespmem:$0x1F340] =	vst v3;
	v13 =	vadd.f32 v4, v11;
	v16 =	vadd.f32 v1, v12  }
0x4a7: {  	v44 =	vld [tilespmem:s16+$0xFFFFFF90];
	v21 =	vadd.f32 v8, v10;
	v6 =	vadd.f32 v30, v11;
	[tilespmem:s9+$0xFFFFFEE0] =	vst v5;
	v5 =	vmul.f32 v33, v51  }
0x4a8: {  	v0 =	vld [tilespmem:s16+$0xFFFFFF50];
	v2 =	vadd.f32 v14, v15;
	[tilespmem:$0x1F2D0] =	vst v13;
	v30 =	vmul.f32 v13, v13;
	v4 =	vadd.f32 v16, v13  }
0x4a9: {  	v3 =	vld [tilespmem:s16+$0xFFFFFF70];
	v13 =	vmul.f32 v21, v21;
	[tilespmem:$0x1F300] =	vst v5;
	v5 =	vmul.f32 v32, v55  }
0x4aa: {  	[tilespmem:$0x1F200] =	vst v6;
	v1 =	vmul.f32 v19, v52;
	v19 =	vld [tilespmem:s16+$0xFFFFFF80];
	v2 =	vadd.f32 v4, v2;
	v4 =	vmul.f32 v6, v6  }
0x4ab: {  	v7 =	vmul.f32 v15, v15;
	v8 =	vmul.f32 v14, v14;
	v51 =	vadd.f32 v43, v12;
	[tilespmem:$0x1F310] =	vst v5;
	v5 =	vld [tilespmem:s16+$0xFFFFFF40]  }
0x4ac: {  	v31 =	vmul.f32 v16, v16;
	[tilespmem:$0x1F0B0] =	vst v4;
	v4 =	vld [tilespmem:s16+$0xFFFFFFA0]  }
0x4ad: {  	v7 =	vadd.f32 v8, v7;
	[tilespmem:$0x1F0D0] =	vst v13;
	v13 =	vmov v6;
	v6 =	vmul.f32 v51, v51  }
0x4ae: {  	v49 =	vadd.f32 v0, v10;
	[tilespmem:$0x1F330] =	vst v1;
	v1 =	vld [tilespmem:s16+$0xFFFFFF60];
	v8 =	vadd.f32 v31, v30  }
0x4af: {  	v53 =	vadd.f32 v3, v12;
	[tilespmem:$0x1F0C0] =	vst v6;
	v6 =	vadd.f32 v19, v9  }
0x4b0: {  	v0 =	vld [tilespmem:s16+$0xFFFFFFB0];
	(xrf2) =	vadd.scan.msk.f32 $0xffff, v2;
	v2 =	vadd.f32 v8, v7;
	v55 =	vadd.f32 v5, v9;
	v5 =	vmul.f32 v29, v20  }
0x4b1: {  	v7 =	vadd.f32 v44, v10;
	[tilespmem:$0x1F220] =	vst v6;
	v57 =	vadd.f32 v4, v11;
	v4 =	vmul.f32 v53, v53  }
0x4b2: {  	(xrf2) =	vadd.scan.msk.f32 $0xffff, v2;
	[tilespmem:$0x1F350] =	vst v5;
	v5 =	vmul.f32 v49, v49  }
0x4b3: {  	v52 =	vadd.f32 v1, v11;
	v1 =	vld [tilespmem:s16+$0xFFFFFFC0];
	[tilespmem:$0x1F120] =	vst v4;
	v4 =	vadd.f32 v7, v6  }
0x4b4: {  	v3 =	vmul.f32 v55, v55;
	[tilespmem:$0x1F100] =	vst v5;
	v5 =	vld [tilespmem:s16+$0xFFFFFFE0]  }
0x4b5: {  	v54 =	vadd.f32 v0, v12;
	v0 =	vld [tilespmem:s16+$0x0];
	[tilespmem:$0x1F130] =	vst v4;
	v4 =	vmul.f32 v6, v6  }
0x4b6: {  	v8 =	vadd.f32 v51, v13;
	v13 =	vmov v23;
	v23 =	vld [tilespmem:s16+$0xB0];
	v2 =	vadd.f32 v49, v55;
	[tilespmem:$0x1F0F0] =	vst v3  }
0x4b7: {  	v3 =	vld [tilespmem:s16+$0xFFFFFFD0];
	[tilespmem:$0x1F150] =	vst v4;
	v4 =	vadd.f32 v54, v57  }
0x4b8: {  	v59 =	vadd.f32 v1, v9;
	v1 =	vld [tilespmem:s16+$0x10];
	[tilespmem:$0x1F0E0] =	vst v2;
	v2 =	vmul.f32 v52, v52  }
0x4b9: {  	[tilespmem:$0x1F140] =	vst v4;
	v4 =	vmul.f32 v7, v7;
	v62 =	vadd.f32 v5, v11;
	v5 =	vld [tilespmem:s16+$0x50]  }
0x4ba: {  	v6 =	vld [tilespmem:$0x1F0C0];
	v19, _, _ =	vpop (xrf2);
	[tilespmem:$0x1F110] =	vst v2  }
0x4bb: {  	v35 =	vmul.f32 $1.562500000e-02, v19;
	v2 =	vld [tilespmem:s16+$0xFFFFFFF0];
	[tilespmem:$0x1F160] =	vst v4;
	v4 =	vmul.f32 v57, v57  }
0x4bc: {  	v45, _, _ =	vpop (xrf2);
	v60 =	vadd.f32 v3, v10;
	v3 =	vld [tilespmem:s16+$0x20]  }
0x4bd: {  	v19 =	vmov v17;
	v17 =	vmul.f32 $1.562500000e-02, v45;
	v22 =	vmul.f32 v35, v35;
	[tilespmem:$0x1F170] =	vst v4;
	v4 =	vld [tilespmem:s16+$0x30]  }
0x4be: {  	v36 =	vadd.f32 v5, v10;
	v5 =	vld [tilespmem:s16+$0xA0]  }
0x4bf: {  	v17 =	vsub.f32 v17, v22;
	v22 =	vld [tilespmem:s16+$0xFFFFFF00]  }
0x4c0: {  	v61 =	vadd.f32 v2, v12;
	v2 =	vld [tilespmem:s16+$0x40]  }
0x4c1: {  	v46 =	vadd.f32 v3, v11;
	v3 =	vld [tilespmem:s16+$0x70]  }
0x4c2: {  	[tilespmem:$0x1F280] =	vst v39;
	v39 =	vadd.f32 v4, v12;
	v4 =	vld [tilespmem:s16+$0x80]  }
0x4c3: {  	v32 =	vadd.f32 v5, v11;
	v5 =	vld [tilespmem:$0x1F0B0]  }
0x4c4: {  	[tilespmem:$0x1F260] =	vst v47;
	v47 =	vadd.f32 v1, v10;
	v1 =	vld [tilespmem:s16+$0x60]  }
0x4c5: {  	[tilespmem:$0x1F0A0] =	vst v21;
	v37 =	vadd.f32 v2, v9;
	v2 =	vld [tilespmem:s16+$0x90]  }
0x4c6: {  	v30 =	vadd.f32 v23, v12;
	v33 =	vadd.f32 v3, v12;
	v12 =	vld [tilespmem:$0x1F0A0]  }
0x4c7: {  	v63 =	vadd.f32 v0, v9;
	v22 =	vadd.f32 v22, v9  }
0x4c8: {  	v31 =	vadd.f32 v4, v9;
	v9 =	vadd.f32 v6, v5;
	v5 =	vld [tilespmem:$0x1F0D0];
	_ =	sdelay $0x1  }
0x4c9: {  	v34 =	vadd.f32 v1, v11  }
0x4ca: {  	v29 =	vadd.f32 v2, v10;
	v2 =	vmul.f32 v22, v22;
	v1 =	vadd.f32 v12, v22;
	_ =	sdelay $0x1  }
0x4cb: {  	v1 =	vadd.f32 v8, v1;
	v8 =	vadd.f32 v5, v2;
	v2 =	vld [tilespmem:$0x1F0E0];
	_ =	sdelay $0x2  }
0x4cc: {  	v50 =	vadd.f32 v53, v52  }
0x4cd: {  	v5 =	vld [tilespmem:$0x1F100]  }
0x4ce: {  	v50 =	vadd.f32 v50, v2;
	v2 =	vld [tilespmem:$0x1F0F0];
	_ =	sdelay $0x4  }
0x4cf: {  	v5 =	vadd.f32 v5, v2;
	v2 =	vld [tilespmem:$0x1F420];
	_ =	sdelay $0x3  }
0x4d0: {  	v4 =	vmov v25;
	(xrf2) =	vadd.scan.msk.f32 $0xffff, v1;
	v1 =	vld [tilespmem:$0x1F430]  }
0x4d1: {  	v2 =	vmul.f32 v4, v2  }
0x4d2: {  	v4 =	vld [tilespmem:$0x1F120]  }
0x4d3: {  	[tilespmem:$0x1F360] =	vst v2;
	v2 =	vld [tilespmem:$0x1F110]  }
0x4d4: {  	v45 =	vmov v18  }
0x4d5: {  	v1 =	vmul.f32 v45, v1;
	_ =	sdelay $0x1  }
0x4d6: {  	[tilespmem:$0x1F370] =	vst v1;
	v1 =	vld [tilespmem:$0x1F130]  }
0x4d7: {  	v4 =	vadd.f32 v4, v2;
	v2 =	vld [tilespmem:$0x1F140];
	_ =	sdelay $0x3  }
0x4d8: {  	v45 =	vld [tilespmem:$0x1F160]  }
0x4d9: {  	v1 =	vadd.f32 v2, v1;
	v2 =	vld [tilespmem:$0x1F150];
	_ =	sdelay $0x3  }
0x4da: {  	v17 =	vadd.f32 $9.999999740e-06, v17  }
0x4db: {  	v2 =	vadd.f32 v45, v2;
	v45 =	vld [tilespmem:$0x1F440]  }
0x4dc: {  	v17 =	vbroadcast v17, $0xF;
	_ =	sdelay $0x1  }
0x4dd: {  	v0 =	vshrl.u32 v17, $0x1;
	v17 =	vmul.f32 $5.000000000e-01, v17  }
0x4de: {  	v0 =	vsub.s32 $0x5F3759DF, v0  }
0x4df: {  	v3 =	vmul.f32 v0, v17;
	v45 =	vmul.f32 v13, v45;
	v13 =	vld [tilespmem:$0x1F170]  }
0x4e0: {  	v42 =	vmul.f32 v54, v54  }
0x4e1: {  	v21 =	vadd.f32 v36, v37;
	v18 =	vadd.f32 v33, v34;
	v3 =	vmul.f32 v0, v3  }
0x4e2: {  	[tilespmem:$0x1F2A0] =	vst v15;
	v44 =	vmul.f32 v63, v63;
	v20 =	vadd.f32 v47, v63;
	v15 =	vadd.f32 v39, v46  }
0x4e3: {  	v24 =	vmul.f32 v47, v47;
	v3 =	vsub.f32 $1.500000000e+00, v3;
	v18 =	vadd.f32 v18, v21;
	v21 =	vld [tilespmem:$0x1F460]  }
0x4e4: {  	v26 =	vmul.f32 v34, v34;
	v56 =	vmul.f32 v36, v36;
	v42 =	vadd.f32 v42, v13;
	v13 =	vld [tilespmem:$0x1F180]  }
0x4e5: {  	[tilespmem:$0x1F210] =	vst v16;
	v16 =	vmul.f32 v37, v37;
	v15 =	vadd.f32 v15, v20;
	v0 =	vmul.f32 v0, v3  }
0x4e6: {  	[tilespmem:$0x1F2C0] =	vst v14;
	v20 =	vadd.f32 v24, v44;
	v25 =	vmul.f32 v31, v31;
	v10 =	vmul.f32 v29, v29  }
0x4e7: {  	[tilespmem:$0x1F230] =	vst v7;
	v16 =	vadd.f32 v56, v16;
	v14 =	vmul.f32 v33, v33;
	v24 =	vmul.f32 v0, v17  }
0x4e8: {  	v7 =	vmul.f32 v32, v32;
	v6 =	vmul.f32 v30, v30;
	v10 =	vadd.f32 v10, v25;
	(xrf2) =	vadd.scan.msk.f32 $0xffff, v50  }
0x4e9: {  	v21 =	vmul.f32 v13, v21;
	v13 =	vadd.f32 v14, v26;
	v14 =	vmul.f32 v24, v0  }
0x4ea: {  	v6 =	vadd.f32 v6, v7;
	v8 =	vadd.f32 v9, v8;
	v9 =	vld [tilespmem:$0x1F1B0]  }
0x4eb: {  	v4 =	vadd.f32 v4, v5;
	v5 =	vld [tilespmem:$0x1F4A0];
	v7 =	vsub.f32 $1.500000000e+00, v14  }
0x4ec: {  	v13 =	vadd.f32 v13, v16;
	v16 =	vadd.f32 v6, v10;
	v10 =	vld [tilespmem:$0x1F1C0]  }
0x4ed: {  	v0 =	vmul.f32 v7, v0;
	v7 =	vld [tilespmem:$0x1F4B0]  }
0x4ee: {  	v40 =	vadd.f32 v60, v59;
	v28 =	vadd.f32 v61, v62;
	_ =	sdelay $0x1  }
0x4ef: {  	v40 =	vadd.f32 v28, v40  }
0x4f0: {  	v11 =	vadd.f32 v30, v32;
	(xrf2) =	vadd.scan.msk.f32 $0xffff, v1;
	v9 =	vmul.f32 v9, v5;
	v5, _, _ =	vpop (xrf2)  }
0x4f1: {  	v23 =	vadd.f32 v29, v31;
	(xrf2) =	vadd.scan.msk.f32 $0xffff, v40;
	v6 =	vmul.f32 v0, v17;
	v17 =	vld [tilespmem:$0x1F1E0];
	v7 =	vmul.f32 v10, v7;
	v10, _, _ =	vpop (xrf2)  }
0x4f2: {  	(xrf2) =	vadd.scan.msk.f32 $0xffff, v15;
	v15 =	vmul.f32 $1.562500000e-02, v10;
	v10 =	vld [tilespmem:$0x1FFB0]  }
0x4f3: {  	v1 =	vadd.f32 v11, v23;
	v11 =	vld [tilespmem:$0x1F480];
	v5 =	vmul.f32 $1.562500000e-02, v5  }
0x4f4: {  	v23 =	vld [tilespmem:$0x1F190]  }
0x4f5: {  	[tilespmem:$0x1F3B0] =	vst v7;
	v7 =	vbroadcast v5, $0xF;
	_ =	sdelay $0x1  }
0x4f6: {  	v28 =	vld [tilespmem:$0x1F450];
	v17 =	vadd.f32 v17, v10;
	v10 =	vsub.f32 v22, v7  }
0x4f7: {  	(xrf2) =	vadd.scan.msk.f32 $0xffff, v18;
	v18 =	vld [tilespmem:$0x1F4C0]  }
0x4f8: {  	v11 =	vmul.f32 v23, v11;
	[tilespmem:$0x1F400] =	vst v10;
	v10 =	vld [tilespmem:$0x1F1F0];
	_ =	sdelay $0x1  }
0x4f9: {  	[tilespmem:$0x1F390] =	vst v11;
	v11 =	vld [tilespmem:$0x1F490]  }
0x4fa: {  	v27 =	vmul.f32 v46, v46;
	v58 =	vmul.f32 v39, v39;
	v14 =	vld [tilespmem:$0x1F1A0];
	_ =	sdelay $0x1  }
0x4fb: {  	v28 =	vmul.f32 v19, v28;
	v19 =	vadd.f32 v58, v27;
	v23 =	vmul.f32 v10, v18;
	v10 =	vld [tilespmem:$0x1F200]  }
0x4fc: {  	v48 =	vmul.f32 v62, v62;
	v43 =	vmul.f32 v61, v61  }
0x4fd: {  	v40 =	vld [tilespmem:$0x1FFE0]  }
0x4fe: {  	v48 =	vadd.f32 v43, v48;
	v11 =	vmul.f32 v14, v11;
	v14 =	vld [tilespmem:$0x1F1D0]  }
0x4ff: {  	v41 =	vmul.f32 v59, v59;
	[tilespmem:$0x1F3A0] =	vst v9;
	v9 =	vadd.f32 v19, v20;
	v19, _, _ =	vpop (xrf2);
	v43 =	vsub.f32 v12, v7  }
0x500: {  	[tilespmem:$0x1F380] =	vst v45;
	v56 =	vsub.f32 v51, v7;
	v45 =	vsub.f32 v10, v7;
	v7 =	vmul.f32 $1.562500000e-02, v19  }
0x501: {  	v38 =	vmul.f32 v60, v60;
	v6 =	vmul.f32 v6, v0;
	[tilespmem:s9+$0xFFFFFF28] =	vst v17;
	v17 =	vld [tilespmem:$0x1FFA0]  }
0x502: {  	(xrf2) =	vadd.scan.msk.f32 $0xffff, v1;
	v1 =	vbroadcast v7, $0xF;
	v19 =	vmul.f32 v7, v7;
	v7 =	vld [tilespmem:$0x1F210]  }
0x503: {  	v14 =	vadd.f32 v14, v40;
	v12 =	vsub.f32 $1.500000000e+00, v6  }
0x504: {  	v44 =	vld [tilespmem:$0x1FF90];
	v3 =	vadd.f32 v38, v41  }
0x505: {  	v24 =	vld [tilespmem:$0x1FF80];
	v6, _, _ =	vpop (xrf2);
	[tilespmem:s9+$0xFFFFFF10] =	vst v14;
	v14 =	vbroadcast v35, $0xF;
	v0 =	vmul.f32 v12, v0  }
0x506: {  	v3 =	vadd.f32 v48, v3;
	v6 =	vmul.f32 $1.562500000e-02, v6;
	v18 =	vbroadcast v15, $0xF;
	v10 =	vld [tilespmem:$0x1FF70]  }
0x507: {  	v2 =	vadd.f32 v42, v2;
	v12 =	vmul.f32 v0, v17;
	v7 =	vsub.f32 v7, v14  }
0x508: {  	(xrf2) =	vadd.scan.msk.f32 $0xffff, v8;
	v8 =	vmul.f32 v6, v6;
	v42 =	vsub.f32 v55, v18;
	v48 =	vsub.f32 v49, v18  }
0x509: {  	v50 =	vsub.f32 v52, v18;
	v51 =	vsub.f32 v53, v18;
	v18 =	vmul.f32 v12, v7  }
0x50a: {  	v6 =	vbroadcast v6, $0xF;
	v24 =	vmul.f32 v0, v24  }
0x50b: {  	v35 =	vmul.f32 v0, v44;
	v22 =	vmul.f32 v0, v10;
	v0 =	vadd.f32 v18, v40  }
0x50c: {  	s9 =	sadd.s32 $0x240, s9  }
0x50d: {  	[tilespmem:s9+$0x108] =	vst v0;
	v0 =	vsub.f32 v60, v6;
	_ =	sdelay $0x1  }
0x50e: {  	v17, _, _ =	vpop (xrf2);
	(xrf2) =	vadd.scan.msk.f32 $0xffff, v4;
	[tilespmem:$0x1F420] =	vst v0;
	v0 =	vsub.f32 v62, v6  }
0x50f: {  	v7, _, _ =	vpop (xrf2);
	(xrf2) =	vadd.scan.msk.f32 $0xffff, v2;
	v2 =	vld [tilespmem:$0x1F240]  }
0x510: {  	[tilespmem:$0x1F430] =	vst v0;
	v0 =	vld [tilespmem:$0x1F4D0]  }
0x511: {  	v17 =	vmul.f32 $1.562500000e-02, v17  }
0x512: {  	v12 =	vld [tilespmem:$0x1F220]  }
0x513: {  	v4 =	vbroadcast v17, $0xF;
	_ =	sdelay $0x1  }
0x514: {  	v18 =	vmul.f32 v2, v0;
	v2 =	vsub.f32 v63, v4;
	_ =	sdelay $0x1  }
0x515: {  	v55 =	vsub.f32 v12, v1;
	v12 =	vld [tilespmem:$0x1F230];
	[tilespmem:$0x1F450] =	vst v2;
	v2 =	vsub.f32 v47, v4;
	_ =	sdelay $0x1  }
0x516: {  	[tilespmem:$0x1F460] =	vst v2;
	v2 =	vsub.f32 v46, v4;
	_ =	sdelay $0x1  }
0x517: {  	v52 =	vsub.f32 v57, v1;
	[tilespmem:$0x1F480] =	vst v2;
	v2 =	vsub.f32 v39, v4  }
0x518: {  	v54 =	vsub.f32 v54, v1;
	v53 =	vsub.f32 v12, v1;
	v1, _, _ =	vpop (xrf2);
	(xrf2) =	vadd.scan.msk.f32 $0xffff, v3;
	v3 =	vld [tilespmem:$0x1F260]  }
0x519: {  	[tilespmem:$0x1F490] =	vst v2;
	v2 =	vld [tilespmem:$0x1F250]  }
0x51a: {  	v7 =	vmul.f32 $1.562500000e-02, v7;
	v0 =	vsub.f32 v61, v6;
	_ =	sdelay $0x1  }
0x51b: {  	[tilespmem:$0x1F440] =	vst v0;
	v0 =	vbroadcast v7, $0xF;
	_ =	sdelay $0x1  }
0x51c: {  	v62 =	vmul.f32 v7, v7;
	v7 =	vmul.f32 v2, v3;
	v3 =	vsub.f32 v36, v0  }
0x51d: {  	v2 =	vsub.f32 v37, v0  }
0x51e: {  	[tilespmem:$0x1F4B0] =	vst v3;
	v3 =	vsub.f32 v34, v0;
	v0 =	vsub.f32 v33, v0;
	_ =	sdelay $0x1  }
0x51f: {  	[tilespmem:$0x1F4D0] =	vst v0;
	v0 =	vld [tilespmem:$0x1F270]  }
0x520: {  	[tilespmem:$0x1F4C0] =	vst v3;
	v3 =	vld [tilespmem:$0x1F280];
	_ =	sdelay $0x1  }
0x521: {  	v20 =	vsub.f32 v59, v6;
	v6 =	vmul.f32 $1.562500000e-02, v1  }
0x522: {  	v5 =	vmul.f32 v5, v5;
	v1, _, _ =	vpop (xrf2)  }
0x523: {  	v12 =	vmul.f32 v6, v6;
	v4 =	vmul.f32 $1.562500000e-02, v1  }
0x524: {  	[tilespmem:$0x1F4A0] =	vst v2;
	v2 =	vbroadcast v6, $0xF;
	v6 =	vmul.f32 v0, v3;
	v3 =	vld [tilespmem:$0x1F4F0]  }
0x525: {  	v0 =	vsub.f32 v4, v5;
	v4 =	vld [tilespmem:$0x1F290];
	_ =	sdelay $0x4  }
0x526: {  	v4 =	vmul.f32 v4, v3;
	v3 =	vsub.f32 v32, v2;
	_ =	sdelay $0x1  }
0x527: {  	(xrf2) =	vadd.scan.msk.f32 $0xffff, v9;
	[tilespmem:$0x1F4F0] =	vst v3;
	v3 =	vadd.f32 $9.999999740e-06, v0;
	v0 =	vld [tilespmem:$0x1F2A0];
	_ =	sdelay $0x2  }
0x528: {  	v15 =	vmul.f32 v15, v15  }
0x529: {  	v9 =	vld [tilespmem:$0x1F2B0];
	v1, _, _ =	vpop (xrf2);
	v47 =	vsub.f32 v31, v2;
	v39 =	vsub.f32 v29, v2  }
0x52a: {  	v1 =	vmul.f32 $1.562500000e-02, v1;
	v2 =	vsub.f32 v30, v2;
	v5 =	vsub.f32 v0, v14;
	v0 =	vld [tilespmem:$0x1F500]  }
0x52b: {  	(xrf2) =	vadd.scan.msk.f32 $0xffff, v13;
	v13, _, _ =	vpop (xrf2)  }
0x52c: {  	v1 =	vsub.f32 v1, v15;
	v15 =	vmov v2;
	v2 =	vbroadcast v3, $0xF;
	v3, _, _ =	vpop (xrf2)  }
0x52d: {  	v3 =	vmul.f32 $1.562500000e-02, v3  }
0x52e: {  	v25 =	vmul.f32 $1.562500000e-02, v13;
	v13 =	vld [tilespmem:$0x1F2D0]  }
0x52f: {  	v3 =	vsub.f32 v3, v8;
	v8, _, _ =	vpop (xrf2);
	v0 =	vmul.f32 v9, v0;
	v9 =	vld [tilespmem:$0x1F2C0]  }
0x530: {  	v49 =	vmul.f32 v17, v17;
	v8 =	vmul.f32 $1.562500000e-02, v8;
	_ =	sdelay $0x1  }
0x531: {  	v8 =	vsub.f32 v8, v49  }
0x532: {  	v13 =	vsub.f32 v13, v14;
	v17 =	vmul.f32 v22, v5  }
0x533: {  	v5 =	vshrl.u32 v2, $0x1;
	v8 =	vadd.f32 $9.999999740e-06, v8;
	v9 =	vsub.f32 v9, v14  }
0x534: {  	v14 =	vadd.f32 $9.999999740e-06, v1;
	v1 =	vmul.f32 $5.000000000e-01, v2;
	v2 =	vsub.f32 v25, v19  }
0x535: {  	v8 =	vbroadcast v8, $0xF  }
0x536: {  	(xrf2) =	vadd.scan.msk.f32 $0xffff, v16;
	v22 =	vmul.f32 v35, v13;
	v16 =	vadd.f32 $9.999999740e-06, v2  }
0x537: {  	v19 =	vadd.f32 $9.999999740e-06, v3;
	v30 =	vshrl.u32 v8, $0x1;
	v8 =	vmul.f32 $5.000000000e-01, v8  }
0x538: {  	[tilespmem:$0x1F500] =	vst v15;
	v15 =	vmul.f32 v24, v9;
	v25 =	vbroadcast v16, $0xF  }
0x539: {  	v9 =	vbroadcast v14, $0xF;
	v19 =	vbroadcast v19, $0xF  }
0x53a: {  	v30 =	vsub.s32 $0x5F3759DF, v30;
	v24 =	vshrl.u32 v25, $0x1;
	v3 =	vmul.f32 $5.000000000e-01, v25  }
0x53b: {  	v26 =	vshrl.u32 v19, $0x1;
	v19 =	vmul.f32 $5.000000000e-01, v19;
	v24 =	vsub.s32 $0x5F3759DF, v24  }
0x53c: {  	v13 =	vshrl.u32 v9, $0x1;
	v26 =	vsub.s32 $0x5F3759DF, v26;
	v25 =	vmul.f32 v24, v3  }
0x53d: {  	v31 =	vmul.f32 v30, v8;
	v29 =	vmul.f32 v26, v19  }
0x53e: {  	v2 =	vmul.f32 $5.000000000e-01, v9;
	v25 =	vmul.f32 v24, v25  }
0x53f: {  	v9 =	vsub.s32 $0x5F3759DF, v13;
	v31 =	vmul.f32 v30, v31;
	v13, _, _ =	vpop (xrf2);
	v29 =	vmul.f32 v26, v29  }
0x540: {  	v13 =	vmul.f32 $1.562500000e-02, v13;
	v25 =	vsub.f32 $1.500000000e+00, v25  }
0x541: {  	v31 =	vsub.f32 $1.500000000e+00, v31;
	v29 =	vsub.f32 $1.500000000e+00, v29  }
0x542: {  	v13 =	vsub.f32 v13, v62;
	v24 =	vmul.f32 v24, v25  }
0x543: {  	v25 =	vmul.f32 v26, v29;
	v26 =	vmul.f32 v30, v31;
	v31 =	vld [tilespmem:$0x1F300]  }
0x544: {  	v5 =	vsub.s32 $0x5F3759DF, v5;
	v27, _, _ =	vpop (xrf2);
	v13 =	vadd.f32 $9.999999740e-06, v13  }
0x545: {  	v41 =	vld [tilespmem:$0x1FFD0];
	v14 =	vmul.f32 v5, v1;
	v27 =	vmul.f32 $1.562500000e-02, v27  }
0x546: {  	v60 =	vld [tilespmem:$0x1FFC0];
	v16 =	vmul.f32 v9, v2;
	v13 =	vbroadcast v13, $0xF  }
0x547: {  	v61 =	vld [tilespmem:$0x1F2E0];
	v14 =	vmul.f32 v5, v14;
	v27 =	vsub.f32 v27, v12  }
0x548: {  	v16 =	vmul.f32 v9, v16;
	v49 =	vshrl.u32 v13, $0x1;
	v31 =	vadd.f32 v31, v40  }
0x549: {  	v11 =	vadd.f32 v11, v40;
	v27 =	vadd.f32 $9.999999740e-06, v27;
	v32 =	vsub.s32 $0x5F3759DF, v49;
	v49 =	vld [tilespmem:$0x1F310]  }
0x54a: {  	v14 =	vsub.f32 $1.500000000e+00, v14;
	v16 =	vsub.f32 $1.500000000e+00, v16;
	[tilespmem:s14+$0xFFFFFF58] =	vst v31;
	v31 =	vld [tilespmem:$0x1FFB0]  }
0x54b: {  	[tilespmem:s14+$0x30] =	vst v11;
	v11 =	vadd.f32 v23, v41;
	v29 =	vld [tilespmem:$0x1F2F0];
	v27 =	vbroadcast v27, $0xF;
	v13 =	vmul.f32 $5.000000000e-01, v13  }
0x54c: {  	v34 =	vadd.f32 v61, v60;
	v5 =	vmul.f32 v5, v14;
	v9 =	vmul.f32 v9, v16  }
0x54d: {  	v58 =	vshrl.u32 v27, $0x1;
	v27 =	vmul.f32 $5.000000000e-01, v27;
	v57 =	vmul.f32 v32, v13  }
0x54e: {  	v30 =	vmul.f32 v5, v1;
	v62 =	vmul.f32 v9, v2;
	v59 =	vsub.s32 $0x5F3759DF, v58  }
0x54f: {  	v16 =	vmul.f32 v59, v27;
	v14 =	vmul.f32 v32, v57;
	v31 =	vadd.f32 v49, v31  }
0x550: {  	[tilespmem:s14+$0xFFFFFF38] =	vst v34;
	v63 =	vmul.f32 v24, v3;
	v30 =	vmul.f32 v30, v5;
	v29 =	vadd.f32 v29, v41  }
0x551: {  	v46 =	vmul.f32 v26, v8;
	v16 =	vmul.f32 v59, v16;
	v14 =	vsub.f32 $1.500000000e+00, v14;
	[tilespmem:s14+$0xFFFFFF70] =	vst v31;
	v31 =	vld [tilespmem:$0x1F330]  }
0x552: {  	v34 =	vmul.f32 v63, v24;
	v30 =	vsub.f32 $1.500000000e+00, v30;
	[tilespmem:s14+$0xFFFFFF48] =	vst v29;
	v29 =	vmul.f32 v25, v19  }
0x553: {  	v35 =	vmul.f32 v46, v26;
	v16 =	vsub.f32 $1.500000000e+00, v16;
	v14 =	vmul.f32 v32, v14  }
0x554: {  	v5 =	vmul.f32 v30, v5;
	v30 =	vsub.f32 $1.500000000e+00, v34;
	v29 =	vmul.f32 v29, v25  }
0x555: {  	v0 =	vadd.f32 v0, v40;
	v16 =	vmul.f32 v59, v16;
	v57 =	vmul.f32 v14, v13  }
0x556: {  	v24 =	vmul.f32 v30, v24;
	v32 =	vmul.f32 v62, v9;
	v31 =	vadd.f32 v31, v41  }
0x557: {  	v29 =	vsub.f32 $1.500000000e+00, v29;
	v60 =	vmul.f32 v16, v27;
	v62 =	vmul.f32 v57, v14  }
0x558: {  	v1 =	vmul.f32 v5, v1;
	v3 =	vmul.f32 v24, v3;
	[tilespmem:s14+$0xFFFFFF90] =	vst v31;
	v31 =	vsub.f32 $1.500000000e+00, v32  }
0x559: {  	v25 =	vmul.f32 v29, v25;
	v63 =	vmul.f32 v60, v16;
	v32 =	vsub.f32 $1.500000000e+00, v62  }
0x55a: {  	v1 =	vmul.f32 v1, v5;
	v9 =	vmul.f32 v31, v9;
	v31 =	vsub.f32 $1.500000000e+00, v35;
	v35 =	vld [tilespmem:$0x1FFC0]  }
0x55b: {  	[tilespmem:s14+$0x68] =	vst v11;
	v11 =	vld [tilespmem:$0x1FFA0];
	v19 =	vmul.f32 v25, v19;
	v29 =	vsub.f32 $1.500000000e+00, v63;
	v14 =	vmul.f32 v32, v14  }
0x55c: {  	v61 =	vld [tilespmem:$0x1F340];
	v4 =	vadd.f32 v4, v41;
	v26 =	vmul.f32 v31, v26;
	v2 =	vmul.f32 v9, v2  }
0x55d: {  	[tilespmem:s14+$0xC0] =	vst v0;
	v0 =	vadd.f32 v22, v41;
	v34 =	vld [tilespmem:$0x1FFB0];
	v16 =	vmul.f32 v29, v16;
	v13 =	vmul.f32 v14, v13  }
0x55e: {  	v30 =	vld [tilespmem:$0x1F350];
	v1 =	vsub.f32 $1.500000000e+00, v1;
	v8 =	vmul.f32 v26, v8;
	v2 =	vmul.f32 v2, v9  }
0x55f: {  	v12 =	vld [tilespmem:$0x1F390];
	v19 =	vmul.f32 v19, v25;
	v27 =	vmul.f32 v16, v27;
	v21 =	vadd.f32 v21, v35  }
0x560: {  	v29 =	vld [tilespmem:$0x1F360];
	v13 =	vmul.f32 v13, v14;
	v8 =	vmul.f32 v8, v26;
	v2 =	vsub.f32 $1.500000000e+00, v2  }
0x561: {  	v58 =	vld [tilespmem:$0x1FFC0];
	[tilespmem:s14+$0x10] =	vst v21;
	v21 =	vmul.f32 v27, v16;
	v27 =	vmul.f32 v1, v5;
	v1 =	vsub.f32 $1.500000000e+00, v19  }
0x562: {  	v59 =	vld [tilespmem:$0x1F320];
	v5 =	vsub.f32 $1.500000000e+00, v8;
	v8 =	vmul.f32 v2, v9;
	v2 =	vsub.f32 $1.500000000e+00, v13  }
0x563: {  	v3 =	vmul.f32 v3, v24;
	v30 =	vadd.f32 v30, v34;
	v13 =	vmul.f32 v1, v25;
	v1 =	vld [tilespmem:$0x1F3A0]  }
0x564: {  	[tilespmem:s14+$0xB0] =	vst v4;
	v9 =	vsub.f32 $1.500000000e+00, v21;
	v21 =	vmul.f32 v5, v26;
	v5 =	vmul.f32 v2, v14;
	v2 =	vld [tilespmem:$0x1F3B0]  }
0x565: {  	v4 =	vld [tilespmem:$0x1FFA0];
	[tilespmem:s9+$0xF8] =	vst v0;
	v3 =	vsub.f32 $1.500000000e+00, v3;
	v29 =	vadd.f32 v29, v35  }
0x566: {  	v28 =	vadd.f32 v28, v34;
	[tilespmem:s14+$0xFFFFFFB8] =	vst v30;
	v30 =	vld [tilespmem:$0x1F370]  }
0x567: {  	v7 =	vadd.f32 v7, v34;
	v33 =	vadd.f32 v59, v58;
	v3 =	vmul.f32 v3, v24;
	[tilespmem:s14+$0xFFFFFFC8] =	vst v29;
	v29 =	vld [tilespmem:$0x1F380]  }
0x568: {  	[tilespmem:s14+$0x0] =	vst v28;
	v28 =	vadd.f32 v12, v41;
	v26 =	vld [tilespmem:$0x1FF80];
	v12 =	vadd.f32 v1, v34  }
0x569: {  	[tilespmem:s14+$0xFFFFFF80] =	vst v33;
	v32 =	vmul.f32 v3, v10;
	v1 =	vmul.f32 v9, v16;
	v9 =	vadd.f32 v2, v35;
	v2 =	vld [tilespmem:$0x1FF80]  }
0x56a: {  	v33 =	vadd.f32 v61, v40;
	v19 =	vmul.f32 v3, v44;
	v60 =	vmul.f32 v27, v10;
	[tilespmem:s14+$0x48] =	vst v12;
	v12 =	vld [tilespmem:$0x1FFA0]  }
0x56b: {  	[tilespmem:s14+$0x90] =	vst v7;
	v30 =	vadd.f32 v30, v41;
	v61 =	vmul.f32 v8, v10;
	v57 =	vmul.f32 v8, v44  }
0x56c: {  	[tilespmem:s14+$0xFFFFFFA0] =	vst v33;
	v33 =	vmul.f32 v8, v11;
	v23 =	vmul.f32 v13, v4;
	v29 =	vadd.f32 v29, v40  }
0x56d: {  	[tilespmem:s14+$0x20] =	vst v28;
	v11 =	vmul.f32 v21, v44;
	v59 =	vmul.f32 v8, v26;
	v8 =	vadd.f32 v6, v35;
	v6 =	vld [tilespmem:$0x1FFA0]  }
0x56e: {  	s4 =	sadd.s32 $0x8, s4;
	v4 =	vadd.f32 v15, v35;
	[tilespmem:s14+$0xFFFFFFE8] =	vst v29;
	v29 =	vmul.f32 v13, v10;
	v63 =	vmul.f32 v27, v2  }
0x56f: {  	p0 =	slt.u32 s4, $0x78;
	[tilespmem:s14+$0xFFFFFFD8] =	vst v30;
	v2 =	vmul.f32 v27, v44;
	v62 =	vmul.f32 v27, v12;
	v27 =	vld [tilespmem:$0x1FFA0]  }
.Ltmp4:
0x570: {  	[tilespmem:s9+$0xE8] =	vst v4;
	v31 =	vmul.f32 v3, v26;
	v25 =	vmul.f32 v13, v26;
	(pc) =	sbr.rel @p0 .LBB2_11-.Ltmp4, $4  }
0x571: {  	[tilespmem:s14+$0x58] =	vst v9;
	v9 =	vadd.f32 v18, v40;
	v18 =	vmul.f32 v13, v44;
	v13 =	vmul.f32 v21, v26  }
0x572: {  	[tilespmem:s14+$0xA0] =	vst v8;
	v8 =	vmul.f32 v5, v44;
	v6 =	vmul.f32 v3, v6;
	v3 =	vadd.f32 v17, v34  }
0x573: {  	[tilespmem:s14+$0x78] =	vst v9;
	v9 =	vmul.f32 v5, v26;
	v17 =	vmul.f32 v21, v10  }
0x574: {  	s16 =	sadd.s32 $0x200, s16;
	s14 =	smov.u32 s9;
	v10 =	vmul.f32 v5, v10;
	[tilespmem:s9+$0xD8] =	vst v3;
	v12 =	vmul.f32 v21, v27  }
0x575: {  	v0 =	vld [tilespmem:$0x1F400];
	_ =	sdelay $0x3  }
0x576: {  	v3 =	vmul.f32 v63, v43  }
0x577: {  	v0 =	vmul.f32 v60, v0  }
0x578: {  	v3 =	vadd.f32 v3, v35  }
0x579: {  	v0 =	vadd.f32 v0, v34  }
0x57a: {  	[tilespmem:s9+$0xFFFFFEF0] =	vst v3  }
0x57b: {  	[tilespmem:s9+$0xFFFFFEE0] =	vst v0  }
0x57c: {  	v2 =	vmul.f32 v2, v45;
	v24 =	vld [tilespmem:$0x1FFE0];
	_ =	sdelay $0x1  }
0x57d: {  	v7 =	vmul.f32 v61, v42;
	v0 =	vadd.f32 v2, v41  }
0x57e: {  	v4 =	vmul.f32 v62, v56  }
0x57f: {  	v2 =	vmul.f32 v59, v48;
	[tilespmem:s9+$0xFFFFFF00] =	vst v0;
	v0 =	vadd.f32 v7, v34  }
0x580: {  	v3 =	vadd.f32 v4, v24;
	v4 =	vmul.f32 v57, v50  }
0x581: {  	v7 =	vmul.f32 v33, v51;
	v2 =	vadd.f32 v2, v35;
	[tilespmem:s9+$0xFFFFFF28] =	vst v0  }
0x582: {  	[tilespmem:s9+$0xFFFFFF10] =	vst v3;
	v3 =	vmul.f32 v32, v55;
	v0 =	vadd.f32 v4, v41  }
0x583: {  	[tilespmem:s14+$0xFFFFFF38] =	vst v2;
	v2 =	vadd.f32 v7, v24;
	v4 =	vmul.f32 v31, v53  }
0x584: {  	[tilespmem:s14+$0xFFFFFF48] =	vst v0;
	v0 =	vadd.f32 v3, v34  }
0x585: {  	v7 =	vmul.f32 v19, v52;
	[tilespmem:s14+$0xFFFFFF58] =	vst v2;
	v2 =	vadd.f32 v4, v35  }
0x586: {  	v3 =	vmul.f32 v6, v54;
	[tilespmem:s14+$0xFFFFFF70] =	vst v0  }
0x587: {  	v0 =	vadd.f32 v7, v41;
	v6 =	vld [tilespmem:$0x1F420];
	[tilespmem:s14+$0xFFFFFF80] =	vst v2  }
0x588: {  	v4 =	vmul.f32 v29, v20;
	v2 =	vadd.f32 v3, v24;
	v3 =	vld [tilespmem:$0x1F430]  }
0x589: {  	[tilespmem:s14+$0xFFFFFF90] =	vst v0  }
0x58a: {  	v0 =	vadd.f32 v4, v34;
	v4 =	vld [tilespmem:$0x1F440];
	_ =	sdelay $0x1  }
0x58b: {  	v6 =	vmul.f32 v25, v6  }
0x58c: {  	[tilespmem:s14+$0xFFFFFFA0] =	vst v2;
	v3 =	vmul.f32 v18, v3  }
0x58d: {  	v2 =	vadd.f32 v6, v35;
	v6 =	vld [tilespmem:$0x1F450];
	[tilespmem:s14+$0xFFFFFFB8] =	vst v0  }
0x58e: {  	v4 =	vmul.f32 v23, v4;
	v0 =	vadd.f32 v3, v41;
	v3 =	vld [tilespmem:$0x1F460]  }
0x58f: {  	[tilespmem:s14+$0xFFFFFFC8] =	vst v2  }
0x590: {  	v2 =	vadd.f32 v4, v24;
	v4 =	vld [tilespmem:$0x1F480];
	_ =	sdelay $0x1  }
0x591: {  	v6 =	vmul.f32 v17, v6  }
0x592: {  	v3 =	vmul.f32 v13, v3  }
0x593: {  	[tilespmem:s14+$0xFFFFFFD8] =	vst v0;
	v0 =	vadd.f32 v6, v34  }
0x594: {  	v6 =	vld [tilespmem:$0x1F490];
	[tilespmem:s14+$0xFFFFFFE8] =	vst v2;
	v4 =	vmul.f32 v11, v4;
	v2 =	vadd.f32 v3, v35  }
0x595: {  	v3 =	vld [tilespmem:$0x1F4A0];
	[tilespmem:s14+$0x0] =	vst v0  }
0x596: {  	v0 =	vadd.f32 v4, v41;
	v4 =	vmul.f32 v5, v27;
	v5 =	vld [tilespmem:$0x1F4B0];
	[tilespmem:s14+$0x10] =	vst v2  }
0x597: {  	v7 =	vld [tilespmem:$0x1F4C0];
	_ =	sdelay $0x1  }
0x598: {  	v6 =	vmul.f32 v12, v6;
	_ =	sdelay $0x1  }
0x599: {  	v2 =	vadd.f32 v6, v24;
	v6 =	vld [tilespmem:$0x1FF70];
	[tilespmem:s14+$0x20] =	vst v0  }
0x59a: {  	v7 =	vmul.f32 v8, v7;
	v8 =	vld [tilespmem:$0x1F4D0]  }
0x59b: {  	v3 =	vmul.f32 v10, v3  }
0x59c: {  	v5 =	vmul.f32 v9, v5  }
0x59d: {  	v0 =	vadd.f32 v3, v34  }
0x59e: {  	[tilespmem:s14+$0x30] =	vst v2;
	v2 =	vadd.f32 v5, v35  }
0x59f: {  	v3 =	vmul.f32 v1, v26;
	v26 =	vld [tilespmem:$0x1FF90];
	[tilespmem:s14+$0x48] =	vst v0;
	v4 =	vmul.f32 v4, v8  }
0x5a0: {  	[tilespmem:s14+$0x58] =	vst v2  }
0x5a1: {  	v2 =	vadd.f32 v4, v24;
	v4 =	vld [tilespmem:$0x1F4F0];
	_ =	sdelay $0x1  }
0x5a2: {  	v0 =	vadd.f32 v7, v41  }
0x5a3: {  	v5 =	vmul.f32 v1, v26  }
0x5a4: {  	[tilespmem:s14+$0x68] =	vst v0  }
0x5a5: {  	v6 =	vmul.f32 v1, v6;
	v4 =	vmul.f32 v5, v4;
	v5 =	vld [tilespmem:$0x1F500];
	_ =	sdelay $0x1  }
0x5a6: {  	v6 =	vmul.f32 v6, v47  }
0x5a7: {  	v3 =	vmul.f32 v3, v39;
	v1 =	vmul.f32 v1, v27  }
0x5a8: {  	v0 =	vadd.f32 v6, v34  }
0x5a9: {  	[tilespmem:s14+$0x78] =	vst v2;
	v2 =	vadd.f32 v3, v35;
	v1 =	vmul.f32 v1, v5  }
0x5aa: {  	[tilespmem:s14+$0x90] =	vst v0;
	v0 =	vadd.f32 v4, v41  }
0x5ab: {  	[tilespmem:s14+$0xA0] =	vst v2;
	v1 =	vadd.f32 v1, v24  }
0x5ac: {  	[tilespmem:s14+$0xB0] =	vst v0  }
0x5ad: {  	[tilespmem:s14+$0xC0] =	vst v1  }
0x5ae: {  	v10 =	vld [tilespmem:s10+$0x14A40]  }
0x5af: {  	v25 =	vld [tilespmem:s10+$0x14A50]  }
0x5b0: {  	v8 =	vld [tilespmem:s10+$0x14A60]  }
0x5b1: {  	s4 =	simm.s32 $0x63F0;
	v9 =	vld [tilespmem:s10+$0x14A70]  }
0x5b2: {  	v0 =	vld [tilespmem:s4+$0xFFFFFFD0]  }
0x5b3: {  	v1 =	vld [tilespmem:s4+$0xFFFFFFE0]  }
0x5b4: {  	v2 =	vld [tilespmem:s4+$0xFFFFFFF0]  }
0x5b5: {  	v3 =	vld [tilespmem:s4+$0x0];
	_ =	sdelay $0x3  }
0x5b6: {  	v19 =	vadd.f32 v0, v10;
	v37 =	vadd.f32 v1, v25  }
0x5b7: {  	v36 =	vadd.f32 v2, v8;
	v15 =	vadd.f32 v3, v9  }
0x5b8: {  	v0 =	vadd.f32 v37, v19  }
0x5b9: {  	v2 =	vadd.f32 v15, v36;
	v3 =	vmul.f32 v19, v19;
	v4 =	vmul.f32 v37, v37  }
0x5ba: {  	v5 =	vld [tilespmem:s4+$0xFFFFFE20];
	v6 =	vmul.f32 v36, v36;
	v7 =	vmul.f32 v15, v15  }
0x5bb: {  	v11 =	vld [tilespmem:s4+$0xFFFFFE70];
	v0 =	vadd.f32 v2, v0  }
0x5bc: {  	v17 =	vld [tilespmem:s4+$0xFFFFFEB0];
	v3 =	vadd.f32 v4, v3;
	v4 =	vadd.f32 v7, v6  }
0x5bd: {  	v1 =	vld [tilespmem:s4+$0xFFFFFE80]  }
0x5be: {  	v6 =	vld [tilespmem:s4+$0xFFFFFE50];
	(xrf2) =	vadd.scan.msk.f32 $0xffff, v0;
	v0 =	vadd.f32 v4, v3  }
0x5bf: {  	v7 =	vld [tilespmem:s4+$0xFFFFFE60]  }
0x5c0: {  	(xrf2) =	vadd.scan.msk.f32 $0xffff, v0;
	v0 =	vld [tilespmem:s4+$0xFFFFFE90]  }
0x5c1: {  	v4 =	vadd.f32 v5, v25;
	v5 =	vld [tilespmem:s4+$0xFFFFFEA0]  }
0x5c2: {  	v12 =	vld [tilespmem:s4+$0xFFFFFE30]  }
0x5c3: {  	v33 =	vadd.f32 v11, v8;
	v2 =	vld [tilespmem:s4+$0xFFFFFE40]  }
0x5c4: {  	v32 =	vadd.f32 v1, v9;
	v34 =	vadd.f32 v6, v10;
	v6 =	vld [tilespmem:s4+$0xFFFFFEC0]  }
0x5c5: {  	v35 =	vadd.f32 v7, v25;
	v7 =	vld [tilespmem:s4+$0xFFFFFED0];
	v1 =	vadd.f32 v0, v10  }
0x5c6: {  	v17 =	vadd.f32 v17, v8;
	v27 =	vadd.f32 v5, v25  }
0x5c7: {  	v39 =	vmul.f32 v33, v33;
	v3 =	vadd.f32 v12, v8;
	v41 =	vmul.f32 v32, v32;
	[tilespmem:$0x1EFB0] =	vst v1  }
0x5c8: {  	v40 =	vadd.f32 v32, v33;
	v14 =	vadd.f32 v2, v9;
	v0 =	vld [tilespmem:s4+$0xFFFFFEE0];
	[tilespmem:$0x1EFC0] =	vst v27  }
0x5c9: {  	v46 =	vmul.f32 v17, v17;
	v39 =	vadd.f32 v41, v39;
	v23 =	vadd.f32 v6, v9;
	v13 =	vld [tilespmem:s4+$0xFFFFFEF0]  }
0x5ca: {  	v29 =	vadd.f32 v14, v3;
	v44 =	vmul.f32 v27, v27;
	v38 =	vadd.f32 v7, v10;
	v61 =	vld [tilespmem:s4+$0xFFFFFF00]  }
0x5cb: {  	v31 =	vadd.f32 v35, v34;
	v42 =	vmul.f32 v1, v1;
	v5, _, _ =	vpop (xrf2);
	v47 =	vmul.f32 v23, v23;
	v11 =	vld [tilespmem:s4+$0xFFFFFF10]  }
0x5cc: {  	v6 =	vadd.f32 v27, v1;
	v43 =	vadd.f32 v23, v17;
	v5 =	vmul.f32 $1.562500000e-02, v5;
	v22 =	vld [tilespmem:s4+$0xFFFFFF20];
	[tilespmem:$0x1EFD0] =	vst v38  }
0x5cd: {  	v42 =	vadd.f32 v44, v42;
	v18, _, _ =	vpop (xrf2);
	v7 =	vld [tilespmem:s4+$0xFFFFFF30];
	v46 =	vadd.f32 v47, v46  }
0x5ce: {  	v40 =	vadd.f32 v40, v31;
	v62 =	vld [tilespmem:s4+$0xFFFFFE10];
	v20 =	vmul.f32 $1.562500000e-02, v18;
	v21 =	vmul.f32 v5, v5  }
0x5cf: {  	v49 =	vld [tilespmem:s4+$0xFFFFFF50];
	v6 =	vadd.f32 v43, v6;
	v42 =	vadd.f32 v46, v42  }
0x5d0: {  	v16 =	vmul.f32 v3, v3;
	v52 =	vld [tilespmem:s4+$0xFFFFFF60];
	v18 =	vadd.f32 v0, v25;
	v0 =	vsub.f32 v20, v21  }
0x5d1: {  	v28 =	vmul.f32 v14, v14;
	v59 =	vld [tilespmem:s4+$0xFFFFFF90];
	v27 =	vadd.f32 v13, v8;
	v20 =	vadd.f32 v61, v9  }
0x5d2: {  	v12 =	vmul.f32 v4, v4;
	v21 =	vadd.f32 v11, v10;
	v22 =	vadd.f32 v22, v25  }
0x5d3: {  	v2 =	vmul.f32 v34, v34;
	v61 =	vadd.f32 v28, v16;
	v1 =	vadd.f32 v18, v38  }
0x5d4: {  	v30 =	vmul.f32 v35, v35;
	v11 =	vadd.f32 $9.999999740e-06, v0;
	v0 =	vadd.f32 v7, v8  }
0x5d5: {  	v48 =	vmul.f32 v38, v38;
	v45 =	vadd.f32 v62, v10;
	v38 =	vadd.f32 v49, v10  }
0x5d6: {  	v13 =	vld [tilespmem:s4+$0xFFFFFF40];
	v50 =	vmul.f32 v18, v18;
	v16 =	vadd.f32 v52, v25;
	v31 =	vadd.f32 v59, v10  }
0x5d7: {  	v51 =	vadd.f32 v20, v27;
	v53 =	vmul.f32 v27, v27;
	v7 =	vbroadcast v11, $0xF  }
0x5d8: {  	v55 =	vld [tilespmem:s4+$0xFFFFFF70];
	v54 =	vadd.f32 v22, v21;
	v62 =	vmul.f32 v20, v20;
	v41 =	vmul.f32 v22, v22  }
0x5d9: {  	v58 =	vld [tilespmem:s4+$0xFFFFFF80];
	v57 =	vadd.f32 v4, v45;
	v63 =	vshrl.u32 v7, $0x1;
	v7 =	vmul.f32 $5.000000000e-01, v7  }
0x5da: {  	v56 =	vmul.f32 v45, v45;
	v44 =	vadd.f32 v16, v38;
	v49 =	vsub.s32 $0x5F3759DF, v63  }
0x5db: {  	v53 =	vadd.f32 v62, v53;
	v13 =	vadd.f32 v13, v9;
	v63 =	vld [tilespmem:s4+$0xFFFFFFA0];
	[tilespmem:$0x1F030] =	vst v0;
	v60 =	vmul.f32 v49, v7  }
0x5dc: {  	v57 =	vadd.f32 v29, v57;
	v52 =	vadd.f32 v12, v56;
	v56 =	vmul.f32 v21, v21;
	v12 =	vld [tilespmem:s4+$0xFFFFFFB0]  }
0x5dd: {  	v11 =	vmovc v0;
	v29 =	vadd.f32 v55, v8;
	v28 =	vmul.f32 v49, v60;
	v60 =	vadd.f32 v30, v2;
	v2 =	vld [tilespmem:s4+$0xFFFFFFC0]  }
0x5de: {  	v43 =	vmul.f32 v11, v11;
	v11 =	vadd.f32 v58, v9;
	v0 =	vadd.f32 v13, v0  }
0x5df: {  	v55 =	vmul.f32 v13, v13;
	(xrf2) =	vadd.scan.msk.f32 $0xffff, v57;
	v52 =	vadd.f32 v61, v52;
	v30 =	vsub.f32 $1.500000000e+00, v28  }
0x5e0: {  	v61 =	vadd.f32 v50, v48;
	v41 =	vadd.f32 v41, v56;
	(xrf2) =	vadd.scan.msk.f32 $0xffff, v40;
	[tilespmem:$0x1EF70] =	vst v8  }
0x5e1: {  	(xrf2) =	vadd.scan.msk.f32 $0xffff, v6;
	v12 =	vadd.f32 v12, v8;
	v8 =	vadd.f32 v51, v1;
	v49 =	vmul.f32 v49, v30  }
0x5e2: {  	v57 =	vmul.f32 v38, v38;
	[tilespmem:$0x1EF80] =	vst v9;
	v30 =	vadd.f32 v63, v25;
	v9 =	vadd.f32 v2, v9  }
0x5e3: {  	v58 =	vadd.f32 v11, v29;
	v0 =	vadd.f32 v0, v54;
	v40 =	vmul.f32 v49, v7  }
0x5e4: {  	v54 =	vmul.f32 v31, v31;
	(xrf2) =	vadd.scan.msk.f32 $0xffff, v8;
	v59 =	vadd.f32 v30, v31;
	v6 =	vadd.f32 v9, v12  }
0x5e5: {  	v43 =	vadd.f32 v55, v43;
	v44 =	vadd.f32 v58, v44;
	v40 =	vmul.f32 v40, v49  }
0x5e6: {  	v39 =	vadd.f32 v39, v60;
	v51 =	vmul.f32 v29, v29;
	(xrf2) =	vadd.scan.msk.f32 $0xffff, v0;
	v6 =	vadd.f32 v6, v59  }
0x5e7: {  	v63 =	vmovc v38;
	v38 =	vmul.f32 v16, v16;
	v8 =	vmul.f32 v11, v11;
	(xrf2) =	vadd.scan.msk.f32 $0xffff, v44;
	v40 =	vsub.f32 $1.500000000e+00, v40  }
0x5e8: {  	v50 =	vadd.f32 v43, v41;
	v58 =	vmul.f32 v12, v12;
	v0 =	vmul.f32 v30, v30;
	(xrf2) =	vadd.scan.msk.f32 $0xffff, v6  }
0x5e9: {  	v47 =	vadd.f32 v38, v57;
	v59, _, _ =	vpop (xrf2);
	v6 =	vmul.f32 v9, v9;
	v40 =	vmul.f32 v40, v49;
	(xrf2) =	vadd.scan.msk.f32 $0xffff, v52  }
0x5ea: {  	v44 =	vadd.f32 v53, v61;
	v0 =	vadd.f32 v0, v54;
	v60, _, _ =	vpop (xrf2);
	v49 =	vmul.f32 $1.562500000e-02, v59  }
0x5eb: {  	v61 =	vmul.f32 $1.562500000e-02, v60;
	v62, _, _ =	vpop (xrf2);
	v6 =	vadd.f32 v6, v58;
	(xrf2) =	vadd.scan.msk.f32 $0xffff, v39;
	v7 =	vmul.f32 v40, v7  }
0x5ec: {  	[tilespmem:$0x1EF50] =	vst v10;
	v8 =	vadd.f32 v8, v51;
	v52 =	vbroadcast v5, $0xF;
	v39 =	vmul.f32 $1.562500000e-02, v62  }
0x5ed: {  	v10 =	vbroadcast v49, $0xF;
	(xrf2) =	vadd.scan.msk.f32 $0xffff, v42;
	v0 =	vadd.f32 v6, v0;
	v6 =	vld [tilespmem:$0x1FFA0];
	v7 =	vmul.f32 v7, v40  }
0x5ee: {  	v8 =	vadd.f32 v8, v47;
	v49 =	vmul.f32 v49, v49;
	v41 =	vbroadcast v61, $0xF;
	v1, _, _ =	vpop (xrf2);
	(xrf2) =	vadd.scan.msk.f32 $0xffff, v44;
	v44 =	vld [tilespmem:$0x1FF70]  }
0x5ef: {  	[tilespmem:$0x1EF60] =	vst v25;
	v25 =	vld [tilespmem:$0x1FF80];
	v47 =	vmul.f32 v61, v61;
	v5 =	vmul.f32 $1.562500000e-02, v1;
	v7 =	vsub.f32 $1.500000000e+00, v7  }
0x5f0: {  	v53 =	vmul.f32 v39, v39;
	v39 =	vbroadcast v39, $0xF;
	v42, _, _ =	vpop (xrf2);
	v51 =	vsub.f32 v45, v10  }
0x5f1: {  	v2 =	vsub.f32 v3, v10;
	v38, _, _ =	vpop (xrf2);
	v62 =	vmul.f32 v5, v5;
	v7 =	vmul.f32 v7, v40  }
0x5f2: {  	v1 =	vsub.f32 v15, v52;
	v5 =	vbroadcast v5, $0xF;
	v40 =	vmul.f32 $1.562500000e-02, v38;
	v28, _, _ =	vpop (xrf2)  }
0x5f3: {  	[tilespmem:$0x1EF90] =	vst v2;
	v2 =	vsub.f32 v14, v10;
	v6 =	vmul.f32 v7, v6;
	v48 =	vmul.f32 v7, v44;
	v61, _, _ =	vpop (xrf2)  }
0x5f4: {  	v60 =	vmul.f32 v7, v25;
	v25 =	vsub.f32 v4, v10;
	v4 =	vmul.f32 $1.562500000e-02, v61  }
0x5f5: {  	(xrf2) =	vadd.scan.msk.f32 $0xffff, v50;
	v3 =	vmul.f32 v7, v26;
	v14 =	vmul.f32 v40, v40;
	v10 =	vsub.f32 v19, v52;
	v7, _, _ =	vpop (xrf2)  }
0x5f6: {  	[tilespmem:$0x1EFA0] =	vst v2;
	v6 =	vmul.f32 v6, v1;
	v4 =	vsub.f32 v4, v49;
	v2 =	vmul.f32 $1.562500000e-02, v7  }
0x5f7: {  	v36 =	vsub.f32 v36, v52;
	v1 =	vmul.f32 $1.562500000e-02, v42;
	v42 =	vmul.f32 $1.562500000e-02, v28;
	(xrf2) =	vadd.scan.msk.f32 $0xffff, v8  }
0x5f8: {  	v46 =	vmul.f32 v48, v10;
	v50, _, _ =	vpop (xrf2);
	v4 =	vadd.f32 $9.999999740e-06, v4;
	v2 =	vsub.f32 v2, v47  }
0x5f9: {  	v37 =	vsub.f32 v37, v52;
	v56 =	vmul.f32 v3, v36;
	v47 =	vmul.f32 $1.562500000e-02, v50  }
0x5fa: {  	v28 =	vsub.f32 v35, v41;
	(xrf2) =	vadd.scan.msk.f32 $0xffff, v0;
	v4 =	vbroadcast v4, $0xF;
	v2 =	vadd.f32 $9.999999740e-06, v2  }
0x5fb: {  	v7 =	vmul.f32 v1, v1;
	v1 =	vbroadcast v1, $0xF;
	v47 =	vsub.f32 v47, v53  }
0x5fc: {  	v0 =	vshrl.u32 v4, $0x1;
	v10 =	vmul.f32 $5.000000000e-01, v4;
	v2 =	vbroadcast v2, $0xF  }
0x5fd: {  	v8 =	vmul.f32 v42, v42;
	v47 =	vadd.f32 $9.999999740e-06, v47;
	v0 =	vsub.s32 $0x5F3759DF, v0  }
0x5fe: {  	v21 =	vsub.f32 v21, v1;
	v4, _, _ =	vpop (xrf2);
	v53 =	vmul.f32 v0, v10;
	v36 =	vmul.f32 $5.000000000e-01, v2  }
0x5ff: {  	v2 =	vshrl.u32 v2, $0x1;
	v47 =	vbroadcast v47, $0xF;
	v52 =	vmul.f32 $1.562500000e-02, v4;
	v50, _, _ =	vpop (xrf2)  }
0x600: {  	v4 =	vmul.f32 v60, v37;
	v2 =	vsub.s32 $0x5F3759DF, v2;
	v50 =	vmul.f32 $1.562500000e-02, v50  }
0x601: {  	v37 =	vmul.f32 v0, v53;
	v3 =	vshrl.u32 v47, $0x1;
	v57 =	vmul.f32 $5.000000000e-01, v47;
	v60, _, _ =	vpop (xrf2)  }
0x602: {  	v15 =	vmul.f32 v2, v36;
	v49 =	vsub.f32 v52, v62;
	v47 =	vmul.f32 $1.562500000e-02, v60  }
0x603: {  	v7 =	vsub.f32 v50, v7;
	v50 =	vsub.s32 $0x5F3759DF, v3;
	v37 =	vsub.f32 $1.500000000e+00, v37  }
0x604: {  	v15 =	vmul.f32 v2, v15;
	v49 =	vadd.f32 $9.999999740e-06, v49;
	v47 =	vsub.f32 v47, v14;
	v14, _, _ =	vpop (xrf2)  }
0x605: {  	v61 =	vmul.f32 v50, v57;
	v7 =	vadd.f32 $9.999999740e-06, v7;
	v14 =	vmul.f32 $1.562500000e-02, v14  }
0x606: {  	v48 =	vsub.f32 $1.500000000e+00, v15;
	v0 =	vmul.f32 v0, v37;
	v49 =	vbroadcast v49, $0xF  }
0x607: {  	v47 =	vadd.f32 $9.999999740e-06, v47;
	v52 =	vmul.f32 v50, v61;
	v7 =	vbroadcast v7, $0xF  }
0x608: {  	v8 =	vsub.f32 v14, v8;
	v62 =	vshrl.u32 v49, $0x1;
	v58 =	vmul.f32 $5.000000000e-01, v49  }
0x609: {  	v2 =	vmul.f32 v2, v48;
	v47 =	vbroadcast v47, $0xF;
	v3 =	vsub.s32 $0x5F3759DF, v62  }
0x60a: {  	v48 =	vsub.f32 v32, v41;
	v59 =	vmul.f32 $5.000000000e-01, v7;
	v53 =	vmul.f32 v3, v58  }
0x60b: {  	v7 =	vshrl.u32 v7, $0x1;
	v8 =	vadd.f32 $9.999999740e-06, v8;
	v45 =	vmul.f32 v2, v36  }
0x60c: {  	v7 =	vsub.s32 $0x5F3759DF, v7;
	v43 =	vshrl.u32 v47, $0x1;
	v14 =	vmul.f32 v3, v53  }
0x60d: {  	v60 =	vmul.f32 $5.000000000e-01, v47;
	v38 =	vmul.f32 v7, v59;
	v54 =	vsub.s32 $0x5F3759DF, v43  }
0x60e: {  	v8 =	vbroadcast v8, $0xF;
	v43 =	vmul.f32 v0, v10;
	v14 =	vsub.f32 $1.500000000e+00, v14  }
0x60f: {  	v52 =	vsub.f32 $1.500000000e+00, v52;
	v49 =	vmul.f32 v54, v60;
	v15 =	vmul.f32 v7, v38  }
0x610: {  	v61 =	vshrl.u32 v8, $0x1;
	v8 =	vmul.f32 $5.000000000e-01, v8;
	v3 =	vmul.f32 v3, v14;
	v14 =	vld [tilespmem:$0x1EFB0]  }
0x611: {  	v45 =	vmul.f32 v45, v2;
	v53 =	vsub.s32 $0x5F3759DF, v61;
	v15 =	vsub.f32 $1.500000000e+00, v15  }
0x612: {  	v38 =	vsub.f32 v34, v41;
	v62 =	vmul.f32 v54, v49;
	v55 =	vmul.f32 v53, v8  }
0x613: {  	v34 =	vmul.f32 v50, v52;
	v50 =	vsub.f32 v33, v41;
	v7 =	vmul.f32 v7, v15;
	v15 =	vld [tilespmem:$0x1EFC0]  }
0x614: {  	v33 =	vsub.f32 $1.500000000e+00, v45;
	v37 =	vsub.f32 $1.500000000e+00, v62;
	v35 =	vmul.f32 v53, v55  }
0x615: {  	v47 =	vmul.f32 v34, v57;
	v55 =	vsub.f32 v14, v39;
	v14 =	vmul.f32 v7, v59  }
0x616: {  	v62 =	vmul.f32 v43, v0;
	v37 =	vmul.f32 v54, v37;
	v35 =	vsub.f32 $1.500000000e+00, v35  }
0x617: {  	v52 =	vsub.f32 v17, v39;
	v61 =	vmul.f32 v3, v58;
	v14 =	vmul.f32 v14, v7  }
0x618: {  	v35 =	vmul.f32 v53, v35;
	v53 =	vsub.f32 v15, v39;
	v15 =	vmul.f32 v37, v60  }
0x619: {  	v2 =	vmul.f32 v33, v2;
	v47 =	vmul.f32 v47, v34;
	v14 =	vsub.f32 $1.500000000e+00, v14  }
0x61a: {  	v32 =	vsub.f32 $1.500000000e+00, v62;
	v49 =	vmul.f32 v61, v3;
	v15 =	vmul.f32 v15, v37  }
0x61b: {  	v54 =	vsub.f32 v23, v39;
	v41 =	vsub.f32 $1.500000000e+00, v47;
	v7 =	vmul.f32 v14, v7;
	v14 =	vld [tilespmem:$0x1EFD0]  }
0x61c: {  	v0 =	vmul.f32 v32, v0;
	v61 =	vsub.f32 $1.500000000e+00, v49;
	v15 =	vsub.f32 $1.500000000e+00, v15  }
0x61d: {  	v23 =	vadd.f32 v6, v24;
	v62 =	vmul.f32 v41, v34;
	v17 =	vmul.f32 v35, v8  }
0x61e: {  	v32 =	vmul.f32 v61, v3;
	v24 =	vmul.f32 v15, v37;
	v15 =	vsub.f32 v18, v5  }
0x61f: {  	v6 =	vmul.f32 v17, v35;
	v17 =	vbroadcast v40, $0xF;
	v18 =	vsub.f32 v27, v5  }
0x620: {  	[tilespmem:$0x1EFE0] =	vst v15;
	v15 =	vmul.f32 v2, v36;
	v43 =	vsub.f32 v14, v5;
	v5 =	vsub.f32 v20, v5  }
0x621: {  	[tilespmem:$0x1F010] =	vst v21;
	v14 =	vmul.f32 v0, v10;
	v20 =	vmul.f32 v24, v60  }
0x622: {  	v21 =	vsub.f32 v22, v1;
	v15 =	vmul.f32 v15, v2;
	[tilespmem:$0x1F000] =	vst v5;
	v5 =	vmul.f32 v7, v59  }
0x623: {  	v19 =	vmul.f32 v32, v58;
	v6 =	vsub.f32 $1.500000000e+00, v6;
	v14 =	vmul.f32 v14, v0  }
0x624: {  	v10 =	vld [tilespmem:$0x1F030];
	v20 =	vmul.f32 v20, v24;
	v15 =	vsub.f32 $1.500000000e+00, v15;
	v5 =	vmul.f32 v5, v7  }
0x625: {  	v19 =	vmul.f32 v19, v32;
	v6 =	vmul.f32 v6, v35;
	v14 =	vsub.f32 $1.500000000e+00, v14  }
0x626: {  	v15 =	vmul.f32 v15, v2;
	v2 =	vsub.f32 $1.500000000e+00, v20;
	v5 =	vsub.f32 $1.500000000e+00, v5  }
0x627: {  	[tilespmem:$0x1EFF0] =	vst v18;
	v18 =	vmul.f32 v62, v57;
	v0 =	vmul.f32 v14, v0;
	v14 =	vsub.f32 $1.500000000e+00, v19  }
0x628: {  	v7 =	vmul.f32 v5, v7;
	v5 =	vmul.f32 v2, v24;
	v2 =	vsub.f32 v63, v17  }
0x629: {  	v18 =	vmul.f32 v18, v62;
	v19 =	vsub.f32 v10, v1;
	v1 =	vsub.f32 v13, v1;
	v13 =	vld [tilespmem:$0x1FFA0]  }
0x62a: {  	[tilespmem:$0x1F060] =	vst v2;
	v2 =	vld [tilespmem:$0x1FF80]  }
0x62b: {  	v8 =	vmul.f32 v6, v8;
	v18 =	vsub.f32 $1.500000000e+00, v18;
	_ =	sdelay $0x1  }
0x62c: {  	v8 =	vmul.f32 v8, v6;
	v18 =	vmul.f32 v18, v62  }
0x62d: {  	v60 =	vmul.f32 v0, v44;
	v62 =	vmul.f32 v0, v13  }
0x62e: {  	v63 =	vmul.f32 v0, v2;
	v2 =	vmul.f32 v0, v26;
	v0 =	vsub.f32 v29, v17;
	_ =	sdelay $0x1  }
0x62f: {  	v8 =	vsub.f32 $1.500000000e+00, v8;
	[tilespmem:$0x1F080] =	vst v0;
	v0 =	vld [tilespmem:$0x1FF80]  }
0x630: {  	v34 =	vld [tilespmem:$0x1FFB0]  }
0x631: {  	[tilespmem:$0x1F050] =	vst v1;
	v1 =	vmul.f32 v8, v6;
	v8 =	vld [tilespmem:$0x1FF80];
	_ =	sdelay $0x1  }
0x632: {  	[tilespmem:$0x1F020] =	vst v21;
	v6 =	vsub.f32 v16, v17  }
0x633: {  	v14 =	vmul.f32 v14, v32;
	[tilespmem:$0x1F040] =	vst v19;
	v59 =	vmul.f32 v15, v0;
	v0 =	vsub.f32 v11, v17  }
0x634: {  	v45 =	vld [tilespmem:$0x1FFD0];
	v3 =	vbroadcast v42, $0xF;
	[tilespmem:$0x1F070] =	vst v6  }
0x635: {  	s14 =	simm.s32 $0x12828;
	v35 =	vld [tilespmem:$0x1FFC0];
	v61 =	vmul.f32 v15, v44;
	v27 =	vmul.f32 v14, v8;
	v8 =	vadd.f32 v46, v34;
	[tilespmem:$0x1F090] =	vst v0  }
0x636: {  	v57 =	vmul.f32 v15, v26;
	v32 =	vmul.f32 v18, v44;
	v0 =	vld [tilespmem:$0x1FF80];
	[tilespmem:s14+$0x0] =	vst v23  }
0x637: {  	v6 =	vmul.f32 v18, v26;
	v24 =	vmul.f32 v14, v26;
	v11 =	vld [tilespmem:$0x1FF80];
	[tilespmem:s14+$0xFFFFFFD0] =	vst v8  }
0x638: {  	v42 =	vsub.f32 v12, v3;
	v21 =	vmul.f32 v7, v44;
	v10 =	vmul.f32 v5, v26;
	v12 =	vld [tilespmem:$0x1FF80]  }
0x639: {  	v41 =	vsub.f32 v31, v3;
	v33 =	vmul.f32 v15, v13;
	v22 =	vmul.f32 v14, v13  }
0x63a: {  	v4 =	vadd.f32 v4, v35;
	v16 =	vmul.f32 v7, v13;
	v15 =	vmul.f32 v7, v26  }
0x63b: {  	v8 =	vadd.f32 v56, v45;
	v29 =	vmul.f32 v18, v0;
	v0 =	vmul.f32 v18, v13  }
0x63c: {  	s0 =	smov.u32 s12;
	v37 =	vsub.f32 v30, v3;
	[tilespmem:s14+$0xFFFFFFE0] =	vst v4;
	v18 =	vmul.f32 v14, v44;
	v14 =	vmul.f32 v5, v44  }
0x63d: {  	s16 =	simm.s32 $0x65F0;
	s10 =	simm.s32 $0x12828;
	s4 =	simm.s32 $0x0;
	[tilespmem:s14+$0xFFFFFFF0] =	vst v8;
	v44 =	vsub.f32 v9, v3;
	v17 =	vmul.f32 v7, v11;
	v11 =	vmul.f32 v5, v12  }
.LBB2_13:
0x63e: {  	v4 =	vmul.f32 v5, v13  }
0x63f: {  	v9 =	vld [tilespmem:$0x1EF90]  }
0x640: {  	[tilespmem:$0x1ED80] =	vst v4;
	v4 =	vld [tilespmem:$0x1FF70];
	_ =	sdelay $0x3  }
0x641: {  	[tilespmem:$0x1EDE0] =	vst v42;
	v2 =	vmul.f32 v2, v9;
	v9 =	vld [tilespmem:$0x1EFA0]  }
0x642: {  	[tilespmem:$0x1ECB0] =	vst v15;
	v5 =	vmul.f32 v1, v4  }
0x643: {  	[tilespmem:$0x1ECC0] =	vst v14  }
0x644: {  	v3 =	vld [tilespmem:s16+$0xFFFFFFD0];
	[tilespmem:$0x1ED90] =	vst v5;
	v5 =	vmul.f32 v1, v12  }
0x645: {  	v30 =	vld [tilespmem:s16+$0xFFFFFE20];
	[tilespmem:$0x1ECD0] =	vst v11  }
0x646: {  	v9 =	vmul.f32 v62, v9;
	[tilespmem:$0x1EDB0] =	vst v5;
	v5 =	vld [tilespmem:$0x1FF90]  }
0x647: {  	v8 =	vmul.f32 v63, v25;
	v31 =	vld [tilespmem:s16+$0xFFFFFE30];
	v0 =	vmul.f32 v0, v54;
	[tilespmem:$0x1ED00] =	vst v10  }
0x648: {  	v47 =	vld [tilespmem:s16+$0xFFFFFE40];
	[tilespmem:$0x1ECE0] =	vst v9;
	v9 =	vmul.f32 v61, v38  }
0x649: {  	v10 =	vld [tilespmem:$0x1EF60];
	v8 =	vadd.f32 v8, v35;
	[tilespmem:$0x1EEA0] =	vst v0  }
0x64a: {  	v4 =	vld [tilespmem:s16+$0xFFFFFFE0];
	[tilespmem:$0x1ECF0] =	vst v9;
	v9 =	vmul.f32 v59, v28  }
0x64b: {  	v11 =	vld [tilespmem:$0x1EF70];
	[tilespmem:s14+$0xFFFFFDE8] =	vst v8;
	v7 =	vmul.f32 v1, v5  }
0x64c: {  	v5 =	vld [tilespmem:s16+$0xFFFFFFF0];
	[tilespmem:$0x1EE40] =	vst v9;
	v9 =	vmul.f32 v57, v50  }
0x64d: {  	v12 =	vld [tilespmem:$0x1EF80];
	v1 =	vmul.f32 v1, v13;
	[tilespmem:$0x1EDD0] =	vst v7  }
0x64e: {  	v2 =	vadd.f32 v2, v45;
	v7 =	vmul.f32 v60, v51;
	[tilespmem:$0x1EE50] =	vst v9;
	v9 =	vld [tilespmem:$0x1EF50]  }
0x64f: {  	v14 =	vadd.f32 v4, v10;
	[tilespmem:$0x1EE00] =	vst v1;
	v1 =	vld [tilespmem:s16+$0x0]  }
0x650: {  	[tilespmem:s14+$0xFFFFFDF8] =	vst v2;
	v7 =	vadd.f32 v7, v34  }
0x651: {  	[tilespmem:$0x1EE20] =	vst v14;
	v13 =	vadd.f32 v5, v11  }
0x652: {  	[tilespmem:s14+$0xFFFFFDD8] =	vst v7;
	v7 =	vmul.f32 v33, v48  }
0x653: {  	v8 =	vmul.f32 v14, v14;
	v15 =	vadd.f32 v3, v9;
	v3 =	vmul.f32 v29, v53;
	[tilespmem:$0x1EE30] =	vst v13  }
0x654: {  	v54 =	vadd.f32 v47, v12;
	v19 =	vadd.f32 v1, v12;
	v1 =	vmul.f32 v6, v52;
	[tilespmem:$0x1EE60] =	vst v7  }
0x655: {  	v6 =	vadd.f32 v30, v10;
	v30 =	vmul.f32 v13, v13;
	v7 =	vmul.f32 v32, v55;
	[tilespmem:$0x1EE80] =	vst v3  }
0x656: {  	v29 =	vld [tilespmem:s16+$0xFFFFFE90];
	[tilespmem:$0x1EE90] =	vst v1;
	v2 =	vadd.f32 v14, v15;
	v4 =	vadd.f32 v19, v13;
	v5 =	vmul.f32 v15, v15  }
0x657: {  	v3 =	vld [tilespmem:s16+$0xFFFFFE60];
	[tilespmem:$0x1EBC0] =	vst v6;
	v14 =	vadd.f32 v31, v11;
	v31 =	vmul.f32 v19, v19;
	v13 =	vmul.f32 v6, v6  }
0x658: {  	v1 =	vld [tilespmem:s16+$0xFFFFFE70];
	[tilespmem:$0x1EE70] =	vst v7;
	v2 =	vadd.f32 v4, v2  }
0x659: {  	v6 =	vmul.f32 v54, v54;
	v7 =	vld [tilespmem:s16+$0xFFFFFE50];
	[tilespmem:$0x1EC00] =	vst v13;
	v5 =	vadd.f32 v8, v5;
	v8 =	vadd.f32 v31, v30  }
0x65a: {  	v0 =	vld [tilespmem:s16+$0xFFFFFE80];
	v4 =	vmul.f32 v14, v14;
	[tilespmem:$0x1ED10] =	vst v14  }
0x65b: {  	[tilespmem:$0x1EBE0] =	vst v6;
	(xrf2) =	vadd.scan.msk.f32 $0xffff, v2;
	v2 =	vadd.f32 v8, v5;
	v5 =	vmul.f32 v18, v43  }
0x65c: {  	v6 =	vadd.f32 v29, v9;
	[tilespmem:$0x1EBD0] =	vst v4;
	v4 =	vld [tilespmem:s16+$0xFFFFFEB0]  }
0x65d: {  	v50 =	vld [tilespmem:s16+$0xFFFFFEA0];
	v52 =	vadd.f32 v3, v10;
	[tilespmem:$0x1EEB0] =	vst v5;
	v5 =	vadd.f32 v54, v14  }
0x65e: {  	v13 =	vadd.f32 v1, v11;
	[tilespmem:$0x1ED40] =	vst v6;
	v55 =	vadd.f32 v7, v9;
	(xrf2) =	vadd.scan.msk.f32 $0xffff, v2  }
0x65f: {  	v57 =	vadd.f32 v0, v12;
	v3 =	vld [tilespmem:s16+$0xFFFFFEC0];
	[tilespmem:$0x1EBF0] =	vst v5;
	v5 =	vmul.f32 v52, v52  }
0x660: {  	v1 =	vld [tilespmem:s16+$0xFFFFFED0];
	[tilespmem:$0x1ED30] =	vst v13;
	v2 =	vadd.f32 v52, v55  }
0x661: {  	v8 =	vadd.f32 v4, v11;
	v4 =	vmul.f32 v57, v57;
	[tilespmem:$0x1EC30] =	vst v5;
	v5 =	vld [tilespmem:s16+$0xFFFFFEF0]  }
0x662: {  	v20 =	vld [tilespmem:s16+$0xFFFFFFC0];
	v7 =	vadd.f32 v50, v10;
	[tilespmem:$0x1EC10] =	vst v2;
	v2 =	vmul.f32 v13, v13  }
0x663: {  	v14 =	vld [tilespmem:s16+$0xFFFFFF80];
	v50 =	vadd.f32 v57, v13;
	v0 =	vmul.f32 v55, v55;
	[tilespmem:$0x1EC50] =	vst v4  }
0x664: {  	v13 =	vadd.f32 v7, v6;
	v6 =	vmul.f32 v6, v6;
	v4 =	vadd.f32 v3, v12;
	[tilespmem:$0x1EC40] =	vst v2;
	v2 =	vld [tilespmem:s16+$0xFFFFFF00]  }
0x665: {  	[tilespmem:$0x1EC20] =	vst v0;
	v0 =	vld [tilespmem:s16+$0xFFFFFEE0];
	v60 =	vadd.f32 v1, v9  }
0x666: {  	v1 =	vld [tilespmem:s16+$0xFFFFFF20];
	[tilespmem:$0x1EC80] =	vst v6;
	v6 =	vadd.f32 v4, v8;
	v62 =	vadd.f32 v5, v11;
	v5, _, _ =	vpop (xrf2)  }
0x667: {  	v3 =	vld [tilespmem:s16+$0xFFFFFF10];
	[tilespmem:$0x1ED70] =	vst v4;
	v48 =	vmul.f32 $1.562500000e-02, v5  }
0x668: {  	v42 =	vmul.f32 v4, v4;
	v4 =	vld [tilespmem:s16+$0xFFFFFF40];
	[tilespmem:$0x1EC70] =	vst v6;
	v6 =	vmul.f32 v7, v7;
	v5, _, _ =	vpop (xrf2)  }
0x669: {  	[tilespmem:$0x1ED20] =	vst v19;
	v61 =	vadd.f32 v2, v12;
	v2 =	vld [tilespmem:s16+$0xFFFFFF50];
	v5 =	vmul.f32 $1.562500000e-02, v5;
	v19 =	vmul.f32 v48, v48  }
0x66a: {  	v59 =	vadd.f32 v0, v10;
	v0 =	vld [tilespmem:s16+$0xFFFFFF30]  }
0x66b: {  	v49 =	vadd.f32 v1, v10;
	v1 =	vld [tilespmem:s16+$0xFFFFFF70];
	[tilespmem:$0x1EC90] =	vst v6;
	v6 =	vmul.f32 v8, v8;
	v5 =	vsub.f32 v5, v19  }
0x66c: {  	v63 =	vadd.f32 v3, v9;
	v3 =	vld [tilespmem:s16+$0xFFFFFF60]  }
0x66d: {  	[tilespmem:$0x1ECA0] =	vst v6;
	v6 =	vld [tilespmem:$0x1EBE0];
	v5 =	vadd.f32 $9.999999740e-06, v5  }
0x66e: {  	v46 =	vadd.f32 v2, v9;
	v2 =	vld [tilespmem:s16+$0xFFFFFFA0]  }
0x66f: {  	v51 =	vadd.f32 v0, v11;
	v0 =	vbroadcast v5, $0xF;
	v5 =	vld [tilespmem:$0x1EBD0]  }
0x670: {  	v19 =	vld [tilespmem:s16+$0xFFFFFE10]  }
0x671: {  	v47 =	vadd.f32 v4, v12;
	v4 =	vld [tilespmem:s16+$0xFFFFFF90]  }
0x672: {  	v33 =	vadd.f32 v20, v12;
	v36 =	vadd.f32 v14, v12;
	v12 =	vld [tilespmem:$0x1EBC0]  }
0x673: {  	[tilespmem:$0x1EDA0] =	vst v41;
	v41 =	vadd.f32 v3, v10  }
0x674: {  	v35 =	vadd.f32 v2, v10;
	v10 =	vadd.f32 v6, v5;
	v5 =	vld [tilespmem:$0x1EBF0]  }
0x675: {  	v19 =	vadd.f32 v19, v9  }
0x676: {  	[tilespmem:$0x1EDC0] =	vst v37;
	v37 =	vadd.f32 v1, v11;
	v34 =	vadd.f32 v4, v9  }
0x677: {  	v1 =	vshrl.u32 v0, $0x1;
	v4 =	vmul.f32 $5.000000000e-01, v0;
	v0 =	vadd.f32 v12, v19;
	_ =	sdelay $0x1  }
0x678: {  	v0 =	vadd.f32 v5, v0;
	v5 =	vld [tilespmem:$0x1EC00];
	_ =	sdelay $0x2  }
0x679: {  	v2 =	vmul.f32 v19, v19;
	_ =	sdelay $0x1  }
0x67a: {  	v9 =	vadd.f32 v5, v2;
	v2 =	vld [tilespmem:$0x1EC10];
	_ =	sdelay $0x3  }
0x67b: {  	v5 =	vld [tilespmem:$0x1EC30]  }
0x67c: {  	v50 =	vadd.f32 v50, v2;
	v2 =	vld [tilespmem:$0x1EC20];
	_ =	sdelay $0x4  }
0x67d: {  	v6 =	vadd.f32 v5, v2;
	v2 =	vld [tilespmem:$0x1EFE0];
	_ =	sdelay $0x3  }
0x67e: {  	(xrf2) =	vadd.scan.msk.f32 $0xffff, v0;
	v0 =	vld [tilespmem:$0x1EFF0]  }
0x67f: {  	v2 =	vmul.f32 v27, v2  }
0x680: {  	v5 =	vld [tilespmem:$0x1EC50]  }
0x681: {  	[tilespmem:$0x1EEC0] =	vst v2;
	v2 =	vld [tilespmem:$0x1EC40]  }
0x682: {  	v45 =	vmov v24  }
0x683: {  	v58 =	vld [tilespmem:s16+$0xFFFFFFB0];
	v0 =	vmul.f32 v45, v0  }
0x684: {  	[tilespmem:$0x1EC60] =	vst v13  }
0x685: {  	[tilespmem:$0x1EED0] =	vst v0;
	v0 =	vld [tilespmem:$0x1EC60]  }
0x686: {  	v5 =	vadd.f32 v5, v2;
	v2 =	vld [tilespmem:$0x1EC70];
	_ =	sdelay $0x1  }
0x687: {  	v58 =	vadd.f32 v58, v11;
	_ =	sdelay $0x1  }
0x688: {  	[tilespmem:$0x1EDF0] =	vst v15;
	v13 =	vadd.f32 v33, v58;
	v18 =	vmul.f32 v34, v34  }
0x689: {  	v15 =	vmovc v17;
	v20 =	vadd.f32 v35, v34;
	v11 =	vmul.f32 v35, v35;
	v0 =	vadd.f32 v2, v0  }
0x68a: {  	v31 =	vmovc v16;
	v17 =	vadd.f32 v36, v37;
	v16 =	vadd.f32 v41, v46;
	v1 =	vsub.s32 $0x5F3759DF, v1;
	(xrf2) =	vadd.scan.msk.f32 $0xffff, v50  }
0x68b: {  	v3 =	vmul.f32 v1, v4;
	(xrf2) =	vadd.scan.msk.f32 $0xffff, v0;
	v0 =	vadd.f32 v13, v20;
	v13 =	vadd.f32 v11, v18;
	v11 =	vld [tilespmem:$0x1F040]  }
0x68c: {  	v40 =	vadd.f32 v59, v60;
	v56 =	vadd.f32 v61, v62;
	v18 =	vld [tilespmem:$0x1ECB0]  }
0x68d: {  	v16 =	vadd.f32 v17, v16;
	v17 =	vld [tilespmem:$0x1F020];
	v3 =	vmul.f32 v1, v3  }
0x68e: {  	v53 =	vmul.f32 v60, v60;
	v40 =	vadd.f32 v56, v40;
	v56 =	vld [tilespmem:$0x1F010]  }
0x68f: {  	v39 =	vmul.f32 v59, v59;
	v38 =	vmul.f32 v62, v62;
	v3 =	vsub.f32 $1.500000000e+00, v3  }
0x690: {  	v25 =	vadd.f32 v49, v63;
	v43 =	vmul.f32 v61, v61;
	v24 =	vadd.f32 v47, v51  }
0x691: {  	v1 =	vmul.f32 v1, v3;
	v3 =	vadd.f32 v39, v53;
	v11 =	vmul.f32 v18, v11  }
0x692: {  	[tilespmem:$0x1ED50] =	vst v7;
	v15 =	vmul.f32 v15, v17;
	v53 =	vadd.f32 v43, v38;
	v9 =	vadd.f32 v10, v9;
	v10 =	vld [tilespmem:$0x1ECC0]  }
0x693: {  	v38 =	vmul.f32 v21, v56;
	v21 =	vadd.f32 v24, v25;
	v25 =	vmul.f32 v1, v4;
	[tilespmem:$0x1EF10] =	vst v11;
	v11 =	vld [tilespmem:$0x1F050]  }
0x694: {  	[tilespmem:$0x1ED60] =	vst v8;
	v7 =	vmul.f32 v33, v33;
	v5 =	vadd.f32 v5, v6;
	v6 =	vld [tilespmem:$0x1F060]  }
0x695: {  	v8 =	vmul.f32 v58, v58;
	[tilespmem:$0x1EF00] =	vst v15;
	v15 =	vmul.f32 v25, v1;
	_ =	sdelay $0x1  }
0x696: {  	v7 =	vadd.f32 v7, v8;
	v8 =	vsub.f32 $1.500000000e+00, v15;
	v45 =	vld [tilespmem:$0x1F000]  }
0x697: {  	v11 =	vmul.f32 v31, v11  }
0x698: {  	v8 =	vmul.f32 v8, v1;
	v1, _, _ =	vpop (xrf2);
	v6 =	vmul.f32 v10, v6;
	v10 =	vld [tilespmem:$0x1ECD0]  }
0x699: {  	[tilespmem:$0x1EF20] =	vst v11;
	v11 =	vmul.f32 $1.562500000e-02, v1;
	v1 =	vadd.f32 v7, v13;
	v7 =	vld [tilespmem:$0x1F070];
	_ =	sdelay $0x1  }
0x69a: {  	v45 =	vmul.f32 v22, v45;
	v22 =	vld [tilespmem:$0x1ECA0]  }
0x69b: {  	v32 =	vmul.f32 v49, v49  }
0x69c: {  	[tilespmem:$0x1EE10] =	vst v44;
	v44 =	vmul.f32 v63, v63;
	v29 =	vmul.f32 v47, v47;
	(xrf2) =	vadd.scan.msk.f32 $0xffff, v40;
	v40 =	vld [tilespmem:$0x1FFE0]  }
0x69d: {  	v30 =	vmul.f32 v51, v51;
	v7 =	vmul.f32 v10, v7;
	v10 =	vld [tilespmem:$0x1ECE0]  }
0x69e: {  	v24 =	vadd.f32 v32, v44  }
0x69f: {  	v42 =	vadd.f32 v42, v22;
	v22 =	vadd.f32 v29, v30  }
0x6a0: {  	[tilespmem:$0x1EF30] =	vst v6;
	v6, _, _ =	vpop (xrf2)  }
0x6a1: {  	v18 =	vadd.f32 v22, v24;
	v22 =	vmul.f32 $1.562500000e-02, v6;
	v6 =	vld [tilespmem:$0x1FFB0]  }
0x6a2: {  	v15 =	vadd.f32 v10, v40;
	v10 =	vld [tilespmem:$0x1ECF0];
	_ =	sdelay $0x4  }
0x6a3: {  	(xrf2) =	vadd.scan.msk.f32 $0xffff, v21;
	v21 =	vadd.f32 v10, v6;
	v6 =	vld [tilespmem:$0x1F080]  }
0x6a4: {  	v14 =	vmul.f32 v36, v36;
	v23 =	vmul.f32 v37, v37;
	v10 =	vld [tilespmem:$0x1ED00]  }
0x6a5: {  	v28 =	vmul.f32 v41, v41;
	v26 =	vmul.f32 v46, v46;
	_ =	sdelay $0x1  }
0x6a6: {  	v14 =	vadd.f32 v14, v23;
	v17 =	vadd.f32 v28, v26;
	_ =	sdelay $0x1  }
0x6a7: {  	v14 =	vadd.f32 v14, v17;
	v17 =	vmul.f32 v10, v6;
	v6 =	vld [tilespmem:$0x1ED10];
	_ =	sdelay $0x2  }
0x6a8: {  	[tilespmem:$0x1EF40] =	vst v7;
	v7 =	vbroadcast v11, $0xF;
	_ =	sdelay $0x1  }
0x6a9: {  	v6 =	vsub.f32 v6, v7;
	_ =	sdelay $0x1  }
0x6aa: {  	[tilespmem:$0x1EF90] =	vst v6;
	v6 =	vsub.f32 v54, v7;
	_ =	sdelay $0x1  }
0x6ab: {  	[tilespmem:$0x1EFA0] =	vst v6;
	v6 =	vld [tilespmem:$0x1ED20];
	_ =	sdelay $0x1  }
0x6ac: {  	v20, _, _ =	vpop (xrf2);
	v13 =	vmul.f32 v11, v11;
	v23 =	vsub.f32 v19, v7  }
0x6ad: {  	v11 =	vsub.f32 v12, v7;
	v7 =	vmul.f32 $1.562500000e-02, v20;
	v20 =	vbroadcast v48, $0xF  }
0x6ae: {  	v4 =	vmul.f32 v8, v4  }
0x6af: {  	[tilespmem:s14+$0xFFFFFE08] =	vst v15;
	v15 =	vsub.f32 v6, v20;
	v6 =	vld [tilespmem:$0x1ED30]  }
0x6b0: {  	v4 =	vmul.f32 v4, v8  }
0x6b1: {  	(xrf2) =	vadd.scan.msk.f32 $0xffff, v16;
	v16 =	vbroadcast v22, $0xF  }
0x6b2: {  	v4 =	vsub.f32 $1.500000000e+00, v4  }
0x6b3: {  	[tilespmem:$0x1EEF0] =	vst v38;
	(xrf2) =	vadd.scan.msk.f32 $0xffff, v0  }
0x6b4: {  	v4 =	vmul.f32 v4, v8;
	v38 =	vsub.f32 v55, v16;
	v8, _, _ =	vpop (xrf2);
	(xrf2) =	vadd.scan.msk.f32 $0xffff, v9;
	v50 =	vsub.f32 v6, v16;
	v6 =	vld [tilespmem:$0x1ED40]  }
0x6b5: {  	v28 =	vsub.f32 v52, v16;
	v48 =	vsub.f32 v57, v16;
	v16, _, _ =	vpop (xrf2);
	(xrf2) =	vadd.scan.msk.f32 $0xffff, v5;
	v5 =	vld [tilespmem:$0x1ED60];
	_ =	sdelay $0x1  }
0x6b6: {  	v27 =	vld [tilespmem:$0x1EC90];
	v0 =	vbroadcast v7, $0xF  }
0x6b7: {  	v2 =	vld [tilespmem:$0x1EC80];
	v16 =	vmul.f32 $1.562500000e-02, v16  }
0x6b8: {  	v55 =	vsub.f32 v6, v0;
	v6 =	vld [tilespmem:$0x1ED50]  }
0x6b9: {  	v26 =	vmul.f32 v16, v16;
	v52 =	vsub.f32 v5, v0;
	v5 =	vbroadcast v16, $0xF;
	v16 =	vld [tilespmem:$0x1ED70]  }
0x6ba: {  	v8 =	vmul.f32 $1.562500000e-02, v8;
	[tilespmem:s14+$0xFFFFFE20] =	vst v21;
	v21 =	vld [tilespmem:$0x1FFA0];
	_ =	sdelay $0x1  }
0x6bb: {  	v3 =	vadd.f32 v53, v3;
	v9 =	vmul.f32 v8, v8;
	v8 =	vbroadcast v8, $0xF  }
0x6bc: {  	v2 =	vadd.f32 v27, v2;
	v53 =	vsub.f32 v6, v0  }
0x6bd: {  	v54 =	vsub.f32 v16, v0;
	v0 =	vsub.f32 v59, v8  }
0x6be: {  	v2 =	vadd.f32 v42, v2;
	v24 =	vld [tilespmem:$0x1FF80];
	v21 =	vmul.f32 v4, v21  }
0x6bf: {  	v10 =	vld [tilespmem:$0x1FF70];
	[tilespmem:$0x1EFE0] =	vst v0;
	v0 =	vsub.f32 v62, v8  }
0x6c0: {  	v12 =	vmul.f32 v21, v15;
	v15, _, _ =	vpop (xrf2);
	(xrf2) =	vadd.scan.msk.f32 $0xffff, v2;
	v2 =	vld [tilespmem:$0x1ED80]  }
0x6c1: {  	[tilespmem:$0x1EFF0] =	vst v0;
	v0 =	vld [tilespmem:$0x1F090]  }
0x6c2: {  	v6 =	vld [tilespmem:$0x1FF90];
	_ =	sdelay $0x2  }
0x6c3: {  	v24 =	vmul.f32 v4, v24;
	v43 =	vsub.f32 v60, v8;
	v19 =	vmul.f32 v22, v22  }
0x6c4: {  	v0 =	vmul.f32 v2, v0;
	v2 =	vsub.f32 v61, v8;
	v8 =	vsub.f32 v63, v5  }
0x6c5: {  	v22 =	vmul.f32 v4, v10;
	v25 =	vmul.f32 v4, v6;
	v4 =	vadd.f32 v12, v40  }
0x6c6: {  	s14 =	sadd.s32 $0x240, s14;
	[tilespmem:$0x1F010] =	vst v8;
	v8 =	vsub.f32 v49, v5  }
0x6c7: {  	[tilespmem:s14+$0x0] =	vst v4  }
0x6c8: {  	v15 =	vmul.f32 $1.562500000e-02, v15;
	[tilespmem:$0x1F020] =	vst v8;
	v8 =	vsub.f32 v51, v5;
	v5 =	vsub.f32 v47, v5  }
0x6c9: {  	v4, _, _ =	vpop (xrf2);
	(xrf2) =	vadd.scan.msk.f32 $0xffff, v3;
	v3 =	vld [tilespmem:$0x1ED90];
	[tilespmem:$0x1F000] =	vst v2  }
0x6ca: {  	v2 =	vbroadcast v15, $0xF;
	[tilespmem:$0x1F050] =	vst v5;
	v5 =	vld [tilespmem:$0x1EDA0];
	_ =	sdelay $0x1  }
0x6cb: {  	[tilespmem:$0x1F040] =	vst v8;
	v8 =	vsub.f32 v41, v2;
	_ =	sdelay $0x1  }
0x6cc: {  	v61 =	vmul.f32 v15, v15;
	[tilespmem:$0x1F070] =	vst v8;
	v8 =	vsub.f32 v37, v2  }
0x6cd: {  	v15 =	vmul.f32 v3, v5;
	v3 =	vsub.f32 v46, v2;
	v2 =	vsub.f32 v36, v2  }
0x6ce: {  	[tilespmem:$0x1F080] =	vst v8;
	v8 =	vld [tilespmem:$0x1EDC0]  }
0x6cf: {  	[tilespmem:$0x1F090] =	vst v2;
	v2 =	vld [tilespmem:$0x1EDB0];
	_ =	sdelay $0x1  }
0x6d0: {  	v12 =	vmul.f32 $1.562500000e-02, v4;
	v4, _, _ =	vpop (xrf2)  }
0x6d1: {  	v16 =	vld [tilespmem:$0x1EDE0];
	v4 =	vmul.f32 $1.562500000e-02, v4  }
0x6d2: {  	(xrf2) =	vadd.scan.msk.f32 $0xffff, v18;
	v18 =	vld [tilespmem:$0x1EE10]  }
0x6d3: {  	[tilespmem:$0x1F060] =	vst v3;
	v3 =	vbroadcast v12, $0xF;
	v8 =	vmul.f32 v2, v8;
	v2 =	vsub.f32 v4, v13;
	v4 =	vld [tilespmem:$0x1EDD0]  }
0x6d4: {  	v13, _, _ =	vpop (xrf2);
	(xrf2) =	vadd.scan.msk.f32 $0xffff, v14;
	v14 =	vld [tilespmem:$0x1EE00]  }
0x6d5: {  	v41 =	vsub.f32 v34, v3;
	v37 =	vsub.f32 v35, v3  }
0x6d6: {  	v42 =	vsub.f32 v58, v3;
	v3 =	vsub.f32 v33, v3;
	_ =	sdelay $0x1  }
0x6d7: {  	v13 =	vmul.f32 $1.562500000e-02, v13;
	v2 =	vadd.f32 $9.999999740e-06, v2;
	v4 =	vmul.f32 v4, v16;
	v16 =	vld [tilespmem:$0x1EDF0]  }
0x6d8: {  	v5 =	vmul.f32 v12, v12;
	v44 =	vmov v3;
	v21 =	vmul.f32 v14, v18;
	v14 =	vld [tilespmem:$0x1EE20];
	v18, _, _ =	vpop (xrf2)  }
0x6d9: {  	v13 =	vsub.f32 v13, v19;
	v2 =	vbroadcast v2, $0xF;
	v12 =	vmul.f32 $1.562500000e-02, v18;
	v18 =	vld [tilespmem:$0x1EE30];
	v3, _, _ =	vpop (xrf2)  }
0x6da: {  	v7 =	vmul.f32 v7, v7;
	(xrf2) =	vadd.scan.msk.f32 $0xffff, v1;
	v3 =	vmul.f32 $1.562500000e-02, v3  }
0x6db: {  	v13 =	vadd.f32 $9.999999740e-06, v13;
	v19 =	vshrl.u32 v2, $0x1  }
0x6dc: {  	v1 =	vmul.f32 $5.000000000e-01, v2;
	v2 =	vsub.f32 v12, v7;
	v3 =	vsub.f32 v3, v9  }
0x6dd: {  	v13 =	vbroadcast v13, $0xF;
	v9, _, _ =	vpop (xrf2);
	v16 =	vsub.f32 v16, v20;
	v14 =	vsub.f32 v14, v20  }
0x6de: {  	v9 =	vmul.f32 $1.562500000e-02, v9;
	v18 =	vsub.f32 v18, v20;
	v20 =	vadd.f32 $9.999999740e-06, v2  }
0x6df: {  	v2 =	vmul.f32 $5.000000000e-01, v13;
	v16 =	vmul.f32 v22, v16;
	v22 =	vadd.f32 $9.999999740e-06, v3  }
0x6e0: {  	v9 =	vsub.f32 v9, v26;
	v56 =	vmul.f32 v25, v18;
	v18 =	vshrl.u32 v13, $0x1  }
0x6e1: {  	v12 =	vbroadcast v20, $0xF;
	v22 =	vbroadcast v22, $0xF  }
0x6e2: {  	v14 =	vmul.f32 v24, v14;
	v13 =	vsub.s32 $0x5F3759DF, v18;
	v9 =	vadd.f32 $9.999999740e-06, v9  }
0x6e3: {  	v24 =	vshrl.u32 v12, $0x1;
	v18, _, _ =	vpop (xrf2);
	v26 =	vshrl.u32 v22, $0x1;
	v22 =	vmul.f32 $5.000000000e-01, v22  }
0x6e4: {  	v3 =	vmul.f32 $5.000000000e-01, v12;
	v9 =	vbroadcast v9, $0xF;
	v27, _, _ =	vpop (xrf2);
	v26 =	vsub.s32 $0x5F3759DF, v26  }
0x6e5: {  	v24 =	vsub.s32 $0x5F3759DF, v24;
	v27 =	vmul.f32 $1.562500000e-02, v27;
	v29 =	vmul.f32 v26, v22  }
0x6e6: {  	v25 =	vmul.f32 v24, v3;
	v30 =	vshrl.u32 v9, $0x1;
	v9 =	vmul.f32 $5.000000000e-01, v9  }
0x6e7: {  	v5 =	vsub.f32 v27, v5;
	v27 =	vmul.f32 v26, v29;
	v29 =	vsub.s32 $0x5F3759DF, v30  }
0x6e8: {  	v30 =	vmul.f32 v29, v9  }
0x6e9: {  	v25 =	vmul.f32 v24, v25  }
0x6ea: {  	v30 =	vmul.f32 v29, v30  }
0x6eb: {  	v25 =	vsub.f32 $1.500000000e+00, v25  }
0x6ec: {  	v27 =	vsub.f32 $1.500000000e+00, v27;
	v30 =	vsub.f32 $1.500000000e+00, v30  }
0x6ed: {  	v18 =	vmul.f32 $1.562500000e-02, v18;
	v24 =	vmul.f32 v24, v25  }
0x6ee: {  	v25 =	vmul.f32 v26, v27;
	v26 =	vmul.f32 v29, v30;
	v30 =	vld [tilespmem:$0x1EE60]  }
0x6ef: {  	v39 =	vld [tilespmem:$0x1FFC0]  }
0x6f0: {  	v46 =	vld [tilespmem:$0x1EE40];
	v7 =	vsub.s32 $0x5F3759DF, v19;
	v18 =	vsub.f32 v18, v61  }
0x6f1: {  	v19 =	vmul.f32 v7, v1  }
0x6f2: {  	v18 =	vadd.f32 $9.999999740e-06, v18  }
0x6f3: {  	[tilespmem:$0x1EEE0] =	vst v45;
	v45 =	vld [tilespmem:$0x1FFD0];
	v19 =	vmul.f32 v7, v19;
	v20 =	vmul.f32 v13, v2;
	v30 =	vadd.f32 v30, v40  }
0x6f4: {  	v57 =	vld [tilespmem:$0x1EE70];
	v5 =	vadd.f32 $9.999999740e-06, v5;
	v18 =	vbroadcast v18, $0xF  }
0x6f5: {  	v33 =	vadd.f32 v46, v39;
	v19 =	vsub.f32 $1.500000000e+00, v19;
	v20 =	vmul.f32 v13, v20;
	[tilespmem:s10+$0xFFFFFE50] =	vst v30;
	v30 =	vld [tilespmem:$0x1FFB0]  }
0x6f6: {  	v5 =	vbroadcast v5, $0xF;
	v27 =	vld [tilespmem:$0x1EE50];
	v31 =	vshrl.u32 v18, $0x1;
	v18 =	vmul.f32 $5.000000000e-01, v18  }
0x6f7: {  	v7 =	vmul.f32 v7, v19;
	v20 =	vsub.f32 $1.500000000e+00, v20;
	v31 =	vsub.s32 $0x5F3759DF, v31  }
0x6f8: {  	v63 =	vshrl.u32 v5, $0x1;
	v5 =	vmul.f32 $5.000000000e-01, v5;
	v62 =	vmul.f32 v31, v18  }
0x6f9: {  	v13 =	vmul.f32 v13, v20;
	v36 =	vsub.s32 $0x5F3759DF, v63;
	v29 =	vmul.f32 v7, v1  }
0x6fa: {  	v20 =	vmul.f32 v36, v5;
	v19 =	vmul.f32 v31, v62;
	v30 =	vadd.f32 v57, v30  }
0x6fb: {  	[tilespmem:s10+$0xFFFFFE30] =	vst v33;
	v47 =	vmul.f32 v24, v3;
	v27 =	vadd.f32 v27, v45  }
0x6fc: {  	v29 =	vmul.f32 v29, v7;
	v20 =	vmul.f32 v36, v20;
	v19 =	vsub.f32 $1.500000000e+00, v19;
	[tilespmem:s10+$0xFFFFFE68] =	vst v30;
	v30 =	vld [tilespmem:$0x1EE90]  }
0x6fd: {  	v33 =	vmul.f32 v47, v24;
	[tilespmem:s10+$0xFFFFFE40] =	vst v27;
	v27 =	vmul.f32 v25, v22  }
0x6fe: {  	v29 =	vsub.f32 $1.500000000e+00, v29;
	v20 =	vsub.f32 $1.500000000e+00, v20;
	v19 =	vmul.f32 v31, v19  }
0x6ff: {  	v31 =	vmul.f32 v13, v2;
	v27 =	vmul.f32 v27, v25  }
0x700: {  	v7 =	vmul.f32 v29, v7;
	v20 =	vmul.f32 v36, v20  }
0x701: {  	v58 =	vmul.f32 v19, v18;
	v31 =	vmul.f32 v31, v13;
	v30 =	vadd.f32 v30, v45  }
0x702: {  	v49 =	vmul.f32 v26, v9;
	v27 =	vsub.f32 $1.500000000e+00, v27;
	v61 =	vmul.f32 v20, v5  }
0x703: {  	v1 =	vmul.f32 v7, v1;
	[tilespmem:s10+$0xFFFFFE88] =	vst v30;
	v30 =	vsub.f32 $1.500000000e+00, v31;
	v31 =	vmul.f32 v58, v19  }
0x704: {  	v25 =	vmul.f32 v27, v25;
	v63 =	vmul.f32 v61, v20  }
0x705: {  	v34 =	vmul.f32 v49, v26;
	v13 =	vmul.f32 v30, v13;
	v31 =	vsub.f32 $1.500000000e+00, v31  }
0x706: {  	v1 =	vmul.f32 v1, v7;
	v22 =	vmul.f32 v25, v22;
	v27 =	vsub.f32 $1.500000000e+00, v63  }
0x707: {  	v19 =	vmul.f32 v31, v19;
	v2 =	vmul.f32 v13, v2  }
0x708: {  	v1 =	vsub.f32 $1.500000000e+00, v1;
	v22 =	vmul.f32 v22, v25;
	v20 =	vmul.f32 v27, v20  }
0x709: {  	v35 =	vld [tilespmem:$0x1FFC0];
	v18 =	vmul.f32 v19, v18;
	v2 =	vmul.f32 v2, v13  }
0x70a: {  	v29 =	vsub.f32 $1.500000000e+00, v33;
	v7 =	vmul.f32 v1, v7;
	v27 =	vld [tilespmem:$0x1EEC0];
	v1 =	vsub.f32 $1.500000000e+00, v22  }
0x70b: {  	v60 =	vld [tilespmem:$0x1EE80];
	v5 =	vmul.f32 v20, v5;
	v18 =	vmul.f32 v18, v19;
	v2 =	vsub.f32 $1.500000000e+00, v2  }
0x70c: {  	v24 =	vmul.f32 v29, v24;
	v29 =	vld [tilespmem:$0x1EEB0];
	v22 =	vmul.f32 v1, v25  }
0x70d: {  	v1 =	vld [tilespmem:$0x1EF20];
	v5 =	vmul.f32 v5, v20;
	v13 =	vmul.f32 v2, v13;
	v2 =	vsub.f32 $1.500000000e+00, v18  }
0x70e: {  	v30 =	vsub.f32 $1.500000000e+00, v34;
	v34 =	vld [tilespmem:$0x1FFB0]  }
0x70f: {  	v27 =	vadd.f32 v27, v35;
	v18 =	vsub.f32 $1.500000000e+00, v5;
	v5 =	vmul.f32 v2, v19;
	v2 =	vld [tilespmem:$0x1EF40]  }
0x710: {  	v59 =	vld [tilespmem:$0x1FFC0]  }
0x711: {  	[tilespmem:s10+$0xFFFFFEC0] =	vst v27;
	v27 =	vld [tilespmem:$0x1EEE0]  }
0x712: {  	v12 =	vld [tilespmem:$0x1EF10];
	v25 =	vmov v11;
	v11 =	vadd.f32 v1, v40  }
0x713: {  	v1 =	vld [tilespmem:$0x1EF30]  }
0x714: {  	[tilespmem:s10+$0xFFFFFF28] =	vst v11;
	v29 =	vadd.f32 v29, v34;
	v11 =	vadd.f32 v2, v35;
	v2 =	vld [tilespmem:$0x1FF80]  }
0x715: {  	v32 =	vadd.f32 v60, v59  }
0x716: {  	v27 =	vadd.f32 v27, v40;
	[tilespmem:s10+$0xFFFFFEB0] =	vst v29;
	v29 =	vld [tilespmem:$0x1EED0]  }
0x717: {  	[tilespmem:s10+$0xFFFFFE78] =	vst v32;
	v51 =	vmov v23;
	v3 =	vmul.f32 v24, v3  }
0x718: {  	v23 =	vld [tilespmem:$0x1EF00];
	[tilespmem:s10+$0xFFFFFEE0] =	vst v27;
	v27 =	vadd.f32 v12, v45;
	v12 =	vadd.f32 v1, v34;
	v1 =	vmul.f32 v18, v20  }
0x719: {  	v62 =	vld [tilespmem:$0x1EEA0];
	v20 =	vmovc v6;
	v63 =	vmul.f32 v7, v2;
	v2 =	vmul.f32 v7, v6;
	v6 =	vadd.f32 v17, v45  }
0x71a: {  	v0 =	vadd.f32 v0, v40;
	v3 =	vmul.f32 v3, v24;
	v26 =	vmul.f32 v30, v26;
	[tilespmem:s10+$0xFFFFFF40] =	vst v12;
	v12 =	vld [tilespmem:$0x1FF80]  }
0x71b: {  	v29 =	vadd.f32 v29, v45;
	[tilespmem:s10+$0xFFFFFF60] =	vst v6;
	v6 =	vld [tilespmem:$0x1FFA0]  }
0x71c: {  	[tilespmem:s10+$0xFFFFFF70] =	vst v0;
	v4 =	vadd.f32 v4, v45;
	v3 =	vsub.f32 $1.500000000e+00, v3;
	v9 =	vmul.f32 v26, v9  }
0x71d: {  	v23 =	vadd.f32 v23, v35;
	v8 =	vadd.f32 v8, v35;
	[tilespmem:s10+$0xFFFFFED0] =	vst v29;
	v29 =	vld [tilespmem:$0x1EEF0]  }
0x71e: {  	[tilespmem:s10+$0xFFFFFFA8] =	vst v4;
	v4 =	vadd.f32 v14, v35;
	v3 =	vmul.f32 v3, v24;
	v9 =	vmul.f32 v9, v26  }
0x71f: {  	[tilespmem:s10+$0xFFFFFF08] =	vst v23;
	v32 =	vadd.f32 v62, v40;
	v61 =	vmul.f32 v13, v10;
	v57 =	vmul.f32 v13, v20;
	v17 =	vld [tilespmem:$0x1FFA0]  }
0x720: {  	[tilespmem:s10+$0xFFFFFF98] =	vst v8;
	v9 =	vsub.f32 $1.500000000e+00, v9;
	v59 =	vmul.f32 v13, v12;
	v33 =	vmul.f32 v13, v6;
	v13 =	vld [tilespmem:$0x1FFA0]  }
0x721: {  	[tilespmem:s10+$0xFFFFFE98] =	vst v32;
	v60 =	vmul.f32 v7, v10;
	v32 =	vmul.f32 v3, v10  }
0x722: {  	[tilespmem:s14+$0xFFFFFFE0] =	vst v4;
	v9 =	vmul.f32 v9, v26;
	v18 =	vmul.f32 v22, v10;
	v29 =	vadd.f32 v29, v34  }
0x723: {  	s4 =	sadd.s32 $0x8, s4;
	[tilespmem:s10+$0xFFFFFF18] =	vst v27;
	v24 =	vmul.f32 v22, v20;
	v14 =	vmul.f32 v5, v10  }
0x724: {  	p0 =	slt.u32 s4, $0x78;
	[tilespmem:s10+$0xFFFFFEF8] =	vst v29;
	v29 =	vmul.f32 v3, v12;
	v62 =	vmul.f32 v7, v17;
	v7 =	vadd.f32 v15, v34  }
.Ltmp5:
0x725: {  	[tilespmem:s10+$0xFFFFFF50] =	vst v11;
	v6 =	vmul.f32 v3, v20;
	v0 =	vmul.f32 v3, v13;
	v3 =	vadd.f32 v21, v40;
	(pc) =	sbr.rel @p0 .LBB2_13-.Ltmp5, $4  }
0x726: {  	v27 =	vmul.f32 v22, v12;
	v11 =	vmul.f32 v5, v12;
	[tilespmem:s10+$0xFFFFFF88] =	vst v7;
	v7 =	vadd.f32 v16, v34  }
0x727: {  	v17 =	vmul.f32 v9, v12;
	v15 =	vmul.f32 v9, v20;
	[tilespmem:s10+$0xFFFFFFB8] =	vst v3;
	v3 =	vadd.f32 v56, v45  }
0x728: {  	s9 =	simm.s32 $0x0;
	[tilespmem:s14+$0xFFFFFFD0] =	vst v7;
	v22 =	vmul.f32 v22, v13;
	v21 =	vmul.f32 v9, v10  }
0x729: {  	s20 =	simm.s32 $0x1;
	s16 =	sadd.s32 $0x200, s16;
	v16 =	vmul.f32 v9, v13;
	v10 =	vmul.f32 v5, v20;
	s10 =	smov.u32 s14;
	[tilespmem:s14+$0xFFFFFFF0] =	vst v3  }
0x72a: {  	v7 =	vld [tilespmem:$0x1EF90]  }
0x72b: {  	v3 =	vmul.f32 v60, v51  }
0x72c: {  	v4 =	vmul.f32 v63, v25  }
0x72d: {  	v3 =	vadd.f32 v3, v34  }
0x72e: {  	v4 =	vadd.f32 v4, v35  }
0x72f: {  	v2 =	vmul.f32 v2, v7;
	v7 =	vld [tilespmem:$0x1EFA0];
	[tilespmem:s14+$0xFFFFFDD8] =	vst v3  }
0x730: {  	[tilespmem:s14+$0xFFFFFDE8] =	vst v4  }
0x731: {  	v9 =	vld [tilespmem:$0x1FFE0];
	_ =	sdelay $0x1  }
0x732: {  	v8 =	vmul.f32 v61, v38;
	v2 =	vadd.f32 v2, v45  }
0x733: {  	v7 =	vmul.f32 v62, v7  }
0x734: {  	v3 =	vmul.f32 v59, v28;
	[tilespmem:s14+$0xFFFFFDF8] =	vst v2;
	v2 =	vadd.f32 v8, v34  }
0x735: {  	v4 =	vadd.f32 v7, v9;
	v7 =	vmul.f32 v57, v50  }
0x736: {  	v3 =	vadd.f32 v3, v35;
	v8 =	vmul.f32 v33, v48;
	[tilespmem:s14+$0xFFFFFE20] =	vst v2  }
0x737: {  	[tilespmem:s14+$0xFFFFFE08] =	vst v4;
	v4 =	vmul.f32 v32, v55;
	v2 =	vadd.f32 v7, v45  }
0x738: {  	[tilespmem:s10+$0xFFFFFE30] =	vst v3;
	v3 =	vadd.f32 v8, v9  }
0x739: {  	v7 =	vmul.f32 v29, v53;
	[tilespmem:s10+$0xFFFFFE40] =	vst v2;
	v2 =	vadd.f32 v4, v34  }
0x73a: {  	v6 =	vmul.f32 v6, v52;
	[tilespmem:s10+$0xFFFFFE50] =	vst v3  }
0x73b: {  	v3 =	vadd.f32 v7, v35;
	[tilespmem:s10+$0xFFFFFE68] =	vst v2  }
0x73c: {  	v2 =	vadd.f32 v6, v45;
	v6 =	vld [tilespmem:$0x1EFE0]  }
0x73d: {  	v4 =	vmul.f32 v18, v43;
	[tilespmem:s10+$0xFFFFFE78] =	vst v3  }
0x73e: {  	v3 =	vld [tilespmem:$0x1EFF0];
	[tilespmem:s10+$0xFFFFFE88] =	vst v2  }
0x73f: {  	v0 =	vmul.f32 v0, v54;
	v2 =	vadd.f32 v4, v34;
	v4 =	vld [tilespmem:$0x1F000];
	_ =	sdelay $0x1  }
0x740: {  	v0 =	vadd.f32 v0, v9;
	v6 =	vmul.f32 v27, v6;
	_ =	sdelay $0x1  }
0x741: {  	[tilespmem:s10+$0xFFFFFE98] =	vst v0;
	v3 =	vmul.f32 v24, v3;
	v0 =	vadd.f32 v6, v35  }
0x742: {  	v4 =	vmul.f32 v22, v4;
	v6 =	vld [tilespmem:$0x1F010];
	[tilespmem:s10+$0xFFFFFEB0] =	vst v2  }
0x743: {  	v2 =	vadd.f32 v3, v45;
	v3 =	vld [tilespmem:$0x1F020];
	[tilespmem:s10+$0xFFFFFEC0] =	vst v0  }
0x744: {  	v0 =	vadd.f32 v4, v9;
	v4 =	vld [tilespmem:$0x1F040];
	_ =	sdelay $0x2  }
0x745: {  	v7 =	vld [tilespmem:$0x1F050];
	[tilespmem:s10+$0xFFFFFED0] =	vst v2;
	v6 =	vmul.f32 v21, v6  }
0x746: {  	v8 =	vld [tilespmem:$0x1F070];
	v3 =	vmul.f32 v17, v3  }
0x747: {  	v2 =	vadd.f32 v6, v34;
	v6 =	vld [tilespmem:$0x1F060];
	[tilespmem:s10+$0xFFFFFEE0] =	vst v0;
	v4 =	vmul.f32 v15, v4  }
0x748: {  	v0 =	vadd.f32 v3, v35;
	v3 =	vld [tilespmem:$0x1F080]  }
0x749: {  	[tilespmem:s10+$0xFFFFFEF8] =	vst v2;
	v2 =	vadd.f32 v4, v45  }
0x74a: {  	v49 =	vld [tilespmem:$0x1FF70];
	[tilespmem:s10+$0xFFFFFF08] =	vst v0  }
0x74b: {  	[tilespmem:s10+$0xFFFFFF18] =	vst v2  }
0x74c: {  	v50 =	vld [tilespmem:$0x1FF90]  }
0x74d: {  	v7 =	vmul.f32 v16, v7;
	v3 =	vmul.f32 v10, v3;
	v10 =	vld [tilespmem:$0x1F090];
	_ =	sdelay $0x1  }
0x74e: {  	v5 =	vmul.f32 v5, v13;
	v8 =	vmul.f32 v11, v8;
	v7 =	vadd.f32 v7, v9  }
0x74f: {  	v0 =	vmul.f32 v1, v12;
	v6 =	vmul.f32 v14, v6  }
0x750: {  	[tilespmem:s10+$0xFFFFFF28] =	vst v7;
	v7 =	vadd.f32 v8, v35;
	v4 =	vmul.f32 v1, v49;
	v2 =	vmul.f32 v1, v50  }
0x751: {  	v6 =	vadd.f32 v6, v34;
	v1 =	vmul.f32 v1, v13;
	v5 =	vmul.f32 v5, v10  }
0x752: {  	v8 =	vmul.f32 v0, v37;
	v0 =	vadd.f32 v3, v45;
	[tilespmem:s10+$0xFFFFFF50] =	vst v7;
	v4 =	vmul.f32 v4, v41  }
0x753: {  	[tilespmem:s10+$0xFFFFFF40] =	vst v6;
	v3 =	vmul.f32 v1, v44;
	v1 =	vadd.f32 v5, v9  }
0x754: {  	[tilespmem:s10+$0xFFFFFF60] =	vst v0;
	v4 =	vadd.f32 v4, v34;
	v2 =	vmul.f32 v2, v42;
	v5 =	vmov s20  }
0x755: {  	v0 =	vand.u32 $0x3F, v5;
	v5 =	vadd.f32 v8, v35;
	[tilespmem:s10+$0xFFFFFF70] =	vst v1  }
0x756: {  	v2 =	vadd.f32 v2, v45;
	v28 =	vld [tilespmem:$0x1FFF0];
	[tilespmem:s10+$0xFFFFFF88] =	vst v4  }
0x757: {  	v3 =	vadd.f32 v3, v9;
	v29 =	vld [tilespmem:$0x1F5F0];
	[tilespmem:s10+$0xFFFFFF98] =	vst v5  }
0x758: {  	[tilespmem:s10+$0xFFFFFFA8] =	vst v2  }
0x759: {  	s1 =	simm.s32 $0x0;
	v30 =	vld [tilespmem:$0x1F5E0];
	[tilespmem:s10+$0xFFFFFFB8] =	vst v3  }
0x75a: {  	v6 =	vmov s1;
	v31 =	vld [tilespmem:$0x1F5D0]  }
0x75b: {  	v1 =	vand.u32 $0x3E, v6;
	v32 =	vld [tilespmem:$0x1F5C0];
	v6 =	vadd.s32 v28, v0  }
0x75c: {  	v36 =	vld [tilespmem:$0x1F520];
	v5 =	vadd.s32 v28, v1  }
0x75d: {  	v33 =	vld [tilespmem:$0x1F530];
	v4 =	vadd.s32 v29, v1  }
0x75e: {  	v37 =	vld [tilespmem:$0x1F510];
	v7 =	vadd.s32 v30, v1  }
0x75f: {  	v3 =	vadd.s32 v31, v1  }
0x760: {  	v8 =	vadd.s32 v32, v1;
	v2 =	vld.idx.msk [tilespmem:v6+s31+$0x0], $0xffff  }
0x761: {  	v9 =	vadd.s32 v36, v1;
	v5 =	vld.idx.msk [tilespmem:v5+s31+$0x0], $0xffff  }
0x762: {  	v6 =	vadd.s32 v33, v1;
	v4 =	vld.idx.msk [tilespmem:v4+s31+$0x0], $0xffff  }
0x763: {  	v10 =	vadd.s32 v37, v1;
	v7 =	vld.idx.msk [tilespmem:v7+s31+$0x0], $0xffff  }
0x764: {  	s14 =	sand.u32 $0x1C00, s9;
	v11 =	vadd.s32 v30, v0;
	v3 =	vld.idx.msk [tilespmem:v3+s31+$0x0], $0xffff  }
0x765: {  	s29 =	sor.u32 $0xC200, s14;
	s10 =	sand.u32 $0x300, s9;
	v16 =	vadd.s32 v31, v0;
	v14 =	vld.idx.msk [tilespmem:v8+s31+$0x0], $0xffff  }
0x766: {  	s15 =	sadd.s32 s10, s29;
	v13 =	vld.idx.msk [tilespmem:v9+s31+$0x0], $0xffff;
	v9 =	vadd.s32 v32, v0  }
0x767: {  	v15 =	vld.idx.msk [tilespmem:v6+s31+$0x0], $0xffff;
	[tilespmem:s15+$0x0] =	vst v5;
	v6 =	vadd.s32 v33, v0  }
0x768: {  	s3 =	simm.s32 $0x80;
	v12 =	vld.idx.msk [tilespmem:v10+s31+$0x0], $0xffff;
	[tilespmem:s15+$0x70] =	vst v4;
	v4 =	vadd.s32 v36, v0  }
0x769: {  	s21 =	simm.s32 $0x3;
	s4 =	sand.u32 $0x380, s3;
	v10 =	vld.idx.msk [tilespmem:v11+s31+$0x0], $0xffff;
	v5 =	vadd.s32 v37, v0;
	[tilespmem:s15+$0x10] =	vst v7  }
0x76a: {  	s16 =	sadd.s32 s4, s29;
	s1 =	simm.s32 $0x0;
	s20 =	simm.s32 $0x0;
	v11 =	vld.idx.msk [tilespmem:v16+s31+$0x0], $0xffff;
	[tilespmem:s15+$0x20] =	vst v3;
	v3 =	vadd.s32 v29, v0  }
.LBB2_15:
0x76b: {  	s3 =	sadd.s32 $0xFFFFFFFF, s21;
	v7 =	vmov s21;
	s20 =	sadd.s32 $0x10, s20;
	[tilespmem:s15+$0x30] =	vst v14;
	v8 =	vld.idx.msk [tilespmem:v9+s31+$0x0], $0xffff  }
0x76c: {  	v9 =	vmov s3;
	v7 =	vand.u32 $0x3F, v7;
	p0 =	slt.u32 s20, $0x1F0;
	[tilespmem:s15+$0x40] =	vst v15;
	v14 =	vld.idx.msk [tilespmem:v6+s31+$0x0], $0xffff  }
0x76d: {  	v6 =	vand.u32 $0x3E, v9;
	v15 =	vadd.s32 v28, v7;
	v16 =	vadd.s32 v30, v7;
	[tilespmem:s15+$0x50] =	vst v13;
	v13 =	vld.idx.msk [tilespmem:v4+s31+$0x0], $0xffff  }
0x76e: {  	v17 =	vadd.s32 v28, v6;
	v18 =	vadd.s32 v30, v6;
	v19 =	vadd.s32 v29, v6;
	v20 =	vld.idx.msk [tilespmem:v5+s31+$0x0], $0xffff  }
0x76f: {  	v21 =	vadd.s32 v31, v6;
	v22 =	vadd.s32 v32, v6;
	v23 =	vadd.s32 v33, v6;
	v24 =	vld.idx.msk [tilespmem:v3+s31+$0x0], $0xffff  }
0x770: {  	v27 =	vadd.s32 v31, v7;
	v25 =	vadd.s32 v36, v6;
	v26 =	vadd.s32 v37, v6;
	[tilespmem:s15+$0x60] =	vst v12  }
0x771: {  	v9 =	vadd.s32 v32, v7;
	v4 =	vadd.s32 v36, v7;
	v6 =	vadd.s32 v33, v7;
	[tilespmem:s16+$0x0] =	vst v2  }
0x772: {  	v5 =	vadd.s32 v37, v7;
	v3 =	vadd.s32 v29, v7;
	v2 =	vld.idx.msk [tilespmem:v15+s31+$0x0], $0xffff;
	[tilespmem:s16+$0x10] =	vst v10  }
0x773: {  	v7 =	vld.idx.msk [tilespmem:v19+s31+$0x0], $0xffff;
	[tilespmem:s16+$0x20] =	vst v11  }
0x774: {  	v10 =	vld.idx.msk [tilespmem:v17+s31+$0x0], $0xffff;
	[tilespmem:s16+$0x30] =	vst v8  }
0x775: {  	s1 =	sadd.s32 $0x100, s1;
	v8 =	vld.idx.msk [tilespmem:v18+s31+$0x0], $0xffff;
	[tilespmem:s16+$0x40] =	vst v14  }
0x776: {  	s3 =	sand.u32 $0x1C00, s1;
	s11 =	sadd.s32 $0x80, s1;
	v11 =	vld.idx.msk [tilespmem:v21+s31+$0x0], $0xffff;
	[tilespmem:s16+$0x50] =	vst v13  }
0x777: {  	s3 =	sor.u32 $0xC200, s3;
	s11 =	sand.u32 $0x380, s11;
	s15 =	sand.u32 $0x300, s1;
	v14 =	vld.idx.msk [tilespmem:v22+s31+$0x0], $0xffff;
	[tilespmem:s16+$0x60] =	vst v20  }
.Ltmp6:
0x778: {  	s15 =	sadd.s32 s15, s3;
	v15 =	vld.idx.msk [tilespmem:v23+s31+$0x0], $0xffff;
	[tilespmem:s16+$0x70] =	vst v24;
	s16 =	sadd.s32 s11, s3;
	(pc) =	sbr.rel @p0 .LBB2_15-.Ltmp6, $4  }
0x779: {  	v13 =	vld.idx.msk [tilespmem:v25+s31+$0x0], $0xffff;
	[tilespmem:s15+$0x70] =	vst v7  }
0x77a: {  	[tilespmem:s15+$0x0] =	vst v10;
	v12 =	vld.idx.msk [tilespmem:v26+s31+$0x0], $0xffff  }
0x77b: {  	[tilespmem:s15+$0x10] =	vst v8;
	v10 =	vld.idx.msk [tilespmem:v16+s31+$0x0], $0xffff  }
0x77c: {  	s21 =	sadd.s32 $0x2, s21;
	[tilespmem:s15+$0x20] =	vst v11;
	v11 =	vld.idx.msk [tilespmem:v27+s31+$0x0], $0xffff  }
0x77d: {  	_ =	sdelay $0x1  }
0x77e: {  	[tilespmem:s15+$0x30] =	vst v14  }
0x77f: {  	[tilespmem:s15+$0x40] =	vst v15  }
0x780: {  	v7 =	vld.idx.msk [tilespmem:v9+s31+$0x0], $0xffff;
	[tilespmem:s16+$0x0] =	vst v2  }
0x781: {  	v6 =	vld.idx.msk [tilespmem:v6+s31+$0x0], $0xffff;
	[tilespmem:s15+$0x50] =	vst v13  }
0x782: {  	v4 =	vld.idx.msk [tilespmem:v4+s31+$0x0], $0xffff;
	[tilespmem:s15+$0x60] =	vst v12  }
0x783: {  	v2 =	vld.idx.msk [tilespmem:v5+s31+$0x0], $0xffff;
	[tilespmem:s16+$0x10] =	vst v10  }
0x784: {  	v3 =	vld.idx.msk [tilespmem:v3+s31+$0x0], $0xffff;
	[tilespmem:s16+$0x20] =	vst v11  }
0x785: {  	[tilespmem:s16+$0x30] =	vst v7  }
0x786: {  	v27 =	vld [tilespmem:$0x1F5B0];
	[tilespmem:s16+$0x40] =	vst v6  }
0x787: {  	v29 =	vld [tilespmem:$0x1F5A0];
	[tilespmem:s16+$0x50] =	vst v4  }
0x788: {  	[tilespmem:s16+$0x60] =	vst v2  }
0x789: {  	v30 =	vld [tilespmem:$0x1F590];
	[tilespmem:s16+$0x70] =	vst v3  }
0x78a: {  	v31 =	vld [tilespmem:$0x1F580]  }
0x78b: {  	v32 =	vld [tilespmem:$0x1F570];
	v5 =	vadd.s32 v27, v0  }
0x78c: {  	v33 =	vld [tilespmem:$0x1F560];
	v4 =	vadd.s32 v27, v1  }
0x78d: {  	v36 =	vld [tilespmem:$0x1F550];
	v6 =	vadd.s32 v29, v1  }
0x78e: {  	v37 =	vld [tilespmem:$0x1F540];
	v7 =	vadd.s32 v30, v1  }
0x78f: {  	v3 =	vadd.s32 v31, v1  }
0x790: {  	v8 =	vadd.s32 v32, v1;
	v2 =	vld.idx.msk [tilespmem:v5+s31+$0x0], $0xffff  }
0x791: {  	v5 =	vadd.s32 v33, v1;
	v10 =	vld.idx.msk [tilespmem:v4+s31+$0x0], $0xffff  }
0x792: {  	v11 =	vadd.s32 v30, v0;
	v9 =	vld.idx.msk [tilespmem:v6+s31+$0x0], $0xffff  }
0x793: {  	v6 =	vadd.s32 v36, v1;
	v1 =	vadd.s32 v37, v1;
	v7 =	vld.idx.msk [tilespmem:v7+s31+$0x0], $0xffff  }
0x794: {  	v15 =	vadd.s32 v31, v0;
	v12 =	vld.idx.msk [tilespmem:v3+s31+$0x0], $0xffff  }
0x795: {  	s29 =	sor.u32 $0xE200, s14;
	s20 =	sor.u32 $0xE270, s14;
	v13 =	vld.idx.msk [tilespmem:v8+s31+$0x0], $0xffff  }
0x796: {  	s23 =	sor.u32 $0xE220, s14;
	s1 =	sor.u32 $0xE230, s14;
	s22 =	sadd.s32 s10, s29;
	v14 =	vld.idx.msk [tilespmem:v5+s31+$0x0], $0xffff;
	v5 =	vadd.s32 v32, v0  }
0x797: {  	s26 =	sor.u32 $0xE240, s14;
	s21 =	sor.u32 $0xE250, s14;
	s3 =	sadd.s32 s10, s20;
	v4 =	vadd.s32 v33, v0;
	[tilespmem:s22+$0x0] =	vst v10;
	v10 =	vld.idx.msk [tilespmem:v11+s31+$0x0], $0xffff  }
0x798: {  	s28 =	sor.u32 $0xE260, s14;
	s18 =	sadd.s32 s10, s26;
	s15 =	sor.u32 $0xE210, s14;
	[tilespmem:s3+$0x0] =	vst v9;
	v9 =	vld.idx.msk [tilespmem:v1+s31+$0x0], $0xffff;
	v1 =	vadd.s32 v36, v0  }
0x799: {  	s17 =	sadd.s32 s10, s21;
	s14 =	simm.s32 $0x3;
	s11 =	sadd.s32 s10, s15;
	v3 =	vadd.s32 v37, v0;
	v11 =	vld.idx.msk [tilespmem:v15+s31+$0x0], $0xffff  }
0x79a: {  	s16 =	simm.s32 $0x0;
	s22 =	sadd.s32 s10, s1;
	v6 =	vld.idx.msk [tilespmem:v6+s31+$0x0], $0xffff;
	s3 =	sadd.s32 s10, s23;
	v0 =	vadd.s32 v29, v0;
	[tilespmem:s11+$0x0] =	vst v7  }
.LBB2_17:
0x79b: {  	s11 =	sadd.s32 $0xFFFFFFFF, s14;
	v7 =	vmov s14;
	s16 =	sadd.s32 $0x10, s16;
	[tilespmem:s3+$0x0] =	vst v12;
	s3 =	sadd.s32 s10, s28;
	v8 =	vld.idx.msk [tilespmem:v5+s31+$0x0], $0xffff  }
0x79c: {  	s10 =	sadd.s32 s4, s29;
	v5 =	vmov s11;
	v7 =	vand.u32 $0x3F, v7;
	p0 =	slt.u32 s16, $0x1F0;
	[tilespmem:s22+$0x0] =	vst v13;
	s11 =	sadd.s32 s4, s15;
	v13 =	vld.idx.msk [tilespmem:v4+s31+$0x0], $0xffff  }
0x79d: {  	s1 =	sadd.s32 s4, s1;
	s15 =	sadd.s32 s4, s23;
	v4 =	vand.u32 $0x3E, v5;
	v12 =	vadd.s32 v27, v7;
	v15 =	vadd.s32 v30, v7;
	[tilespmem:s18+$0x0] =	vst v14;
	s18 =	sadd.s32 s4, s26;
	v14 =	vld.idx.msk [tilespmem:v1+s31+$0x0], $0xffff  }
0x79e: {  	s21 =	sadd.s32 s4, s21;
	s12 =	sadd.s32 s4, s20;
	s22 =	sadd.s32 s4, s28;
	v16 =	vadd.s32 v27, v4;
	v17 =	vadd.s32 v30, v4;
	v18 =	vadd.s32 v29, v4;
	v19 =	vld.idx.msk [tilespmem:v3+s31+$0x0], $0xffff  }
0x79f: {  	v20 =	vadd.s32 v31, v4;
	v21 =	vadd.s32 v32, v4;
	v22 =	vadd.s32 v33, v4;
	v23 =	vld.idx.msk [tilespmem:v0+s31+$0x0], $0xffff  }
0x7a0: {  	v26 =	vadd.s32 v31, v7;
	v24 =	vadd.s32 v36, v4;
	v25 =	vadd.s32 v37, v4;
	[tilespmem:s17+$0x0] =	vst v6  }
0x7a1: {  	v5 =	vadd.s32 v32, v7;
	v1 =	vadd.s32 v36, v7;
	v4 =	vadd.s32 v33, v7;
	[tilespmem:s3+$0x0] =	vst v9  }
0x7a2: {  	v3 =	vadd.s32 v37, v7;
	v0 =	vadd.s32 v29, v7;
	[tilespmem:s10+$0x0] =	vst v2;
	v2 =	vld.idx.msk [tilespmem:v12+s31+$0x0], $0xffff  }
0x7a3: {  	v7 =	vld.idx.msk [tilespmem:v18+s31+$0x0], $0xffff;
	[tilespmem:s11+$0x0] =	vst v10  }
0x7a4: {  	v10 =	vld.idx.msk [tilespmem:v16+s31+$0x0], $0xffff;
	[tilespmem:s15+$0x0] =	vst v11  }
0x7a5: {  	s9 =	sadd.s32 $0x100, s9;
	v11 =	vld.idx.msk [tilespmem:v17+s31+$0x0], $0xffff;
	[tilespmem:s1+$0x0] =	vst v8  }
0x7a6: {  	s4 =	sadd.s32 $0x80, s9;
	s3 =	sand.u32 $0x1C00, s9;
	s10 =	sand.u32 $0x300, s9;
	v12 =	vld.idx.msk [tilespmem:v20+s31+$0x0], $0xffff;
	[tilespmem:s18+$0x0] =	vst v13  }
0x7a7: {  	s29 =	sor.u32 $0xE200, s3;
	s20 =	sor.u32 $0xE270, s3;
	s23 =	sor.u32 $0xE220, s3;
	v13 =	vld.idx.msk [tilespmem:v21+s31+$0x0], $0xffff;
	[tilespmem:s21+$0x0] =	vst v14  }
.Ltmp7:
0x7a8: {  	s11 =	sadd.s32 s10, s20;
	s15 =	sor.u32 $0xE210, s3;
	v14 =	vld.idx.msk [tilespmem:v22+s31+$0x0], $0xffff;
	[tilespmem:s22+$0x0] =	vst v19;
	(pc) =	sbr.rel @p0 .LBB2_17-.Ltmp7, $4  }
0x7a9: {  	s26 =	sor.u32 $0xE240, s3;
	s1 =	sor.u32 $0xE230, s3;
	s21 =	sor.u32 $0xE250, s3;
	v6 =	vld.idx.msk [tilespmem:v24+s31+$0x0], $0xffff;
	[tilespmem:s11+$0x0] =	vst v7  }
0x7aa: {  	s4 =	sand.u32 $0x380, s4;
	s28 =	sor.u32 $0xE260, s3;
	s11 =	sadd.s32 s10, s29;
	v9 =	vld.idx.msk [tilespmem:v25+s31+$0x0], $0xffff;
	[tilespmem:s12+$0x0] =	vst v23  }
0x7ab: {  	s3 =	sadd.s32 s10, s23;
	s22 =	sadd.s32 s10, s1;
	[tilespmem:s11+$0x0] =	vst v10;
	s11 =	sadd.s32 s10, s15;
	v10 =	vld.idx.msk [tilespmem:v15+s31+$0x0], $0xffff  }
0x7ac: {  	s14 =	sadd.s32 $0x2, s14;
	s18 =	sadd.s32 s10, s26;
	s17 =	sadd.s32 s10, s21;
	[tilespmem:s11+$0x0] =	vst v11;
	v11 =	vld.idx.msk [tilespmem:v26+s31+$0x0], $0xffff  }
0x7ad: {  	_ = 	snop  }
0x7ae: {  	[tilespmem:s3+$0x0] =	vst v12  }
0x7af: {  	[tilespmem:s22+$0x0] =	vst v13  }
0x7b0: {  	[tilespmem:s18+$0x0] =	vst v14  }
0x7b1: {  	v5 =	vld.idx.msk [tilespmem:v5+s31+$0x0], $0xffff;
	s9 =	sadd.s32 s4, s29;
	[tilespmem:s17+$0x0] =	vst v6  }
0x7b2: {  	s14 =	sadd.s32 s10, s28;
	v4 =	vld.idx.msk [tilespmem:v4+s31+$0x0], $0xffff;
	[tilespmem:s9+$0x0] =	vst v2  }
0x7b3: {  	s15 =	sadd.s32 s4, s15;
	v1 =	vld.idx.msk [tilespmem:v1+s31+$0x0], $0xffff;
	[tilespmem:s14+$0x0] =	vst v9  }
0x7b4: {  	s16 =	sadd.s32 s4, s23;
	v63 =	vld.idx.msk [tilespmem:v3+s31+$0x0], $0xffff;
	[tilespmem:s15+$0x0] =	vst v10  }
0x7b5: {  	s1 =	sadd.s32 s4, s1;
	v0 =	vld.idx.msk [tilespmem:v0+s31+$0x0], $0xffff;
	[tilespmem:s16+$0x0] =	vst v11  }
0x7b6: {  	s24 =	sadd.s32 $0x1, s24;
	s17 =	sadd.s32 s4, s26;
	[tilespmem:s1+$0x0] =	vst v5  }
0x7b7: {  	s18 =	sadd.s32 s4, s21;
	p0 =	sne.s32 s24, $0x32;
	[tilespmem:s17+$0x0] =	vst v4  }
.Ltmp8:
0x7b8: {  	s21 =	sshll.u32 s8, $0x13;
	s22 =	sadd.s32 s4, s28;
	[tilespmem:s18+$0x0] =	vst v1;
	(pc) =	sbr.rel @p0 .LBB2_2-.Ltmp8, $4  }
0x7b9: {  	s23 =	sor.u32 s13, s21;
	s26 =	sadd.s32 s4, s20;
	[tilespmem:s22+$0x0] =	vst v63  }
0x7ba: {  	s12 =	smov.u32 s0;
	s1 =	sshrl.u32 s23, $0x3;
	[tilespmem:s26+$0x0] =	vst v0  }
0x7bb: {  	s28 =	simm.s32 $0x400;
	s29 =	simm.s32 $0xC200;
	s1 =	sadd.s32 s0, s1;
	v12 =	vld [tilespmem:$0x1FF80]  }
0x7bc: {  	v13 =	vld [tilespmem:$0x1FFA0];
	[hbm4b:s1+s28] =	stream.strided.scatter [tilespmem:s29], [sflag:$0x4], $0x4000, s5, s28, $0x38  }
0x7bd: {  	s0 =	simm.s32 $0x3  }
0x7be: {  	_ =	swait.ge [sflag:s0], $0x4000  }
0x7bf: {  	[sflag:s0] =	ssyncset.done $0x0  }
0x7c0: {  	s1 =	simm.s32 $0x4;
	[sflag:s0] =	ssyncadd.s32 $0xFFFFC000  }
0x7c1: {  	_ =	swait.ge [sflag:s1], $0x4000  }
0x7c2: {  	s3 =	rddreg [dreg:$0xb]  }
0x7c3: {  	s29 =	rddreg [dreg:$0xa];
	s3 =	sadd.s32 $0x1, s3  }
0x7c4: {  	p0 =	sne.s32 s3, s29  }
.Ltmp9:
0x7c5: {  	_ = 	snop;
	(pc) =	sbr.rel @p0 .LBB2_1-.Ltmp9, $3  }
0x7c6: {  	_ =	sdelay $0x1  }
0x7c7: {  	[sflag:s1] =	ssyncset.done $0x0  }
0x7c8: {  	[sflag:s1] =	ssyncadd.s32 $0xFFFFC000  }
0x7c9: {  	_ =	sfence.sel $0x180000  }
0x7ca: {  	[bflag:$0x0] =	sbarrier.arrive $0xFFFF  }
0x7cb: {  	_ =	strace $0x90000047  }
0x7cc: {  	s0 =	stileid.u32;
	[bflag:$0x2] =	sbarrier.arrive $0xFFFF  }
0x7cd: {  	p0 =	sne.s32 s0, $0x0;
	s0 =	rddreg [dreg:$0x4]  }
0x7ce: {  	s0 =	sadd.s32 @!p0 $0x100000, s0  }
0x7cf: {  	[sflag:s0] =	ssyncadd.tile.s32 @!p0 $0x1;
	_ =	shalt  }
.Lfunc_end2:
_tile_overlayer_lowered:
.L_overlay_start_2:
0x7d0: {  	(tag) =	ssettag $0x2  }
0x7d1: {  	s0 =	rddreg [dreg:$0x0];
	s2 =	stileid.u32  }
0x7d2: {  	s1 =	rddreg [dreg:$0x1];
	p0 =	sne.s32 s2, $0x0  }
0x7d3: {  	s3 =	rddreg [dreg:$0x2];
	[bflag:$0x3] =	sbarrier.arrive $0xFFFF;
	s2 =	simm.s32 @!p0 $0x1C07  }
0x7d4: {  	[timem:s3], [sflag:s2] =	dma.local @!p0 [hbm:s0], s1  }
0x7d5: {  	s0 =	simm.s32 @!p0 $0x7  }
0x7d6: {  	_ =	swait.ge @!p0 [sflag:s0], s1  }
0x7d7: {  	s1 =	ssub.s32 @!p0 $0x0, s1;
	[sflag:s0] =	ssyncset.done @!p0 $0x0  }
0x7d8: {  	[sflag:s0] =	ssyncadd.s32 @!p0 s1  }
0x7d9: {  	[bflag:$0x3] =	sbarrier.arrive $0xFFFF  }
0x7da: {  	_ =	shalt  }

</sc_bundles>
